<compile_context>
chip_gen: v7x
topology: tpu7x:2x2x1
jax: 0.10.2.dev20260603
libtpu: 0.0.44.dev20260713+nightly
codegen_flags: <defaults>
</compile_context>

<pallas_src>
import functools

import jax
import jax.numpy as jnp
from jax import lax
from jax.experimental import pallas as pl
from jax.experimental.pallas import tpu as pltpu
from jax.experimental.pallas import tpu_sc as plsc

VOCAB = 100000
DIM = 64
BATCH = 4096
FIELDS = 26
TOTAL = BATCH * FIELDS

NUM_CORES = 2
NUM_SUBCORES = 16
NUM_WORKERS = NUM_CORES * NUM_SUBCORES
BPW = BATCH // NUM_WORKERS
IPW = BPW * FIELDS
TPITCH = 130

_mesh = plsc.VectorSubcoreMesh(core_axis_name="c", subcore_axis_name="s")


@functools.partial(
    pl.kernel,
    mesh=_mesh,
    out_type=jax.ShapeDtypeStruct((FIELDS, 8, NUM_WORKERS, 8, 128), jnp.float32),
    scratch_types=[
        pltpu.VMEM((IPW,), jnp.int32),
        pltpu.VMEM((FIELDS, BPW), jnp.int32),
        [pltpu.VMEM((BPW, DIM), jnp.float32) for _ in range(2)],
        [pltpu.VMEM((DIM, TPITCH), jnp.float32) for _ in range(2)],
        [pltpu.SemaphoreType.DMA for _ in range(2)],
        [pltpu.SemaphoreType.DMA for _ in range(2)],
    ],
    compiler_params=pltpu.CompilerParams(
        use_tc_tiling_on_sc=False, needs_layout_passes=False
    ),
)
def _gather_sc(table_hbm, idx_hbm, out_hbm, idx_v, idx_t, gbufs, tbufs,
               gsems, wsems):
    wid = lax.axis_index("s") * NUM_CORES + lax.axis_index("c")

    pltpu.sync_copy(idx_hbm.at[pl.ds(wid * IPW, IPW)], idx_v)

    @plsc.parallel_loop(0, FIELDS * (BPW // 16), 1, unroll=8)
    def _idx_transpose(t):
        f = t >> 3
        g = t & 7
        blv = g * 16 + lax.iota(jnp.int32, 16)
        vals = plsc.load_gather(idx_v, [blv * FIELDS + f])
        idx_t[f, pl.ds(g * 16, 16)] = vals * 2

    def issue_gather(f, p):
        return pltpu.async_copy(table_hbm.at[idx_t.at[f]], gbufs[p], gsems[p])

    def wait_gather(f, p):
        pltpu.make_async_copy(
            table_hbm.at[idx_t.at[f]], gbufs[p], gsems[p]
        ).wait()

    def transpose(p):
        gb, tb = gbufs[p], tbufs[p]

        @plsc.parallel_loop(0, BPW, 1, unroll=4)
        def _body(bl):
            for k in range(DIM // 16):
                row = gb[bl, pl.ds(k * 16, 16)]
                dv = k * 16 + lax.iota(jnp.int32, 16)
                blv = jnp.full((16,), bl, jnp.int32)
                plsc.store_scatter(tb, [dv, blv], row)

    def issue_wb(f, p):
        for dh in range(8):
            pltpu.async_copy(
                tbufs[p].at[pl.ds(dh * 8, 8), pl.ds(0, 128)],
                out_hbm.at[f, dh, wid],
                wsems[p],
            )

    def wait_wb(f, p):
        for dh in range(8):
            pltpu.make_async_copy(
                tbufs[p].at[pl.ds(dh * 8, 8), pl.ds(0, 128)],
                out_hbm.at[f, dh, wid],
                wsems[p],
            ).wait()

    def work(f, p):
        wait_gather(f, p)
        transpose(p)
        issue_wb(f, p)

    issue_gather(0, 0)
    issue_gather(1, 1)
    work(0, 0)
    issue_gather(2, 0)
    work(1, 1)
    issue_gather(3, 1)

    def loop_body(i, carry):
        f0 = 2 * i + 2
        wait_wb(f0 - 2, 0)
        work(f0, 0)
        issue_gather(f0 + 2, 0)
        wait_wb(f0 - 1, 1)
        work(f0 + 1, 1)
        issue_gather(f0 + 3, 1)
        return carry

    lax.fori_loop(0, (FIELDS - 4) // 2, loop_body, 0)

    wait_wb(FIELDS - 4, 0)
    work(FIELDS - 2, 0)
    wait_wb(FIELDS - 3, 1)
    work(FIELDS - 1, 1)
    wait_wb(FIELDS - 2, 0)
    wait_wb(FIELDS - 1, 1)


def kernel(input_indices, embedding_matrix):
    idx = input_indices.reshape(TOTAL).astype(jnp.int32)
    tpad = jnp.concatenate(
        [embedding_matrix, jnp.zeros((VOCAB, DIM), jnp.float32)], axis=1
    ).reshape(2 * VOCAB, DIM)
    out5 = _gather_sc(tpad, idx)
    return out5.transpose((2, 4, 0, 1, 3)).reshape(BATCH, FIELDS, DIM)

# --- scband reference (transcript-rebuilt; emitter-appended) ---
"""Pipeline reference for scband-embedding-33432025432138 (READ-ONLY COPY).

The authoritative reference and input builder live on the scoring server;
editing this copy changes nothing except your own understanding.
"""

import jax, jax.numpy as jnp
import numpy as np

VOCAB_SIZE = 100000
EMBED_DIM = 64
BATCH = 4096
N_FIELDS = 26


def setup_inputs(seed: int = 0) -> dict:
    key = jax.random.key(seed)
    k_idx, k_emb = jax.random.split(key)
    input_indices = jax.random.randint(k_idx, (BATCH, N_FIELDS), 0, VOCAB_SIZE, dtype=jnp.int64 if jax.config.jax_enable_x64 else jnp.int32)
    embedding_matrix = jax.random.normal(k_emb, (VOCAB_SIZE, EMBED_DIM), dtype=jnp.float32)
    return {"input_indices": input_indices, "embedding_matrix": embedding_matrix}


def reference(input_indices, embedding_matrix):
    # Faithful translation of: return self.embedding_matrix[input_indices]
    return jnp.take(embedding_matrix, input_indices, axis=0)

if __name__ == "__main__":
    import jax
    _d = setup_inputs()
    print(jax.jit(kernel)(*tuple(_d.values())))

</pallas_src>

<mosaic_0001>
#map = affine_map<(d0, d1) -> (0, 0)>
#map1 = affine_map<(d0, d1) -> (0)>
#map2 = affine_map<(d0, d1) -> (0, 0, 0, 0, 0)>
module attributes {stable_mosaic.version = 14 : i64} {
  func.func @_gather_sc(%arg0: i32, %arg1: i32, %arg2: memref<200000x64xf32, #tpu.memory_space<hbm>>, %arg3: memref<106496xi32, #tpu.memory_space<hbm>>, %arg4: memref<26x8x32x8x128xf32, #tpu.memory_space<hbm>>, %arg5: memref<3328xi32, #tpu.memory_space<vmem>>, %arg6: memref<26x128xi32, #tpu.memory_space<vmem>>, %arg7: memref<128x64xf32, #tpu.memory_space<vmem>>, %arg8: memref<128x64xf32, #tpu.memory_space<vmem>>, %arg9: memref<64x130xf32, #tpu.memory_space<vmem>>, %arg10: memref<64x130xf32, #tpu.memory_space<vmem>>, %arg11: memref<!tpu.dma_semaphore, #tpu.memory_space<semaphore_mem>>, %arg12: memref<!tpu.dma_semaphore, #tpu.memory_space<semaphore_mem>>, %arg13: memref<!tpu.dma_semaphore, #tpu.memory_space<semaphore_mem>>, %arg14: memref<!tpu.dma_semaphore, #tpu.memory_space<semaphore_mem>>) attributes {dimension_semantics = [#tpu.dimension_semantics<core_parallel>, #tpu.dimension_semantics<subcore_parallel>], iteration_bounds = array<i64: 2, 16>, scalar_prefetch = 0 : i64, scratch_operands = 10 : i64, tpu.core_type = #tpu.core_type<sc_vector_subcore>, window_params = [{transform_indices = #map}, {transform_indices = #map1}, {transform_indices = #map2}]} {
    %mul3A = arith.constant 2 : i32
    %mul3A_0 = arith.muli %arg1, %mul3A : i32
    %add3A = arith.addi %mul3A_0, %arg0 : i32
    %mul3A_1 = arith.constant 3328 : i32
    %mul3A_2 = arith.muli %add3A, %mul3A_1 : i32
    "tpu.region"() ({
      %run_scoped3A = tpu.sem_alloc : memref<!tpu.dma_semaphore, #tpu.memory_space<semaphore_mem>>
      %dma_start3A_1100 = tpu.memref_slice %arg3[%mul3A_2] : memref<106496xi32, #tpu.memory_space<hbm>> -> memref<3328xi32, #tpu.memory_space<hbm>>
      %dma_start3A_1101 = tpu.memref_slice %arg3[%mul3A_2] : memref<106496xi32, #tpu.memory_space<hbm>> -> memref<3328xi32, #tpu.memory_space<hbm>>
      tpu.enqueue_dma source(%dma_start3A_1101 : memref<3328xi32, #tpu.memory_space<hbm>>) target(%arg5 : memref<3328xi32, #tpu.memory_space<vmem>>) target_semaphore(%run_scoped3A : memref<!tpu.dma_semaphore, #tpu.memory_space<semaphore_mem>>)
      %dma_wait3A_1102 = tpu.memref_slice %arg3[%mul3A_2] : memref<106496xi32, #tpu.memory_space<hbm>> -> memref<3328xi32, #tpu.memory_space<hbm>>
      %dma_wait3A_1103 = tpu.memref_slice %arg3[%mul3A_2] : memref<106496xi32, #tpu.memory_space<hbm>> -> memref<3328xi32, #tpu.memory_space<hbm>>
      tpu.wait_dma2 semaphore(%run_scoped3A : memref<!tpu.dma_semaphore, #tpu.memory_space<semaphore_mem>>) src(%dma_wait3A_1103 : memref<3328xi32, #tpu.memory_space<hbm>>) dst(%arg5 : memref<3328xi32, #tpu.memory_space<vmem>>)
      tpu.yield
    }) : () -> ()
    %parallel_loop3A = arith.constant 0 : i32
    %parallel_loop3A_3 = arith.constant 208 : i32
    %parallel_loop3A_4 = arith.constant 1 : i32
    scf.for %parallel_loop3A_1100 = %parallel_loop3A to %parallel_loop3A_3 step %parallel_loop3A_4  : i32 {
      %parallel_loop3A_1101 = arith.constant 3 : i32
      %parallel_loop3A_1102 = arith.shrsi %parallel_loop3A_1100, %parallel_loop3A_1101 : i32
      %parallel_loop3A_1103 = arith.constant 7 : i32
      %parallel_loop3A_1104 = arith.andi %parallel_loop3A_1100, %parallel_loop3A_1103 : i32
      %parallel_loop3A_1105 = arith.constant 16 : i32
      %parallel_loop3A_1106 = arith.muli %parallel_loop3A_1104, %parallel_loop3A_1105 : i32
      %parallel_loop3A_1107 = tpu.iota {dimensions = array<i32: 0>} : vector<16xi32>
      %parallel_loop3A_1108 = vector.broadcast %parallel_loop3A_1106 : i32 to vector<16xi32>
      %parallel_loop3A_1109 = arith.addi %parallel_loop3A_1108, %parallel_loop3A_1107 : vector<16xi32>
      %parallel_loop3A_1110 = arith.constant 26 : i32
      %parallel_loop3A_1111 = vector.broadcast %parallel_loop3A_1110 : i32 to vector<16xi32>
      %parallel_loop3A_1112 = arith.muli %parallel_loop3A_1109, %parallel_loop3A_1111 : vector<16xi32>
      %parallel_loop3A_1113 = vector.broadcast %parallel_loop3A_1102 : i32 to vector<16xi32>
      %parallel_loop3A_1114 = arith.addi %parallel_loop3A_1112, %parallel_loop3A_1113 : vector<16xi32>
      %parallel_loop3A_1115 = tpu.vector_load_idx %arg5[%parallel_loop3A_1114] : memref<3328xi32, #tpu.memory_space<vmem>>[vector<16xi32>], vector<16xi32>,
      %parallel_loop3A_1116 = arith.constant 2 : i32
      %parallel_loop3A_1117 = vector.broadcast %parallel_loop3A_1116 : i32 to vector<16xi32>
      %parallel_loop3A_1118 = arith.muli %parallel_loop3A_1115, %parallel_loop3A_1117 : vector<16xi32>
      %parallel_loop3A_1119 = arith.constant 16 : i32
      %parallel_loop3A_1120 = arith.muli %parallel_loop3A_1104, %parallel_loop3A_1119 : i32
      %parallel_loop3A_1121 = arith.index_cast %parallel_loop3A_1102 : i32 to index
      %parallel_loop3A_1122 = arith.index_cast %parallel_loop3A_1120 : i32 to index
      %parallel_loop3A_1123 = tpu.vector_load %arg6[%parallel_loop3A_1121, %parallel_loop3A_1122] {strides = array<i32>} : memref<26x128xi32, #tpu.memory_space<vmem>>, vector<16xi32>,
      tpu.vector_store %arg6[%parallel_loop3A_1121, %parallel_loop3A_1122], %parallel_loop3A_1118 {strides = array<i32>} : memref<26x128xi32, #tpu.memory_space<vmem>>, vector<16xi32>,
    } {sc.loop_unroll_factor = 8 : i64, sc.parallel_access}
    %dma_start3A = arith.constant 0 : i32
    %dma_start3A_5 = arith.constant 0 : i32
    %dma_start3A_6 = tpu.memref_slice %arg6[%dma_start3A, %dma_start3A_5] : memref<26x128xi32, #tpu.memory_space<vmem>> -> memref<1x128xi32, #tpu.memory_space<vmem>>
    %dma_start3A_7 = tpu.memref_squeeze %dma_start3A_6 : memref<1x128xi32, #tpu.memory_space<vmem>> -> memref<128xi32, #tpu.memory_space<vmem>>
    %dma_start3A_8 = arith.constant 0 : i32
    %dma_start3A_9 = arith.constant 0 : i32
    %dma_start3A_10 = tpu.memref_slice %arg2[%dma_start3A_8, %dma_start3A_9] : memref<200000x64xf32, #tpu.memory_space<hbm>> -> memref<200000x64xf32, #tpu.memory_space<hbm>>
    tpu.enqueue_indirect_dma source(%dma_start3A_10 : memref<200000x64xf32, #tpu.memory_space<hbm>>) target(%arg7 : memref<128x64xf32, #tpu.memory_space<vmem>>) offsets(%dma_start3A_7 : memref<128xi32, #tpu.memory_space<vmem>>) semaphore(%arg11 : memref<!tpu.dma_semaphore, #tpu.memory_space<semaphore_mem>>)
    %dma_start3A_11 = arith.constant 1 : i32
    %dma_start3A_12 = arith.constant 0 : i32
    %dma_start3A_13 = tpu.memref_slice %arg6[%dma_start3A_11, %dma_start3A_12] : memref<26x128xi32, #tpu.memory_space<vmem>> -> memref<1x128xi32, #tpu.memory_space<vmem>>
    %dma_start3A_14 = tpu.memref_squeeze %dma_start3A_13 : memref<1x128xi32, #tpu.memory_space<vmem>> -> memref<128xi32, #tpu.memory_space<vmem>>
    %dma_start3A_15 = arith.constant 0 : i32
    %dma_start3A_16 = arith.constant 0 : i32
    %dma_start3A_17 = tpu.memref_slice %arg2[%dma_start3A_15, %dma_start3A_16] : memref<200000x64xf32, #tpu.memory_space<hbm>> -> memref<200000x64xf32, #tpu.memory_space<hbm>>
    tpu.enqueue_indirect_dma source(%dma_start3A_17 : memref<200000x64xf32, #tpu.memory_space<hbm>>) target(%arg8 : memref<128x64xf32, #tpu.memory_space<vmem>>) offsets(%dma_start3A_14 : memref<128xi32, #tpu.memory_space<vmem>>) semaphore(%arg12 : memref<!tpu.dma_semaphore, #tpu.memory_space<semaphore_mem>>)
    %dma_wait3A = arith.constant 0 : i32
    %dma_wait3A_18 = arith.constant 0 : i32
    %dma_wait3A_19 = tpu.memref_slice %arg6[%dma_wait3A, %dma_wait3A_18] : memref<26x128xi32, #tpu.memory_space<vmem>> -> memref<1x128xi32, #tpu.memory_space<vmem>>
    %dma_wait3A_20 = tpu.memref_squeeze %dma_wait3A_19 : memref<1x128xi32, #tpu.memory_space<vmem>> -> memref<128xi32, #tpu.memory_space<vmem>>
    %dma_wait3A_21 = arith.constant 0 : i32
    %dma_wait3A_22 = arith.constant 0 : i32
    %dma_wait3A_23 = tpu.memref_slice %arg2[%dma_wait3A_21, %dma_wait3A_22] : memref<200000x64xf32, #tpu.memory_space<hbm>> -> memref<200000x64xf32, #tpu.memory_space<hbm>>
    tpu.wait_indirect_dma semaphore(%arg11 : memref<!tpu.dma_semaphore, #tpu.memory_space<semaphore_mem>>) src(%dma_wait3A_23 : memref<200000x64xf32, #tpu.memory_space<hbm>>) dst(%arg7 : memref<128x64xf32, #tpu.memory_space<vmem>>)
    %parallel_loop3A_24 = arith.constant 0 : i32
    %parallel_loop3A_25 = arith.constant 128 : i32
    %parallel_loop3A_26 = arith.constant 1 : i32
    scf.for %parallel_loop3A_1100 = %parallel_loop3A_24 to %parallel_loop3A_25 step %parallel_loop3A_26  : i32 {
      %parallel_loop3A_1101 = arith.index_cast %parallel_loop3A_1100 : i32 to index
      %parallel_loop3A_1102 = arith.constant 0 : index
      %parallel_loop3A_1103 = tpu.vector_load %arg7[%parallel_loop3A_1101, %parallel_loop3A_1102] {strides = array<i32>} : memref<128x64xf32, #tpu.memory_space<vmem>>, vector<16xf32>,
      %parallel_loop3A_1104 = tpu.iota {dimensions = array<i32: 0>} : vector<16xi32>
      %parallel_loop3A_1105 = arith.constant 0 : i32
      %parallel_loop3A_1106 = vector.broadcast %parallel_loop3A_1105 : i32 to vector<16xi32>
      %parallel_loop3A_1107 = arith.addi %parallel_loop3A_1106, %parallel_loop3A_1104 : vector<16xi32>
      %parallel_loop3A_1108 = vector.broadcast %parallel_loop3A_1100 : i32 to vector<16xi32>
      tpu.vector_store_idx %arg9[%parallel_loop3A_1107, %parallel_loop3A_1108], %parallel_loop3A_1103 : memref<64x130xf32, #tpu.memory_space<vmem>>[vector<16xi32>, vector<16xi32>], vector<16xf32>,
      %parallel_loop3A_1109 = arith.index_cast %parallel_loop3A_1100 : i32 to index
      %parallel_loop3A_1110 = arith.constant 16 : index
      %parallel_loop3A_1111 = tpu.vector_load %arg7[%parallel_loop3A_1109, %parallel_loop3A_1110] {strides = array<i32>} : memref<128x64xf32, #tpu.memory_space<vmem>>, vector<16xf32>,
      %parallel_loop3A_1112 = tpu.iota {dimensions = array<i32: 0>} : vector<16xi32>
      %parallel_loop3A_1113 = arith.constant 16 : i32
      %parallel_loop3A_1114 = vector.broadcast %parallel_loop3A_1113 : i32 to vector<16xi32>
      %parallel_loop3A_1115 = arith.addi %parallel_loop3A_1114, %parallel_loop3A_1112 : vector<16xi32>
      %parallel_loop3A_1116 = vector.broadcast %parallel_loop3A_1100 : i32 to vector<16xi32>
      tpu.vector_store_idx %arg9[%parallel_loop3A_1115, %parallel_loop3A_1116], %parallel_loop3A_1111 : memref<64x130xf32, #tpu.memory_space<vmem>>[vector<16xi32>, vector<16xi32>], vector<16xf32>,
      %parallel_loop3A_1117 = arith.index_cast %parallel_loop3A_1100 : i32 to index
      %parallel_loop3A_1118 = arith.constant 32 : index
      %parallel_loop3A_1119 = tpu.vector_load %arg7[%parallel_loop3A_1117, %parallel_loop3A_1118] {strides = array<i32>} : memref<128x64xf32, #tpu.memory_space<vmem>>, vector<16xf32>,
      %parallel_loop3A_1120 = tpu.iota {dimensions = array<i32: 0>} : vector<16xi32>
      %parallel_loop3A_1121 = arith.constant 32 : i32
      %parallel_loop3A_1122 = vector.broadcast %parallel_loop3A_1121 : i32 to vector<16xi32>
      %parallel_loop3A_1123 = arith.addi %parallel_loop3A_1122, %parallel_loop3A_1120 : vector<16xi32>
      %parallel_loop3A_1124 = vector.broadcast %parallel_loop3A_1100 : i32 to vector<16xi32>
      tpu.vector_store_idx %arg9[%parallel_loop3A_1123, %parallel_loop3A_1124], %parallel_loop3A_1119 : memref<64x130xf32, #tpu.memory_space<vmem>>[vector<16xi32>, vector<16xi32>], vector<16xf32>,
      %parallel_loop3A_1125 = arith.index_cast %parallel_loop3A_1100 : i32 to index
      %parallel_loop3A_1126 = arith.constant 48 : index
      %parallel_loop3A_1127 = tpu.vector_load %arg7[%parallel_loop3A_1125, %parallel_loop3A_1126] {strides = array<i32>} : memref<128x64xf32, #tpu.memory_space<vmem>>, vector<16xf32>,
      %parallel_loop3A_1128 = tpu.iota {dimensions = array<i32: 0>} : vector<16xi32>
      %parallel_loop3A_1129 = arith.constant 48 : i32
      %parallel_loop3A_1130 = vector.broadcast %parallel_loop3A_1129 : i32 to vector<16xi32>
      %parallel_loop3A_1131 = arith.addi %parallel_loop3A_1130, %parallel_loop3A_1128 : vector<16xi32>
      %parallel_loop3A_1132 = vector.broadcast %parallel_loop3A_1100 : i32 to vector<16xi32>
      tpu.vector_store_idx %arg9[%parallel_loop3A_1131, %parallel_loop3A_1132], %parallel_loop3A_1127 : memref<64x130xf32, #tpu.memory_space<vmem>>[vector<16xi32>, vector<16xi32>], vector<16xf32>,
    } {sc.loop_unroll_factor = 4 : i64, sc.parallel_access}
    %dma_start3A_27 = arith.constant 0 : i32
    %dma_start3A_28 = arith.constant 0 : i32
    %dma_start3A_29 = arith.constant 0 : i32
    %dma_start3A_30 = arith.constant 0 : i32
    %dma_start3A_31 = tpu.memref_slice %arg9[%dma_start3A_29, %dma_start3A_30] : memref<64x130xf32, #tpu.memory_space<vmem>> -> memref<8x128xf32, #tpu.memory_space<vmem>>
    %dma_start3A_32 = arith.constant 0 : i32
    %dma_start3A_33 = arith.constant 0 : i32
    %dma_start3A_34 = tpu.memref_slice %arg4[%dma_start3A_27, %dma_start3A_28, %add3A, %dma_start3A_32, %dma_start3A_33] : memref<26x8x32x8x128xf32, #tpu.memory_space<hbm>> -> memref<1x1x1x8x128xf32, #tpu.memory_space<hbm>>
    %dma_start3A_35 = tpu.memref_squeeze %dma_start3A_34 : memref<1x1x1x8x128xf32, #tpu.memory_space<hbm>> -> memref<8x128xf32, #tpu.memory_space<hbm>>
    %dma_start3A_36 = arith.constant 0 : i32
    %dma_start3A_37 = arith.constant 0 : i32
    %dma_start3A_38 = tpu.memref_slice %arg4[%dma_start3A_27, %dma_start3A_28, %add3A, %dma_start3A_36, %dma_start3A_37] : memref<26x8x32x8x128xf32, #tpu.memory_space<hbm>> -> memref<1x1x1x8x128xf32, #tpu.memory_space<hbm>>
    %dma_start3A_39 = tpu.memref_squeeze %dma_start3A_38 : memref<1x1x1x8x128xf32, #tpu.memory_space<hbm>> -> memref<8x128xf32, #tpu.memory_space<hbm>>
    %dma_start3A_40 = arith.constant 0 : i32
    %dma_start3A_41 = arith.constant 0 : i32
    %dma_start3A_42 = tpu.memref_slice %arg9[%dma_start3A_40, %dma_start3A_41] : memref<64x130xf32, #tpu.memory_space<vmem>> -> memref<8x128xf32, #tpu.memory_space<vmem>>
    tpu.enqueue_dma source(%dma_start3A_42 : memref<8x128xf32, #tpu.memory_space<vmem>>) target(%dma_start3A_39 : memref<8x128xf32, #tpu.memory_space<hbm>>) target_semaphore(%arg13 : memref<!tpu.dma_semaphore, #tpu.memory_space<semaphore_mem>>)
    %dma_start3A_43 = arith.constant 0 : i32
    %dma_start3A_44 = arith.constant 1 : i32
    %dma_start3A_45 = arith.constant 8 : i32
    %dma_start3A_46 = arith.constant 0 : i32
    %dma_start3A_47 = tpu.memref_slice %arg9[%dma_start3A_45, %dma_start3A_46] : memref<64x130xf32, #tpu.memory_space<vmem>> -> memref<8x128xf32, #tpu.memory_space<vmem>>
    %dma_start3A_48 = arith.constant 0 : i32
    %dma_start3A_49 = arith.constant 0 : i32
    %dma_start3A_50 = tpu.memref_slice %arg4[%dma_start3A_43, %dma_start3A_44, %add3A, %dma_start3A_48, %dma_start3A_49] : memref<26x8x32x8x128xf32, #tpu.memory_space<hbm>> -> memref<1x1x1x8x128xf32, #tpu.memory_space<hbm>>
    %dma_start3A_51 = tpu.memref_squeeze %dma_start3A_50 : memref<1x1x1x8x128xf32, #tpu.memory_space<hbm>> -> memref<8x128xf32, #tpu.memory_space<hbm>>
    %dma_start3A_52 = arith.constant 0 : i32
    %dma_start3A_53 = arith.constant 0 : i32
    %dma_start3A_54 = tpu.memref_slice %arg4[%dma_start3A_43, %dma_start3A_44, %add3A, %dma_start3A_52, %dma_start3A_53] : memref<26x8x32x8x128xf32, #tpu.memory_space<hbm>> -> memref<1x1x1x8x128xf32, #tpu.memory_space<hbm>>
    %dma_start3A_55 = tpu.memref_squeeze %dma_start3A_54 : memref<1x1x1x8x128xf32, #tpu.memory_space<hbm>> -> memref<8x128xf32, #tpu.memory_space<hbm>>
    %dma_start3A_56 = arith.constant 8 : i32
    %dma_start3A_57 = arith.constant 0 : i32
    %dma_start3A_58 = tpu.memref_slice %arg9[%dma_start3A_56, %dma_start3A_57] : memref<64x130xf32, #tpu.memory_space<vmem>> -> memref<8x128xf32, #tpu.memory_space<vmem>>
    tpu.enqueue_dma source(%dma_start3A_58 : memref<8x128xf32, #tpu.memory_space<vmem>>) target(%dma_start3A_55 : memref<8x128xf32, #tpu.memory_space<hbm>>) target_semaphore(%arg13 : memref<!tpu.dma_semaphore, #tpu.memory_space<semaphore_mem>>)
    %dma_start3A_59 = arith.constant 0 : i32
    %dma_start3A_60 = arith.constant 2 : i32
    %dma_start3A_61 = arith.constant 16 : i32
    %dma_start3A_62 = arith.constant 0 : i32
    %dma_start3A_63 = tpu.memref_slice %arg9[%dma_start3A_61, %dma_start3A_62] : memref<64x130xf32, #tpu.memory_space<vmem>> -> memref<8x128xf32, #tpu.memory_space<vmem>>
    %dma_start3A_64 = arith.constant 0 : i32
    %dma_start3A_65 = arith.constant 0 : i32
    %dma_start3A_66 = tpu.memref_slice %arg4[%dma_start3A_59, %dma_start3A_60, %add3A, %dma_start3A_64, %dma_start3A_65] : memref<26x8x32x8x128xf32, #tpu.memory_space<hbm>> -> memref<1x1x1x8x128xf32, #tpu.memory_space<hbm>>
    %dma_start3A_67 = tpu.memref_squeeze %dma_start3A_66 : memref<1x1x1x8x128xf32, #tpu.memory_space<hbm>> -> memref<8x128xf32, #tpu.memory_space<hbm>>
    %dma_start3A_68 = arith.constant 0 : i32
    %dma_start3A_69 = arith.constant 0 : i32
    %dma_start3A_70 = tpu.memref_slice %arg4[%dma_start3A_59, %dma_start3A_60, %add3A, %dma_start3A_68, %dma_start3A_69] : memref<26x8x32x8x128xf32, #tpu.memory_space<hbm>> -> memref<1x1x1x8x128xf32, #tpu.memory_space<hbm>>
    %dma_start3A_71 = tpu.memref_squeeze %dma_start3A_70 : memref<1x1x1x8x128xf32, #tpu.memory_space<hbm>> -> memref<8x128xf32, #tpu.memory_space<hbm>>
    %dma_start3A_72 = arith.constant 16 : i32
    %dma_start3A_73 = arith.constant 0 : i32
    %dma_start3A_74 = tpu.memref_slice %arg9[%dma_start3A_72, %dma_start3A_73] : memref<64x130xf32, #tpu.memory_space<vmem>> -> memref<8x128xf32, #tpu.memory_space<vmem>>
    tpu.enqueue_dma source(%dma_start3A_74 : memref<8x128xf32, #tpu.memory_space<vmem>>) target(%dma_start3A_71 : memref<8x128xf32, #tpu.memory_space<hbm>>) target_semaphore(%arg13 : memref<!tpu.dma_semaphore, #tpu.memory_space<semaphore_mem>>)
    %dma_start3A_75 = arith.constant 0 : i32
    %dma_start3A_76 = arith.constant 3 : i32
    %dma_start3A_77 = arith.constant 24 : i32
    %dma_start3A_78 = arith.constant 0 : i32
    %dma_start3A_79 = tpu.memref_slice %arg9[%dma_start3A_77, %dma_start3A_78] : memref<64x130xf32, #tpu.memory_space<vmem>> -> memref<8x128xf32, #tpu.memory_space<vmem>>
    %dma_start3A_80 = arith.constant 0 : i32
    %dma_start3A_81 = arith.constant 0 : i32
    %dma_start3A_82 = tpu.memref_slice %arg4[%dma_start3A_75, %dma_start3A_76, %add3A, %dma_start3A_80, %dma_start3A_81] : memref<26x8x32x8x128xf32, #tpu.memory_space<hbm>> -> memref<1x1x1x8x128xf32, #tpu.memory_space<hbm>>
    %dma_start3A_83 = tpu.memref_squeeze %dma_start3A_82 : memref<1x1x1x8x128xf32, #tpu.memory_space<hbm>> -> memref<8x128xf32, #tpu.memory_space<hbm>>
    %dma_start3A_84 = arith.constant 0 : i32
    %dma_start3A_85 = arith.constant 0 : i32
    %dma_start3A_86 = tpu.memref_slice %arg4[%dma_start3A_75, %dma_start3A_76, %add3A, %dma_start3A_84, %dma_start3A_85] : memref<26x8x32x8x128xf32, #tpu.memory_space<hbm>> -> memref<1x1x1x8x128xf32, #tpu.memory_space<hbm>>
    %dma_start3A_87 = tpu.memref_squeeze %dma_start3A_86 : memref<1x1x1x8x128xf32, #tpu.memory_space<hbm>> -> memref<8x128xf32, #tpu.memory_space<hbm>>
    %dma_start3A_88 = arith.constant 24 : i32
    %dma_start3A_89 = arith.constant 0 : i32
    %dma_start3A_90 = tpu.memref_slice %arg9[%dma_start3A_88, %dma_start3A_89] : memref<64x130xf32, #tpu.memory_space<vmem>> -> memref<8x128xf32, #tpu.memory_space<vmem>>
    tpu.enqueue_dma source(%dma_start3A_90 : memref<8x128xf32, #tpu.memory_space<vmem>>) target(%dma_start3A_87 : memref<8x128xf32, #tpu.memory_space<hbm>>) target_semaphore(%arg13 : memref<!tpu.dma_semaphore, #tpu.memory_space<semaphore_mem>>)
    %dma_start3A_91 = arith.constant 0 : i32
    %dma_start3A_92 = arith.constant 4 : i32
    %dma_start3A_93 = arith.constant 32 : i32
    %dma_start3A_94 = arith.constant 0 : i32
    %dma_start3A_95 = tpu.memref_slice %arg9[%dma_start3A_93, %dma_start3A_94] : memref<64x130xf32, #tpu.memory_space<vmem>> -> memref<8x128xf32, #tpu.memory_space<vmem>>
    %dma_start3A_96 = arith.constant 0 : i32
    %dma_start3A_97 = arith.constant 0 : i32
    %dma_start3A_98 = tpu.memref_slice %arg4[%dma_start3A_91, %dma_start3A_92, %add3A, %dma_start3A_96, %dma_start3A_97] : memref<26x8x32x8x128xf32, #tpu.memory_space<hbm>> -> memref<1x1x1x8x128xf32, #tpu.memory_space<hbm>>
    %dma_start3A_99 = tpu.memref_squeeze %dma_start3A_98 : memref<1x1x1x8x128xf32, #tpu.memory_space<hbm>> -> memref<8x128xf32, #tpu.memory_space<hbm>>
    %dma_start3A_100 = arith.constant 0 : i32
    %dma_start3A_101 = arith.constant 0 : i32
    %dma_start3A_102 = tpu.memref_slice %arg4[%dma_start3A_91, %dma_start3A_92, %add3A, %dma_start3A_100, %dma_start3A_101] : memref<26x8x32x8x128xf32, #tpu.memory_space<hbm>> -> memref<1x1x1x8x128xf32, #tpu.memory_space<hbm>>
    %dma_start3A_103 = tpu.memref_squeeze %dma_start3A_102 : memref<1x1x1x8x128xf32, #tpu.memory_space<hbm>> -> memref<8x128xf32, #tpu.memory_space<hbm>>
    %dma_start3A_104 = arith.constant 32 : i32
    %dma_start3A_105 = arith.constant 0 : i32
    %dma_start3A_106 = tpu.memref_slice %arg9[%dma_start3A_104, %dma_start3A_105] : memref<64x130xf32, #tpu.memory_space<vmem>> -> memref<8x128xf32, #tpu.memory_space<vmem>>
    tpu.enqueue_dma source(%dma_start3A_106 : memref<8x128xf32, #tpu.memory_space<vmem>>) target(%dma_start3A_103 : memref<8x128xf32, #tpu.memory_space<hbm>>) target_semaphore(%arg13 : memref<!tpu.dma_semaphore, #tpu.memory_space<semaphore_mem>>)
    %dma_start3A_107 = arith.constant 0 : i32
    %dma_start3A_108 = arith.constant 5 : i32
    %dma_start3A_109 = arith.constant 40 : i32
    %dma_start3A_110 = arith.constant 0 : i32
    %dma_start3A_111 = tpu.memref_slice %arg9[%dma_start3A_109, %dma_start3A_110] : memref<64x130xf32, #tpu.memory_space<vmem>> -> memref<8x128xf32, #tpu.memory_space<vmem>>
    %dma_start3A_112 = arith.constant 0 : i32
    %dma_start3A_113 = arith.constant 0 : i32
    %dma_start3A_114 = tpu.memref_slice %arg4[%dma_start3A_107, %dma_start3A_108, %add3A, %dma_start3A_112, %dma_start3A_113] : memref<26x8x32x8x128xf32, #tpu.memory_space<hbm>> -> memref<1x1x1x8x128xf32, #tpu.memory_space<hbm>>
    %dma_start3A_115 = tpu.memref_squeeze %dma_start3A_114 : memref<1x1x1x8x128xf32, #tpu.memory_space<hbm>> -> memref<8x128xf32, #tpu.memory_space<hbm>>
    %dma_start3A_116 = arith.constant 0 : i32
    %dma_start3A_117 = arith.constant 0 : i32
    %dma_start3A_118 = tpu.memref_slice %arg4[%dma_start3A_107, %dma_start3A_108, %add3A, %dma_start3A_116, %dma_start3A_117] : memref<26x8x32x8x128xf32, #tpu.memory_space<hbm>> -> memref<1x1x1x8x128xf32, #tpu.memory_space<hbm>>
    %dma_start3A_119 = tpu.memref_squeeze %dma_start3A_118 : memref<1x1x1x8x128xf32, #tpu.memory_space<hbm>> -> memref<8x128xf32, #tpu.memory_space<hbm>>
    %dma_start3A_120 = arith.constant 40 : i32
    %dma_start3A_121 = arith.constant 0 : i32
    %dma_start3A_122 = tpu.memref_slice %arg9[%dma_start3A_120, %dma_start3A_121] : memref<64x130xf32, #tpu.memory_space<vmem>> -> memref<8x128xf32, #tpu.memory_space<vmem>>
    tpu.enqueue_dma source(%dma_start3A_122 : memref<8x128xf32, #tpu.memory_space<vmem>>) target(%dma_start3A_119 : memref<8x128xf32, #tpu.memory_space<hbm>>) target_semaphore(%arg13 : memref<!tpu.dma_semaphore, #tpu.memory_space<semaphore_mem>>)
    %dma_start3A_123 = arith.constant 0 : i32
    %dma_start3A_124 = arith.constant 6 : i32
    %dma_start3A_125 = arith.constant 48 : i32
    %dma_start3A_126 = arith.constant 0 : i32
    %dma_start3A_127 = tpu.memref_slice %arg9[%dma_start3A_125, %dma_start3A_126] : memref<64x130xf32, #tpu.memory_space<vmem>> -> memref<8x128xf32, #tpu.memory_space<vmem>>
    %dma_start3A_128 = arith.constant 0 : i32
    %dma_start3A_129 = arith.constant 0 : i32
    %dma_start3A_130 = tpu.memref_slice %arg4[%dma_start3A_123, %dma_start3A_124, %add3A, %dma_start3A_128, %dma_start3A_129] : memref<26x8x32x8x128xf32, #tpu.memory_space<hbm>> -> memref<1x1x1x8x128xf32, #tpu.memory_space<hbm>>
    %dma_start3A_131 = tpu.memref_squeeze %dma_start3A_130 : memref<1x1x1x8x128xf32, #tpu.memory_space<hbm>> -> memref<8x128xf32, #tpu.memory_space<hbm>>
    %dma_start3A_132 = arith.constant 0 : i32
    %dma_start3A_133 = arith.constant 0 : i32
    %dma_start3A_134 = tpu.memref_slice %arg4[%dma_start3A_123, %dma_start3A_124, %add3A, %dma_start3A_132, %dma_start3A_133] : memref<26x8x32x8x128xf32, #tpu.memory_space<hbm>> -> memref<1x1x1x8x128xf32, #tpu.memory_space<hbm>>
    %dma_start3A_135 = tpu.memref_squeeze %dma_start3A_134 : memref<1x1x1x8x128xf32, #tpu.memory_space<hbm>> -> memref<8x128xf32, #tpu.memory_space<hbm>>
    %dma_start3A_136 = arith.constant 48 : i32
    %dma_start3A_137 = arith.constant 0 : i32
    %dma_start3A_138 = tpu.memref_slice %arg9[%dma_start3A_136, %dma_start3A_137] : memref<64x130xf32, #tpu.memory_space<vmem>> -> memref<8x128xf32, #tpu.memory_space<vmem>>
    tpu.enqueue_dma source(%dma_start3A_138 : memref<8x128xf32, #tpu.memory_space<vmem>>) target(%dma_start3A_135 : memref<8x128xf32, #tpu.memory_space<hbm>>) target_semaphore(%arg13 : memref<!tpu.dma_semaphore, #tpu.memory_space<semaphore_mem>>)
    %dma_start3A_139 = arith.constant 0 : i32
    %dma_start3A_140 = arith.constant 7 : i32
    %dma_start3A_141 = arith.constant 56 : i32
    %dma_start3A_142 = arith.constant 0 : i32
    %dma_start3A_143 = tpu.memref_slice %arg9[%dma_start3A_141, %dma_start3A_142] : memref<64x130xf32, #tpu.memory_space<vmem>> -> memref<8x128xf32, #tpu.memory_space<vmem>>
    %dma_start3A_144 = arith.constant 0 : i32
    %dma_start3A_145 = arith.constant 0 : i32
    %dma_start3A_146 = tpu.memref_slice %arg4[%dma_start3A_139, %dma_start3A_140, %add3A, %dma_start3A_144, %dma_start3A_145] : memref<26x8x32x8x128xf32, #tpu.memory_space<hbm>> -> memref<1x1x1x8x128xf32, #tpu.memory_space<hbm>>
    %dma_start3A_147 = tpu.memref_squeeze %dma_start3A_146 : memref<1x1x1x8x128xf32, #tpu.memory_space<hbm>> -> memref<8x128xf32, #tpu.memory_space<hbm>>
    %dma_start3A_148 = arith.constant 0 : i32
    %dma_start3A_149 = arith.constant 0 : i32
    %dma_start3A_150 = tpu.memref_slice %arg4[%dma_start3A_139, %dma_start3A_140, %add3A, %dma_start3A_148, %dma_start3A_149] : memref<26x8x32x8x128xf32, #tpu.memory_space<hbm>> -> memref<1x1x1x8x128xf32, #tpu.memory_space<hbm>>
    %dma_start3A_151 = tpu.memref_squeeze %dma_start3A_150 : memref<1x1x1x8x128xf32, #tpu.memory_space<hbm>> -> memref<8x128xf32, #tpu.memory_space<hbm>>
    %dma_start3A_152 = arith.constant 56 : i32
    %dma_start3A_153 = arith.constant 0 : i32
    %dma_start3A_154 = tpu.memref_slice %arg9[%dma_start3A_152, %dma_start3A_153] : memref<64x130xf32, #tpu.memory_space<vmem>> -> memref<8x128xf32, #tpu.memory_space<vmem>>
    tpu.enqueue_dma source(%dma_start3A_154 : memref<8x128xf32, #tpu.memory_space<vmem>>) target(%dma_start3A_151 : memref<8x128xf32, #tpu.memory_space<hbm>>) target_semaphore(%arg13 : memref<!tpu.dma_semaphore, #tpu.memory_space<semaphore_mem>>)
    %dma_start3A_155 = arith.constant 2 : i32
    %dma_start3A_156 = arith.constant 0 : i32
    %dma_start3A_157 = tpu.memref_slice %arg6[%dma_start3A_155, %dma_start3A_156] : memref<26x128xi32, #tpu.memory_space<vmem>> -> memref<1x128xi32, #tpu.memory_space<vmem>>
    %dma_start3A_158 = tpu.memref_squeeze %dma_start3A_157 : memref<1x128xi32, #tpu.memory_space<vmem>> -> memref<128xi32, #tpu.memory_space<vmem>>
    %dma_start3A_159 = arith.constant 0 : i32
    %dma_start3A_160 = arith.constant 0 : i32
    %dma_start3A_161 = tpu.memref_slice %arg2[%dma_start3A_159, %dma_start3A_160] : memref<200000x64xf32, #tpu.memory_space<hbm>> -> memref<200000x64xf32, #tpu.memory_space<hbm>>
    tpu.enqueue_indirect_dma source(%dma_start3A_161 : memref<200000x64xf32, #tpu.memory_space<hbm>>) target(%arg7 : memref<128x64xf32, #tpu.memory_space<vmem>>) offsets(%dma_start3A_158 : memref<128xi32, #tpu.memory_space<vmem>>) semaphore(%arg11 : memref<!tpu.dma_semaphore, #tpu.memory_space<semaphore_mem>>)
    %dma_wait3A_162 = arith.constant 1 : i32
    %dma_wait3A_163 = arith.constant 0 : i32
    %dma_wait3A_164 = tpu.memref_slice %arg6[%dma_wait3A_162, %dma_wait3A_163] : memref<26x128xi32, #tpu.memory_space<vmem>> -> memref<1x128xi32, #tpu.memory_space<vmem>>
    %dma_wait3A_165 = tpu.memref_squeeze %dma_wait3A_164 : memref<1x128xi32, #tpu.memory_space<vmem>> -> memref<128xi32, #tpu.memory_space<vmem>>
    %dma_wait3A_166 = arith.constant 0 : i32
    %dma_wait3A_167 = arith.constant 0 : i32
    %dma_wait3A_168 = tpu.memref_slice %arg2[%dma_wait3A_166, %dma_wait3A_167] : memref<200000x64xf32, #tpu.memory_space<hbm>> -> memref<200000x64xf32, #tpu.memory_space<hbm>>
    tpu.wait_indirect_dma semaphore(%arg12 : memref<!tpu.dma_semaphore, #tpu.memory_space<semaphore_mem>>) src(%dma_wait3A_168 : memref<200000x64xf32, #tpu.memory_space<hbm>>) dst(%arg8 : memref<128x64xf32, #tpu.memory_space<vmem>>)
    %parallel_loop3A_169 = arith.constant 0 : i32
    %parallel_loop3A_170 = arith.constant 128 : i32
    %parallel_loop3A_171 = arith.constant 1 : i32
    scf.for %parallel_loop3A_1100 = %parallel_loop3A_169 to %parallel_loop3A_170 step %parallel_loop3A_171  : i32 {
      %parallel_loop3A_1101 = arith.index_cast %parallel_loop3A_1100 : i32 to index
      %parallel_loop3A_1102 = arith.constant 0 : index
      %parallel_loop3A_1103 = tpu.vector_load %arg8[%parallel_loop3A_1101, %parallel_loop3A_1102] {strides = array<i32>} : memref<128x64xf32, #tpu.memory_space<vmem>>, vector<16xf32>,
      %parallel_loop3A_1104 = tpu.iota {dimensions = array<i32: 0>} : vector<16xi32>
      %parallel_loop3A_1105 = arith.constant 0 : i32
      %parallel_loop3A_1106 = vector.broadcast %parallel_loop3A_1105 : i32 to vector<16xi32>
      %parallel_loop3A_1107 = arith.addi %parallel_loop3A_1106, %parallel_loop3A_1104 : vector<16xi32>
      %parallel_loop3A_1108 = vector.broadcast %parallel_loop3A_1100 : i32 to vector<16xi32>
      tpu.vector_store_idx %arg10[%parallel_loop3A_1107, %parallel_loop3A_1108], %parallel_loop3A_1103 : memref<64x130xf32, #tpu.memory_space<vmem>>[vector<16xi32>, vector<16xi32>], vector<16xf32>,
      %parallel_loop3A_1109 = arith.index_cast %parallel_loop3A_1100 : i32 to index
      %parallel_loop3A_1110 = arith.constant 16 : index
      %parallel_loop3A_1111 = tpu.vector_load %arg8[%parallel_loop3A_1109, %parallel_loop3A_1110] {strides = array<i32>} : memref<128x64xf32, #tpu.memory_space<vmem>>, vector<16xf32>,
      %parallel_loop3A_1112 = tpu.iota {dimensions = array<i32: 0>} : vector<16xi32>
      %parallel_loop3A_1113 = arith.constant 16 : i32
      %parallel_loop3A_1114 = vector.broadcast %parallel_loop3A_1113 : i32 to vector<16xi32>
      %parallel_loop3A_1115 = arith.addi %parallel_loop3A_1114, %parallel_loop3A_1112 : vector<16xi32>
      %parallel_loop3A_1116 = vector.broadcast %parallel_loop3A_1100 : i32 to vector<16xi32>
      tpu.vector_store_idx %arg10[%parallel_loop3A_1115, %parallel_loop3A_1116], %parallel_loop3A_1111 : memref<64x130xf32, #tpu.memory_space<vmem>>[vector<16xi32>, vector<16xi32>], vector<16xf32>,
      %parallel_loop3A_1117 = arith.index_cast %parallel_loop3A_1100 : i32 to index
      %parallel_loop3A_1118 = arith.constant 32 : index
      %parallel_loop3A_1119 = tpu.vector_load %arg8[%parallel_loop3A_1117, %parallel_loop3A_1118] {strides = array<i32>} : memref<128x64xf32, #tpu.memory_space<vmem>>, vector<16xf32>,
      %parallel_loop3A_1120 = tpu.iota {dimensions = array<i32: 0>} : vector<16xi32>
      %parallel_loop3A_1121 = arith.constant 32 : i32
      %parallel_loop3A_1122 = vector.broadcast %parallel_loop3A_1121 : i32 to vector<16xi32>
      %parallel_loop3A_1123 = arith.addi %parallel_loop3A_1122, %parallel_loop3A_1120 : vector<16xi32>
      %parallel_loop3A_1124 = vector.broadcast %parallel_loop3A_1100 : i32 to vector<16xi32>
      tpu.vector_store_idx %arg10[%parallel_loop3A_1123, %parallel_loop3A_1124], %parallel_loop3A_1119 : memref<64x130xf32, #tpu.memory_space<vmem>>[vector<16xi32>, vector<16xi32>], vector<16xf32>,
      %parallel_loop3A_1125 = arith.index_cast %parallel_loop3A_1100 : i32 to index
      %parallel_loop3A_1126 = arith.constant 48 : index
      %parallel_loop3A_1127 = tpu.vector_load %arg8[%parallel_loop3A_1125, %parallel_loop3A_1126] {strides = array<i32>} : memref<128x64xf32, #tpu.memory_space<vmem>>, vector<16xf32>,
      %parallel_loop3A_1128 = tpu.iota {dimensions = array<i32: 0>} : vector<16xi32>
      %parallel_loop3A_1129 = arith.constant 48 : i32
      %parallel_loop3A_1130 = vector.broadcast %parallel_loop3A_1129 : i32 to vector<16xi32>
      %parallel_loop3A_1131 = arith.addi %parallel_loop3A_1130, %parallel_loop3A_1128 : vector<16xi32>
      %parallel_loop3A_1132 = vector.broadcast %parallel_loop3A_1100 : i32 to vector<16xi32>
      tpu.vector_store_idx %arg10[%parallel_loop3A_1131, %parallel_loop3A_1132], %parallel_loop3A_1127 : memref<64x130xf32, #tpu.memory_space<vmem>>[vector<16xi32>, vector<16xi32>], vector<16xf32>,
    } {sc.loop_unroll_factor = 4 : i64, sc.parallel_access}
    %dma_start3A_172 = arith.constant 1 : i32
    %dma_start3A_173 = arith.constant 0 : i32
    %dma_start3A_174 = arith.constant 0 : i32
    %dma_start3A_175 = arith.constant 0 : i32
    %dma_start3A_176 = tpu.memref_slice %arg10[%dma_start3A_174, %dma_start3A_175] : memref<64x130xf32, #tpu.memory_space<vmem>> -> memref<8x128xf32, #tpu.memory_space<vmem>>
    %dma_start3A_177 = arith.constant 0 : i32
    %dma_start3A_178 = arith.constant 0 : i32
    %dma_start3A_179 = tpu.memref_slice %arg4[%dma_start3A_172, %dma_start3A_173, %add3A, %dma_start3A_177, %dma_start3A_178] : memref<26x8x32x8x128xf32, #tpu.memory_space<hbm>> -> memref<1x1x1x8x128xf32, #tpu.memory_space<hbm>>
    %dma_start3A_180 = tpu.memref_squeeze %dma_start3A_179 : memref<1x1x1x8x128xf32, #tpu.memory_space<hbm>> -> memref<8x128xf32, #tpu.memory_space<hbm>>
    %dma_start3A_181 = arith.constant 0 : i32
    %dma_start3A_182 = arith.constant 0 : i32
    %dma_start3A_183 = tpu.memref_slice %arg4[%dma_start3A_172, %dma_start3A_173, %add3A, %dma_start3A_181, %dma_start3A_182] : memref<26x8x32x8x128xf32, #tpu.memory_space<hbm>> -> memref<1x1x1x8x128xf32, #tpu.memory_space<hbm>>
    %dma_start3A_184 = tpu.memref_squeeze %dma_start3A_183 : memref<1x1x1x8x128xf32, #tpu.memory_space<hbm>> -> memref<8x128xf32, #tpu.memory_space<hbm>>
    %dma_start3A_185 = arith.constant 0 : i32
    %dma_start3A_186 = arith.constant 0 : i32
    %dma_start3A_187 = tpu.memref_slice %arg10[%dma_start3A_185, %dma_start3A_186] : memref<64x130xf32, #tpu.memory_space<vmem>> -> memref<8x128xf32, #tpu.memory_space<vmem>>
    tpu.enqueue_dma source(%dma_start3A_187 : memref<8x128xf32, #tpu.memory_space<vmem>>) target(%dma_start3A_184 : memref<8x128xf32, #tpu.memory_space<hbm>>) target_semaphore(%arg14 : memref<!tpu.dma_semaphore, #tpu.memory_space<semaphore_mem>>)
    %dma_start3A_188 = arith.constant 1 : i32
    %dma_start3A_189 = arith.constant 1 : i32
    %dma_start3A_190 = arith.constant 8 : i32
    %dma_start3A_191 = arith.constant 0 : i32
    %dma_start3A_192 = tpu.memref_slice %arg10[%dma_start3A_190, %dma_start3A_191] : memref<64x130xf32, #tpu.memory_space<vmem>> -> memref<8x128xf32, #tpu.memory_space<vmem>>
    %dma_start3A_193 = arith.constant 0 : i32
    %dma_start3A_194 = arith.constant 0 : i32
    %dma_start3A_195 = tpu.memref_slice %arg4[%dma_start3A_188, %dma_start3A_189, %add3A, %dma_start3A_193, %dma_start3A_194] : memref<26x8x32x8x128xf32, #tpu.memory_space<hbm>> -> memref<1x1x1x8x128xf32, #tpu.memory_space<hbm>>
    %dma_start3A_196 = tpu.memref_squeeze %dma_start3A_195 : memref<1x1x1x8x128xf32, #tpu.memory_space<hbm>> -> memref<8x128xf32, #tpu.memory_space<hbm>>
    %dma_start3A_197 = arith.constant 0 : i32
    %dma_start3A_198 = arith.constant 0 : i32
    %dma_start3A_199 = tpu.memref_slice %arg4[%dma_start3A_188, %dma_start3A_189, %add3A, %dma_start3A_197, %dma_start3A_198] : memref<26x8x32x8x128xf32, #tpu.memory_space<hbm>> -> memref<1x1x1x8x128xf32, #tpu.memory_space<hbm>>
    %dma_start3A_200 = tpu.memref_squeeze %dma_start3A_199 : memref<1x1x1x8x128xf32, #tpu.memory_space<hbm>> -> memref<8x128xf32, #tpu.memory_space<hbm>>
    %dma_start3A_201 = arith.constant 8 : i32
    %dma_start3A_202 = arith.constant 0 : i32
    %dma_start3A_203 = tpu.memref_slice %arg10[%dma_start3A_201, %dma_start3A_202] : memref<64x130xf32, #tpu.memory_space<vmem>> -> memref<8x128xf32, #tpu.memory_space<vmem>>
    tpu.enqueue_dma source(%dma_start3A_203 : memref<8x128xf32, #tpu.memory_space<vmem>>) target(%dma_start3A_200 : memref<8x128xf32, #tpu.memory_space<hbm>>) target_semaphore(%arg14 : memref<!tpu.dma_semaphore, #tpu.memory_space<semaphore_mem>>)
    %dma_start3A_204 = arith.constant 1 : i32
    %dma_start3A_205 = arith.constant 2 : i32
    %dma_start3A_206 = arith.constant 16 : i32
    %dma_start3A_207 = arith.constant 0 : i32
    %dma_start3A_208 = tpu.memref_slice %arg10[%dma_start3A_206, %dma_start3A_207] : memref<64x130xf32, #tpu.memory_space<vmem>> -> memref<8x128xf32, #tpu.memory_space<vmem>>
    %dma_start3A_209 = arith.constant 0 : i32
    %dma_start3A_210 = arith.constant 0 : i32
    %dma_start3A_211 = tpu.memref_slice %arg4[%dma_start3A_204, %dma_start3A_205, %add3A, %dma_start3A_209, %dma_start3A_210] : memref<26x8x32x8x128xf32, #tpu.memory_space<hbm>> -> memref<1x1x1x8x128xf32, #tpu.memory_space<hbm>>
    %dma_start3A_212 = tpu.memref_squeeze %dma_start3A_211 : memref<1x1x1x8x128xf32, #tpu.memory_space<hbm>> -> memref<8x128xf32, #tpu.memory_space<hbm>>
    %dma_start3A_213 = arith.constant 0 : i32
    %dma_start3A_214 = arith.constant 0 : i32
    %dma_start3A_215 = tpu.memref_slice %arg4[%dma_start3A_204, %dma_start3A_205, %add3A, %dma_start3A_213, %dma_start3A_214] : memref<26x8x32x8x128xf32, #tpu.memory_space<hbm>> -> memref<1x1x1x8x128xf32, #tpu.memory_space<hbm>>
    %dma_start3A_216 = tpu.memref_squeeze %dma_start3A_215 : memref<1x1x1x8x128xf32, #tpu.memory_space<hbm>> -> memref<8x128xf32, #tpu.memory_space<hbm>>
    %dma_start3A_217 = arith.constant 16 : i32
    %dma_start3A_218 = arith.constant 0 : i32
    %dma_start3A_219 = tpu.memref_slice %arg10[%dma_start3A_217, %dma_start3A_218] : memref<64x130xf32, #tpu.memory_space<vmem>> -> memref<8x128xf32, #tpu.memory_space<vmem>>
    tpu.enqueue_dma source(%dma_start3A_219 : memref<8x128xf32, #tpu.memory_space<vmem>>) target(%dma_start3A_216 : memref<8x128xf32, #tpu.memory_space<hbm>>) target_semaphore(%arg14 : memref<!tpu.dma_semaphore, #tpu.memory_space<semaphore_mem>>)
    %dma_start3A_220 = arith.constant 1 : i32
    %dma_start3A_221 = arith.constant 3 : i32
    %dma_start3A_222 = arith.constant 24 : i32
    %dma_start3A_223 = arith.constant 0 : i32
    %dma_start3A_224 = tpu.memref_slice %arg10[%dma_start3A_222, %dma_start3A_223] : memref<64x130xf32, #tpu.memory_space<vmem>> -> memref<8x128xf32, #tpu.memory_space<vmem>>
    %dma_start3A_225 = arith.constant 0 : i32
    %dma_start3A_226 = arith.constant 0 : i32
    %dma_start3A_227 = tpu.memref_slice %arg4[%dma_start3A_220, %dma_start3A_221, %add3A, %dma_start3A_225, %dma_start3A_226] : memref<26x8x32x8x128xf32, #tpu.memory_space<hbm>> -> memref<1x1x1x8x128xf32, #tpu.memory_space<hbm>>
    %dma_start3A_228 = tpu.memref_squeeze %dma_start3A_227 : memref<1x1x1x8x128xf32, #tpu.memory_space<hbm>> -> memref<8x128xf32, #tpu.memory_space<hbm>>
    %dma_start3A_229 = arith.constant 0 : i32
    %dma_start3A_230 = arith.constant 0 : i32
    %dma_start3A_231 = tpu.memref_slice %arg4[%dma_start3A_220, %dma_start3A_221, %add3A, %dma_start3A_229, %dma_start3A_230] : memref<26x8x32x8x128xf32, #tpu.memory_space<hbm>> -> memref<1x1x1x8x128xf32, #tpu.memory_space<hbm>>
    %dma_start3A_232 = tpu.memref_squeeze %dma_start3A_231 : memref<1x1x1x8x128xf32, #tpu.memory_space<hbm>> -> memref<8x128xf32, #tpu.memory_space<hbm>>
    %dma_start3A_233 = arith.constant 24 : i32
    %dma_start3A_234 = arith.constant 0 : i32
    %dma_start3A_235 = tpu.memref_slice %arg10[%dma_start3A_233, %dma_start3A_234] : memref<64x130xf32, #tpu.memory_space<vmem>> -> memref<8x128xf32, #tpu.memory_space<vmem>>
    tpu.enqueue_dma source(%dma_start3A_235 : memref<8x128xf32, #tpu.memory_space<vmem>>) target(%dma_start3A_232 : memref<8x128xf32, #tpu.memory_space<hbm>>) target_semaphore(%arg14 : memref<!tpu.dma_semaphore, #tpu.memory_space<semaphore_mem>>)
    %dma_start3A_236 = arith.constant 1 : i32
    %dma_start3A_237 = arith.constant 4 : i32
    %dma_start3A_238 = arith.constant 32 : i32
    %dma_start3A_239 = arith.constant 0 : i32
    %dma_start3A_240 = tpu.memref_slice %arg10[%dma_start3A_238, %dma_start3A_239] : memref<64x130xf32, #tpu.memory_space<vmem>> -> memref<8x128xf32, #tpu.memory_space<vmem>>
    %dma_start3A_241 = arith.constant 0 : i32
    %dma_start3A_242 = arith.constant 0 : i32
    %dma_start3A_243 = tpu.memref_slice %arg4[%dma_start3A_236, %dma_start3A_237, %add3A, %dma_start3A_241, %dma_start3A_242] : memref<26x8x32x8x128xf32, #tpu.memory_space<hbm>> -> memref<1x1x1x8x128xf32, #tpu.memory_space<hbm>>
    %dma_start3A_244 = tpu.memref_squeeze %dma_start3A_243 : memref<1x1x1x8x128xf32, #tpu.memory_space<hbm>> -> memref<8x128xf32, #tpu.memory_space<hbm>>
    %dma_start3A_245 = arith.constant 0 : i32
    %dma_start3A_246 = arith.constant 0 : i32
    %dma_start3A_247 = tpu.memref_slice %arg4[%dma_start3A_236, %dma_start3A_237, %add3A, %dma_start3A_245, %dma_start3A_246] : memref<26x8x32x8x128xf32, #tpu.memory_space<hbm>> -> memref<1x1x1x8x128xf32, #tpu.memory_space<hbm>>
    %dma_start3A_248 = tpu.memref_squeeze %dma_start3A_247 : memref<1x1x1x8x128xf32, #tpu.memory_space<hbm>> -> memref<8x128xf32, #tpu.memory_space<hbm>>
    %dma_start3A_249 = arith.constant 32 : i32
    %dma_start3A_250 = arith.constant 0 : i32
    %dma_start3A_251 = tpu.memref_slice %arg10[%dma_start3A_249, %dma_start3A_250] : memref<64x130xf32, #tpu.memory_space<vmem>> -> memref<8x128xf32, #tpu.memory_space<vmem>>
    tpu.enqueue_dma source(%dma_start3A_251 : memref<8x128xf32, #tpu.memory_space<vmem>>) target(%dma_start3A_248 : memref<8x128xf32, #tpu.memory_space<hbm>>) target_semaphore(%arg14 : memref<!tpu.dma_semaphore, #tpu.memory_space<semaphore_mem>>)
    %dma_start3A_252 = arith.constant 1 : i32
    %dma_start3A_253 = arith.constant 5 : i32
    %dma_start3A_254 = arith.constant 40 : i32
    %dma_start3A_255 = arith.constant 0 : i32
    %dma_start3A_256 = tpu.memref_slice %arg10[%dma_start3A_254, %dma_start3A_255] : memref<64x130xf32, #tpu.memory_space<vmem>> -> memref<8x128xf32, #tpu.memory_space<vmem>>
    %dma_start3A_257 = arith.constant 0 : i32
    %dma_start3A_258 = arith.constant 0 : i32
    %dma_start3A_259 = tpu.memref_slice %arg4[%dma_start3A_252, %dma_start3A_253, %add3A, %dma_start3A_257, %dma_start3A_258] : memref<26x8x32x8x128xf32, #tpu.memory_space<hbm>> -> memref<1x1x1x8x128xf32, #tpu.memory_space<hbm>>
    %dma_start3A_260 = tpu.memref_squeeze %dma_start3A_259 : memref<1x1x1x8x128xf32, #tpu.memory_space<hbm>> -> memref<8x128xf32, #tpu.memory_space<hbm>>
    %dma_start3A_261 = arith.constant 0 : i32
    %dma_start3A_262 = arith.constant 0 : i32
    %dma_start3A_263 = tpu.memref_slice %arg4[%dma_start3A_252, %dma_start3A_253, %add3A, %dma_start3A_261, %dma_start3A_262] : memref<26x8x32x8x128xf32, #tpu.memory_space<hbm>> -> memref<1x1x1x8x128xf32, #tpu.memory_space<hbm>>
    %dma_start3A_264 = tpu.memref_squeeze %dma_start3A_263 : memref<1x1x1x8x128xf32, #tpu.memory_space<hbm>> -> memref<8x128xf32, #tpu.memory_space<hbm>>
    %dma_start3A_265 = arith.constant 40 : i32
    %dma_start3A_266 = arith.constant 0 : i32
    %dma_start3A_267 = tpu.memref_slice %arg10[%dma_start3A_265, %dma_start3A_266] : memref<64x130xf32, #tpu.memory_space<vmem>> -> memref<8x128xf32, #tpu.memory_space<vmem>>
    tpu.enqueue_dma source(%dma_start3A_267 : memref<8x128xf32, #tpu.memory_space<vmem>>) target(%dma_start3A_264 : memref<8x128xf32, #tpu.memory_space<hbm>>) target_semaphore(%arg14 : memref<!tpu.dma_semaphore, #tpu.memory_space<semaphore_mem>>)
    %dma_start3A_268 = arith.constant 1 : i32
    %dma_start3A_269 = arith.constant 6 : i32
    %dma_start3A_270 = arith.constant 48 : i32
    %dma_start3A_271 = arith.constant 0 : i32
    %dma_start3A_272 = tpu.memref_slice %arg10[%dma_start3A_270, %dma_start3A_271] : memref<64x130xf32, #tpu.memory_space<vmem>> -> memref<8x128xf32, #tpu.memory_space<vmem>>
    %dma_start3A_273 = arith.constant 0 : i32
    %dma_start3A_274 = arith.constant 0 : i32
    %dma_start3A_275 = tpu.memref_slice %arg4[%dma_start3A_268, %dma_start3A_269, %add3A, %dma_start3A_273, %dma_start3A_274] : memref<26x8x32x8x128xf32, #tpu.memory_space<hbm>> -> memref<1x1x1x8x128xf32, #tpu.memory_space<hbm>>
    %dma_start3A_276 = tpu.memref_squeeze %dma_start3A_275 : memref<1x1x1x8x128xf32, #tpu.memory_space<hbm>> -> memref<8x128xf32, #tpu.memory_space<hbm>>
    %dma_start3A_277 = arith.constant 0 : i32
    %dma_start3A_278 = arith.constant 0 : i32
    %dma_start3A_279 = tpu.memref_slice %arg4[%dma_start3A_268, %dma_start3A_269, %add3A, %dma_start3A_277, %dma_start3A_278] : memref<26x8x32x8x128xf32, #tpu.memory_space<hbm>> -> memref<1x1x1x8x128xf32, #tpu.memory_space<hbm>>
    %dma_start3A_280 = tpu.memref_squeeze %dma_start3A_279 : memref<1x1x1x8x128xf32, #tpu.memory_space<hbm>> -> memref<8x128xf32, #tpu.memory_space<hbm>>
    %dma_start3A_281 = arith.constant 48 : i32
    %dma_start3A_282 = arith.constant 0 : i32
    %dma_start3A_283 = tpu.memref_slice %arg10[%dma_start3A_281, %dma_start3A_282] : memref<64x130xf32, #tpu.memory_space<vmem>> -> memref<8x128xf32, #tpu.memory_space<vmem>>
    tpu.enqueue_dma source(%dma_start3A_283 : memref<8x128xf32, #tpu.memory_space<vmem>>) target(%dma_start3A_280 : memref<8x128xf32, #tpu.memory_space<hbm>>) target_semaphore(%arg14 : memref<!tpu.dma_semaphore, #tpu.memory_space<semaphore_mem>>)
    %dma_start3A_284 = arith.constant 1 : i32
    %dma_start3A_285 = arith.constant 7 : i32
    %dma_start3A_286 = arith.constant 56 : i32
    %dma_start3A_287 = arith.constant 0 : i32
    %dma_start3A_288 = tpu.memref_slice %arg10[%dma_start3A_286, %dma_start3A_287] : memref<64x130xf32, #tpu.memory_space<vmem>> -> memref<8x128xf32, #tpu.memory_space<vmem>>
    %dma_start3A_289 = arith.constant 0 : i32
    %dma_start3A_290 = arith.constant 0 : i32
    %dma_start3A_291 = tpu.memref_slice %arg4[%dma_start3A_284, %dma_start3A_285, %add3A, %dma_start3A_289, %dma_start3A_290] : memref<26x8x32x8x128xf32, #tpu.memory_space<hbm>> -> memref<1x1x1x8x128xf32, #tpu.memory_space<hbm>>
    %dma_start3A_292 = tpu.memref_squeeze %dma_start3A_291 : memref<1x1x1x8x128xf32, #tpu.memory_space<hbm>> -> memref<8x128xf32, #tpu.memory_space<hbm>>
    %dma_start3A_293 = arith.constant 0 : i32
    %dma_start3A_294 = arith.constant 0 : i32
    %dma_start3A_295 = tpu.memref_slice %arg4[%dma_start3A_284, %dma_start3A_285, %add3A, %dma_start3A_293, %dma_start3A_294] : memref<26x8x32x8x128xf32, #tpu.memory_space<hbm>> -> memref<1x1x1x8x128xf32, #tpu.memory_space<hbm>>
    %dma_start3A_296 = tpu.memref_squeeze %dma_start3A_295 : memref<1x1x1x8x128xf32, #tpu.memory_space<hbm>> -> memref<8x128xf32, #tpu.memory_space<hbm>>
    %dma_start3A_297 = arith.constant 56 : i32
    %dma_start3A_298 = arith.constant 0 : i32
    %dma_start3A_299 = tpu.memref_slice %arg10[%dma_start3A_297, %dma_start3A_298] : memref<64x130xf32, #tpu.memory_space<vmem>> -> memref<8x128xf32, #tpu.memory_space<vmem>>
    tpu.enqueue_dma source(%dma_start3A_299 : memref<8x128xf32, #tpu.memory_space<vmem>>) target(%dma_start3A_296 : memref<8x128xf32, #tpu.memory_space<hbm>>) target_semaphore(%arg14 : memref<!tpu.dma_semaphore, #tpu.memory_space<semaphore_mem>>)
    %dma_start3A_300 = arith.constant 3 : i32
    %dma_start3A_301 = arith.constant 0 : i32
    %dma_start3A_302 = tpu.memref_slice %arg6[%dma_start3A_300, %dma_start3A_301] : memref<26x128xi32, #tpu.memory_space<vmem>> -> memref<1x128xi32, #tpu.memory_space<vmem>>
    %dma_start3A_303 = tpu.memref_squeeze %dma_start3A_302 : memref<1x128xi32, #tpu.memory_space<vmem>> -> memref<128xi32, #tpu.memory_space<vmem>>
    %dma_start3A_304 = arith.constant 0 : i32
    %dma_start3A_305 = arith.constant 0 : i32
    %dma_start3A_306 = tpu.memref_slice %arg2[%dma_start3A_304, %dma_start3A_305] : memref<200000x64xf32, #tpu.memory_space<hbm>> -> memref<200000x64xf32, #tpu.memory_space<hbm>>
    tpu.enqueue_indirect_dma source(%dma_start3A_306 : memref<200000x64xf32, #tpu.memory_space<hbm>>) target(%arg8 : memref<128x64xf32, #tpu.memory_space<vmem>>) offsets(%dma_start3A_303 : memref<128xi32, #tpu.memory_space<vmem>>) semaphore(%arg12 : memref<!tpu.dma_semaphore, #tpu.memory_space<semaphore_mem>>)
    %scan3A = arith.constant 0 : i32
    %scan3A_307 = arith.constant 0 : i32
    %scan3A_308 = arith.constant 11 : i32
    %scan3A_309 = arith.addi %scan3A_307, %scan3A_308 : i32
    %scan3A_310 = arith.constant 1 : i32
    scf.for %scan3A_1100 = %scan3A_307 to %scan3A_309 step %scan3A_310  : i32 {
      %mul3A_1101 = arith.constant 2 : i32
      %mul3A_1102 = arith.muli %mul3A_1101, %scan3A_1100 : i32
      %add3A_1103 = arith.constant 2 : i32
      %add3A_1104 = arith.addi %mul3A_1102, %add3A_1103 : i32
      %sub3A = arith.constant 2 : i32
      %sub3A_1105 = arith.subi %add3A_1104, %sub3A : i32
      %dma_wait3A_1106 = arith.constant 0 : i32
      %dma_wait3A_1107 = arith.constant 0 : i32
      %dma_wait3A_1108 = arith.constant 0 : i32
      %dma_wait3A_1109 = tpu.memref_slice %arg9[%dma_wait3A_1107, %dma_wait3A_1108] : memref<64x130xf32, #tpu.memory_space<vmem>> -> memref<8x128xf32, #tpu.memory_space<vmem>>
      %dma_wait3A_1110 = arith.constant 0 : i32
      %dma_wait3A_1111 = arith.constant 0 : i32
      %dma_wait3A_1112 = tpu.memref_slice %arg4[%sub3A_1105, %dma_wait3A_1106, %add3A, %dma_wait3A_1110, %dma_wait3A_1111] : memref<26x8x32x8x128xf32, #tpu.memory_space<hbm>> -> memref<1x1x1x8x128xf32, #tpu.memory_space<hbm>>
      %dma_wait3A_1113 = tpu.memref_squeeze %dma_wait3A_1112 : memref<1x1x1x8x128xf32, #tpu.memory_space<hbm>> -> memref<8x128xf32, #tpu.memory_space<hbm>>
      %dma_wait3A_1114 = arith.constant 0 : i32
      %dma_wait3A_1115 = arith.constant 0 : i32
      %dma_wait3A_1116 = tpu.memref_slice %arg4[%sub3A_1105, %dma_wait3A_1106, %add3A, %dma_wait3A_1114, %dma_wait3A_1115] : memref<26x8x32x8x128xf32, #tpu.memory_space<hbm>> -> memref<1x1x1x8x128xf32, #tpu.memory_space<hbm>>
      %dma_wait3A_1117 = tpu.memref_squeeze %dma_wait3A_1116 : memref<1x1x1x8x128xf32, #tpu.memory_space<hbm>> -> memref<8x128xf32, #tpu.memory_space<hbm>>
      %dma_wait3A_1118 = arith.constant 0 : i32
      %dma_wait3A_1119 = arith.constant 0 : i32
      %dma_wait3A_1120 = tpu.memref_slice %arg9[%dma_wait3A_1118, %dma_wait3A_1119] : memref<64x130xf32, #tpu.memory_space<vmem>> -> memref<8x128xf32, #tpu.memory_space<vmem>>
      tpu.wait_dma2 semaphore(%arg13 : memref<!tpu.dma_semaphore, #tpu.memory_space<semaphore_mem>>) src(%dma_wait3A_1120 : memref<8x128xf32, #tpu.memory_space<vmem>>) dst(%dma_wait3A_1117 : memref<8x128xf32, #tpu.memory_space<hbm>>)
      %dma_wait3A_1121 = arith.constant 1 : i32
      %dma_wait3A_1122 = arith.constant 8 : i32
      %dma_wait3A_1123 = arith.constant 0 : i32
      %dma_wait3A_1124 = tpu.memref_slice %arg9[%dma_wait3A_1122, %dma_wait3A_1123] : memref<64x130xf32, #tpu.memory_space<vmem>> -> memref<8x128xf32, #tpu.memory_space<vmem>>
      %dma_wait3A_1125 = arith.constant 0 : i32
      %dma_wait3A_1126 = arith.constant 0 : i32
      %dma_wait3A_1127 = tpu.memref_slice %arg4[%sub3A_1105, %dma_wait3A_1121, %add3A, %dma_wait3A_1125, %dma_wait3A_1126] : memref<26x8x32x8x128xf32, #tpu.memory_space<hbm>> -> memref<1x1x1x8x128xf32, #tpu.memory_space<hbm>>
      %dma_wait3A_1128 = tpu.memref_squeeze %dma_wait3A_1127 : memref<1x1x1x8x128xf32, #tpu.memory_space<hbm>> -> memref<8x128xf32, #tpu.memory_space<hbm>>
      %dma_wait3A_1129 = arith.constant 0 : i32
      %dma_wait3A_1130 = arith.constant 0 : i32
      %dma_wait3A_1131 = tpu.memref_slice %arg4[%sub3A_1105, %dma_wait3A_1121, %add3A, %dma_wait3A_1129, %dma_wait3A_1130] : memref<26x8x32x8x128xf32, #tpu.memory_space<hbm>> -> memref<1x1x1x8x128xf32, #tpu.memory_space<hbm>>
      %dma_wait3A_1132 = tpu.memref_squeeze %dma_wait3A_1131 : memref<1x1x1x8x128xf32, #tpu.memory_space<hbm>> -> memref<8x128xf32, #tpu.memory_space<hbm>>
      %dma_wait3A_1133 = arith.constant 8 : i32
      %dma_wait3A_1134 = arith.constant 0 : i32
      %dma_wait3A_1135 = tpu.memref_slice %arg9[%dma_wait3A_1133, %dma_wait3A_1134] : memref<64x130xf32, #tpu.memory_space<vmem>> -> memref<8x128xf32, #tpu.memory_space<vmem>>
      tpu.wait_dma2 semaphore(%arg13 : memref<!tpu.dma_semaphore, #tpu.memory_space<semaphore_mem>>) src(%dma_wait3A_1135 : memref<8x128xf32, #tpu.memory_space<vmem>>) dst(%dma_wait3A_1132 : memref<8x128xf32, #tpu.memory_space<hbm>>)
      %dma_wait3A_1136 = arith.constant 2 : i32
      %dma_wait3A_1137 = arith.constant 16 : i32
      %dma_wait3A_1138 = arith.constant 0 : i32
      %dma_wait3A_1139 = tpu.memref_slice %arg9[%dma_wait3A_1137, %dma_wait3A_1138] : memref<64x130xf32, #tpu.memory_space<vmem>> -> memref<8x128xf32, #tpu.memory_space<vmem>>
      %dma_wait3A_1140 = arith.constant 0 : i32
      %dma_wait3A_1141 = arith.constant 0 : i32
      %dma_wait3A_1142 = tpu.memref_slice %arg4[%sub3A_1105, %dma_wait3A_1136, %add3A, %dma_wait3A_1140, %dma_wait3A_1141] : memref<26x8x32x8x128xf32, #tpu.memory_space<hbm>> -> memref<1x1x1x8x128xf32, #tpu.memory_space<hbm>>
      %dma_wait3A_1143 = tpu.memref_squeeze %dma_wait3A_1142 : memref<1x1x1x8x128xf32, #tpu.memory_space<hbm>> -> memref<8x128xf32, #tpu.memory_space<hbm>>
      %dma_wait3A_1144 = arith.constant 0 : i32
      %dma_wait3A_1145 = arith.constant 0 : i32
      %dma_wait3A_1146 = tpu.memref_slice %arg4[%sub3A_1105, %dma_wait3A_1136, %add3A, %dma_wait3A_1144, %dma_wait3A_1145] : memref<26x8x32x8x128xf32, #tpu.memory_space<hbm>> -> memref<1x1x1x8x128xf32, #tpu.memory_space<hbm>>
      %dma_wait3A_1147 = tpu.memref_squeeze %dma_wait3A_1146 : memref<1x1x1x8x128xf32, #tpu.memory_space<hbm>> -> memref<8x128xf32, #tpu.memory_space<hbm>>
      %dma_wait3A_1148 = arith.constant 16 : i32
      %dma_wait3A_1149 = arith.constant 0 : i32
      %dma_wait3A_1150 = tpu.memref_slice %arg9[%dma_wait3A_1148, %dma_wait3A_1149] : memref<64x130xf32, #tpu.memory_space<vmem>> -> memref<8x128xf32, #tpu.memory_space<vmem>>
      tpu.wait_dma2 semaphore(%arg13 : memref<!tpu.dma_semaphore, #tpu.memory_space<semaphore_mem>>) src(%dma_wait3A_1150 : memref<8x128xf32, #tpu.memory_space<vmem>>) dst(%dma_wait3A_1147 : memref<8x128xf32, #tpu.memory_space<hbm>>)
      %dma_wait3A_1151 = arith.constant 3 : i32
      %dma_wait3A_1152 = arith.constant 24 : i32
      %dma_wait3A_1153 = arith.constant 0 : i32
      %dma_wait3A_1154 = tpu.memref_slice %arg9[%dma_wait3A_1152, %dma_wait3A_1153] : memref<64x130xf32, #tpu.memory_space<vmem>> -> memref<8x128xf32, #tpu.memory_space<vmem>>
      %dma_wait3A_1155 = arith.constant 0 : i32
      %dma_wait3A_1156 = arith.constant 0 : i32
      %dma_wait3A_1157 = tpu.memref_slice %arg4[%sub3A_1105, %dma_wait3A_1151, %add3A, %dma_wait3A_1155, %dma_wait3A_1156] : memref<26x8x32x8x128xf32, #tpu.memory_space<hbm>> -> memref<1x1x1x8x128xf32, #tpu.memory_space<hbm>>
      %dma_wait3A_1158 = tpu.memref_squeeze %dma_wait3A_1157 : memref<1x1x1x8x128xf32, #tpu.memory_space<hbm>> -> memref<8x128xf32, #tpu.memory_space<hbm>>
      %dma_wait3A_1159 = arith.constant 0 : i32
      %dma_wait3A_1160 = arith.constant 0 : i32
      %dma_wait3A_1161 = tpu.memref_slice %arg4[%sub3A_1105, %dma_wait3A_1151, %add3A, %dma_wait3A_1159, %dma_wait3A_1160] : memref<26x8x32x8x128xf32, #tpu.memory_space<hbm>> -> memref<1x1x1x8x128xf32, #tpu.memory_space<hbm>>
      %dma_wait3A_1162 = tpu.memref_squeeze %dma_wait3A_1161 : memref<1x1x1x8x128xf32, #tpu.memory_space<hbm>> -> memref<8x128xf32, #tpu.memory_space<hbm>>
      %dma_wait3A_1163 = arith.constant 24 : i32
      %dma_wait3A_1164 = arith.constant 0 : i32
      %dma_wait3A_1165 = tpu.memref_slice %arg9[%dma_wait3A_1163, %dma_wait3A_1164] : memref<64x130xf32, #tpu.memory_space<vmem>> -> memref<8x128xf32, #tpu.memory_space<vmem>>
      tpu.wait_dma2 semaphore(%arg13 : memref<!tpu.dma_semaphore, #tpu.memory_space<semaphore_mem>>) src(%dma_wait3A_1165 : memref<8x128xf32, #tpu.memory_space<vmem>>) dst(%dma_wait3A_1162 : memref<8x128xf32, #tpu.memory_space<hbm>>)
      %dma_wait3A_1166 = arith.constant 4 : i32
      %dma_wait3A_1167 = arith.constant 32 : i32
      %dma_wait3A_1168 = arith.constant 0 : i32
      %dma_wait3A_1169 = tpu.memref_slice %arg9[%dma_wait3A_1167, %dma_wait3A_1168] : memref<64x130xf32, #tpu.memory_space<vmem>> -> memref<8x128xf32, #tpu.memory_space<vmem>>
      %dma_wait3A_1170 = arith.constant 0 : i32
      %dma_wait3A_1171 = arith.constant 0 : i32
      %dma_wait3A_1172 = tpu.memref_slice %arg4[%sub3A_1105, %dma_wait3A_1166, %add3A, %dma_wait3A_1170, %dma_wait3A_1171] : memref<26x8x32x8x128xf32, #tpu.memory_space<hbm>> -> memref<1x1x1x8x128xf32, #tpu.memory_space<hbm>>
      %dma_wait3A_1173 = tpu.memref_squeeze %dma_wait3A_1172 : memref<1x1x1x8x128xf32, #tpu.memory_space<hbm>> -> memref<8x128xf32, #tpu.memory_space<hbm>>
      %dma_wait3A_1174 = arith.constant 0 : i32
      %dma_wait3A_1175 = arith.constant 0 : i32
      %dma_wait3A_1176 = tpu.memref_slice %arg4[%sub3A_1105, %dma_wait3A_1166, %add3A, %dma_wait3A_1174, %dma_wait3A_1175] : memref<26x8x32x8x128xf32, #tpu.memory_space<hbm>> -> memref<1x1x1x8x128xf32, #tpu.memory_space<hbm>>
      %dma_wait3A_1177 = tpu.memref_squeeze %dma_wait3A_1176 : memref<1x1x1x8x128xf32, #tpu.memory_space<hbm>> -> memref<8x128xf32, #tpu.memory_space<hbm>>
      %dma_wait3A_1178 = arith.constant 32 : i32
      %dma_wait3A_1179 = arith.constant 0 : i32
      %dma_wait3A_1180 = tpu.memref_slice %arg9[%dma_wait3A_1178, %dma_wait3A_1179] : memref<64x130xf32, #tpu.memory_space<vmem>> -> memref<8x128xf32, #tpu.memory_space<vmem>>
      tpu.wait_dma2 semaphore(%arg13 : memref<!tpu.dma_semaphore, #tpu.memory_space<semaphore_mem>>) src(%dma_wait3A_1180 : memref<8x128xf32, #tpu.memory_space<vmem>>) dst(%dma_wait3A_1177 : memref<8x128xf32, #tpu.memory_space<hbm>>)
      %dma_wait3A_1181 = arith.constant 5 : i32
      %dma_wait3A_1182 = arith.constant 40 : i32
      %dma_wait3A_1183 = arith.constant 0 : i32
      %dma_wait3A_1184 = tpu.memref_slice %arg9[%dma_wait3A_1182, %dma_wait3A_1183] : memref<64x130xf32, #tpu.memory_space<vmem>> -> memref<8x128xf32, #tpu.memory_space<vmem>>
      %dma_wait3A_1185 = arith.constant 0 : i32
      %dma_wait3A_1186 = arith.constant 0 : i32
      %dma_wait3A_1187 = tpu.memref_slice %arg4[%sub3A_1105, %dma_wait3A_1181, %add3A, %dma_wait3A_1185, %dma_wait3A_1186] : memref<26x8x32x8x128xf32, #tpu.memory_space<hbm>> -> memref<1x1x1x8x128xf32, #tpu.memory_space<hbm>>
      %dma_wait3A_1188 = tpu.memref_squeeze %dma_wait3A_1187 : memref<1x1x1x8x128xf32, #tpu.memory_space<hbm>> -> memref<8x128xf32, #tpu.memory_space<hbm>>
      %dma_wait3A_1189 = arith.constant 0 : i32
      %dma_wait3A_1190 = arith.constant 0 : i32
      %dma_wait3A_1191 = tpu.memref_slice %arg4[%sub3A_1105, %dma_wait3A_1181, %add3A, %dma_wait3A_1189, %dma_wait3A_1190] : memref<26x8x32x8x128xf32, #tpu.memory_space<hbm>> -> memref<1x1x1x8x128xf32, #tpu.memory_space<hbm>>
      %dma_wait3A_1192 = tpu.memref_squeeze %dma_wait3A_1191 : memref<1x1x1x8x128xf32, #tpu.memory_space<hbm>> -> memref<8x128xf32, #tpu.memory_space<hbm>>
      %dma_wait3A_1193 = arith.constant 40 : i32
      %dma_wait3A_1194 = arith.constant 0 : i32
      %dma_wait3A_1195 = tpu.memref_slice %arg9[%dma_wait3A_1193, %dma_wait3A_1194] : memref<64x130xf32, #tpu.memory_space<vmem>> -> memref<8x128xf32, #tpu.memory_space<vmem>>
      tpu.wait_dma2 semaphore(%arg13 : memref<!tpu.dma_semaphore, #tpu.memory_space<semaphore_mem>>) src(%dma_wait3A_1195 : memref<8x128xf32, #tpu.memory_space<vmem>>) dst(%dma_wait3A_1192 : memref<8x128xf32, #tpu.memory_space<hbm>>)
      %dma_wait3A_1196 = arith.constant 6 : i32
      %dma_wait3A_1197 = arith.constant 48 : i32
      %dma_wait3A_1198 = arith.constant 0 : i32
      %dma_wait3A_1199 = tpu.memref_slice %arg9[%dma_wait3A_1197, %dma_wait3A_1198] : memref<64x130xf32, #tpu.memory_space<vmem>> -> memref<8x128xf32, #tpu.memory_space<vmem>>
      %dma_wait3A_1200 = arith.constant 0 : i32
      %dma_wait3A_1201 = arith.constant 0 : i32
      %dma_wait3A_1202 = tpu.memref_slice %arg4[%sub3A_1105, %dma_wait3A_1196, %add3A, %dma_wait3A_1200, %dma_wait3A_1201] : memref<26x8x32x8x128xf32, #tpu.memory_space<hbm>> -> memref<1x1x1x8x128xf32, #tpu.memory_space<hbm>>
      %dma_wait3A_1203 = tpu.memref_squeeze %dma_wait3A_1202 : memref<1x1x1x8x128xf32, #tpu.memory_space<hbm>> -> memref<8x128xf32, #tpu.memory_space<hbm>>
      %dma_wait3A_1204 = arith.constant 0 : i32
      %dma_wait3A_1205 = arith.constant 0 : i32
      %dma_wait3A_1206 = tpu.memref_slice %arg4[%sub3A_1105, %dma_wait3A_1196, %add3A, %dma_wait3A_1204, %dma_wait3A_1205] : memref<26x8x32x8x128xf32, #tpu.memory_space<hbm>> -> memref<1x1x1x8x128xf32, #tpu.memory_space<hbm>>
      %dma_wait3A_1207 = tpu.memref_squeeze %dma_wait3A_1206 : memref<1x1x1x8x128xf32, #tpu.memory_space<hbm>> -> memref<8x128xf32, #tpu.memory_space<hbm>>
      %dma_wait3A_1208 = arith.constant 48 : i32
      %dma_wait3A_1209 = arith.constant 0 : i32
      %dma_wait3A_1210 = tpu.memref_slice %arg9[%dma_wait3A_1208, %dma_wait3A_1209] : memref<64x130xf32, #tpu.memory_space<vmem>> -> memref<8x128xf32, #tpu.memory_space<vmem>>
      tpu.wait_dma2 semaphore(%arg13 : memref<!tpu.dma_semaphore, #tpu.memory_space<semaphore_mem>>) src(%dma_wait3A_1210 : memref<8x128xf32, #tpu.memory_space<vmem>>) dst(%dma_wait3A_1207 : memref<8x128xf32, #tpu.memory_space<hbm>>)
      %dma_wait3A_1211 = arith.constant 7 : i32
      %dma_wait3A_1212 = arith.constant 56 : i32
      %dma_wait3A_1213 = arith.constant 0 : i32
      %dma_wait3A_1214 = tpu.memref_slice %arg9[%dma_wait3A_1212, %dma_wait3A_1213] : memref<64x130xf32, #tpu.memory_space<vmem>> -> memref<8x128xf32, #tpu.memory_space<vmem>>
      %dma_wait3A_1215 = arith.constant 0 : i32
      %dma_wait3A_1216 = arith.constant 0 : i32
      %dma_wait3A_1217 = tpu.memref_slice %arg4[%sub3A_1105, %dma_wait3A_1211, %add3A, %dma_wait3A_1215, %dma_wait3A_1216] : memref<26x8x32x8x128xf32, #tpu.memory_space<hbm>> -> memref<1x1x1x8x128xf32, #tpu.memory_space<hbm>>
      %dma_wait3A_1218 = tpu.memref_squeeze %dma_wait3A_1217 : memref<1x1x1x8x128xf32, #tpu.memory_space<hbm>> -> memref<8x128xf32, #tpu.memory_space<hbm>>
      %dma_wait3A_1219 = arith.constant 0 : i32
      %dma_wait3A_1220 = arith.constant 0 : i32
      %dma_wait3A_1221 = tpu.memref_slice %arg4[%sub3A_1105, %dma_wait3A_1211, %add3A, %dma_wait3A_1219, %dma_wait3A_1220] : memref<26x8x32x8x128xf32, #tpu.memory_space<hbm>> -> memref<1x1x1x8x128xf32, #tpu.memory_space<hbm>>
      %dma_wait3A_1222 = tpu.memref_squeeze %dma_wait3A_1221 : memref<1x1x1x8x128xf32, #tpu.memory_space<hbm>> -> memref<8x128xf32, #tpu.memory_space<hbm>>
      %dma_wait3A_1223 = arith.constant 56 : i32
      %dma_wait3A_1224 = arith.constant 0 : i32
      %dma_wait3A_1225 = tpu.memref_slice %arg9[%dma_wait3A_1223, %dma_wait3A_1224] : memref<64x130xf32, #tpu.memory_space<vmem>> -> memref<8x128xf32, #tpu.memory_space<vmem>>
      tpu.wait_dma2 semaphore(%arg13 : memref<!tpu.dma_semaphore, #tpu.memory_space<semaphore_mem>>) src(%dma_wait3A_1225 : memref<8x128xf32, #tpu.memory_space<vmem>>) dst(%dma_wait3A_1222 : memref<8x128xf32, #tpu.memory_space<hbm>>)
      %dma_wait3A_1226 = arith.constant 0 : i32
      %dma_wait3A_1227 = tpu.memref_slice %arg6[%add3A_1104, %dma_wait3A_1226] : memref<26x128xi32, #tpu.memory_space<vmem>> -> memref<1x128xi32, #tpu.memory_space<vmem>>
      %dma_wait3A_1228 = tpu.memref_squeeze %dma_wait3A_1227 : memref<1x128xi32, #tpu.memory_space<vmem>> -> memref<128xi32, #tpu.memory_space<vmem>>
      %dma_wait3A_1229 = arith.constant 0 : i32
      %dma_wait3A_1230 = arith.constant 0 : i32
      %dma_wait3A_1231 = tpu.memref_slice %arg2[%dma_wait3A_1229, %dma_wait3A_1230] : memref<200000x64xf32, #tpu.memory_space<hbm>> -> memref<200000x64xf32, #tpu.memory_space<hbm>>
      tpu.wait_indirect_dma semaphore(%arg11 : memref<!tpu.dma_semaphore, #tpu.memory_space<semaphore_mem>>) src(%dma_wait3A_1231 : memref<200000x64xf32, #tpu.memory_space<hbm>>) dst(%arg7 : memref<128x64xf32, #tpu.memory_space<vmem>>)
      %parallel_loop3A_1232 = arith.constant 0 : i32
      %parallel_loop3A_1233 = arith.constant 128 : i32
      %parallel_loop3A_1234 = arith.constant 1 : i32
      scf.for %parallel_loop3A_1624 = %parallel_loop3A_1232 to %parallel_loop3A_1233 step %parallel_loop3A_1234  : i32 {
        %parallel_loop3A_1625 = arith.index_cast %parallel_loop3A_1624 : i32 to index
        %parallel_loop3A_1626 = arith.constant 0 : index
        %parallel_loop3A_1627 = tpu.vector_load %arg7[%parallel_loop3A_1625, %parallel_loop3A_1626] {strides = array<i32>} : memref<128x64xf32, #tpu.memory_space<vmem>>, vector<16xf32>,
        %parallel_loop3A_1628 = tpu.iota {dimensions = array<i32: 0>} : vector<16xi32>
        %parallel_loop3A_1629 = arith.constant 0 : i32
        %parallel_loop3A_1630 = vector.broadcast %parallel_loop3A_1629 : i32 to vector<16xi32>
        %parallel_loop3A_1631 = arith.addi %parallel_loop3A_1630, %parallel_loop3A_1628 : vector<16xi32>
        %parallel_loop3A_1632 = vector.broadcast %parallel_loop3A_1624 : i32 to vector<16xi32>
        tpu.vector_store_idx %arg9[%parallel_loop3A_1631, %parallel_loop3A_1632], %parallel_loop3A_1627 : memref<64x130xf32, #tpu.memory_space<vmem>>[vector<16xi32>, vector<16xi32>], vector<16xf32>,
        %parallel_loop3A_1633 = arith.index_cast %parallel_loop3A_1624 : i32 to index
        %parallel_loop3A_1634 = arith.constant 16 : index
        %parallel_loop3A_1635 = tpu.vector_load %arg7[%parallel_loop3A_1633, %parallel_loop3A_1634] {strides = array<i32>} : memref<128x64xf32, #tpu.memory_space<vmem>>, vector<16xf32>,
        %parallel_loop3A_1636 = tpu.iota {dimensions = array<i32: 0>} : vector<16xi32>
        %parallel_loop3A_1637 = arith.constant 16 : i32
        %parallel_loop3A_1638 = vector.broadcast %parallel_loop3A_1637 : i32 to vector<16xi32>
        %parallel_loop3A_1639 = arith.addi %parallel_loop3A_1638, %parallel_loop3A_1636 : vector<16xi32>
        %parallel_loop3A_1640 = vector.broadcast %parallel_loop3A_1624 : i32 to vector<16xi32>
        tpu.vector_store_idx %arg9[%parallel_loop3A_1639, %parallel_loop3A_1640], %parallel_loop3A_1635 : memref<64x130xf32, #tpu.memory_space<vmem>>[vector<16xi32>, vector<16xi32>], vector<16xf32>,
        %parallel_loop3A_1641 = arith.index_cast %parallel_loop3A_1624 : i32 to index
        %parallel_loop3A_1642 = arith.constant 32 : index
        %parallel_loop3A_1643 = tpu.vector_load %arg7[%parallel_loop3A_1641, %parallel_loop3A_1642] {strides = array<i32>} : memref<128x64xf32, #tpu.memory_space<vmem>>, vector<16xf32>,
        %parallel_loop3A_1644 = tpu.iota {dimensions = array<i32: 0>} : vector<16xi32>
        %parallel_loop3A_1645 = arith.constant 32 : i32
        %parallel_loop3A_1646 = vector.broadcast %parallel_loop3A_1645 : i32 to vector<16xi32>
        %parallel_loop3A_1647 = arith.addi %parallel_loop3A_1646, %parallel_loop3A_1644 : vector<16xi32>
        %parallel_loop3A_1648 = vector.broadcast %parallel_loop3A_1624 : i32 to vector<16xi32>
        tpu.vector_store_idx %arg9[%parallel_loop3A_1647, %parallel_loop3A_1648], %parallel_loop3A_1643 : memref<64x130xf32, #tpu.memory_space<vmem>>[vector<16xi32>, vector<16xi32>], vector<16xf32>,
        %parallel_loop3A_1649 = arith.index_cast %parallel_loop3A_1624 : i32 to index
        %parallel_loop3A_1650 = arith.constant 48 : index
        %parallel_loop3A_1651 = tpu.vector_load %arg7[%parallel_loop3A_1649, %parallel_loop3A_1650] {strides = array<i32>} : memref<128x64xf32, #tpu.memory_space<vmem>>, vector<16xf32>,
        %parallel_loop3A_1652 = tpu.iota {dimensions = array<i32: 0>} : vector<16xi32>
        %parallel_loop3A_1653 = arith.constant 48 : i32
        %parallel_loop3A_1654 = vector.broadcast %parallel_loop3A_1653 : i32 to vector<16xi32>
        %parallel_loop3A_1655 = arith.addi %parallel_loop3A_1654, %parallel_loop3A_1652 : vector<16xi32>
        %parallel_loop3A_1656 = vector.broadcast %parallel_loop3A_1624 : i32 to vector<16xi32>
        tpu.vector_store_idx %arg9[%parallel_loop3A_1655, %parallel_loop3A_1656], %parallel_loop3A_1651 : memref<64x130xf32, #tpu.memory_space<vmem>>[vector<16xi32>, vector<16xi32>], vector<16xf32>,
      } {sc.loop_unroll_factor = 4 : i64, sc.parallel_access}
      %dma_start3A_1235 = arith.constant 0 : i32
      %dma_start3A_1236 = arith.constant 0 : i32
      %dma_start3A_1237 = arith.constant 0 : i32
      %dma_start3A_1238 = tpu.memref_slice %arg9[%dma_start3A_1236, %dma_start3A_1237] : memref<64x130xf32, #tpu.memory_space<vmem>> -> memref<8x128xf32, #tpu.memory_space<vmem>>
      %dma_start3A_1239 = arith.constant 0 : i32
      %dma_start3A_1240 = arith.constant 0 : i32
      %dma_start3A_1241 = tpu.memref_slice %arg4[%add3A_1104, %dma_start3A_1235, %add3A, %dma_start3A_1239, %dma_start3A_1240] : memref<26x8x32x8x128xf32, #tpu.memory_space<hbm>> -> memref<1x1x1x8x128xf32, #tpu.memory_space<hbm>>
      %dma_start3A_1242 = tpu.memref_squeeze %dma_start3A_1241 : memref<1x1x1x8x128xf32, #tpu.memory_space<hbm>> -> memref<8x128xf32, #tpu.memory_space<hbm>>
      %dma_start3A_1243 = arith.constant 0 : i32
      %dma_start3A_1244 = arith.constant 0 : i32
      %dma_start3A_1245 = tpu.memref_slice %arg4[%add3A_1104, %dma_start3A_1235, %add3A, %dma_start3A_1243, %dma_start3A_1244] : memref<26x8x32x8x128xf32, #tpu.memory_space<hbm>> -> memref<1x1x1x8x128xf32, #tpu.memory_space<hbm>>
      %dma_start3A_1246 = tpu.memref_squeeze %dma_start3A_1245 : memref<1x1x1x8x128xf32, #tpu.memory_space<hbm>> -> memref<8x128xf32, #tpu.memory_space<hbm>>
      %dma_start3A_1247 = arith.constant 0 : i32
      %dma_start3A_1248 = arith.constant 0 : i32
      %dma_start3A_1249 = tpu.memref_slice %arg9[%dma_start3A_1247, %dma_start3A_1248] : memref<64x130xf32, #tpu.memory_space<vmem>> -> memref<8x128xf32, #tpu.memory_space<vmem>>
      tpu.enqueue_dma source(%dma_start3A_1249 : memref<8x128xf32, #tpu.memory_space<vmem>>) target(%dma_start3A_1246 : memref<8x128xf32, #tpu.memory_space<hbm>>) target_semaphore(%arg13 : memref<!tpu.dma_semaphore, #tpu.memory_space<semaphore_mem>>)
      %dma_start3A_1250 = arith.constant 1 : i32
      %dma_start3A_1251 = arith.constant 8 : i32
      %dma_start3A_1252 = arith.constant 0 : i32
      %dma_start3A_1253 = tpu.memref_slice %arg9[%dma_start3A_1251, %dma_start3A_1252] : memref<64x130xf32, #tpu.memory_space<vmem>> -> memref<8x128xf32, #tpu.memory_space<vmem>>
      %dma_start3A_1254 = arith.constant 0 : i32
      %dma_start3A_1255 = arith.constant 0 : i32
      %dma_start3A_1256 = tpu.memref_slice %arg4[%add3A_1104, %dma_start3A_1250, %add3A, %dma_start3A_1254, %dma_start3A_1255] : memref<26x8x32x8x128xf32, #tpu.memory_space<hbm>> -> memref<1x1x1x8x128xf32, #tpu.memory_space<hbm>>
      %dma_start3A_1257 = tpu.memref_squeeze %dma_start3A_1256 : memref<1x1x1x8x128xf32, #tpu.memory_space<hbm>> -> memref<8x128xf32, #tpu.memory_space<hbm>>
      %dma_start3A_1258 = arith.constant 0 : i32
      %dma_start3A_1259 = arith.constant 0 : i32
      %dma_start3A_1260 = tpu.memref_slice %arg4[%add3A_1104, %dma_start3A_1250, %add3A, %dma_start3A_1258, %dma_start3A_1259] : memref<26x8x32x8x128xf32, #tpu.memory_space<hbm>> -> memref<1x1x1x8x128xf32, #tpu.memory_space<hbm>>
      %dma_start3A_1261 = tpu.memref_squeeze %dma_start3A_1260 : memref<1x1x1x8x128xf32, #tpu.memory_space<hbm>> -> memref<8x128xf32, #tpu.memory_space<hbm>>
      %dma_start3A_1262 = arith.constant 8 : i32
      %dma_start3A_1263 = arith.constant 0 : i32
      %dma_start3A_1264 = tpu.memref_slice %arg9[%dma_start3A_1262, %dma_start3A_1263] : memref<64x130xf32, #tpu.memory_space<vmem>> -> memref<8x128xf32, #tpu.memory_space<vmem>>
      tpu.enqueue_dma source(%dma_start3A_1264 : memref<8x128xf32, #tpu.memory_space<vmem>>) target(%dma_start3A_1261 : memref<8x128xf32, #tpu.memory_space<hbm>>) target_semaphore(%arg13 : memref<!tpu.dma_semaphore, #tpu.memory_space<semaphore_mem>>)
      %dma_start3A_1265 = arith.constant 2 : i32
      %dma_start3A_1266 = arith.constant 16 : i32
      %dma_start3A_1267 = arith.constant 0 : i32
      %dma_start3A_1268 = tpu.memref_slice %arg9[%dma_start3A_1266, %dma_start3A_1267] : memref<64x130xf32, #tpu.memory_space<vmem>> -> memref<8x128xf32, #tpu.memory_space<vmem>>
      %dma_start3A_1269 = arith.constant 0 : i32
      %dma_start3A_1270 = arith.constant 0 : i32
      %dma_start3A_1271 = tpu.memref_slice %arg4[%add3A_1104, %dma_start3A_1265, %add3A, %dma_start3A_1269, %dma_start3A_1270] : memref<26x8x32x8x128xf32, #tpu.memory_space<hbm>> -> memref<1x1x1x8x128xf32, #tpu.memory_space<hbm>>
      %dma_start3A_1272 = tpu.memref_squeeze %dma_start3A_1271 : memref<1x1x1x8x128xf32, #tpu.memory_space<hbm>> -> memref<8x128xf32, #tpu.memory_space<hbm>>
      %dma_start3A_1273 = arith.constant 0 : i32
      %dma_start3A_1274 = arith.constant 0 : i32
      %dma_start3A_1275 = tpu.memref_slice %arg4[%add3A_1104, %dma_start3A_1265, %add3A, %dma_start3A_1273, %dma_start3A_1274] : memref<26x8x32x8x128xf32, #tpu.memory_space<hbm>> -> memref<1x1x1x8x128xf32, #tpu.memory_space<hbm>>
      %dma_start3A_1276 = tpu.memref_squeeze %dma_start3A_1275 : memref<1x1x1x8x128xf32, #tpu.memory_space<hbm>> -> memref<8x128xf32, #tpu.memory_space<hbm>>
      %dma_start3A_1277 = arith.constant 16 : i32
      %dma_start3A_1278 = arith.constant 0 : i32
      %dma_start3A_1279 = tpu.memref_slice %arg9[%dma_start3A_1277, %dma_start3A_1278] : memref<64x130xf32, #tpu.memory_space<vmem>> -> memref<8x128xf32, #tpu.memory_space<vmem>>
      tpu.enqueue_dma source(%dma_start3A_1279 : memref<8x128xf32, #tpu.memory_space<vmem>>) target(%dma_start3A_1276 : memref<8x128xf32, #tpu.memory_space<hbm>>) target_semaphore(%arg13 : memref<!tpu.dma_semaphore, #tpu.memory_space<semaphore_mem>>)
      %dma_start3A_1280 = arith.constant 3 : i32
      %dma_start3A_1281 = arith.constant 24 : i32
      %dma_start3A_1282 = arith.constant 0 : i32
      %dma_start3A_1283 = tpu.memref_slice %arg9[%dma_start3A_1281, %dma_start3A_1282] : memref<64x130xf32, #tpu.memory_space<vmem>> -> memref<8x128xf32, #tpu.memory_space<vmem>>
      %dma_start3A_1284 = arith.constant 0 : i32
      %dma_start3A_1285 = arith.constant 0 : i32
      %dma_start3A_1286 = tpu.memref_slice %arg4[%add3A_1104, %dma_start3A_1280, %add3A, %dma_start3A_1284, %dma_start3A_1285] : memref<26x8x32x8x128xf32, #tpu.memory_space<hbm>> -> memref<1x1x1x8x128xf32, #tpu.memory_space<hbm>>
      %dma_start3A_1287 = tpu.memref_squeeze %dma_start3A_1286 : memref<1x1x1x8x128xf32, #tpu.memory_space<hbm>> -> memref<8x128xf32, #tpu.memory_space<hbm>>
      %dma_start3A_1288 = arith.constant 0 : i32
      %dma_start3A_1289 = arith.constant 0 : i32
      %dma_start3A_1290 = tpu.memref_slice %arg4[%add3A_1104, %dma_start3A_1280, %add3A, %dma_start3A_1288, %dma_start3A_1289] : memref<26x8x32x8x128xf32, #tpu.memory_space<hbm>> -> memref<1x1x1x8x128xf32, #tpu.memory_space<hbm>>
      %dma_start3A_1291 = tpu.memref_squeeze %dma_start3A_1290 : memref<1x1x1x8x128xf32, #tpu.memory_space<hbm>> -> memref<8x128xf32, #tpu.memory_space<hbm>>
      %dma_start3A_1292 = arith.constant 24 : i32
      %dma_start3A_1293 = arith.constant 0 : i32
      %dma_start3A_1294 = tpu.memref_slice %arg9[%dma_start3A_1292, %dma_start3A_1293] : memref<64x130xf32, #tpu.memory_space<vmem>> -> memref<8x128xf32, #tpu.memory_space<vmem>>
      tpu.enqueue_dma source(%dma_start3A_1294 : memref<8x128xf32, #tpu.memory_space<vmem>>) target(%dma_start3A_1291 : memref<8x128xf32, #tpu.memory_space<hbm>>) target_semaphore(%arg13 : memref<!tpu.dma_semaphore, #tpu.memory_space<semaphore_mem>>)
      %dma_start3A_1295 = arith.constant 4 : i32
      %dma_start3A_1296 = arith.constant 32 : i32
      %dma_start3A_1297 = arith.constant 0 : i32
      %dma_start3A_1298 = tpu.memref_slice %arg9[%dma_start3A_1296, %dma_start3A_1297] : memref<64x130xf32, #tpu.memory_space<vmem>> -> memref<8x128xf32, #tpu.memory_space<vmem>>
      %dma_start3A_1299 = arith.constant 0 : i32
      %dma_start3A_1300 = arith.constant 0 : i32
      %dma_start3A_1301 = tpu.memref_slice %arg4[%add3A_1104, %dma_start3A_1295, %add3A, %dma_start3A_1299, %dma_start3A_1300] : memref<26x8x32x8x128xf32, #tpu.memory_space<hbm>> -> memref<1x1x1x8x128xf32, #tpu.memory_space<hbm>>
      %dma_start3A_1302 = tpu.memref_squeeze %dma_start3A_1301 : memref<1x1x1x8x128xf32, #tpu.memory_space<hbm>> -> memref<8x128xf32, #tpu.memory_space<hbm>>
      %dma_start3A_1303 = arith.constant 0 : i32
      %dma_start3A_1304 = arith.constant 0 : i32
      %dma_start3A_1305 = tpu.memref_slice %arg4[%add3A_1104, %dma_start3A_1295, %add3A, %dma_start3A_1303, %dma_start3A_1304] : memref<26x8x32x8x128xf32, #tpu.memory_space<hbm>> -> memref<1x1x1x8x128xf32, #tpu.memory_space<hbm>>
      %dma_start3A_1306 = tpu.memref_squeeze %dma_start3A_1305 : memref<1x1x1x8x128xf32, #tpu.memory_space<hbm>> -> memref<8x128xf32, #tpu.memory_space<hbm>>
      %dma_start3A_1307 = arith.constant 32 : i32
      %dma_start3A_1308 = arith.constant 0 : i32
      %dma_start3A_1309 = tpu.memref_slice %arg9[%dma_start3A_1307, %dma_start3A_1308] : memref<64x130xf32, #tpu.memory_space<vmem>> -> memref<8x128xf32, #tpu.memory_space<vmem>>
      tpu.enqueue_dma source(%dma_start3A_1309 : memref<8x128xf32, #tpu.memory_space<vmem>>) target(%dma_start3A_1306 : memref<8x128xf32, #tpu.memory_space<hbm>>) target_semaphore(%arg13 : memref<!tpu.dma_semaphore, #tpu.memory_space<semaphore_mem>>)
      %dma_start3A_1310 = arith.constant 5 : i32
      %dma_start3A_1311 = arith.constant 40 : i32
      %dma_start3A_1312 = arith.constant 0 : i32
      %dma_start3A_1313 = tpu.memref_slice %arg9[%dma_start3A_1311, %dma_start3A_1312] : memref<64x130xf32, #tpu.memory_space<vmem>> -> memref<8x128xf32, #tpu.memory_space<vmem>>
      %dma_start3A_1314 = arith.constant 0 : i32
      %dma_start3A_1315 = arith.constant 0 : i32
      %dma_start3A_1316 = tpu.memref_slice %arg4[%add3A_1104, %dma_start3A_1310, %add3A, %dma_start3A_1314, %dma_start3A_1315] : memref<26x8x32x8x128xf32, #tpu.memory_space<hbm>> -> memref<1x1x1x8x128xf32, #tpu.memory_space<hbm>>
      %dma_start3A_1317 = tpu.memref_squeeze %dma_start3A_1316 : memref<1x1x1x8x128xf32, #tpu.memory_space<hbm>> -> memref<8x128xf32, #tpu.memory_space<hbm>>
      %dma_start3A_1318 = arith.constant 0 : i32
      %dma_start3A_1319 = arith.constant 0 : i32
      %dma_start3A_1320 = tpu.memref_slice %arg4[%add3A_1104, %dma_start3A_1310, %add3A, %dma_start3A_1318, %dma_start3A_1319] : memref<26x8x32x8x128xf32, #tpu.memory_space<hbm>> -> memref<1x1x1x8x128xf32, #tpu.memory_space<hbm>>
      %dma_start3A_1321 = tpu.memref_squeeze %dma_start3A_1320 : memref<1x1x1x8x128xf32, #tpu.memory_space<hbm>> -> memref<8x128xf32, #tpu.memory_space<hbm>>
      %dma_start3A_1322 = arith.constant 40 : i32
      %dma_start3A_1323 = arith.constant 0 : i32
      %dma_start3A_1324 = tpu.memref_slice %arg9[%dma_start3A_1322, %dma_start3A_1323] : memref<64x130xf32, #tpu.memory_space<vmem>> -> memref<8x128xf32, #tpu.memory_space<vmem>>
      tpu.enqueue_dma source(%dma_start3A_1324 : memref<8x128xf32, #tpu.memory_space<vmem>>) target(%dma_start3A_1321 : memref<8x128xf32, #tpu.memory_space<hbm>>) target_semaphore(%arg13 : memref<!tpu.dma_semaphore, #tpu.memory_space<semaphore_mem>>)
      %dma_start3A_1325 = arith.constant 6 : i32
      %dma_start3A_1326 = arith.constant 48 : i32
      %dma_start3A_1327 = arith.constant 0 : i32
      %dma_start3A_1328 = tpu.memref_slice %arg9[%dma_start3A_1326, %dma_start3A_1327] : memref<64x130xf32, #tpu.memory_space<vmem>> -> memref<8x128xf32, #tpu.memory_space<vmem>>
      %dma_start3A_1329 = arith.constant 0 : i32
      %dma_start3A_1330 = arith.constant 0 : i32
      %dma_start3A_1331 = tpu.memref_slice %arg4[%add3A_1104, %dma_start3A_1325, %add3A, %dma_start3A_1329, %dma_start3A_1330] : memref<26x8x32x8x128xf32, #tpu.memory_space<hbm>> -> memref<1x1x1x8x128xf32, #tpu.memory_space<hbm>>
      %dma_start3A_1332 = tpu.memref_squeeze %dma_start3A_1331 : memref<1x1x1x8x128xf32, #tpu.memory_space<hbm>> -> memref<8x128xf32, #tpu.memory_space<hbm>>
      %dma_start3A_1333 = arith.constant 0 : i32
      %dma_start3A_1334 = arith.constant 0 : i32
      %dma_start3A_1335 = tpu.memref_slice %arg4[%add3A_1104, %dma_start3A_1325, %add3A, %dma_start3A_1333, %dma_start3A_1334] : memref<26x8x32x8x128xf32, #tpu.memory_space<hbm>> -> memref<1x1x1x8x128xf32, #tpu.memory_space<hbm>>
      %dma_start3A_1336 = tpu.memref_squeeze %dma_start3A_1335 : memref<1x1x1x8x128xf32, #tpu.memory_space<hbm>> -> memref<8x128xf32, #tpu.memory_space<hbm>>
      %dma_start3A_1337 = arith.constant 48 : i32
      %dma_start3A_1338 = arith.constant 0 : i32
      %dma_start3A_1339 = tpu.memref_slice %arg9[%dma_start3A_1337, %dma_start3A_1338] : memref<64x130xf32, #tpu.memory_space<vmem>> -> memref<8x128xf32, #tpu.memory_space<vmem>>
      tpu.enqueue_dma source(%dma_start3A_1339 : memref<8x128xf32, #tpu.memory_space<vmem>>) target(%dma_start3A_1336 : memref<8x128xf32, #tpu.memory_space<hbm>>) target_semaphore(%arg13 : memref<!tpu.dma_semaphore, #tpu.memory_space<semaphore_mem>>)
      %dma_start3A_1340 = arith.constant 7 : i32
      %dma_start3A_1341 = arith.constant 56 : i32
      %dma_start3A_1342 = arith.constant 0 : i32
      %dma_start3A_1343 = tpu.memref_slice %arg9[%dma_start3A_1341, %dma_start3A_1342] : memref<64x130xf32, #tpu.memory_space<vmem>> -> memref<8x128xf32, #tpu.memory_space<vmem>>
      %dma_start3A_1344 = arith.constant 0 : i32
      %dma_start3A_1345 = arith.constant 0 : i32
      %dma_start3A_1346 = tpu.memref_slice %arg4[%add3A_1104, %dma_start3A_1340, %add3A, %dma_start3A_1344, %dma_start3A_1345] : memref<26x8x32x8x128xf32, #tpu.memory_space<hbm>> -> memref<1x1x1x8x128xf32, #tpu.memory_space<hbm>>
      %dma_start3A_1347 = tpu.memref_squeeze %dma_start3A_1346 : memref<1x1x1x8x128xf32, #tpu.memory_space<hbm>> -> memref<8x128xf32, #tpu.memory_space<hbm>>
      %dma_start3A_1348 = arith.constant 0 : i32
      %dma_start3A_1349 = arith.constant 0 : i32
      %dma_start3A_1350 = tpu.memref_slice %arg4[%add3A_1104, %dma_start3A_1340, %add3A, %dma_start3A_1348, %dma_start3A_1349] : memref<26x8x32x8x128xf32, #tpu.memory_space<hbm>> -> memref<1x1x1x8x128xf32, #tpu.memory_space<hbm>>
      %dma_start3A_1351 = tpu.memref_squeeze %dma_start3A_1350 : memref<1x1x1x8x128xf32, #tpu.memory_space<hbm>> -> memref<8x128xf32, #tpu.memory_space<hbm>>
      %dma_start3A_1352 = arith.constant 56 : i32
      %dma_start3A_1353 = arith.constant 0 : i32
      %dma_start3A_1354 = tpu.memref_slice %arg9[%dma_start3A_1352, %dma_start3A_1353] : memref<64x130xf32, #tpu.memory_space<vmem>> -> memref<8x128xf32, #tpu.memory_space<vmem>>
      tpu.enqueue_dma source(%dma_start3A_1354 : memref<8x128xf32, #tpu.memory_space<vmem>>) target(%dma_start3A_1351 : memref<8x128xf32, #tpu.memory_space<hbm>>) target_semaphore(%arg13 : memref<!tpu.dma_semaphore, #tpu.memory_space<semaphore_mem>>)
      %add3A_1355 = arith.constant 2 : i32
      %add3A_1356 = arith.addi %add3A_1104, %add3A_1355 : i32
      %dma_start3A_1357 = arith.constant 0 : i32
      %dma_start3A_1358 = tpu.memref_slice %arg6[%add3A_1356, %dma_start3A_1357] : memref<26x128xi32, #tpu.memory_space<vmem>> -> memref<1x128xi32, #tpu.memory_space<vmem>>
      %dma_start3A_1359 = tpu.memref_squeeze %dma_start3A_1358 : memref<1x128xi32, #tpu.memory_space<vmem>> -> memref<128xi32, #tpu.memory_space<vmem>>
      %dma_start3A_1360 = arith.constant 0 : i32
      %dma_start3A_1361 = arith.constant 0 : i32
      %dma_start3A_1362 = tpu.memref_slice %arg2[%dma_start3A_1360, %dma_start3A_1361] : memref<200000x64xf32, #tpu.memory_space<hbm>> -> memref<200000x64xf32, #tpu.memory_space<hbm>>
      tpu.enqueue_indirect_dma source(%dma_start3A_1362 : memref<200000x64xf32, #tpu.memory_space<hbm>>) target(%arg7 : memref<128x64xf32, #tpu.memory_space<vmem>>) offsets(%dma_start3A_1359 : memref<128xi32, #tpu.memory_space<vmem>>) semaphore(%arg11 : memref<!tpu.dma_semaphore, #tpu.memory_space<semaphore_mem>>)
      %sub3A_1363 = arith.constant 1 : i32
      %sub3A_1364 = arith.subi %add3A_1104, %sub3A_1363 : i32
      %dma_wait3A_1365 = arith.constant 0 : i32
      %dma_wait3A_1366 = arith.constant 0 : i32
      %dma_wait3A_1367 = arith.constant 0 : i32
      %dma_wait3A_1368 = tpu.memref_slice %arg10[%dma_wait3A_1366, %dma_wait3A_1367] : memref<64x130xf32, #tpu.memory_space<vmem>> -> memref<8x128xf32, #tpu.memory_space<vmem>>
      %dma_wait3A_1369 = arith.constant 0 : i32
      %dma_wait3A_1370 = arith.constant 0 : i32
      %dma_wait3A_1371 = tpu.memref_slice %arg4[%sub3A_1364, %dma_wait3A_1365, %add3A, %dma_wait3A_1369, %dma_wait3A_1370] : memref<26x8x32x8x128xf32, #tpu.memory_space<hbm>> -> memref<1x1x1x8x128xf32, #tpu.memory_space<hbm>>
      %dma_wait3A_1372 = tpu.memref_squeeze %dma_wait3A_1371 : memref<1x1x1x8x128xf32, #tpu.memory_space<hbm>> -> memref<8x128xf32, #tpu.memory_space<hbm>>
      %dma_wait3A_1373 = arith.constant 0 : i32
      %dma_wait3A_1374 = arith.constant 0 : i32
      %dma_wait3A_1375 = tpu.memref_slice %arg4[%sub3A_1364, %dma_wait3A_1365, %add3A, %dma_wait3A_1373, %dma_wait3A_1374] : memref<26x8x32x8x128xf32, #tpu.memory_space<hbm>> -> memref<1x1x1x8x128xf32, #tpu.memory_space<hbm>>
      %dma_wait3A_1376 = tpu.memref_squeeze %dma_wait3A_1375 : memref<1x1x1x8x128xf32, #tpu.memory_space<hbm>> -> memref<8x128xf32, #tpu.memory_space<hbm>>
      %dma_wait3A_1377 = arith.constant 0 : i32
      %dma_wait3A_1378 = arith.constant 0 : i32
      %dma_wait3A_1379 = tpu.memref_slice %arg10[%dma_wait3A_1377, %dma_wait3A_1378] : memref<64x130xf32, #tpu.memory_space<vmem>> -> memref<8x128xf32, #tpu.memory_space<vmem>>
      tpu.wait_dma2 semaphore(%arg14 : memref<!tpu.dma_semaphore, #tpu.memory_space<semaphore_mem>>) src(%dma_wait3A_1379 : memref<8x128xf32, #tpu.memory_space<vmem>>) dst(%dma_wait3A_1376 : memref<8x128xf32, #tpu.memory_space<hbm>>)
      %dma_wait3A_1380 = arith.constant 1 : i32
      %dma_wait3A_1381 = arith.constant 8 : i32
      %dma_wait3A_1382 = arith.constant 0 : i32
      %dma_wait3A_1383 = tpu.memref_slice %arg10[%dma_wait3A_1381, %dma_wait3A_1382] : memref<64x130xf32, #tpu.memory_space<vmem>> -> memref<8x128xf32, #tpu.memory_space<vmem>>
      %dma_wait3A_1384 = arith.constant 0 : i32
      %dma_wait3A_1385 = arith.constant 0 : i32
      %dma_wait3A_1386 = tpu.memref_slice %arg4[%sub3A_1364, %dma_wait3A_1380, %add3A, %dma_wait3A_1384, %dma_wait3A_1385] : memref<26x8x32x8x128xf32, #tpu.memory_space<hbm>> -> memref<1x1x1x8x128xf32, #tpu.memory_space<hbm>>
      %dma_wait3A_1387 = tpu.memref_squeeze %dma_wait3A_1386 : memref<1x1x1x8x128xf32, #tpu.memory_space<hbm>> -> memref<8x128xf32, #tpu.memory_space<hbm>>
      %dma_wait3A_1388 = arith.constant 0 : i32
      %dma_wait3A_1389 = arith.constant 0 : i32
      %dma_wait3A_1390 = tpu.memref_slice %arg4[%sub3A_1364, %dma_wait3A_1380, %add3A, %dma_wait3A_1388, %dma_wait3A_1389] : memref<26x8x32x8x128xf32, #tpu.memory_space<hbm>> -> memref<1x1x1x8x128xf32, #tpu.memory_space<hbm>>
      %dma_wait3A_1391 = tpu.memref_squeeze %dma_wait3A_1390 : memref<1x1x1x8x128xf32, #tpu.memory_space<hbm>> -> memref<8x128xf32, #tpu.memory_space<hbm>>
      %dma_wait3A_1392 = arith.constant 8 : i32
      %dma_wait3A_1393 = arith.constant 0 : i32
      %dma_wait3A_1394 = tpu.memref_slice %arg10[%dma_wait3A_1392, %dma_wait3A_1393] : memref<64x130xf32, #tpu.memory_space<vmem>> -> memref<8x128xf32, #tpu.memory_space<vmem>>
      tpu.wait_dma2 semaphore(%arg14 : memref<!tpu.dma_semaphore, #tpu.memory_space<semaphore_mem>>) src(%dma_wait3A_1394 : memref<8x128xf32, #tpu.memory_space<vmem>>) dst(%dma_wait3A_1391 : memref<8x128xf32, #tpu.memory_space<hbm>>)
      %dma_wait3A_1395 = arith.constant 2 : i32
      %dma_wait3A_1396 = arith.constant 16 : i32
      %dma_wait3A_1397 = arith.constant 0 : i32
      %dma_wait3A_1398 = tpu.memref_slice %arg10[%dma_wait3A_1396, %dma_wait3A_1397] : memref<64x130xf32, #tpu.memory_space<vmem>> -> memref<8x128xf32, #tpu.memory_space<vmem>>
      %dma_wait3A_1399 = arith.constant 0 : i32
      %dma_wait3A_1400 = arith.constant 0 : i32
      %dma_wait3A_1401 = tpu.memref_slice %arg4[%sub3A_1364, %dma_wait3A_1395, %add3A, %dma_wait3A_1399, %dma_wait3A_1400] : memref<26x8x32x8x128xf32, #tpu.memory_space<hbm>> -> memref<1x1x1x8x128xf32, #tpu.memory_space<hbm>>
      %dma_wait3A_1402 = tpu.memref_squeeze %dma_wait3A_1401 : memref<1x1x1x8x128xf32, #tpu.memory_space<hbm>> -> memref<8x128xf32, #tpu.memory_space<hbm>>
      %dma_wait3A_1403 = arith.constant 0 : i32
      %dma_wait3A_1404 = arith.constant 0 : i32
      %dma_wait3A_1405 = tpu.memref_slice %arg4[%sub3A_1364, %dma_wait3A_1395, %add3A, %dma_wait3A_1403, %dma_wait3A_1404] : memref<26x8x32x8x128xf32, #tpu.memory_space<hbm>> -> memref<1x1x1x8x128xf32, #tpu.memory_space<hbm>>
      %dma_wait3A_1406 = tpu.memref_squeeze %dma_wait3A_1405 : memref<1x1x1x8x128xf32, #tpu.memory_space<hbm>> -> memref<8x128xf32, #tpu.memory_space<hbm>>
      %dma_wait3A_1407 = arith.constant 16 : i32
      %dma_wait3A_1408 = arith.constant 0 : i32
      %dma_wait3A_1409 = tpu.memref_slice %arg10[%dma_wait3A_1407, %dma_wait3A_1408] : memref<64x130xf32, #tpu.memory_space<vmem>> -> memref<8x128xf32, #tpu.memory_space<vmem>>
      tpu.wait_dma2 semaphore(%arg14 : memref<!tpu.dma_semaphore, #tpu.memory_space<semaphore_mem>>) src(%dma_wait3A_1409 : memref<8x128xf32, #tpu.memory_space<vmem>>) dst(%dma_wait3A_1406 : memref<8x128xf32, #tpu.memory_space<hbm>>)
      %dma_wait3A_1410 = arith.constant 3 : i32
      %dma_wait3A_1411 = arith.constant 24 : i32
      %dma_wait3A_1412 = arith.constant 0 : i32
      %dma_wait3A_1413 = tpu.memref_slice %arg10[%dma_wait3A_1411, %dma_wait3A_1412] : memref<64x130xf32, #tpu.memory_space<vmem>> -> memref<8x128xf32, #tpu.memory_space<vmem>>
      %dma_wait3A_1414 = arith.constant 0 : i32
      %dma_wait3A_1415 = arith.constant 0 : i32
      %dma_wait3A_1416 = tpu.memref_slice %arg4[%sub3A_1364, %dma_wait3A_1410, %add3A, %dma_wait3A_1414, %dma_wait3A_1415] : memref<26x8x32x8x128xf32, #tpu.memory_space<hbm>> -> memref<1x1x1x8x128xf32, #tpu.memory_space<hbm>>
      %dma_wait3A_1417 = tpu.memref_squeeze %dma_wait3A_1416 : memref<1x1x1x8x128xf32, #tpu.memory_space<hbm>> -> memref<8x128xf32, #tpu.memory_space<hbm>>
      %dma_wait3A_1418 = arith.constant 0 : i32
      %dma_wait3A_1419 = arith.constant 0 : i32
      %dma_wait3A_1420 = tpu.memref_slice %arg4[%sub3A_1364, %dma_wait3A_1410, %add3A, %dma_wait3A_1418, %dma_wait3A_1419] : memref<26x8x32x8x128xf32, #tpu.memory_space<hbm>> -> memref<1x1x1x8x128xf32, #tpu.memory_space<hbm>>
      %dma_wait3A_1421 = tpu.memref_squeeze %dma_wait3A_1420 : memref<1x1x1x8x128xf32, #tpu.memory_space<hbm>> -> memref<8x128xf32, #tpu.memory_space<hbm>>
      %dma_wait3A_1422 = arith.constant 24 : i32
      %dma_wait3A_1423 = arith.constant 0 : i32
      %dma_wait3A_1424 = tpu.memref_slice %arg10[%dma_wait3A_1422, %dma_wait3A_1423] : memref<64x130xf32, #tpu.memory_space<vmem>> -> memref<8x128xf32, #tpu.memory_space<vmem>>
      tpu.wait_dma2 semaphore(%arg14 : memref<!tpu.dma_semaphore, #tpu.memory_space<semaphore_mem>>) src(%dma_wait3A_1424 : memref<8x128xf32, #tpu.memory_space<vmem>>) dst(%dma_wait3A_1421 : memref<8x128xf32, #tpu.memory_space<hbm>>)
      %dma_wait3A_1425 = arith.constant 4 : i32
      %dma_wait3A_1426 = arith.constant 32 : i32
      %dma_wait3A_1427 = arith.constant 0 : i32
      %dma_wait3A_1428 = tpu.memref_slice %arg10[%dma_wait3A_1426, %dma_wait3A_1427] : memref<64x130xf32, #tpu.memory_space<vmem>> -> memref<8x128xf32, #tpu.memory_space<vmem>>
      %dma_wait3A_1429 = arith.constant 0 : i32
      %dma_wait3A_1430 = arith.constant 0 : i32
      %dma_wait3A_1431 = tpu.memref_slice %arg4[%sub3A_1364, %dma_wait3A_1425, %add3A, %dma_wait3A_1429, %dma_wait3A_1430] : memref<26x8x32x8x128xf32, #tpu.memory_space<hbm>> -> memref<1x1x1x8x128xf32, #tpu.memory_space<hbm>>
      %dma_wait3A_1432 = tpu.memref_squeeze %dma_wait3A_1431 : memref<1x1x1x8x128xf32, #tpu.memory_space<hbm>> -> memref<8x128xf32, #tpu.memory_space<hbm>>
      %dma_wait3A_1433 = arith.constant 0 : i32
      %dma_wait3A_1434 = arith.constant 0 : i32
      %dma_wait3A_1435 = tpu.memref_slice %arg4[%sub3A_1364, %dma_wait3A_1425, %add3A, %dma_wait3A_1433, %dma_wait3A_1434] : memref<26x8x32x8x128xf32, #tpu.memory_space<hbm>> -> memref<1x1x1x8x128xf32, #tpu.memory_space<hbm>>
      %dma_wait3A_1436 = tpu.memref_squeeze %dma_wait3A_1435 : memref<1x1x1x8x128xf32, #tpu.memory_space<hbm>> -> memref<8x128xf32, #tpu.memory_space<hbm>>
      %dma_wait3A_1437 = arith.constant 32 : i32
      %dma_wait3A_1438 = arith.constant 0 : i32
      %dma_wait3A_1439 = tpu.memref_slice %arg10[%dma_wait3A_1437, %dma_wait3A_1438] : memref<64x130xf32, #tpu.memory_space<vmem>> -> memref<8x128xf32, #tpu.memory_space<vmem>>
      tpu.wait_dma2 semaphore(%arg14 : memref<!tpu.dma_semaphore, #tpu.memory_space<semaphore_mem>>) src(%dma_wait3A_1439 : memref<8x128xf32, #tpu.memory_space<vmem>>) dst(%dma_wait3A_1436 : memref<8x128xf32, #tpu.memory_space<hbm>>)
      %dma_wait3A_1440 = arith.constant 5 : i32
      %dma_wait3A_1441 = arith.constant 40 : i32
      %dma_wait3A_1442 = arith.constant 0 : i32
      %dma_wait3A_1443 = tpu.memref_slice %arg10[%dma_wait3A_1441, %dma_wait3A_1442] : memref<64x130xf32, #tpu.memory_space<vmem>> -> memref<8x128xf32, #tpu.memory_space<vmem>>
      %dma_wait3A_1444 = arith.constant 0 : i32
      %dma_wait3A_1445 = arith.constant 0 : i32
      %dma_wait3A_1446 = tpu.memref_slice %arg4[%sub3A_1364, %dma_wait3A_1440, %add3A, %dma_wait3A_1444, %dma_wait3A_1445] : memref<26x8x32x8x128xf32, #tpu.memory_space<hbm>> -> memref<1x1x1x8x128xf32, #tpu.memory_space<hbm>>
      %dma_wait3A_1447 = tpu.memref_squeeze %dma_wait3A_1446 : memref<1x1x1x8x128xf32, #tpu.memory_space<hbm>> -> memref<8x128xf32, #tpu.memory_space<hbm>>
      %dma_wait3A_1448 = arith.constant 0 : i32
      %dma_wait3A_1449 = arith.constant 0 : i32
      %dma_wait3A_1450 = tpu.memref_slice %arg4[%sub3A_1364, %dma_wait3A_1440, %add3A, %dma_wait3A_1448, %dma_wait3A_1449] : memref<26x8x32x8x128xf32, #tpu.memory_space<hbm>> -> memref<1x1x1x8x128xf32, #tpu.memory_space<hbm>>
      %dma_wait3A_1451 = tpu.memref_squeeze %dma_wait3A_1450 : memref<1x1x1x8x128xf32, #tpu.memory_space<hbm>> -> memref<8x128xf32, #tpu.memory_space<hbm>>
      %dma_wait3A_1452 = arith.constant 40 : i32
      %dma_wait3A_1453 = arith.constant 0 : i32
      %dma_wait3A_1454 = tpu.memref_slice %arg10[%dma_wait3A_1452, %dma_wait3A_1453] : memref<64x130xf32, #tpu.memory_space<vmem>> -> memref<8x128xf32, #tpu.memory_space<vmem>>
      tpu.wait_dma2 semaphore(%arg14 : memref<!tpu.dma_semaphore, #tpu.memory_space<semaphore_mem>>) src(%dma_wait3A_1454 : memref<8x128xf32, #tpu.memory_space<vmem>>) dst(%dma_wait3A_1451 : memref<8x128xf32, #tpu.memory_space<hbm>>)
      %dma_wait3A_1455 = arith.constant 6 : i32
      %dma_wait3A_1456 = arith.constant 48 : i32
      %dma_wait3A_1457 = arith.constant 0 : i32
      %dma_wait3A_1458 = tpu.memref_slice %arg10[%dma_wait3A_1456, %dma_wait3A_1457] : memref<64x130xf32, #tpu.memory_space<vmem>> -> memref<8x128xf32, #tpu.memory_space<vmem>>
      %dma_wait3A_1459 = arith.constant 0 : i32
      %dma_wait3A_1460 = arith.constant 0 : i32
      %dma_wait3A_1461 = tpu.memref_slice %arg4[%sub3A_1364, %dma_wait3A_1455, %add3A, %dma_wait3A_1459, %dma_wait3A_1460] : memref<26x8x32x8x128xf32, #tpu.memory_space<hbm>> -> memref<1x1x1x8x128xf32, #tpu.memory_space<hbm>>
      %dma_wait3A_1462 = tpu.memref_squeeze %dma_wait3A_1461 : memref<1x1x1x8x128xf32, #tpu.memory_space<hbm>> -> memref<8x128xf32, #tpu.memory_space<hbm>>
      %dma_wait3A_1463 = arith.constant 0 : i32
      %dma_wait3A_1464 = arith.constant 0 : i32
      %dma_wait3A_1465 = tpu.memref_slice %arg4[%sub3A_1364, %dma_wait3A_1455, %add3A, %dma_wait3A_1463, %dma_wait3A_1464] : memref<26x8x32x8x128xf32, #tpu.memory_space<hbm>> -> memref<1x1x1x8x128xf32, #tpu.memory_space<hbm>>
      %dma_wait3A_1466 = tpu.memref_squeeze %dma_wait3A_1465 : memref<1x1x1x8x128xf32, #tpu.memory_space<hbm>> -> memref<8x128xf32, #tpu.memory_space<hbm>>
      %dma_wait3A_1467 = arith.constant 48 : i32
      %dma_wait3A_1468 = arith.constant 0 : i32
      %dma_wait3A_1469 = tpu.memref_slice %arg10[%dma_wait3A_1467, %dma_wait3A_1468] : memref<64x130xf32, #tpu.memory_space<vmem>> -> memref<8x128xf32, #tpu.memory_space<vmem>>
      tpu.wait_dma2 semaphore(%arg14 : memref<!tpu.dma_semaphore, #tpu.memory_space<semaphore_mem>>) src(%dma_wait3A_1469 : memref<8x128xf32, #tpu.memory_space<vmem>>) dst(%dma_wait3A_1466 : memref<8x128xf32, #tpu.memory_space<hbm>>)
      %dma_wait3A_1470 = arith.constant 7 : i32
      %dma_wait3A_1471 = arith.constant 56 : i32
      %dma_wait3A_1472 = arith.constant 0 : i32
      %dma_wait3A_1473 = tpu.memref_slice %arg10[%dma_wait3A_1471, %dma_wait3A_1472] : memref<64x130xf32, #tpu.memory_space<vmem>> -> memref<8x128xf32, #tpu.memory_space<vmem>>
      %dma_wait3A_1474 = arith.constant 0 : i32
      %dma_wait3A_1475 = arith.constant 0 : i32
      %dma_wait3A_1476 = tpu.memref_slice %arg4[%sub3A_1364, %dma_wait3A_1470, %add3A, %dma_wait3A_1474, %dma_wait3A_1475] : memref<26x8x32x8x128xf32, #tpu.memory_space<hbm>> -> memref<1x1x1x8x128xf32, #tpu.memory_space<hbm>>
      %dma_wait3A_1477 = tpu.memref_squeeze %dma_wait3A_1476 : memref<1x1x1x8x128xf32, #tpu.memory_space<hbm>> -> memref<8x128xf32, #tpu.memory_space<hbm>>
      %dma_wait3A_1478 = arith.constant 0 : i32
      %dma_wait3A_1479 = arith.constant 0 : i32
      %dma_wait3A_1480 = tpu.memref_slice %arg4[%sub3A_1364, %dma_wait3A_1470, %add3A, %dma_wait3A_1478, %dma_wait3A_1479] : memref<26x8x32x8x128xf32, #tpu.memory_space<hbm>> -> memref<1x1x1x8x128xf32, #tpu.memory_space<hbm>>
      %dma_wait3A_1481 = tpu.memref_squeeze %dma_wait3A_1480 : memref<1x1x1x8x128xf32, #tpu.memory_space<hbm>> -> memref<8x128xf32, #tpu.memory_space<hbm>>
      %dma_wait3A_1482 = arith.constant 56 : i32
      %dma_wait3A_1483 = arith.constant 0 : i32
      %dma_wait3A_1484 = tpu.memref_slice %arg10[%dma_wait3A_1482, %dma_wait3A_1483] : memref<64x130xf32, #tpu.memory_space<vmem>> -> memref<8x128xf32, #tpu.memory_space<vmem>>
      tpu.wait_dma2 semaphore(%arg14 : memref<!tpu.dma_semaphore, #tpu.memory_space<semaphore_mem>>) src(%dma_wait3A_1484 : memref<8x128xf32, #tpu.memory_space<vmem>>) dst(%dma_wait3A_1481 : memref<8x128xf32, #tpu.memory_space<hbm>>)
      %add3A_1485 = arith.constant 1 : i32
      %add3A_1486 = arith.addi %add3A_1104, %add3A_1485 : i32
      %dma_wait3A_1487 = arith.constant 0 : i32
      %dma_wait3A_1488 = tpu.memref_slice %arg6[%add3A_1486, %dma_wait3A_1487] : memref<26x128xi32, #tpu.memory_space<vmem>> -> memref<1x128xi32, #tpu.memory_space<vmem>>
      %dma_wait3A_1489 = tpu.memref_squeeze %dma_wait3A_1488 : memref<1x128xi32, #tpu.memory_space<vmem>> -> memref<128xi32, #tpu.memory_space<vmem>>
      %dma_wait3A_1490 = arith.constant 0 : i32
      %dma_wait3A_1491 = arith.constant 0 : i32
      %dma_wait3A_1492 = tpu.memref_slice %arg2[%dma_wait3A_1490, %dma_wait3A_1491] : memref<200000x64xf32, #tpu.memory_space<hbm>> -> memref<200000x64xf32, #tpu.memory_space<hbm>>
      tpu.wait_indirect_dma semaphore(%arg12 : memref<!tpu.dma_semaphore, #tpu.memory_space<semaphore_mem>>) src(%dma_wait3A_1492 : memref<200000x64xf32, #tpu.memory_space<hbm>>) dst(%arg8 : memref<128x64xf32, #tpu.memory_space<vmem>>)
      %parallel_loop3A_1493 = arith.constant 0 : i32
      %parallel_loop3A_1494 = arith.constant 128 : i32
      %parallel_loop3A_1495 = arith.constant 1 : i32
      scf.for %parallel_loop3A_1624 = %parallel_loop3A_1493 to %parallel_loop3A_1494 step %parallel_loop3A_1495  : i32 {
        %parallel_loop3A_1625 = arith.index_cast %parallel_loop3A_1624 : i32 to index
        %parallel_loop3A_1626 = arith.constant 0 : index
        %parallel_loop3A_1627 = tpu.vector_load %arg8[%parallel_loop3A_1625, %parallel_loop3A_1626] {strides = array<i32>} : memref<128x64xf32, #tpu.memory_space<vmem>>, vector<16xf32>,
        %parallel_loop3A_1628 = tpu.iota {dimensions = array<i32: 0>} : vector<16xi32>
        %parallel_loop3A_1629 = arith.constant 0 : i32
        %parallel_loop3A_1630 = vector.broadcast %parallel_loop3A_1629 : i32 to vector<16xi32>
        %parallel_loop3A_1631 = arith.addi %parallel_loop3A_1630, %parallel_loop3A_1628 : vector<16xi32>
        %parallel_loop3A_1632 = vector.broadcast %parallel_loop3A_1624 : i32 to vector<16xi32>
        tpu.vector_store_idx %arg10[%parallel_loop3A_1631, %parallel_loop3A_1632], %parallel_loop3A_1627 : memref<64x130xf32, #tpu.memory_space<vmem>>[vector<16xi32>, vector<16xi32>], vector<16xf32>,
        %parallel_loop3A_1633 = arith.index_cast %parallel_loop3A_1624 : i32 to index
        %parallel_loop3A_1634 = arith.constant 16 : index
        %parallel_loop3A_1635 = tpu.vector_load %arg8[%parallel_loop3A_1633, %parallel_loop3A_1634] {strides = array<i32>} : memref<128x64xf32, #tpu.memory_space<vmem>>, vector<16xf32>,
        %parallel_loop3A_1636 = tpu.iota {dimensions = array<i32: 0>} : vector<16xi32>
        %parallel_loop3A_1637 = arith.constant 16 : i32
        %parallel_loop3A_1638 = vector.broadcast %parallel_loop3A_1637 : i32 to vector<16xi32>
        %parallel_loop3A_1639 = arith.addi %parallel_loop3A_1638, %parallel_loop3A_1636 : vector<16xi32>
        %parallel_loop3A_1640 = vector.broadcast %parallel_loop3A_1624 : i32 to vector<16xi32>
        tpu.vector_store_idx %arg10[%parallel_loop3A_1639, %parallel_loop3A_1640], %parallel_loop3A_1635 : memref<64x130xf32, #tpu.memory_space<vmem>>[vector<16xi32>, vector<16xi32>], vector<16xf32>,
        %parallel_loop3A_1641 = arith.index_cast %parallel_loop3A_1624 : i32 to index
        %parallel_loop3A_1642 = arith.constant 32 : index
        %parallel_loop3A_1643 = tpu.vector_load %arg8[%parallel_loop3A_1641, %parallel_loop3A_1642] {strides = array<i32>} : memref<128x64xf32, #tpu.memory_space<vmem>>, vector<16xf32>,
        %parallel_loop3A_1644 = tpu.iota {dimensions = array<i32: 0>} : vector<16xi32>
        %parallel_loop3A_1645 = arith.constant 32 : i32
        %parallel_loop3A_1646 = vector.broadcast %parallel_loop3A_1645 : i32 to vector<16xi32>
        %parallel_loop3A_1647 = arith.addi %parallel_loop3A_1646, %parallel_loop3A_1644 : vector<16xi32>
        %parallel_loop3A_1648 = vector.broadcast %parallel_loop3A_1624 : i32 to vector<16xi32>
        tpu.vector_store_idx %arg10[%parallel_loop3A_1647, %parallel_loop3A_1648], %parallel_loop3A_1643 : memref<64x130xf32, #tpu.memory_space<vmem>>[vector<16xi32>, vector<16xi32>], vector<16xf32>,
        %parallel_loop3A_1649 = arith.index_cast %parallel_loop3A_1624 : i32 to index
        %parallel_loop3A_1650 = arith.constant 48 : index
        %parallel_loop3A_1651 = tpu.vector_load %arg8[%parallel_loop3A_1649, %parallel_loop3A_1650] {strides = array<i32>} : memref<128x64xf32, #tpu.memory_space<vmem>>, vector<16xf32>,
        %parallel_loop3A_1652 = tpu.iota {dimensions = array<i32: 0>} : vector<16xi32>
        %parallel_loop3A_1653 = arith.constant 48 : i32
        %parallel_loop3A_1654 = vector.broadcast %parallel_loop3A_1653 : i32 to vector<16xi32>
        %parallel_loop3A_1655 = arith.addi %parallel_loop3A_1654, %parallel_loop3A_1652 : vector<16xi32>
        %parallel_loop3A_1656 = vector.broadcast %parallel_loop3A_1624 : i32 to vector<16xi32>
        tpu.vector_store_idx %arg10[%parallel_loop3A_1655, %parallel_loop3A_1656], %parallel_loop3A_1651 : memref<64x130xf32, #tpu.memory_space<vmem>>[vector<16xi32>, vector<16xi32>], vector<16xf32>,
      } {sc.loop_unroll_factor = 4 : i64, sc.parallel_access}
      %dma_start3A_1496 = arith.constant 0 : i32
      %dma_start3A_1497 = arith.constant 0 : i32
      %dma_start3A_1498 = arith.constant 0 : i32
      %dma_start3A_1499 = tpu.memref_slice %arg10[%dma_start3A_1497, %dma_start3A_1498] : memref<64x130xf32, #tpu.memory_space<vmem>> -> memref<8x128xf32, #tpu.memory_space<vmem>>
      %dma_start3A_1500 = arith.constant 0 : i32
      %dma_start3A_1501 = arith.constant 0 : i32
      %dma_start3A_1502 = tpu.memref_slice %arg4[%add3A_1486, %dma_start3A_1496, %add3A, %dma_start3A_1500, %dma_start3A_1501] : memref<26x8x32x8x128xf32, #tpu.memory_space<hbm>> -> memref<1x1x1x8x128xf32, #tpu.memory_space<hbm>>
      %dma_start3A_1503 = tpu.memref_squeeze %dma_start3A_1502 : memref<1x1x1x8x128xf32, #tpu.memory_space<hbm>> -> memref<8x128xf32, #tpu.memory_space<hbm>>
      %dma_start3A_1504 = arith.constant 0 : i32
      %dma_start3A_1505 = arith.constant 0 : i32
      %dma_start3A_1506 = tpu.memref_slice %arg4[%add3A_1486, %dma_start3A_1496, %add3A, %dma_start3A_1504, %dma_start3A_1505] : memref<26x8x32x8x128xf32, #tpu.memory_space<hbm>> -> memref<1x1x1x8x128xf32, #tpu.memory_space<hbm>>
      %dma_start3A_1507 = tpu.memref_squeeze %dma_start3A_1506 : memref<1x1x1x8x128xf32, #tpu.memory_space<hbm>> -> memref<8x128xf32, #tpu.memory_space<hbm>>
      %dma_start3A_1508 = arith.constant 0 : i32
      %dma_start3A_1509 = arith.constant 0 : i32
      %dma_start3A_1510 = tpu.memref_slice %arg10[%dma_start3A_1508, %dma_start3A_1509] : memref<64x130xf32, #tpu.memory_space<vmem>> -> memref<8x128xf32, #tpu.memory_space<vmem>>
      tpu.enqueue_dma source(%dma_start3A_1510 : memref<8x128xf32, #tpu.memory_space<vmem>>) target(%dma_start3A_1507 : memref<8x128xf32, #tpu.memory_space<hbm>>) target_semaphore(%arg14 : memref<!tpu.dma_semaphore, #tpu.memory_space<semaphore_mem>>)
      %dma_start3A_1511 = arith.constant 1 : i32
      %dma_start3A_1512 = arith.constant 8 : i32
      %dma_start3A_1513 = arith.constant 0 : i32
      %dma_start3A_1514 = tpu.memref_slice %arg10[%dma_start3A_1512, %dma_start3A_1513] : memref<64x130xf32, #tpu.memory_space<vmem>> -> memref<8x128xf32, #tpu.memory_space<vmem>>
      %dma_start3A_1515 = arith.constant 0 : i32
      %dma_start3A_1516 = arith.constant 0 : i32
      %dma_start3A_1517 = tpu.memref_slice %arg4[%add3A_1486, %dma_start3A_1511, %add3A, %dma_start3A_1515, %dma_start3A_1516] : memref<26x8x32x8x128xf32, #tpu.memory_space<hbm>> -> memref<1x1x1x8x128xf32, #tpu.memory_space<hbm>>
      %dma_start3A_1518 = tpu.memref_squeeze %dma_start3A_1517 : memref<1x1x1x8x128xf32, #tpu.memory_space<hbm>> -> memref<8x128xf32, #tpu.memory_space<hbm>>
      %dma_start3A_1519 = arith.constant 0 : i32
      %dma_start3A_1520 = arith.constant 0 : i32
      %dma_start3A_1521 = tpu.memref_slice %arg4[%add3A_1486, %dma_start3A_1511, %add3A, %dma_start3A_1519, %dma_start3A_1520] : memref<26x8x32x8x128xf32, #tpu.memory_space<hbm>> -> memref<1x1x1x8x128xf32, #tpu.memory_space<hbm>>
      %dma_start3A_1522 = tpu.memref_squeeze %dma_start3A_1521 : memref<1x1x1x8x128xf32, #tpu.memory_space<hbm>> -> memref<8x128xf32, #tpu.memory_space<hbm>>
      %dma_start3A_1523 = arith.constant 8 : i32
      %dma_start3A_1524 = arith.constant 0 : i32
      %dma_start3A_1525 = tpu.memref_slice %arg10[%dma_start3A_1523, %dma_start3A_1524] : memref<64x130xf32, #tpu.memory_space<vmem>> -> memref<8x128xf32, #tpu.memory_space<vmem>>
      tpu.enqueue_dma source(%dma_start3A_1525 : memref<8x128xf32, #tpu.memory_space<vmem>>) target(%dma_start3A_1522 : memref<8x128xf32, #tpu.memory_space<hbm>>) target_semaphore(%arg14 : memref<!tpu.dma_semaphore, #tpu.memory_space<semaphore_mem>>)
      %dma_start3A_1526 = arith.constant 2 : i32
      %dma_start3A_1527 = arith.constant 16 : i32
      %dma_start3A_1528 = arith.constant 0 : i32
      %dma_start3A_1529 = tpu.memref_slice %arg10[%dma_start3A_1527, %dma_start3A_1528] : memref<64x130xf32, #tpu.memory_space<vmem>> -> memref<8x128xf32, #tpu.memory_space<vmem>>
      %dma_start3A_1530 = arith.constant 0 : i32
      %dma_start3A_1531 = arith.constant 0 : i32
      %dma_start3A_1532 = tpu.memref_slice %arg4[%add3A_1486, %dma_start3A_1526, %add3A, %dma_start3A_1530, %dma_start3A_1531] : memref<26x8x32x8x128xf32, #tpu.memory_space<hbm>> -> memref<1x1x1x8x128xf32, #tpu.memory_space<hbm>>
      %dma_start3A_1533 = tpu.memref_squeeze %dma_start3A_1532 : memref<1x1x1x8x128xf32, #tpu.memory_space<hbm>> -> memref<8x128xf32, #tpu.memory_space<hbm>>
      %dma_start3A_1534 = arith.constant 0 : i32
      %dma_start3A_1535 = arith.constant 0 : i32
      %dma_start3A_1536 = tpu.memref_slice %arg4[%add3A_1486, %dma_start3A_1526, %add3A, %dma_start3A_1534, %dma_start3A_1535] : memref<26x8x32x8x128xf32, #tpu.memory_space<hbm>> -> memref<1x1x1x8x128xf32, #tpu.memory_space<hbm>>
      %dma_start3A_1537 = tpu.memref_squeeze %dma_start3A_1536 : memref<1x1x1x8x128xf32, #tpu.memory_space<hbm>> -> memref<8x128xf32, #tpu.memory_space<hbm>>
      %dma_start3A_1538 = arith.constant 16 : i32
      %dma_start3A_1539 = arith.constant 0 : i32
      %dma_start3A_1540 = tpu.memref_slice %arg10[%dma_start3A_1538, %dma_start3A_1539] : memref<64x130xf32, #tpu.memory_space<vmem>> -> memref<8x128xf32, #tpu.memory_space<vmem>>
      tpu.enqueue_dma source(%dma_start3A_1540 : memref<8x128xf32, #tpu.memory_space<vmem>>) target(%dma_start3A_1537 : memref<8x128xf32, #tpu.memory_space<hbm>>) target_semaphore(%arg14 : memref<!tpu.dma_semaphore, #tpu.memory_space<semaphore_mem>>)
      %dma_start3A_1541 = arith.constant 3 : i32
      %dma_start3A_1542 = arith.constant 24 : i32
      %dma_start3A_1543 = arith.constant 0 : i32
      %dma_start3A_1544 = tpu.memref_slice %arg10[%dma_start3A_1542, %dma_start3A_1543] : memref<64x130xf32, #tpu.memory_space<vmem>> -> memref<8x128xf32, #tpu.memory_space<vmem>>
      %dma_start3A_1545 = arith.constant 0 : i32
      %dma_start3A_1546 = arith.constant 0 : i32
      %dma_start3A_1547 = tpu.memref_slice %arg4[%add3A_1486, %dma_start3A_1541, %add3A, %dma_start3A_1545, %dma_start3A_1546] : memref<26x8x32x8x128xf32, #tpu.memory_space<hbm>> -> memref<1x1x1x8x128xf32, #tpu.memory_space<hbm>>
      %dma_start3A_1548 = tpu.memref_squeeze %dma_start3A_1547 : memref<1x1x1x8x128xf32, #tpu.memory_space<hbm>> -> memref<8x128xf32, #tpu.memory_space<hbm>>
      %dma_start3A_1549 = arith.constant 0 : i32
      %dma_start3A_1550 = arith.constant 0 : i32
      %dma_start3A_1551 = tpu.memref_slice %arg4[%add3A_1486, %dma_start3A_1541, %add3A, %dma_start3A_1549, %dma_start3A_1550] : memref<26x8x32x8x128xf32, #tpu.memory_space<hbm>> -> memref<1x1x1x8x128xf32, #tpu.memory_space<hbm>>
      %dma_start3A_1552 = tpu.memref_squeeze %dma_start3A_1551 : memref<1x1x1x8x128xf32, #tpu.memory_space<hbm>> -> memref<8x128xf32, #tpu.memory_space<hbm>>
      %dma_start3A_1553 = arith.constant 24 : i32
      %dma_start3A_1554 = arith.constant 0 : i32
      %dma_start3A_1555 = tpu.memref_slice %arg10[%dma_start3A_1553, %dma_start3A_1554] : memref<64x130xf32, #tpu.memory_space<vmem>> -> memref<8x128xf32, #tpu.memory_space<vmem>>
      tpu.enqueue_dma source(%dma_start3A_1555 : memref<8x128xf32, #tpu.memory_space<vmem>>) target(%dma_start3A_1552 : memref<8x128xf32, #tpu.memory_space<hbm>>) target_semaphore(%arg14 : memref<!tpu.dma_semaphore, #tpu.memory_space<semaphore_mem>>)
      %dma_start3A_1556 = arith.constant 4 : i32
      %dma_start3A_1557 = arith.constant 32 : i32
      %dma_start3A_1558 = arith.constant 0 : i32
      %dma_start3A_1559 = tpu.memref_slice %arg10[%dma_start3A_1557, %dma_start3A_1558] : memref<64x130xf32, #tpu.memory_space<vmem>> -> memref<8x128xf32, #tpu.memory_space<vmem>>
      %dma_start3A_1560 = arith.constant 0 : i32
      %dma_start3A_1561 = arith.constant 0 : i32
      %dma_start3A_1562 = tpu.memref_slice %arg4[%add3A_1486, %dma_start3A_1556, %add3A, %dma_start3A_1560, %dma_start3A_1561] : memref<26x8x32x8x128xf32, #tpu.memory_space<hbm>> -> memref<1x1x1x8x128xf32, #tpu.memory_space<hbm>>
      %dma_start3A_1563 = tpu.memref_squeeze %dma_start3A_1562 : memref<1x1x1x8x128xf32, #tpu.memory_space<hbm>> -> memref<8x128xf32, #tpu.memory_space<hbm>>
      %dma_start3A_1564 = arith.constant 0 : i32
      %dma_start3A_1565 = arith.constant 0 : i32
      %dma_start3A_1566 = tpu.memref_slice %arg4[%add3A_1486, %dma_start3A_1556, %add3A, %dma_start3A_1564, %dma_start3A_1565] : memref<26x8x32x8x128xf32, #tpu.memory_space<hbm>> -> memref<1x1x1x8x128xf32, #tpu.memory_space<hbm>>
      %dma_start3A_1567 = tpu.memref_squeeze %dma_start3A_1566 : memref<1x1x1x8x128xf32, #tpu.memory_space<hbm>> -> memref<8x128xf32, #tpu.memory_space<hbm>>
      %dma_start3A_1568 = arith.constant 32 : i32
      %dma_start3A_1569 = arith.constant 0 : i32
      %dma_start3A_1570 = tpu.memref_slice %arg10[%dma_start3A_1568, %dma_start3A_1569] : memref<64x130xf32, #tpu.memory_space<vmem>> -> memref<8x128xf32, #tpu.memory_space<vmem>>
      tpu.enqueue_dma source(%dma_start3A_1570 : memref<8x128xf32, #tpu.memory_space<vmem>>) target(%dma_start3A_1567 : memref<8x128xf32, #tpu.memory_space<hbm>>) target_semaphore(%arg14 : memref<!tpu.dma_semaphore, #tpu.memory_space<semaphore_mem>>)
      %dma_start3A_1571 = arith.constant 5 : i32
      %dma_start3A_1572 = arith.constant 40 : i32
      %dma_start3A_1573 = arith.constant 0 : i32
      %dma_start3A_1574 = tpu.memref_slice %arg10[%dma_start3A_1572, %dma_start3A_1573] : memref<64x130xf32, #tpu.memory_space<vmem>> -> memref<8x128xf32, #tpu.memory_space<vmem>>
      %dma_start3A_1575 = arith.constant 0 : i32
      %dma_start3A_1576 = arith.constant 0 : i32
      %dma_start3A_1577 = tpu.memref_slice %arg4[%add3A_1486, %dma_start3A_1571, %add3A, %dma_start3A_1575, %dma_start3A_1576] : memref<26x8x32x8x128xf32, #tpu.memory_space<hbm>> -> memref<1x1x1x8x128xf32, #tpu.memory_space<hbm>>
      %dma_start3A_1578 = tpu.memref_squeeze %dma_start3A_1577 : memref<1x1x1x8x128xf32, #tpu.memory_space<hbm>> -> memref<8x128xf32, #tpu.memory_space<hbm>>
      %dma_start3A_1579 = arith.constant 0 : i32
      %dma_start3A_1580 = arith.constant 0 : i32
      %dma_start3A_1581 = tpu.memref_slice %arg4[%add3A_1486, %dma_start3A_1571, %add3A, %dma_start3A_1579, %dma_start3A_1580] : memref<26x8x32x8x128xf32, #tpu.memory_space<hbm>> -> memref<1x1x1x8x128xf32, #tpu.memory_space<hbm>>
      %dma_start3A_1582 = tpu.memref_squeeze %dma_start3A_1581 : memref<1x1x1x8x128xf32, #tpu.memory_space<hbm>> -> memref<8x128xf32, #tpu.memory_space<hbm>>
      %dma_start3A_1583 = arith.constant 40 : i32
      %dma_start3A_1584 = arith.constant 0 : i32
      %dma_start3A_1585 = tpu.memref_slice %arg10[%dma_start3A_1583, %dma_start3A_1584] : memref<64x130xf32, #tpu.memory_space<vmem>> -> memref<8x128xf32, #tpu.memory_space<vmem>>
      tpu.enqueue_dma source(%dma_start3A_1585 : memref<8x128xf32, #tpu.memory_space<vmem>>) target(%dma_start3A_1582 : memref<8x128xf32, #tpu.memory_space<hbm>>) target_semaphore(%arg14 : memref<!tpu.dma_semaphore, #tpu.memory_space<semaphore_mem>>)
      %dma_start3A_1586 = arith.constant 6 : i32
      %dma_start3A_1587 = arith.constant 48 : i32
      %dma_start3A_1588 = arith.constant 0 : i32
      %dma_start3A_1589 = tpu.memref_slice %arg10[%dma_start3A_1587, %dma_start3A_1588] : memref<64x130xf32, #tpu.memory_space<vmem>> -> memref<8x128xf32, #tpu.memory_space<vmem>>
      %dma_start3A_1590 = arith.constant 0 : i32
      %dma_start3A_1591 = arith.constant 0 : i32
      %dma_start3A_1592 = tpu.memref_slice %arg4[%add3A_1486, %dma_start3A_1586, %add3A, %dma_start3A_1590, %dma_start3A_1591] : memref<26x8x32x8x128xf32, #tpu.memory_space<hbm>> -> memref<1x1x1x8x128xf32, #tpu.memory_space<hbm>>
      %dma_start3A_1593 = tpu.memref_squeeze %dma_start3A_1592 : memref<1x1x1x8x128xf32, #tpu.memory_space<hbm>> -> memref<8x128xf32, #tpu.memory_space<hbm>>
      %dma_start3A_1594 = arith.constant 0 : i32
      %dma_start3A_1595 = arith.constant 0 : i32
      %dma_start3A_1596 = tpu.memref_slice %arg4[%add3A_1486, %dma_start3A_1586, %add3A, %dma_start3A_1594, %dma_start3A_1595] : memref<26x8x32x8x128xf32, #tpu.memory_space<hbm>> -> memref<1x1x1x8x128xf32, #tpu.memory_space<hbm>>
      %dma_start3A_1597 = tpu.memref_squeeze %dma_start3A_1596 : memref<1x1x1x8x128xf32, #tpu.memory_space<hbm>> -> memref<8x128xf32, #tpu.memory_space<hbm>>
      %dma_start3A_1598 = arith.constant 48 : i32
      %dma_start3A_1599 = arith.constant 0 : i32
      %dma_start3A_1600 = tpu.memref_slice %arg10[%dma_start3A_1598, %dma_start3A_1599] : memref<64x130xf32, #tpu.memory_space<vmem>> -> memref<8x128xf32, #tpu.memory_space<vmem>>
      tpu.enqueue_dma source(%dma_start3A_1600 : memref<8x128xf32, #tpu.memory_space<vmem>>) target(%dma_start3A_1597 : memref<8x128xf32, #tpu.memory_space<hbm>>) target_semaphore(%arg14 : memref<!tpu.dma_semaphore, #tpu.memory_space<semaphore_mem>>)
      %dma_start3A_1601 = arith.constant 7 : i32
      %dma_start3A_1602 = arith.constant 56 : i32
      %dma_start3A_1603 = arith.constant 0 : i32
      %dma_start3A_1604 = tpu.memref_slice %arg10[%dma_start3A_1602, %dma_start3A_1603] : memref<64x130xf32, #tpu.memory_space<vmem>> -> memref<8x128xf32, #tpu.memory_space<vmem>>
      %dma_start3A_1605 = arith.constant 0 : i32
      %dma_start3A_1606 = arith.constant 0 : i32
      %dma_start3A_1607 = tpu.memref_slice %arg4[%add3A_1486, %dma_start3A_1601, %add3A, %dma_start3A_1605, %dma_start3A_1606] : memref<26x8x32x8x128xf32, #tpu.memory_space<hbm>> -> memref<1x1x1x8x128xf32, #tpu.memory_space<hbm>>
      %dma_start3A_1608 = tpu.memref_squeeze %dma_start3A_1607 : memref<1x1x1x8x128xf32, #tpu.memory_space<hbm>> -> memref<8x128xf32, #tpu.memory_space<hbm>>
      %dma_start3A_1609 = arith.constant 0 : i32
      %dma_start3A_1610 = arith.constant 0 : i32
      %dma_start3A_1611 = tpu.memref_slice %arg4[%add3A_1486, %dma_start3A_1601, %add3A, %dma_start3A_1609, %dma_start3A_1610] : memref<26x8x32x8x128xf32, #tpu.memory_space<hbm>> -> memref<1x1x1x8x128xf32, #tpu.memory_space<hbm>>
      %dma_start3A_1612 = tpu.memref_squeeze %dma_start3A_1611 : memref<1x1x1x8x128xf32, #tpu.memory_space<hbm>> -> memref<8x128xf32, #tpu.memory_space<hbm>>
      %dma_start3A_1613 = arith.constant 56 : i32
      %dma_start3A_1614 = arith.constant 0 : i32
      %dma_start3A_1615 = tpu.memref_slice %arg10[%dma_start3A_1613, %dma_start3A_1614] : memref<64x130xf32, #tpu.memory_space<vmem>> -> memref<8x128xf32, #tpu.memory_space<vmem>>
      tpu.enqueue_dma source(%dma_start3A_1615 : memref<8x128xf32, #tpu.memory_space<vmem>>) target(%dma_start3A_1612 : memref<8x128xf32, #tpu.memory_space<hbm>>) target_semaphore(%arg14 : memref<!tpu.dma_semaphore, #tpu.memory_space<semaphore_mem>>)
      %add3A_1616 = arith.constant 3 : i32
      %add3A_1617 = arith.addi %add3A_1104, %add3A_1616 : i32
      %dma_start3A_1618 = arith.constant 0 : i32
      %dma_start3A_1619 = tpu.memref_slice %arg6[%add3A_1617, %dma_start3A_1618] : memref<26x128xi32, #tpu.memory_space<vmem>> -> memref<1x128xi32, #tpu.memory_space<vmem>>
      %dma_start3A_1620 = tpu.memref_squeeze %dma_start3A_1619 : memref<1x128xi32, #tpu.memory_space<vmem>> -> memref<128xi32, #tpu.memory_space<vmem>>
      %dma_start3A_1621 = arith.constant 0 : i32
      %dma_start3A_1622 = arith.constant 0 : i32
      %dma_start3A_1623 = tpu.memref_slice %arg2[%dma_start3A_1621, %dma_start3A_1622] : memref<200000x64xf32, #tpu.memory_space<hbm>> -> memref<200000x64xf32, #tpu.memory_space<hbm>>
      tpu.enqueue_indirect_dma source(%dma_start3A_1623 : memref<200000x64xf32, #tpu.memory_space<hbm>>) target(%arg8 : memref<128x64xf32, #tpu.memory_space<vmem>>) offsets(%dma_start3A_1620 : memref<128xi32, #tpu.memory_space<vmem>>) semaphore(%arg12 : memref<!tpu.dma_semaphore, #tpu.memory_space<semaphore_mem>>)
    }
    %scan3A_311 = arith.constant 11 : i32
    %dma_wait3A_312 = arith.constant 22 : i32
    %dma_wait3A_313 = arith.constant 0 : i32
    %dma_wait3A_314 = arith.constant 0 : i32
    %dma_wait3A_315 = arith.constant 0 : i32
    %dma_wait3A_316 = tpu.memref_slice %arg9[%dma_wait3A_314, %dma_wait3A_315] : memref<64x130xf32, #tpu.memory_space<vmem>> -> memref<8x128xf32, #tpu.memory_space<vmem>>
    %dma_wait3A_317 = arith.constant 0 : i32
    %dma_wait3A_318 = arith.constant 0 : i32
    %dma_wait3A_319 = tpu.memref_slice %arg4[%dma_wait3A_312, %dma_wait3A_313, %add3A, %dma_wait3A_317, %dma_wait3A_318] : memref<26x8x32x8x128xf32, #tpu.memory_space<hbm>> -> memref<1x1x1x8x128xf32, #tpu.memory_space<hbm>>
    %dma_wait3A_320 = tpu.memref_squeeze %dma_wait3A_319 : memref<1x1x1x8x128xf32, #tpu.memory_space<hbm>> -> memref<8x128xf32, #tpu.memory_space<hbm>>
    %dma_wait3A_321 = arith.constant 0 : i32
    %dma_wait3A_322 = arith.constant 0 : i32
    %dma_wait3A_323 = tpu.memref_slice %arg4[%dma_wait3A_312, %dma_wait3A_313, %add3A, %dma_wait3A_321, %dma_wait3A_322] : memref<26x8x32x8x128xf32, #tpu.memory_space<hbm>> -> memref<1x1x1x8x128xf32, #tpu.memory_space<hbm>>
    %dma_wait3A_324 = tpu.memref_squeeze %dma_wait3A_323 : memref<1x1x1x8x128xf32, #tpu.memory_space<hbm>> -> memref<8x128xf32, #tpu.memory_space<hbm>>
    %dma_wait3A_325 = arith.constant 0 : i32
    %dma_wait3A_326 = arith.constant 0 : i32
    %dma_wait3A_327 = tpu.memref_slice %arg9[%dma_wait3A_325, %dma_wait3A_326] : memref<64x130xf32, #tpu.memory_space<vmem>> -> memref<8x128xf32, #tpu.memory_space<vmem>>
    tpu.wait_dma2 semaphore(%arg13 : memref<!tpu.dma_semaphore, #tpu.memory_space<semaphore_mem>>) src(%dma_wait3A_327 : memref<8x128xf32, #tpu.memory_space<vmem>>) dst(%dma_wait3A_324 : memref<8x128xf32, #tpu.memory_space<hbm>>)
    %dma_wait3A_328 = arith.constant 22 : i32
    %dma_wait3A_329 = arith.constant 1 : i32
    %dma_wait3A_330 = arith.constant 8 : i32
    %dma_wait3A_331 = arith.constant 0 : i32
    %dma_wait3A_332 = tpu.memref_slice %arg9[%dma_wait3A_330, %dma_wait3A_331] : memref<64x130xf32, #tpu.memory_space<vmem>> -> memref<8x128xf32, #tpu.memory_space<vmem>>
    %dma_wait3A_333 = arith.constant 0 : i32
    %dma_wait3A_334 = arith.constant 0 : i32
    %dma_wait3A_335 = tpu.memref_slice %arg4[%dma_wait3A_328, %dma_wait3A_329, %add3A, %dma_wait3A_333, %dma_wait3A_334] : memref<26x8x32x8x128xf32, #tpu.memory_space<hbm>> -> memref<1x1x1x8x128xf32, #tpu.memory_space<hbm>>
    %dma_wait3A_336 = tpu.memref_squeeze %dma_wait3A_335 : memref<1x1x1x8x128xf32, #tpu.memory_space<hbm>> -> memref<8x128xf32, #tpu.memory_space<hbm>>
    %dma_wait3A_337 = arith.constant 0 : i32
    %dma_wait3A_338 = arith.constant 0 : i32
    %dma_wait3A_339 = tpu.memref_slice %arg4[%dma_wait3A_328, %dma_wait3A_329, %add3A, %dma_wait3A_337, %dma_wait3A_338] : memref<26x8x32x8x128xf32, #tpu.memory_space<hbm>> -> memref<1x1x1x8x128xf32, #tpu.memory_space<hbm>>
    %dma_wait3A_340 = tpu.memref_squeeze %dma_wait3A_339 : memref<1x1x1x8x128xf32, #tpu.memory_space<hbm>> -> memref<8x128xf32, #tpu.memory_space<hbm>>
    %dma_wait3A_341 = arith.constant 8 : i32
    %dma_wait3A_342 = arith.constant 0 : i32
    %dma_wait3A_343 = tpu.memref_slice %arg9[%dma_wait3A_341, %dma_wait3A_342] : memref<64x130xf32, #tpu.memory_space<vmem>> -> memref<8x128xf32, #tpu.memory_space<vmem>>
    tpu.wait_dma2 semaphore(%arg13 : memref<!tpu.dma_semaphore, #tpu.memory_space<semaphore_mem>>) src(%dma_wait3A_343 : memref<8x128xf32, #tpu.memory_space<vmem>>) dst(%dma_wait3A_340 : memref<8x128xf32, #tpu.memory_space<hbm>>)
    %dma_wait3A_344 = arith.constant 22 : i32
    %dma_wait3A_345 = arith.constant 2 : i32
    %dma_wait3A_346 = arith.constant 16 : i32
    %dma_wait3A_347 = arith.constant 0 : i32
    %dma_wait3A_348 = tpu.memref_slice %arg9[%dma_wait3A_346, %dma_wait3A_347] : memref<64x130xf32, #tpu.memory_space<vmem>> -> memref<8x128xf32, #tpu.memory_space<vmem>>
    %dma_wait3A_349 = arith.constant 0 : i32
    %dma_wait3A_350 = arith.constant 0 : i32
    %dma_wait3A_351 = tpu.memref_slice %arg4[%dma_wait3A_344, %dma_wait3A_345, %add3A, %dma_wait3A_349, %dma_wait3A_350] : memref<26x8x32x8x128xf32, #tpu.memory_space<hbm>> -> memref<1x1x1x8x128xf32, #tpu.memory_space<hbm>>
    %dma_wait3A_352 = tpu.memref_squeeze %dma_wait3A_351 : memref<1x1x1x8x128xf32, #tpu.memory_space<hbm>> -> memref<8x128xf32, #tpu.memory_space<hbm>>
    %dma_wait3A_353 = arith.constant 0 : i32
    %dma_wait3A_354 = arith.constant 0 : i32
    %dma_wait3A_355 = tpu.memref_slice %arg4[%dma_wait3A_344, %dma_wait3A_345, %add3A, %dma_wait3A_353, %dma_wait3A_354] : memref<26x8x32x8x128xf32, #tpu.memory_space<hbm>> -> memref<1x1x1x8x128xf32, #tpu.memory_space<hbm>>
    %dma_wait3A_356 = tpu.memref_squeeze %dma_wait3A_355 : memref<1x1x1x8x128xf32, #tpu.memory_space<hbm>> -> memref<8x128xf32, #tpu.memory_space<hbm>>
    %dma_wait3A_357 = arith.constant 16 : i32
    %dma_wait3A_358 = arith.constant 0 : i32
    %dma_wait3A_359 = tpu.memref_slice %arg9[%dma_wait3A_357, %dma_wait3A_358] : memref<64x130xf32, #tpu.memory_space<vmem>> -> memref<8x128xf32, #tpu.memory_space<vmem>>
    tpu.wait_dma2 semaphore(%arg13 : memref<!tpu.dma_semaphore, #tpu.memory_space<semaphore_mem>>) src(%dma_wait3A_359 : memref<8x128xf32, #tpu.memory_space<vmem>>) dst(%dma_wait3A_356 : memref<8x128xf32, #tpu.memory_space<hbm>>)
    %dma_wait3A_360 = arith.constant 22 : i32
    %dma_wait3A_361 = arith.constant 3 : i32
    %dma_wait3A_362 = arith.constant 24 : i32
    %dma_wait3A_363 = arith.constant 0 : i32
    %dma_wait3A_364 = tpu.memref_slice %arg9[%dma_wait3A_362, %dma_wait3A_363] : memref<64x130xf32, #tpu.memory_space<vmem>> -> memref<8x128xf32, #tpu.memory_space<vmem>>
    %dma_wait3A_365 = arith.constant 0 : i32
    %dma_wait3A_366 = arith.constant 0 : i32
    %dma_wait3A_367 = tpu.memref_slice %arg4[%dma_wait3A_360, %dma_wait3A_361, %add3A, %dma_wait3A_365, %dma_wait3A_366] : memref<26x8x32x8x128xf32, #tpu.memory_space<hbm>> -> memref<1x1x1x8x128xf32, #tpu.memory_space<hbm>>
    %dma_wait3A_368 = tpu.memref_squeeze %dma_wait3A_367 : memref<1x1x1x8x128xf32, #tpu.memory_space<hbm>> -> memref<8x128xf32, #tpu.memory_space<hbm>>
    %dma_wait3A_369 = arith.constant 0 : i32
    %dma_wait3A_370 = arith.constant 0 : i32
    %dma_wait3A_371 = tpu.memref_slice %arg4[%dma_wait3A_360, %dma_wait3A_361, %add3A, %dma_wait3A_369, %dma_wait3A_370] : memref<26x8x32x8x128xf32, #tpu.memory_space<hbm>> -> memref<1x1x1x8x128xf32, #tpu.memory_space<hbm>>
    %dma_wait3A_372 = tpu.memref_squeeze %dma_wait3A_371 : memref<1x1x1x8x128xf32, #tpu.memory_space<hbm>> -> memref<8x128xf32, #tpu.memory_space<hbm>>
    %dma_wait3A_373 = arith.constant 24 : i32
    %dma_wait3A_374 = arith.constant 0 : i32
    %dma_wait3A_375 = tpu.memref_slice %arg9[%dma_wait3A_373, %dma_wait3A_374] : memref<64x130xf32, #tpu.memory_space<vmem>> -> memref<8x128xf32, #tpu.memory_space<vmem>>
    tpu.wait_dma2 semaphore(%arg13 : memref<!tpu.dma_semaphore, #tpu.memory_space<semaphore_mem>>) src(%dma_wait3A_375 : memref<8x128xf32, #tpu.memory_space<vmem>>) dst(%dma_wait3A_372 : memref<8x128xf32, #tpu.memory_space<hbm>>)
    %dma_wait3A_376 = arith.constant 22 : i32
    %dma_wait3A_377 = arith.constant 4 : i32
    %dma_wait3A_378 = arith.constant 32 : i32
    %dma_wait3A_379 = arith.constant 0 : i32
    %dma_wait3A_380 = tpu.memref_slice %arg9[%dma_wait3A_378, %dma_wait3A_379] : memref<64x130xf32, #tpu.memory_space<vmem>> -> memref<8x128xf32, #tpu.memory_space<vmem>>
    %dma_wait3A_381 = arith.constant 0 : i32
    %dma_wait3A_382 = arith.constant 0 : i32
    %dma_wait3A_383 = tpu.memref_slice %arg4[%dma_wait3A_376, %dma_wait3A_377, %add3A, %dma_wait3A_381, %dma_wait3A_382] : memref<26x8x32x8x128xf32, #tpu.memory_space<hbm>> -> memref<1x1x1x8x128xf32, #tpu.memory_space<hbm>>
    %dma_wait3A_384 = tpu.memref_squeeze %dma_wait3A_383 : memref<1x1x1x8x128xf32, #tpu.memory_space<hbm>> -> memref<8x128xf32, #tpu.memory_space<hbm>>
    %dma_wait3A_385 = arith.constant 0 : i32
    %dma_wait3A_386 = arith.constant 0 : i32
    %dma_wait3A_387 = tpu.memref_slice %arg4[%dma_wait3A_376, %dma_wait3A_377, %add3A, %dma_wait3A_385, %dma_wait3A_386] : memref<26x8x32x8x128xf32, #tpu.memory_space<hbm>> -> memref<1x1x1x8x128xf32, #tpu.memory_space<hbm>>
    %dma_wait3A_388 = tpu.memref_squeeze %dma_wait3A_387 : memref<1x1x1x8x128xf32, #tpu.memory_space<hbm>> -> memref<8x128xf32, #tpu.memory_space<hbm>>
    %dma_wait3A_389 = arith.constant 32 : i32
    %dma_wait3A_390 = arith.constant 0 : i32
    %dma_wait3A_391 = tpu.memref_slice %arg9[%dma_wait3A_389, %dma_wait3A_390] : memref<64x130xf32, #tpu.memory_space<vmem>> -> memref<8x128xf32, #tpu.memory_space<vmem>>
    tpu.wait_dma2 semaphore(%arg13 : memref<!tpu.dma_semaphore, #tpu.memory_space<semaphore_mem>>) src(%dma_wait3A_391 : memref<8x128xf32, #tpu.memory_space<vmem>>) dst(%dma_wait3A_388 : memref<8x128xf32, #tpu.memory_space<hbm>>)
    %dma_wait3A_392 = arith.constant 22 : i32
    %dma_wait3A_393 = arith.constant 5 : i32
    %dma_wait3A_394 = arith.constant 40 : i32
    %dma_wait3A_395 = arith.constant 0 : i32
    %dma_wait3A_396 = tpu.memref_slice %arg9[%dma_wait3A_394, %dma_wait3A_395] : memref<64x130xf32, #tpu.memory_space<vmem>> -> memref<8x128xf32, #tpu.memory_space<vmem>>
    %dma_wait3A_397 = arith.constant 0 : i32
    %dma_wait3A_398 = arith.constant 0 : i32
    %dma_wait3A_399 = tpu.memref_slice %arg4[%dma_wait3A_392, %dma_wait3A_393, %add3A, %dma_wait3A_397, %dma_wait3A_398] : memref<26x8x32x8x128xf32, #tpu.memory_space<hbm>> -> memref<1x1x1x8x128xf32, #tpu.memory_space<hbm>>
    %dma_wait3A_400 = tpu.memref_squeeze %dma_wait3A_399 : memref<1x1x1x8x128xf32, #tpu.memory_space<hbm>> -> memref<8x128xf32, #tpu.memory_space<hbm>>
    %dma_wait3A_401 = arith.constant 0 : i32
    %dma_wait3A_402 = arith.constant 0 : i32
    %dma_wait3A_403 = tpu.memref_slice %arg4[%dma_wait3A_392, %dma_wait3A_393, %add3A, %dma_wait3A_401, %dma_wait3A_402] : memref<26x8x32x8x128xf32, #tpu.memory_space<hbm>> -> memref<1x1x1x8x128xf32, #tpu.memory_space<hbm>>
    %dma_wait3A_404 = tpu.memref_squeeze %dma_wait3A_403 : memref<1x1x1x8x128xf32, #tpu.memory_space<hbm>> -> memref<8x128xf32, #tpu.memory_space<hbm>>
    %dma_wait3A_405 = arith.constant 40 : i32
    %dma_wait3A_406 = arith.constant 0 : i32
    %dma_wait3A_407 = tpu.memref_slice %arg9[%dma_wait3A_405, %dma_wait3A_406] : memref<64x130xf32, #tpu.memory_space<vmem>> -> memref<8x128xf32, #tpu.memory_space<vmem>>
    tpu.wait_dma2 semaphore(%arg13 : memref<!tpu.dma_semaphore, #tpu.memory_space<semaphore_mem>>) src(%dma_wait3A_407 : memref<8x128xf32, #tpu.memory_space<vmem>>) dst(%dma_wait3A_404 : memref<8x128xf32, #tpu.memory_space<hbm>>)
    %dma_wait3A_408 = arith.constant 22 : i32
    %dma_wait3A_409 = arith.constant 6 : i32
    %dma_wait3A_410 = arith.constant 48 : i32
    %dma_wait3A_411 = arith.constant 0 : i32
    %dma_wait3A_412 = tpu.memref_slice %arg9[%dma_wait3A_410, %dma_wait3A_411] : memref<64x130xf32, #tpu.memory_space<vmem>> -> memref<8x128xf32, #tpu.memory_space<vmem>>
    %dma_wait3A_413 = arith.constant 0 : i32
    %dma_wait3A_414 = arith.constant 0 : i32
    %dma_wait3A_415 = tpu.memref_slice %arg4[%dma_wait3A_408, %dma_wait3A_409, %add3A, %dma_wait3A_413, %dma_wait3A_414] : memref<26x8x32x8x128xf32, #tpu.memory_space<hbm>> -> memref<1x1x1x8x128xf32, #tpu.memory_space<hbm>>
    %dma_wait3A_416 = tpu.memref_squeeze %dma_wait3A_415 : memref<1x1x1x8x128xf32, #tpu.memory_space<hbm>> -> memref<8x128xf32, #tpu.memory_space<hbm>>
    %dma_wait3A_417 = arith.constant 0 : i32
    %dma_wait3A_418 = arith.constant 0 : i32
    %dma_wait3A_419 = tpu.memref_slice %arg4[%dma_wait3A_408, %dma_wait3A_409, %add3A, %dma_wait3A_417, %dma_wait3A_418] : memref<26x8x32x8x128xf32, #tpu.memory_space<hbm>> -> memref<1x1x1x8x128xf32, #tpu.memory_space<hbm>>
    %dma_wait3A_420 = tpu.memref_squeeze %dma_wait3A_419 : memref<1x1x1x8x128xf32, #tpu.memory_space<hbm>> -> memref<8x128xf32, #tpu.memory_space<hbm>>
    %dma_wait3A_421 = arith.constant 48 : i32
    %dma_wait3A_422 = arith.constant 0 : i32
    %dma_wait3A_423 = tpu.memref_slice %arg9[%dma_wait3A_421, %dma_wait3A_422] : memref<64x130xf32, #tpu.memory_space<vmem>> -> memref<8x128xf32, #tpu.memory_space<vmem>>
    tpu.wait_dma2 semaphore(%arg13 : memref<!tpu.dma_semaphore, #tpu.memory_space<semaphore_mem>>) src(%dma_wait3A_423 : memref<8x128xf32, #tpu.memory_space<vmem>>) dst(%dma_wait3A_420 : memref<8x128xf32, #tpu.memory_space<hbm>>)
    %dma_wait3A_424 = arith.constant 22 : i32
    %dma_wait3A_425 = arith.constant 7 : i32
    %dma_wait3A_426 = arith.constant 56 : i32
    %dma_wait3A_427 = arith.constant 0 : i32
    %dma_wait3A_428 = tpu.memref_slice %arg9[%dma_wait3A_426, %dma_wait3A_427] : memref<64x130xf32, #tpu.memory_space<vmem>> -> memref<8x128xf32, #tpu.memory_space<vmem>>
    %dma_wait3A_429 = arith.constant 0 : i32
    %dma_wait3A_430 = arith.constant 0 : i32
    %dma_wait3A_431 = tpu.memref_slice %arg4[%dma_wait3A_424, %dma_wait3A_425, %add3A, %dma_wait3A_429, %dma_wait3A_430] : memref<26x8x32x8x128xf32, #tpu.memory_space<hbm>> -> memref<1x1x1x8x128xf32, #tpu.memory_space<hbm>>
    %dma_wait3A_432 = tpu.memref_squeeze %dma_wait3A_431 : memref<1x1x1x8x128xf32, #tpu.memory_space<hbm>> -> memref<8x128xf32, #tpu.memory_space<hbm>>
    %dma_wait3A_433 = arith.constant 0 : i32
    %dma_wait3A_434 = arith.constant 0 : i32
    %dma_wait3A_435 = tpu.memref_slice %arg4[%dma_wait3A_424, %dma_wait3A_425, %add3A, %dma_wait3A_433, %dma_wait3A_434] : memref<26x8x32x8x128xf32, #tpu.memory_space<hbm>> -> memref<1x1x1x8x128xf32, #tpu.memory_space<hbm>>
    %dma_wait3A_436 = tpu.memref_squeeze %dma_wait3A_435 : memref<1x1x1x8x128xf32, #tpu.memory_space<hbm>> -> memref<8x128xf32, #tpu.memory_space<hbm>>
    %dma_wait3A_437 = arith.constant 56 : i32
    %dma_wait3A_438 = arith.constant 0 : i32
    %dma_wait3A_439 = tpu.memref_slice %arg9[%dma_wait3A_437, %dma_wait3A_438] : memref<64x130xf32, #tpu.memory_space<vmem>> -> memref<8x128xf32, #tpu.memory_space<vmem>>
    tpu.wait_dma2 semaphore(%arg13 : memref<!tpu.dma_semaphore, #tpu.memory_space<semaphore_mem>>) src(%dma_wait3A_439 : memref<8x128xf32, #tpu.memory_space<vmem>>) dst(%dma_wait3A_436 : memref<8x128xf32, #tpu.memory_space<hbm>>)
    %dma_wait3A_440 = arith.constant 24 : i32
    %dma_wait3A_441 = arith.constant 0 : i32
    %dma_wait3A_442 = tpu.memref_slice %arg6[%dma_wait3A_440, %dma_wait3A_441] : memref<26x128xi32, #tpu.memory_space<vmem>> -> memref<1x128xi32, #tpu.memory_space<vmem>>
    %dma_wait3A_443 = tpu.memref_squeeze %dma_wait3A_442 : memref<1x128xi32, #tpu.memory_space<vmem>> -> memref<128xi32, #tpu.memory_space<vmem>>
    %dma_wait3A_444 = arith.constant 0 : i32
    %dma_wait3A_445 = arith.constant 0 : i32
    %dma_wait3A_446 = tpu.memref_slice %arg2[%dma_wait3A_444, %dma_wait3A_445] : memref<200000x64xf32, #tpu.memory_space<hbm>> -> memref<200000x64xf32, #tpu.memory_space<hbm>>
    tpu.wait_indirect_dma semaphore(%arg11 : memref<!tpu.dma_semaphore, #tpu.memory_space<semaphore_mem>>) src(%dma_wait3A_446 : memref<200000x64xf32, #tpu.memory_space<hbm>>) dst(%arg7 : memref<128x64xf32, #tpu.memory_space<vmem>>)
    %parallel_loop3A_447 = arith.constant 0 : i32
    %parallel_loop3A_448 = arith.constant 128 : i32
    %parallel_loop3A_449 = arith.constant 1 : i32
    scf.for %parallel_loop3A_1100 = %parallel_loop3A_447 to %parallel_loop3A_448 step %parallel_loop3A_449  : i32 {
      %parallel_loop3A_1101 = arith.index_cast %parallel_loop3A_1100 : i32 to index
      %parallel_loop3A_1102 = arith.constant 0 : index
      %parallel_loop3A_1103 = tpu.vector_load %arg7[%parallel_loop3A_1101, %parallel_loop3A_1102] {strides = array<i32>} : memref<128x64xf32, #tpu.memory_space<vmem>>, vector<16xf32>,
      %parallel_loop3A_1104 = tpu.iota {dimensions = array<i32: 0>} : vector<16xi32>
      %parallel_loop3A_1105 = arith.constant 0 : i32
      %parallel_loop3A_1106 = vector.broadcast %parallel_loop3A_1105 : i32 to vector<16xi32>
      %parallel_loop3A_1107 = arith.addi %parallel_loop3A_1106, %parallel_loop3A_1104 : vector<16xi32>
      %parallel_loop3A_1108 = vector.broadcast %parallel_loop3A_1100 : i32 to vector<16xi32>
      tpu.vector_store_idx %arg9[%parallel_loop3A_1107, %parallel_loop3A_1108], %parallel_loop3A_1103 : memref<64x130xf32, #tpu.memory_space<vmem>>[vector<16xi32>, vector<16xi32>], vector<16xf32>,
      %parallel_loop3A_1109 = arith.index_cast %parallel_loop3A_1100 : i32 to index
      %parallel_loop3A_1110 = arith.constant 16 : index
      %parallel_loop3A_1111 = tpu.vector_load %arg7[%parallel_loop3A_1109, %parallel_loop3A_1110] {strides = array<i32>} : memref<128x64xf32, #tpu.memory_space<vmem>>, vector<16xf32>,
      %parallel_loop3A_1112 = tpu.iota {dimensions = array<i32: 0>} : vector<16xi32>
      %parallel_loop3A_1113 = arith.constant 16 : i32
      %parallel_loop3A_1114 = vector.broadcast %parallel_loop3A_1113 : i32 to vector<16xi32>
      %parallel_loop3A_1115 = arith.addi %parallel_loop3A_1114, %parallel_loop3A_1112 : vector<16xi32>
      %parallel_loop3A_1116 = vector.broadcast %parallel_loop3A_1100 : i32 to vector<16xi32>
      tpu.vector_store_idx %arg9[%parallel_loop3A_1115, %parallel_loop3A_1116], %parallel_loop3A_1111 : memref<64x130xf32, #tpu.memory_space<vmem>>[vector<16xi32>, vector<16xi32>], vector<16xf32>,
      %parallel_loop3A_1117 = arith.index_cast %parallel_loop3A_1100 : i32 to index
      %parallel_loop3A_1118 = arith.constant 32 : index
      %parallel_loop3A_1119 = tpu.vector_load %arg7[%parallel_loop3A_1117, %parallel_loop3A_1118] {strides = array<i32>} : memref<128x64xf32, #tpu.memory_space<vmem>>, vector<16xf32>,
      %parallel_loop3A_1120 = tpu.iota {dimensions = array<i32: 0>} : vector<16xi32>
      %parallel_loop3A_1121 = arith.constant 32 : i32
      %parallel_loop3A_1122 = vector.broadcast %parallel_loop3A_1121 : i32 to vector<16xi32>
      %parallel_loop3A_1123 = arith.addi %parallel_loop3A_1122, %parallel_loop3A_1120 : vector<16xi32>
      %parallel_loop3A_1124 = vector.broadcast %parallel_loop3A_1100 : i32 to vector<16xi32>
      tpu.vector_store_idx %arg9[%parallel_loop3A_1123, %parallel_loop3A_1124], %parallel_loop3A_1119 : memref<64x130xf32, #tpu.memory_space<vmem>>[vector<16xi32>, vector<16xi32>], vector<16xf32>,
      %parallel_loop3A_1125 = arith.index_cast %parallel_loop3A_1100 : i32 to index
      %parallel_loop3A_1126 = arith.constant 48 : index
      %parallel_loop3A_1127 = tpu.vector_load %arg7[%parallel_loop3A_1125, %parallel_loop3A_1126] {strides = array<i32>} : memref<128x64xf32, #tpu.memory_space<vmem>>, vector<16xf32>,
      %parallel_loop3A_1128 = tpu.iota {dimensions = array<i32: 0>} : vector<16xi32>
      %parallel_loop3A_1129 = arith.constant 48 : i32
      %parallel_loop3A_1130 = vector.broadcast %parallel_loop3A_1129 : i32 to vector<16xi32>
      %parallel_loop3A_1131 = arith.addi %parallel_loop3A_1130, %parallel_loop3A_1128 : vector<16xi32>
      %parallel_loop3A_1132 = vector.broadcast %parallel_loop3A_1100 : i32 to vector<16xi32>
      tpu.vector_store_idx %arg9[%parallel_loop3A_1131, %parallel_loop3A_1132], %parallel_loop3A_1127 : memref<64x130xf32, #tpu.memory_space<vmem>>[vector<16xi32>, vector<16xi32>], vector<16xf32>,
    } {sc.loop_unroll_factor = 4 : i64, sc.parallel_access}
    %dma_start3A_450 = arith.constant 24 : i32
    %dma_start3A_451 = arith.constant 0 : i32
    %dma_start3A_452 = arith.constant 0 : i32
    %dma_start3A_453 = arith.constant 0 : i32
    %dma_start3A_454 = tpu.memref_slice %arg9[%dma_start3A_452, %dma_start3A_453] : memref<64x130xf32, #tpu.memory_space<vmem>> -> memref<8x128xf32, #tpu.memory_space<vmem>>
    %dma_start3A_455 = arith.constant 0 : i32
    %dma_start3A_456 = arith.constant 0 : i32
    %dma_start3A_457 = tpu.memref_slice %arg4[%dma_start3A_450, %dma_start3A_451, %add3A, %dma_start3A_455, %dma_start3A_456] : memref<26x8x32x8x128xf32, #tpu.memory_space<hbm>> -> memref<1x1x1x8x128xf32, #tpu.memory_space<hbm>>
    %dma_start3A_458 = tpu.memref_squeeze %dma_start3A_457 : memref<1x1x1x8x128xf32, #tpu.memory_space<hbm>> -> memref<8x128xf32, #tpu.memory_space<hbm>>
    %dma_start3A_459 = arith.constant 0 : i32
    %dma_start3A_460 = arith.constant 0 : i32
    %dma_start3A_461 = tpu.memref_slice %arg4[%dma_start3A_450, %dma_start3A_451, %add3A, %dma_start3A_459, %dma_start3A_460] : memref<26x8x32x8x128xf32, #tpu.memory_space<hbm>> -> memref<1x1x1x8x128xf32, #tpu.memory_space<hbm>>
    %dma_start3A_462 = tpu.memref_squeeze %dma_start3A_461 : memref<1x1x1x8x128xf32, #tpu.memory_space<hbm>> -> memref<8x128xf32, #tpu.memory_space<hbm>>
    %dma_start3A_463 = arith.constant 0 : i32
    %dma_start3A_464 = arith.constant 0 : i32
    %dma_start3A_465 = tpu.memref_slice %arg9[%dma_start3A_463, %dma_start3A_464] : memref<64x130xf32, #tpu.memory_space<vmem>> -> memref<8x128xf32, #tpu.memory_space<vmem>>
    tpu.enqueue_dma source(%dma_start3A_465 : memref<8x128xf32, #tpu.memory_space<vmem>>) target(%dma_start3A_462 : memref<8x128xf32, #tpu.memory_space<hbm>>) target_semaphore(%arg13 : memref<!tpu.dma_semaphore, #tpu.memory_space<semaphore_mem>>)
    %dma_start3A_466 = arith.constant 24 : i32
    %dma_start3A_467 = arith.constant 1 : i32
    %dma_start3A_468 = arith.constant 8 : i32
    %dma_start3A_469 = arith.constant 0 : i32
    %dma_start3A_470 = tpu.memref_slice %arg9[%dma_start3A_468, %dma_start3A_469] : memref<64x130xf32, #tpu.memory_space<vmem>> -> memref<8x128xf32, #tpu.memory_space<vmem>>
    %dma_start3A_471 = arith.constant 0 : i32
    %dma_start3A_472 = arith.constant 0 : i32
    %dma_start3A_473 = tpu.memref_slice %arg4[%dma_start3A_466, %dma_start3A_467, %add3A, %dma_start3A_471, %dma_start3A_472] : memref<26x8x32x8x128xf32, #tpu.memory_space<hbm>> -> memref<1x1x1x8x128xf32, #tpu.memory_space<hbm>>
    %dma_start3A_474 = tpu.memref_squeeze %dma_start3A_473 : memref<1x1x1x8x128xf32, #tpu.memory_space<hbm>> -> memref<8x128xf32, #tpu.memory_space<hbm>>
    %dma_start3A_475 = arith.constant 0 : i32
    %dma_start3A_476 = arith.constant 0 : i32
    %dma_start3A_477 = tpu.memref_slice %arg4[%dma_start3A_466, %dma_start3A_467, %add3A, %dma_start3A_475, %dma_start3A_476] : memref<26x8x32x8x128xf32, #tpu.memory_space<hbm>> -> memref<1x1x1x8x128xf32, #tpu.memory_space<hbm>>
    %dma_start3A_478 = tpu.memref_squeeze %dma_start3A_477 : memref<1x1x1x8x128xf32, #tpu.memory_space<hbm>> -> memref<8x128xf32, #tpu.memory_space<hbm>>
    %dma_start3A_479 = arith.constant 8 : i32
    %dma_start3A_480 = arith.constant 0 : i32
    %dma_start3A_481 = tpu.memref_slice %arg9[%dma_start3A_479, %dma_start3A_480] : memref<64x130xf32, #tpu.memory_space<vmem>> -> memref<8x128xf32, #tpu.memory_space<vmem>>
    tpu.enqueue_dma source(%dma_start3A_481 : memref<8x128xf32, #tpu.memory_space<vmem>>) target(%dma_start3A_478 : memref<8x128xf32, #tpu.memory_space<hbm>>) target_semaphore(%arg13 : memref<!tpu.dma_semaphore, #tpu.memory_space<semaphore_mem>>)
    %dma_start3A_482 = arith.constant 24 : i32
    %dma_start3A_483 = arith.constant 2 : i32
    %dma_start3A_484 = arith.constant 16 : i32
    %dma_start3A_485 = arith.constant 0 : i32
    %dma_start3A_486 = tpu.memref_slice %arg9[%dma_start3A_484, %dma_start3A_485] : memref<64x130xf32, #tpu.memory_space<vmem>> -> memref<8x128xf32, #tpu.memory_space<vmem>>
    %dma_start3A_487 = arith.constant 0 : i32
    %dma_start3A_488 = arith.constant 0 : i32
    %dma_start3A_489 = tpu.memref_slice %arg4[%dma_start3A_482, %dma_start3A_483, %add3A, %dma_start3A_487, %dma_start3A_488] : memref<26x8x32x8x128xf32, #tpu.memory_space<hbm>> -> memref<1x1x1x8x128xf32, #tpu.memory_space<hbm>>
    %dma_start3A_490 = tpu.memref_squeeze %dma_start3A_489 : memref<1x1x1x8x128xf32, #tpu.memory_space<hbm>> -> memref<8x128xf32, #tpu.memory_space<hbm>>
    %dma_start3A_491 = arith.constant 0 : i32
    %dma_start3A_492 = arith.constant 0 : i32
    %dma_start3A_493 = tpu.memref_slice %arg4[%dma_start3A_482, %dma_start3A_483, %add3A, %dma_start3A_491, %dma_start3A_492] : memref<26x8x32x8x128xf32, #tpu.memory_space<hbm>> -> memref<1x1x1x8x128xf32, #tpu.memory_space<hbm>>
    %dma_start3A_494 = tpu.memref_squeeze %dma_start3A_493 : memref<1x1x1x8x128xf32, #tpu.memory_space<hbm>> -> memref<8x128xf32, #tpu.memory_space<hbm>>
    %dma_start3A_495 = arith.constant 16 : i32
    %dma_start3A_496 = arith.constant 0 : i32
    %dma_start3A_497 = tpu.memref_slice %arg9[%dma_start3A_495, %dma_start3A_496] : memref<64x130xf32, #tpu.memory_space<vmem>> -> memref<8x128xf32, #tpu.memory_space<vmem>>
    tpu.enqueue_dma source(%dma_start3A_497 : memref<8x128xf32, #tpu.memory_space<vmem>>) target(%dma_start3A_494 : memref<8x128xf32, #tpu.memory_space<hbm>>) target_semaphore(%arg13 : memref<!tpu.dma_semaphore, #tpu.memory_space<semaphore_mem>>)
    %dma_start3A_498 = arith.constant 24 : i32
    %dma_start3A_499 = arith.constant 3 : i32
    %dma_start3A_500 = arith.constant 24 : i32
    %dma_start3A_501 = arith.constant 0 : i32
    %dma_start3A_502 = tpu.memref_slice %arg9[%dma_start3A_500, %dma_start3A_501] : memref<64x130xf32, #tpu.memory_space<vmem>> -> memref<8x128xf32, #tpu.memory_space<vmem>>
    %dma_start3A_503 = arith.constant 0 : i32
    %dma_start3A_504 = arith.constant 0 : i32
    %dma_start3A_505 = tpu.memref_slice %arg4[%dma_start3A_498, %dma_start3A_499, %add3A, %dma_start3A_503, %dma_start3A_504] : memref<26x8x32x8x128xf32, #tpu.memory_space<hbm>> -> memref<1x1x1x8x128xf32, #tpu.memory_space<hbm>>
    %dma_start3A_506 = tpu.memref_squeeze %dma_start3A_505 : memref<1x1x1x8x128xf32, #tpu.memory_space<hbm>> -> memref<8x128xf32, #tpu.memory_space<hbm>>
    %dma_start3A_507 = arith.constant 0 : i32
    %dma_start3A_508 = arith.constant 0 : i32
    %dma_start3A_509 = tpu.memref_slice %arg4[%dma_start3A_498, %dma_start3A_499, %add3A, %dma_start3A_507, %dma_start3A_508] : memref<26x8x32x8x128xf32, #tpu.memory_space<hbm>> -> memref<1x1x1x8x128xf32, #tpu.memory_space<hbm>>
    %dma_start3A_510 = tpu.memref_squeeze %dma_start3A_509 : memref<1x1x1x8x128xf32, #tpu.memory_space<hbm>> -> memref<8x128xf32, #tpu.memory_space<hbm>>
    %dma_start3A_511 = arith.constant 24 : i32
    %dma_start3A_512 = arith.constant 0 : i32
    %dma_start3A_513 = tpu.memref_slice %arg9[%dma_start3A_511, %dma_start3A_512] : memref<64x130xf32, #tpu.memory_space<vmem>> -> memref<8x128xf32, #tpu.memory_space<vmem>>
    tpu.enqueue_dma source(%dma_start3A_513 : memref<8x128xf32, #tpu.memory_space<vmem>>) target(%dma_start3A_510 : memref<8x128xf32, #tpu.memory_space<hbm>>) target_semaphore(%arg13 : memref<!tpu.dma_semaphore, #tpu.memory_space<semaphore_mem>>)
    %dma_start3A_514 = arith.constant 24 : i32
    %dma_start3A_515 = arith.constant 4 : i32
    %dma_start3A_516 = arith.constant 32 : i32
    %dma_start3A_517 = arith.constant 0 : i32
    %dma_start3A_518 = tpu.memref_slice %arg9[%dma_start3A_516, %dma_start3A_517] : memref<64x130xf32, #tpu.memory_space<vmem>> -> memref<8x128xf32, #tpu.memory_space<vmem>>
    %dma_start3A_519 = arith.constant 0 : i32
    %dma_start3A_520 = arith.constant 0 : i32
    %dma_start3A_521 = tpu.memref_slice %arg4[%dma_start3A_514, %dma_start3A_515, %add3A, %dma_start3A_519, %dma_start3A_520] : memref<26x8x32x8x128xf32, #tpu.memory_space<hbm>> -> memref<1x1x1x8x128xf32, #tpu.memory_space<hbm>>
    %dma_start3A_522 = tpu.memref_squeeze %dma_start3A_521 : memref<1x1x1x8x128xf32, #tpu.memory_space<hbm>> -> memref<8x128xf32, #tpu.memory_space<hbm>>
    %dma_start3A_523 = arith.constant 0 : i32
    %dma_start3A_524 = arith.constant 0 : i32
    %dma_start3A_525 = tpu.memref_slice %arg4[%dma_start3A_514, %dma_start3A_515, %add3A, %dma_start3A_523, %dma_start3A_524] : memref<26x8x32x8x128xf32, #tpu.memory_space<hbm>> -> memref<1x1x1x8x128xf32, #tpu.memory_space<hbm>>
    %dma_start3A_526 = tpu.memref_squeeze %dma_start3A_525 : memref<1x1x1x8x128xf32, #tpu.memory_space<hbm>> -> memref<8x128xf32, #tpu.memory_space<hbm>>
    %dma_start3A_527 = arith.constant 32 : i32
    %dma_start3A_528 = arith.constant 0 : i32
    %dma_start3A_529 = tpu.memref_slice %arg9[%dma_start3A_527, %dma_start3A_528] : memref<64x130xf32, #tpu.memory_space<vmem>> -> memref<8x128xf32, #tpu.memory_space<vmem>>
    tpu.enqueue_dma source(%dma_start3A_529 : memref<8x128xf32, #tpu.memory_space<vmem>>) target(%dma_start3A_526 : memref<8x128xf32, #tpu.memory_space<hbm>>) target_semaphore(%arg13 : memref<!tpu.dma_semaphore, #tpu.memory_space<semaphore_mem>>)
    %dma_start3A_530 = arith.constant 24 : i32
    %dma_start3A_531 = arith.constant 5 : i32
    %dma_start3A_532 = arith.constant 40 : i32
    %dma_start3A_533 = arith.constant 0 : i32
    %dma_start3A_534 = tpu.memref_slice %arg9[%dma_start3A_532, %dma_start3A_533] : memref<64x130xf32, #tpu.memory_space<vmem>> -> memref<8x128xf32, #tpu.memory_space<vmem>>
    %dma_start3A_535 = arith.constant 0 : i32
    %dma_start3A_536 = arith.constant 0 : i32
    %dma_start3A_537 = tpu.memref_slice %arg4[%dma_start3A_530, %dma_start3A_531, %add3A, %dma_start3A_535, %dma_start3A_536] : memref<26x8x32x8x128xf32, #tpu.memory_space<hbm>> -> memref<1x1x1x8x128xf32, #tpu.memory_space<hbm>>
    %dma_start3A_538 = tpu.memref_squeeze %dma_start3A_537 : memref<1x1x1x8x128xf32, #tpu.memory_space<hbm>> -> memref<8x128xf32, #tpu.memory_space<hbm>>
    %dma_start3A_539 = arith.constant 0 : i32
    %dma_start3A_540 = arith.constant 0 : i32
    %dma_start3A_541 = tpu.memref_slice %arg4[%dma_start3A_530, %dma_start3A_531, %add3A, %dma_start3A_539, %dma_start3A_540] : memref<26x8x32x8x128xf32, #tpu.memory_space<hbm>> -> memref<1x1x1x8x128xf32, #tpu.memory_space<hbm>>
    %dma_start3A_542 = tpu.memref_squeeze %dma_start3A_541 : memref<1x1x1x8x128xf32, #tpu.memory_space<hbm>> -> memref<8x128xf32, #tpu.memory_space<hbm>>
    %dma_start3A_543 = arith.constant 40 : i32
    %dma_start3A_544 = arith.constant 0 : i32
    %dma_start3A_545 = tpu.memref_slice %arg9[%dma_start3A_543, %dma_start3A_544] : memref<64x130xf32, #tpu.memory_space<vmem>> -> memref<8x128xf32, #tpu.memory_space<vmem>>
    tpu.enqueue_dma source(%dma_start3A_545 : memref<8x128xf32, #tpu.memory_space<vmem>>) target(%dma_start3A_542 : memref<8x128xf32, #tpu.memory_space<hbm>>) target_semaphore(%arg13 : memref<!tpu.dma_semaphore, #tpu.memory_space<semaphore_mem>>)
    %dma_start3A_546 = arith.constant 24 : i32
    %dma_start3A_547 = arith.constant 6 : i32
    %dma_start3A_548 = arith.constant 48 : i32
    %dma_start3A_549 = arith.constant 0 : i32
    %dma_start3A_550 = tpu.memref_slice %arg9[%dma_start3A_548, %dma_start3A_549] : memref<64x130xf32, #tpu.memory_space<vmem>> -> memref<8x128xf32, #tpu.memory_space<vmem>>
    %dma_start3A_551 = arith.constant 0 : i32
    %dma_start3A_552 = arith.constant 0 : i32
    %dma_start3A_553 = tpu.memref_slice %arg4[%dma_start3A_546, %dma_start3A_547, %add3A, %dma_start3A_551, %dma_start3A_552] : memref<26x8x32x8x128xf32, #tpu.memory_space<hbm>> -> memref<1x1x1x8x128xf32, #tpu.memory_space<hbm>>
    %dma_start3A_554 = tpu.memref_squeeze %dma_start3A_553 : memref<1x1x1x8x128xf32, #tpu.memory_space<hbm>> -> memref<8x128xf32, #tpu.memory_space<hbm>>
    %dma_start3A_555 = arith.constant 0 : i32
    %dma_start3A_556 = arith.constant 0 : i32
    %dma_start3A_557 = tpu.memref_slice %arg4[%dma_start3A_546, %dma_start3A_547, %add3A, %dma_start3A_555, %dma_start3A_556] : memref<26x8x32x8x128xf32, #tpu.memory_space<hbm>> -> memref<1x1x1x8x128xf32, #tpu.memory_space<hbm>>
    %dma_start3A_558 = tpu.memref_squeeze %dma_start3A_557 : memref<1x1x1x8x128xf32, #tpu.memory_space<hbm>> -> memref<8x128xf32, #tpu.memory_space<hbm>>
    %dma_start3A_559 = arith.constant 48 : i32
    %dma_start3A_560 = arith.constant 0 : i32
    %dma_start3A_561 = tpu.memref_slice %arg9[%dma_start3A_559, %dma_start3A_560] : memref<64x130xf32, #tpu.memory_space<vmem>> -> memref<8x128xf32, #tpu.memory_space<vmem>>
    tpu.enqueue_dma source(%dma_start3A_561 : memref<8x128xf32, #tpu.memory_space<vmem>>) target(%dma_start3A_558 : memref<8x128xf32, #tpu.memory_space<hbm>>) target_semaphore(%arg13 : memref<!tpu.dma_semaphore, #tpu.memory_space<semaphore_mem>>)
    %dma_start3A_562 = arith.constant 24 : i32
    %dma_start3A_563 = arith.constant 7 : i32
    %dma_start3A_564 = arith.constant 56 : i32
    %dma_start3A_565 = arith.constant 0 : i32
    %dma_start3A_566 = tpu.memref_slice %arg9[%dma_start3A_564, %dma_start3A_565] : memref<64x130xf32, #tpu.memory_space<vmem>> -> memref<8x128xf32, #tpu.memory_space<vmem>>
    %dma_start3A_567 = arith.constant 0 : i32
    %dma_start3A_568 = arith.constant 0 : i32
    %dma_start3A_569 = tpu.memref_slice %arg4[%dma_start3A_562, %dma_start3A_563, %add3A, %dma_start3A_567, %dma_start3A_568] : memref<26x8x32x8x128xf32, #tpu.memory_space<hbm>> -> memref<1x1x1x8x128xf32, #tpu.memory_space<hbm>>
    %dma_start3A_570 = tpu.memref_squeeze %dma_start3A_569 : memref<1x1x1x8x128xf32, #tpu.memory_space<hbm>> -> memref<8x128xf32, #tpu.memory_space<hbm>>
    %dma_start3A_571 = arith.constant 0 : i32
    %dma_start3A_572 = arith.constant 0 : i32
    %dma_start3A_573 = tpu.memref_slice %arg4[%dma_start3A_562, %dma_start3A_563, %add3A, %dma_start3A_571, %dma_start3A_572] : memref<26x8x32x8x128xf32, #tpu.memory_space<hbm>> -> memref<1x1x1x8x128xf32, #tpu.memory_space<hbm>>
    %dma_start3A_574 = tpu.memref_squeeze %dma_start3A_573 : memref<1x1x1x8x128xf32, #tpu.memory_space<hbm>> -> memref<8x128xf32, #tpu.memory_space<hbm>>
    %dma_start3A_575 = arith.constant 56 : i32
    %dma_start3A_576 = arith.constant 0 : i32
    %dma_start3A_577 = tpu.memref_slice %arg9[%dma_start3A_575, %dma_start3A_576] : memref<64x130xf32, #tpu.memory_space<vmem>> -> memref<8x128xf32, #tpu.memory_space<vmem>>
    tpu.enqueue_dma source(%dma_start3A_577 : memref<8x128xf32, #tpu.memory_space<vmem>>) target(%dma_start3A_574 : memref<8x128xf32, #tpu.memory_space<hbm>>) target_semaphore(%arg13 : memref<!tpu.dma_semaphore, #tpu.memory_space<semaphore_mem>>)
    %dma_wait3A_578 = arith.constant 23 : i32
    %dma_wait3A_579 = arith.constant 0 : i32
    %dma_wait3A_580 = arith.constant 0 : i32
    %dma_wait3A_581 = arith.constant 0 : i32
    %dma_wait3A_582 = tpu.memref_slice %arg10[%dma_wait3A_580, %dma_wait3A_581] : memref<64x130xf32, #tpu.memory_space<vmem>> -> memref<8x128xf32, #tpu.memory_space<vmem>>
    %dma_wait3A_583 = arith.constant 0 : i32
    %dma_wait3A_584 = arith.constant 0 : i32
    %dma_wait3A_585 = tpu.memref_slice %arg4[%dma_wait3A_578, %dma_wait3A_579, %add3A, %dma_wait3A_583, %dma_wait3A_584] : memref<26x8x32x8x128xf32, #tpu.memory_space<hbm>> -> memref<1x1x1x8x128xf32, #tpu.memory_space<hbm>>
    %dma_wait3A_586 = tpu.memref_squeeze %dma_wait3A_585 : memref<1x1x1x8x128xf32, #tpu.memory_space<hbm>> -> memref<8x128xf32, #tpu.memory_space<hbm>>
    %dma_wait3A_587 = arith.constant 0 : i32
    %dma_wait3A_588 = arith.constant 0 : i32
    %dma_wait3A_589 = tpu.memref_slice %arg4[%dma_wait3A_578, %dma_wait3A_579, %add3A, %dma_wait3A_587, %dma_wait3A_588] : memref<26x8x32x8x128xf32, #tpu.memory_space<hbm>> -> memref<1x1x1x8x128xf32, #tpu.memory_space<hbm>>
    %dma_wait3A_590 = tpu.memref_squeeze %dma_wait3A_589 : memref<1x1x1x8x128xf32, #tpu.memory_space<hbm>> -> memref<8x128xf32, #tpu.memory_space<hbm>>
    %dma_wait3A_591 = arith.constant 0 : i32
    %dma_wait3A_592 = arith.constant 0 : i32
    %dma_wait3A_593 = tpu.memref_slice %arg10[%dma_wait3A_591, %dma_wait3A_592] : memref<64x130xf32, #tpu.memory_space<vmem>> -> memref<8x128xf32, #tpu.memory_space<vmem>>
    tpu.wait_dma2 semaphore(%arg14 : memref<!tpu.dma_semaphore, #tpu.memory_space<semaphore_mem>>) src(%dma_wait3A_593 : memref<8x128xf32, #tpu.memory_space<vmem>>) dst(%dma_wait3A_590 : memref<8x128xf32, #tpu.memory_space<hbm>>)
    %dma_wait3A_594 = arith.constant 23 : i32
    %dma_wait3A_595 = arith.constant 1 : i32
    %dma_wait3A_596 = arith.constant 8 : i32
    %dma_wait3A_597 = arith.constant 0 : i32
    %dma_wait3A_598 = tpu.memref_slice %arg10[%dma_wait3A_596, %dma_wait3A_597] : memref<64x130xf32, #tpu.memory_space<vmem>> -> memref<8x128xf32, #tpu.memory_space<vmem>>
    %dma_wait3A_599 = arith.constant 0 : i32
    %dma_wait3A_600 = arith.constant 0 : i32
    %dma_wait3A_601 = tpu.memref_slice %arg4[%dma_wait3A_594, %dma_wait3A_595, %add3A, %dma_wait3A_599, %dma_wait3A_600] : memref<26x8x32x8x128xf32, #tpu.memory_space<hbm>> -> memref<1x1x1x8x128xf32, #tpu.memory_space<hbm>>
    %dma_wait3A_602 = tpu.memref_squeeze %dma_wait3A_601 : memref<1x1x1x8x128xf32, #tpu.memory_space<hbm>> -> memref<8x128xf32, #tpu.memory_space<hbm>>
    %dma_wait3A_603 = arith.constant 0 : i32
    %dma_wait3A_604 = arith.constant 0 : i32
    %dma_wait3A_605 = tpu.memref_slice %arg4[%dma_wait3A_594, %dma_wait3A_595, %add3A, %dma_wait3A_603, %dma_wait3A_604] : memref<26x8x32x8x128xf32, #tpu.memory_space<hbm>> -> memref<1x1x1x8x128xf32, #tpu.memory_space<hbm>>
    %dma_wait3A_606 = tpu.memref_squeeze %dma_wait3A_605 : memref<1x1x1x8x128xf32, #tpu.memory_space<hbm>> -> memref<8x128xf32, #tpu.memory_space<hbm>>
    %dma_wait3A_607 = arith.constant 8 : i32
    %dma_wait3A_608 = arith.constant 0 : i32
    %dma_wait3A_609 = tpu.memref_slice %arg10[%dma_wait3A_607, %dma_wait3A_608] : memref<64x130xf32, #tpu.memory_space<vmem>> -> memref<8x128xf32, #tpu.memory_space<vmem>>
    tpu.wait_dma2 semaphore(%arg14 : memref<!tpu.dma_semaphore, #tpu.memory_space<semaphore_mem>>) src(%dma_wait3A_609 : memref<8x128xf32, #tpu.memory_space<vmem>>) dst(%dma_wait3A_606 : memref<8x128xf32, #tpu.memory_space<hbm>>)
    %dma_wait3A_610 = arith.constant 23 : i32
    %dma_wait3A_611 = arith.constant 2 : i32
    %dma_wait3A_612 = arith.constant 16 : i32
    %dma_wait3A_613 = arith.constant 0 : i32
    %dma_wait3A_614 = tpu.memref_slice %arg10[%dma_wait3A_612, %dma_wait3A_613] : memref<64x130xf32, #tpu.memory_space<vmem>> -> memref<8x128xf32, #tpu.memory_space<vmem>>
    %dma_wait3A_615 = arith.constant 0 : i32
    %dma_wait3A_616 = arith.constant 0 : i32
    %dma_wait3A_617 = tpu.memref_slice %arg4[%dma_wait3A_610, %dma_wait3A_611, %add3A, %dma_wait3A_615, %dma_wait3A_616] : memref<26x8x32x8x128xf32, #tpu.memory_space<hbm>> -> memref<1x1x1x8x128xf32, #tpu.memory_space<hbm>>
    %dma_wait3A_618 = tpu.memref_squeeze %dma_wait3A_617 : memref<1x1x1x8x128xf32, #tpu.memory_space<hbm>> -> memref<8x128xf32, #tpu.memory_space<hbm>>
    %dma_wait3A_619 = arith.constant 0 : i32
    %dma_wait3A_620 = arith.constant 0 : i32
    %dma_wait3A_621 = tpu.memref_slice %arg4[%dma_wait3A_610, %dma_wait3A_611, %add3A, %dma_wait3A_619, %dma_wait3A_620] : memref<26x8x32x8x128xf32, #tpu.memory_space<hbm>> -> memref<1x1x1x8x128xf32, #tpu.memory_space<hbm>>
    %dma_wait3A_622 = tpu.memref_squeeze %dma_wait3A_621 : memref<1x1x1x8x128xf32, #tpu.memory_space<hbm>> -> memref<8x128xf32, #tpu.memory_space<hbm>>
    %dma_wait3A_623 = arith.constant 16 : i32
    %dma_wait3A_624 = arith.constant 0 : i32
    %dma_wait3A_625 = tpu.memref_slice %arg10[%dma_wait3A_623, %dma_wait3A_624] : memref<64x130xf32, #tpu.memory_space<vmem>> -> memref<8x128xf32, #tpu.memory_space<vmem>>
    tpu.wait_dma2 semaphore(%arg14 : memref<!tpu.dma_semaphore, #tpu.memory_space<semaphore_mem>>) src(%dma_wait3A_625 : memref<8x128xf32, #tpu.memory_space<vmem>>) dst(%dma_wait3A_622 : memref<8x128xf32, #tpu.memory_space<hbm>>)
    %dma_wait3A_626 = arith.constant 23 : i32
    %dma_wait3A_627 = arith.constant 3 : i32
    %dma_wait3A_628 = arith.constant 24 : i32
    %dma_wait3A_629 = arith.constant 0 : i32
    %dma_wait3A_630 = tpu.memref_slice %arg10[%dma_wait3A_628, %dma_wait3A_629] : memref<64x130xf32, #tpu.memory_space<vmem>> -> memref<8x128xf32, #tpu.memory_space<vmem>>
    %dma_wait3A_631 = arith.constant 0 : i32
    %dma_wait3A_632 = arith.constant 0 : i32
    %dma_wait3A_633 = tpu.memref_slice %arg4[%dma_wait3A_626, %dma_wait3A_627, %add3A, %dma_wait3A_631, %dma_wait3A_632] : memref<26x8x32x8x128xf32, #tpu.memory_space<hbm>> -> memref<1x1x1x8x128xf32, #tpu.memory_space<hbm>>
    %dma_wait3A_634 = tpu.memref_squeeze %dma_wait3A_633 : memref<1x1x1x8x128xf32, #tpu.memory_space<hbm>> -> memref<8x128xf32, #tpu.memory_space<hbm>>
    %dma_wait3A_635 = arith.constant 0 : i32
    %dma_wait3A_636 = arith.constant 0 : i32
    %dma_wait3A_637 = tpu.memref_slice %arg4[%dma_wait3A_626, %dma_wait3A_627, %add3A, %dma_wait3A_635, %dma_wait3A_636] : memref<26x8x32x8x128xf32, #tpu.memory_space<hbm>> -> memref<1x1x1x8x128xf32, #tpu.memory_space<hbm>>
    %dma_wait3A_638 = tpu.memref_squeeze %dma_wait3A_637 : memref<1x1x1x8x128xf32, #tpu.memory_space<hbm>> -> memref<8x128xf32, #tpu.memory_space<hbm>>
    %dma_wait3A_639 = arith.constant 24 : i32
    %dma_wait3A_640 = arith.constant 0 : i32
    %dma_wait3A_641 = tpu.memref_slice %arg10[%dma_wait3A_639, %dma_wait3A_640] : memref<64x130xf32, #tpu.memory_space<vmem>> -> memref<8x128xf32, #tpu.memory_space<vmem>>
    tpu.wait_dma2 semaphore(%arg14 : memref<!tpu.dma_semaphore, #tpu.memory_space<semaphore_mem>>) src(%dma_wait3A_641 : memref<8x128xf32, #tpu.memory_space<vmem>>) dst(%dma_wait3A_638 : memref<8x128xf32, #tpu.memory_space<hbm>>)
    %dma_wait3A_642 = arith.constant 23 : i32
    %dma_wait3A_643 = arith.constant 4 : i32
    %dma_wait3A_644 = arith.constant 32 : i32
    %dma_wait3A_645 = arith.constant 0 : i32
    %dma_wait3A_646 = tpu.memref_slice %arg10[%dma_wait3A_644, %dma_wait3A_645] : memref<64x130xf32, #tpu.memory_space<vmem>> -> memref<8x128xf32, #tpu.memory_space<vmem>>
    %dma_wait3A_647 = arith.constant 0 : i32
    %dma_wait3A_648 = arith.constant 0 : i32
    %dma_wait3A_649 = tpu.memref_slice %arg4[%dma_wait3A_642, %dma_wait3A_643, %add3A, %dma_wait3A_647, %dma_wait3A_648] : memref<26x8x32x8x128xf32, #tpu.memory_space<hbm>> -> memref<1x1x1x8x128xf32, #tpu.memory_space<hbm>>
    %dma_wait3A_650 = tpu.memref_squeeze %dma_wait3A_649 : memref<1x1x1x8x128xf32, #tpu.memory_space<hbm>> -> memref<8x128xf32, #tpu.memory_space<hbm>>
    %dma_wait3A_651 = arith.constant 0 : i32
    %dma_wait3A_652 = arith.constant 0 : i32
    %dma_wait3A_653 = tpu.memref_slice %arg4[%dma_wait3A_642, %dma_wait3A_643, %add3A, %dma_wait3A_651, %dma_wait3A_652] : memref<26x8x32x8x128xf32, #tpu.memory_space<hbm>> -> memref<1x1x1x8x128xf32, #tpu.memory_space<hbm>>
    %dma_wait3A_654 = tpu.memref_squeeze %dma_wait3A_653 : memref<1x1x1x8x128xf32, #tpu.memory_space<hbm>> -> memref<8x128xf32, #tpu.memory_space<hbm>>
    %dma_wait3A_655 = arith.constant 32 : i32
    %dma_wait3A_656 = arith.constant 0 : i32
    %dma_wait3A_657 = tpu.memref_slice %arg10[%dma_wait3A_655, %dma_wait3A_656] : memref<64x130xf32, #tpu.memory_space<vmem>> -> memref<8x128xf32, #tpu.memory_space<vmem>>
    tpu.wait_dma2 semaphore(%arg14 : memref<!tpu.dma_semaphore, #tpu.memory_space<semaphore_mem>>) src(%dma_wait3A_657 : memref<8x128xf32, #tpu.memory_space<vmem>>) dst(%dma_wait3A_654 : memref<8x128xf32, #tpu.memory_space<hbm>>)
    %dma_wait3A_658 = arith.constant 23 : i32
    %dma_wait3A_659 = arith.constant 5 : i32
    %dma_wait3A_660 = arith.constant 40 : i32
    %dma_wait3A_661 = arith.constant 0 : i32
    %dma_wait3A_662 = tpu.memref_slice %arg10[%dma_wait3A_660, %dma_wait3A_661] : memref<64x130xf32, #tpu.memory_space<vmem>> -> memref<8x128xf32, #tpu.memory_space<vmem>>
    %dma_wait3A_663 = arith.constant 0 : i32
    %dma_wait3A_664 = arith.constant 0 : i32
    %dma_wait3A_665 = tpu.memref_slice %arg4[%dma_wait3A_658, %dma_wait3A_659, %add3A, %dma_wait3A_663, %dma_wait3A_664] : memref<26x8x32x8x128xf32, #tpu.memory_space<hbm>> -> memref<1x1x1x8x128xf32, #tpu.memory_space<hbm>>
    %dma_wait3A_666 = tpu.memref_squeeze %dma_wait3A_665 : memref<1x1x1x8x128xf32, #tpu.memory_space<hbm>> -> memref<8x128xf32, #tpu.memory_space<hbm>>
    %dma_wait3A_667 = arith.constant 0 : i32
    %dma_wait3A_668 = arith.constant 0 : i32
    %dma_wait3A_669 = tpu.memref_slice %arg4[%dma_wait3A_658, %dma_wait3A_659, %add3A, %dma_wait3A_667, %dma_wait3A_668] : memref<26x8x32x8x128xf32, #tpu.memory_space<hbm>> -> memref<1x1x1x8x128xf32, #tpu.memory_space<hbm>>
    %dma_wait3A_670 = tpu.memref_squeeze %dma_wait3A_669 : memref<1x1x1x8x128xf32, #tpu.memory_space<hbm>> -> memref<8x128xf32, #tpu.memory_space<hbm>>
    %dma_wait3A_671 = arith.constant 40 : i32
    %dma_wait3A_672 = arith.constant 0 : i32
    %dma_wait3A_673 = tpu.memref_slice %arg10[%dma_wait3A_671, %dma_wait3A_672] : memref<64x130xf32, #tpu.memory_space<vmem>> -> memref<8x128xf32, #tpu.memory_space<vmem>>
    tpu.wait_dma2 semaphore(%arg14 : memref<!tpu.dma_semaphore, #tpu.memory_space<semaphore_mem>>) src(%dma_wait3A_673 : memref<8x128xf32, #tpu.memory_space<vmem>>) dst(%dma_wait3A_670 : memref<8x128xf32, #tpu.memory_space<hbm>>)
    %dma_wait3A_674 = arith.constant 23 : i32
    %dma_wait3A_675 = arith.constant 6 : i32
    %dma_wait3A_676 = arith.constant 48 : i32
    %dma_wait3A_677 = arith.constant 0 : i32
    %dma_wait3A_678 = tpu.memref_slice %arg10[%dma_wait3A_676, %dma_wait3A_677] : memref<64x130xf32, #tpu.memory_space<vmem>> -> memref<8x128xf32, #tpu.memory_space<vmem>>
    %dma_wait3A_679 = arith.constant 0 : i32
    %dma_wait3A_680 = arith.constant 0 : i32
    %dma_wait3A_681 = tpu.memref_slice %arg4[%dma_wait3A_674, %dma_wait3A_675, %add3A, %dma_wait3A_679, %dma_wait3A_680] : memref<26x8x32x8x128xf32, #tpu.memory_space<hbm>> -> memref<1x1x1x8x128xf32, #tpu.memory_space<hbm>>
    %dma_wait3A_682 = tpu.memref_squeeze %dma_wait3A_681 : memref<1x1x1x8x128xf32, #tpu.memory_space<hbm>> -> memref<8x128xf32, #tpu.memory_space<hbm>>
    %dma_wait3A_683 = arith.constant 0 : i32
    %dma_wait3A_684 = arith.constant 0 : i32
    %dma_wait3A_685 = tpu.memref_slice %arg4[%dma_wait3A_674, %dma_wait3A_675, %add3A, %dma_wait3A_683, %dma_wait3A_684] : memref<26x8x32x8x128xf32, #tpu.memory_space<hbm>> -> memref<1x1x1x8x128xf32, #tpu.memory_space<hbm>>
    %dma_wait3A_686 = tpu.memref_squeeze %dma_wait3A_685 : memref<1x1x1x8x128xf32, #tpu.memory_space<hbm>> -> memref<8x128xf32, #tpu.memory_space<hbm>>
    %dma_wait3A_687 = arith.constant 48 : i32
    %dma_wait3A_688 = arith.constant 0 : i32
    %dma_wait3A_689 = tpu.memref_slice %arg10[%dma_wait3A_687, %dma_wait3A_688] : memref<64x130xf32, #tpu.memory_space<vmem>> -> memref<8x128xf32, #tpu.memory_space<vmem>>
    tpu.wait_dma2 semaphore(%arg14 : memref<!tpu.dma_semaphore, #tpu.memory_space<semaphore_mem>>) src(%dma_wait3A_689 : memref<8x128xf32, #tpu.memory_space<vmem>>) dst(%dma_wait3A_686 : memref<8x128xf32, #tpu.memory_space<hbm>>)
    %dma_wait3A_690 = arith.constant 23 : i32
    %dma_wait3A_691 = arith.constant 7 : i32
    %dma_wait3A_692 = arith.constant 56 : i32
    %dma_wait3A_693 = arith.constant 0 : i32
    %dma_wait3A_694 = tpu.memref_slice %arg10[%dma_wait3A_692, %dma_wait3A_693] : memref<64x130xf32, #tpu.memory_space<vmem>> -> memref<8x128xf32, #tpu.memory_space<vmem>>
    %dma_wait3A_695 = arith.constant 0 : i32
    %dma_wait3A_696 = arith.constant 0 : i32
    %dma_wait3A_697 = tpu.memref_slice %arg4[%dma_wait3A_690, %dma_wait3A_691, %add3A, %dma_wait3A_695, %dma_wait3A_696] : memref<26x8x32x8x128xf32, #tpu.memory_space<hbm>> -> memref<1x1x1x8x128xf32, #tpu.memory_space<hbm>>
    %dma_wait3A_698 = tpu.memref_squeeze %dma_wait3A_697 : memref<1x1x1x8x128xf32, #tpu.memory_space<hbm>> -> memref<8x128xf32, #tpu.memory_space<hbm>>
    %dma_wait3A_699 = arith.constant 0 : i32
    %dma_wait3A_700 = arith.constant 0 : i32
    %dma_wait3A_701 = tpu.memref_slice %arg4[%dma_wait3A_690, %dma_wait3A_691, %add3A, %dma_wait3A_699, %dma_wait3A_700] : memref<26x8x32x8x128xf32, #tpu.memory_space<hbm>> -> memref<1x1x1x8x128xf32, #tpu.memory_space<hbm>>
    %dma_wait3A_702 = tpu.memref_squeeze %dma_wait3A_701 : memref<1x1x1x8x128xf32, #tpu.memory_space<hbm>> -> memref<8x128xf32, #tpu.memory_space<hbm>>
    %dma_wait3A_703 = arith.constant 56 : i32
    %dma_wait3A_704 = arith.constant 0 : i32
    %dma_wait3A_705 = tpu.memref_slice %arg10[%dma_wait3A_703, %dma_wait3A_704] : memref<64x130xf32, #tpu.memory_space<vmem>> -> memref<8x128xf32, #tpu.memory_space<vmem>>
    tpu.wait_dma2 semaphore(%arg14 : memref<!tpu.dma_semaphore, #tpu.memory_space<semaphore_mem>>) src(%dma_wait3A_705 : memref<8x128xf32, #tpu.memory_space<vmem>>) dst(%dma_wait3A_702 : memref<8x128xf32, #tpu.memory_space<hbm>>)
    %dma_wait3A_706 = arith.constant 25 : i32
    %dma_wait3A_707 = arith.constant 0 : i32
    %dma_wait3A_708 = tpu.memref_slice %arg6[%dma_wait3A_706, %dma_wait3A_707] : memref<26x128xi32, #tpu.memory_space<vmem>> -> memref<1x128xi32, #tpu.memory_space<vmem>>
    %dma_wait3A_709 = tpu.memref_squeeze %dma_wait3A_708 : memref<1x128xi32, #tpu.memory_space<vmem>> -> memref<128xi32, #tpu.memory_space<vmem>>
    %dma_wait3A_710 = arith.constant 0 : i32
    %dma_wait3A_711 = arith.constant 0 : i32
    %dma_wait3A_712 = tpu.memref_slice %arg2[%dma_wait3A_710, %dma_wait3A_711] : memref<200000x64xf32, #tpu.memory_space<hbm>> -> memref<200000x64xf32, #tpu.memory_space<hbm>>
    tpu.wait_indirect_dma semaphore(%arg12 : memref<!tpu.dma_semaphore, #tpu.memory_space<semaphore_mem>>) src(%dma_wait3A_712 : memref<200000x64xf32, #tpu.memory_space<hbm>>) dst(%arg8 : memref<128x64xf32, #tpu.memory_space<vmem>>)
    %parallel_loop3A_713 = arith.constant 0 : i32
    %parallel_loop3A_714 = arith.constant 128 : i32
    %parallel_loop3A_715 = arith.constant 1 : i32
    scf.for %parallel_loop3A_1100 = %parallel_loop3A_713 to %parallel_loop3A_714 step %parallel_loop3A_715  : i32 {
      %parallel_loop3A_1101 = arith.index_cast %parallel_loop3A_1100 : i32 to index
      %parallel_loop3A_1102 = arith.constant 0 : index
      %parallel_loop3A_1103 = tpu.vector_load %arg8[%parallel_loop3A_1101, %parallel_loop3A_1102] {strides = array<i32>} : memref<128x64xf32, #tpu.memory_space<vmem>>, vector<16xf32>,
      %parallel_loop3A_1104 = tpu.iota {dimensions = array<i32: 0>} : vector<16xi32>
      %parallel_loop3A_1105 = arith.constant 0 : i32
      %parallel_loop3A_1106 = vector.broadcast %parallel_loop3A_1105 : i32 to vector<16xi32>
      %parallel_loop3A_1107 = arith.addi %parallel_loop3A_1106, %parallel_loop3A_1104 : vector<16xi32>
      %parallel_loop3A_1108 = vector.broadcast %parallel_loop3A_1100 : i32 to vector<16xi32>
      tpu.vector_store_idx %arg10[%parallel_loop3A_1107, %parallel_loop3A_1108], %parallel_loop3A_1103 : memref<64x130xf32, #tpu.memory_space<vmem>>[vector<16xi32>, vector<16xi32>], vector<16xf32>,
      %parallel_loop3A_1109 = arith.index_cast %parallel_loop3A_1100 : i32 to index
      %parallel_loop3A_1110 = arith.constant 16 : index
      %parallel_loop3A_1111 = tpu.vector_load %arg8[%parallel_loop3A_1109, %parallel_loop3A_1110] {strides = array<i32>} : memref<128x64xf32, #tpu.memory_space<vmem>>, vector<16xf32>,
      %parallel_loop3A_1112 = tpu.iota {dimensions = array<i32: 0>} : vector<16xi32>
      %parallel_loop3A_1113 = arith.constant 16 : i32
      %parallel_loop3A_1114 = vector.broadcast %parallel_loop3A_1113 : i32 to vector<16xi32>
      %parallel_loop3A_1115 = arith.addi %parallel_loop3A_1114, %parallel_loop3A_1112 : vector<16xi32>
      %parallel_loop3A_1116 = vector.broadcast %parallel_loop3A_1100 : i32 to vector<16xi32>
      tpu.vector_store_idx %arg10[%parallel_loop3A_1115, %parallel_loop3A_1116], %parallel_loop3A_1111 : memref<64x130xf32, #tpu.memory_space<vmem>>[vector<16xi32>, vector<16xi32>], vector<16xf32>,
      %parallel_loop3A_1117 = arith.index_cast %parallel_loop3A_1100 : i32 to index
      %parallel_loop3A_1118 = arith.constant 32 : index
      %parallel_loop3A_1119 = tpu.vector_load %arg8[%parallel_loop3A_1117, %parallel_loop3A_1118] {strides = array<i32>} : memref<128x64xf32, #tpu.memory_space<vmem>>, vector<16xf32>,
      %parallel_loop3A_1120 = tpu.iota {dimensions = array<i32: 0>} : vector<16xi32>
      %parallel_loop3A_1121 = arith.constant 32 : i32
      %parallel_loop3A_1122 = vector.broadcast %parallel_loop3A_1121 : i32 to vector<16xi32>
      %parallel_loop3A_1123 = arith.addi %parallel_loop3A_1122, %parallel_loop3A_1120 : vector<16xi32>
      %parallel_loop3A_1124 = vector.broadcast %parallel_loop3A_1100 : i32 to vector<16xi32>
      tpu.vector_store_idx %arg10[%parallel_loop3A_1123, %parallel_loop3A_1124], %parallel_loop3A_1119 : memref<64x130xf32, #tpu.memory_space<vmem>>[vector<16xi32>, vector<16xi32>], vector<16xf32>,
      %parallel_loop3A_1125 = arith.index_cast %parallel_loop3A_1100 : i32 to index
      %parallel_loop3A_1126 = arith.constant 48 : index
      %parallel_loop3A_1127 = tpu.vector_load %arg8[%parallel_loop3A_1125, %parallel_loop3A_1126] {strides = array<i32>} : memref<128x64xf32, #tpu.memory_space<vmem>>, vector<16xf32>,
      %parallel_loop3A_1128 = tpu.iota {dimensions = array<i32: 0>} : vector<16xi32>
      %parallel_loop3A_1129 = arith.constant 48 : i32
      %parallel_loop3A_1130 = vector.broadcast %parallel_loop3A_1129 : i32 to vector<16xi32>
      %parallel_loop3A_1131 = arith.addi %parallel_loop3A_1130, %parallel_loop3A_1128 : vector<16xi32>
      %parallel_loop3A_1132 = vector.broadcast %parallel_loop3A_1100 : i32 to vector<16xi32>
      tpu.vector_store_idx %arg10[%parallel_loop3A_1131, %parallel_loop3A_1132], %parallel_loop3A_1127 : memref<64x130xf32, #tpu.memory_space<vmem>>[vector<16xi32>, vector<16xi32>], vector<16xf32>,
    } {sc.loop_unroll_factor = 4 : i64, sc.parallel_access}
    %dma_start3A_716 = arith.constant 25 : i32
    %dma_start3A_717 = arith.constant 0 : i32
    %dma_start3A_718 = arith.constant 0 : i32
    %dma_start3A_719 = arith.constant 0 : i32
    %dma_start3A_720 = tpu.memref_slice %arg10[%dma_start3A_718, %dma_start3A_719] : memref<64x130xf32, #tpu.memory_space<vmem>> -> memref<8x128xf32, #tpu.memory_space<vmem>>
    %dma_start3A_721 = arith.constant 0 : i32
    %dma_start3A_722 = arith.constant 0 : i32
    %dma_start3A_723 = tpu.memref_slice %arg4[%dma_start3A_716, %dma_start3A_717, %add3A, %dma_start3A_721, %dma_start3A_722] : memref<26x8x32x8x128xf32, #tpu.memory_space<hbm>> -> memref<1x1x1x8x128xf32, #tpu.memory_space<hbm>>
    %dma_start3A_724 = tpu.memref_squeeze %dma_start3A_723 : memref<1x1x1x8x128xf32, #tpu.memory_space<hbm>> -> memref<8x128xf32, #tpu.memory_space<hbm>>
    %dma_start3A_725 = arith.constant 0 : i32
    %dma_start3A_726 = arith.constant 0 : i32
    %dma_start3A_727 = tpu.memref_slice %arg4[%dma_start3A_716, %dma_start3A_717, %add3A, %dma_start3A_725, %dma_start3A_726] : memref<26x8x32x8x128xf32, #tpu.memory_space<hbm>> -> memref<1x1x1x8x128xf32, #tpu.memory_space<hbm>>
    %dma_start3A_728 = tpu.memref_squeeze %dma_start3A_727 : memref<1x1x1x8x128xf32, #tpu.memory_space<hbm>> -> memref<8x128xf32, #tpu.memory_space<hbm>>
    %dma_start3A_729 = arith.constant 0 : i32
    %dma_start3A_730 = arith.constant 0 : i32
    %dma_start3A_731 = tpu.memref_slice %arg10[%dma_start3A_729, %dma_start3A_730] : memref<64x130xf32, #tpu.memory_space<vmem>> -> memref<8x128xf32, #tpu.memory_space<vmem>>
    tpu.enqueue_dma source(%dma_start3A_731 : memref<8x128xf32, #tpu.memory_space<vmem>>) target(%dma_start3A_728 : memref<8x128xf32, #tpu.memory_space<hbm>>) target_semaphore(%arg14 : memref<!tpu.dma_semaphore, #tpu.memory_space<semaphore_mem>>)
    %dma_start3A_732 = arith.constant 25 : i32
    %dma_start3A_733 = arith.constant 1 : i32
    %dma_start3A_734 = arith.constant 8 : i32
    %dma_start3A_735 = arith.constant 0 : i32
    %dma_start3A_736 = tpu.memref_slice %arg10[%dma_start3A_734, %dma_start3A_735] : memref<64x130xf32, #tpu.memory_space<vmem>> -> memref<8x128xf32, #tpu.memory_space<vmem>>
    %dma_start3A_737 = arith.constant 0 : i32
    %dma_start3A_738 = arith.constant 0 : i32
    %dma_start3A_739 = tpu.memref_slice %arg4[%dma_start3A_732, %dma_start3A_733, %add3A, %dma_start3A_737, %dma_start3A_738] : memref<26x8x32x8x128xf32, #tpu.memory_space<hbm>> -> memref<1x1x1x8x128xf32, #tpu.memory_space<hbm>>
    %dma_start3A_740 = tpu.memref_squeeze %dma_start3A_739 : memref<1x1x1x8x128xf32, #tpu.memory_space<hbm>> -> memref<8x128xf32, #tpu.memory_space<hbm>>
    %dma_start3A_741 = arith.constant 0 : i32
    %dma_start3A_742 = arith.constant 0 : i32
    %dma_start3A_743 = tpu.memref_slice %arg4[%dma_start3A_732, %dma_start3A_733, %add3A, %dma_start3A_741, %dma_start3A_742] : memref<26x8x32x8x128xf32, #tpu.memory_space<hbm>> -> memref<1x1x1x8x128xf32, #tpu.memory_space<hbm>>
    %dma_start3A_744 = tpu.memref_squeeze %dma_start3A_743 : memref<1x1x1x8x128xf32, #tpu.memory_space<hbm>> -> memref<8x128xf32, #tpu.memory_space<hbm>>
    %dma_start3A_745 = arith.constant 8 : i32
    %dma_start3A_746 = arith.constant 0 : i32
    %dma_start3A_747 = tpu.memref_slice %arg10[%dma_start3A_745, %dma_start3A_746] : memref<64x130xf32, #tpu.memory_space<vmem>> -> memref<8x128xf32, #tpu.memory_space<vmem>>
    tpu.enqueue_dma source(%dma_start3A_747 : memref<8x128xf32, #tpu.memory_space<vmem>>) target(%dma_start3A_744 : memref<8x128xf32, #tpu.memory_space<hbm>>) target_semaphore(%arg14 : memref<!tpu.dma_semaphore, #tpu.memory_space<semaphore_mem>>)
    %dma_start3A_748 = arith.constant 25 : i32
    %dma_start3A_749 = arith.constant 2 : i32
    %dma_start3A_750 = arith.constant 16 : i32
    %dma_start3A_751 = arith.constant 0 : i32
    %dma_start3A_752 = tpu.memref_slice %arg10[%dma_start3A_750, %dma_start3A_751] : memref<64x130xf32, #tpu.memory_space<vmem>> -> memref<8x128xf32, #tpu.memory_space<vmem>>
    %dma_start3A_753 = arith.constant 0 : i32
    %dma_start3A_754 = arith.constant 0 : i32
    %dma_start3A_755 = tpu.memref_slice %arg4[%dma_start3A_748, %dma_start3A_749, %add3A, %dma_start3A_753, %dma_start3A_754] : memref<26x8x32x8x128xf32, #tpu.memory_space<hbm>> -> memref<1x1x1x8x128xf32, #tpu.memory_space<hbm>>
    %dma_start3A_756 = tpu.memref_squeeze %dma_start3A_755 : memref<1x1x1x8x128xf32, #tpu.memory_space<hbm>> -> memref<8x128xf32, #tpu.memory_space<hbm>>
    %dma_start3A_757 = arith.constant 0 : i32
    %dma_start3A_758 = arith.constant 0 : i32
    %dma_start3A_759 = tpu.memref_slice %arg4[%dma_start3A_748, %dma_start3A_749, %add3A, %dma_start3A_757, %dma_start3A_758] : memref<26x8x32x8x128xf32, #tpu.memory_space<hbm>> -> memref<1x1x1x8x128xf32, #tpu.memory_space<hbm>>
    %dma_start3A_760 = tpu.memref_squeeze %dma_start3A_759 : memref<1x1x1x8x128xf32, #tpu.memory_space<hbm>> -> memref<8x128xf32, #tpu.memory_space<hbm>>
    %dma_start3A_761 = arith.constant 16 : i32
    %dma_start3A_762 = arith.constant 0 : i32
    %dma_start3A_763 = tpu.memref_slice %arg10[%dma_start3A_761, %dma_start3A_762] : memref<64x130xf32, #tpu.memory_space<vmem>> -> memref<8x128xf32, #tpu.memory_space<vmem>>
    tpu.enqueue_dma source(%dma_start3A_763 : memref<8x128xf32, #tpu.memory_space<vmem>>) target(%dma_start3A_760 : memref<8x128xf32, #tpu.memory_space<hbm>>) target_semaphore(%arg14 : memref<!tpu.dma_semaphore, #tpu.memory_space<semaphore_mem>>)
    %dma_start3A_764 = arith.constant 25 : i32
    %dma_start3A_765 = arith.constant 3 : i32
    %dma_start3A_766 = arith.constant 24 : i32
    %dma_start3A_767 = arith.constant 0 : i32
    %dma_start3A_768 = tpu.memref_slice %arg10[%dma_start3A_766, %dma_start3A_767] : memref<64x130xf32, #tpu.memory_space<vmem>> -> memref<8x128xf32, #tpu.memory_space<vmem>>
    %dma_start3A_769 = arith.constant 0 : i32
    %dma_start3A_770 = arith.constant 0 : i32
    %dma_start3A_771 = tpu.memref_slice %arg4[%dma_start3A_764, %dma_start3A_765, %add3A, %dma_start3A_769, %dma_start3A_770] : memref<26x8x32x8x128xf32, #tpu.memory_space<hbm>> -> memref<1x1x1x8x128xf32, #tpu.memory_space<hbm>>
    %dma_start3A_772 = tpu.memref_squeeze %dma_start3A_771 : memref<1x1x1x8x128xf32, #tpu.memory_space<hbm>> -> memref<8x128xf32, #tpu.memory_space<hbm>>
    %dma_start3A_773 = arith.constant 0 : i32
    %dma_start3A_774 = arith.constant 0 : i32
    %dma_start3A_775 = tpu.memref_slice %arg4[%dma_start3A_764, %dma_start3A_765, %add3A, %dma_start3A_773, %dma_start3A_774] : memref<26x8x32x8x128xf32, #tpu.memory_space<hbm>> -> memref<1x1x1x8x128xf32, #tpu.memory_space<hbm>>
    %dma_start3A_776 = tpu.memref_squeeze %dma_start3A_775 : memref<1x1x1x8x128xf32, #tpu.memory_space<hbm>> -> memref<8x128xf32, #tpu.memory_space<hbm>>
    %dma_start3A_777 = arith.constant 24 : i32
    %dma_start3A_778 = arith.constant 0 : i32
    %dma_start3A_779 = tpu.memref_slice %arg10[%dma_start3A_777, %dma_start3A_778] : memref<64x130xf32, #tpu.memory_space<vmem>> -> memref<8x128xf32, #tpu.memory_space<vmem>>
    tpu.enqueue_dma source(%dma_start3A_779 : memref<8x128xf32, #tpu.memory_space<vmem>>) target(%dma_start3A_776 : memref<8x128xf32, #tpu.memory_space<hbm>>) target_semaphore(%arg14 : memref<!tpu.dma_semaphore, #tpu.memory_space<semaphore_mem>>)
    %dma_start3A_780 = arith.constant 25 : i32
    %dma_start3A_781 = arith.constant 4 : i32
    %dma_start3A_782 = arith.constant 32 : i32
    %dma_start3A_783 = arith.constant 0 : i32
    %dma_start3A_784 = tpu.memref_slice %arg10[%dma_start3A_782, %dma_start3A_783] : memref<64x130xf32, #tpu.memory_space<vmem>> -> memref<8x128xf32, #tpu.memory_space<vmem>>
    %dma_start3A_785 = arith.constant 0 : i32
    %dma_start3A_786 = arith.constant 0 : i32
    %dma_start3A_787 = tpu.memref_slice %arg4[%dma_start3A_780, %dma_start3A_781, %add3A, %dma_start3A_785, %dma_start3A_786] : memref<26x8x32x8x128xf32, #tpu.memory_space<hbm>> -> memref<1x1x1x8x128xf32, #tpu.memory_space<hbm>>
    %dma_start3A_788 = tpu.memref_squeeze %dma_start3A_787 : memref<1x1x1x8x128xf32, #tpu.memory_space<hbm>> -> memref<8x128xf32, #tpu.memory_space<hbm>>
    %dma_start3A_789 = arith.constant 0 : i32
    %dma_start3A_790 = arith.constant 0 : i32
    %dma_start3A_791 = tpu.memref_slice %arg4[%dma_start3A_780, %dma_start3A_781, %add3A, %dma_start3A_789, %dma_start3A_790] : memref<26x8x32x8x128xf32, #tpu.memory_space<hbm>> -> memref<1x1x1x8x128xf32, #tpu.memory_space<hbm>>
    %dma_start3A_792 = tpu.memref_squeeze %dma_start3A_791 : memref<1x1x1x8x128xf32, #tpu.memory_space<hbm>> -> memref<8x128xf32, #tpu.memory_space<hbm>>
    %dma_start3A_793 = arith.constant 32 : i32
    %dma_start3A_794 = arith.constant 0 : i32
    %dma_start3A_795 = tpu.memref_slice %arg10[%dma_start3A_793, %dma_start3A_794] : memref<64x130xf32, #tpu.memory_space<vmem>> -> memref<8x128xf32, #tpu.memory_space<vmem>>
    tpu.enqueue_dma source(%dma_start3A_795 : memref<8x128xf32, #tpu.memory_space<vmem>>) target(%dma_start3A_792 : memref<8x128xf32, #tpu.memory_space<hbm>>) target_semaphore(%arg14 : memref<!tpu.dma_semaphore, #tpu.memory_space<semaphore_mem>>)
    %dma_start3A_796 = arith.constant 25 : i32
    %dma_start3A_797 = arith.constant 5 : i32
    %dma_start3A_798 = arith.constant 40 : i32
    %dma_start3A_799 = arith.constant 0 : i32
    %dma_start3A_800 = tpu.memref_slice %arg10[%dma_start3A_798, %dma_start3A_799] : memref<64x130xf32, #tpu.memory_space<vmem>> -> memref<8x128xf32, #tpu.memory_space<vmem>>
    %dma_start3A_801 = arith.constant 0 : i32
    %dma_start3A_802 = arith.constant 0 : i32
    %dma_start3A_803 = tpu.memref_slice %arg4[%dma_start3A_796, %dma_start3A_797, %add3A, %dma_start3A_801, %dma_start3A_802] : memref<26x8x32x8x128xf32, #tpu.memory_space<hbm>> -> memref<1x1x1x8x128xf32, #tpu.memory_space<hbm>>
    %dma_start3A_804 = tpu.memref_squeeze %dma_start3A_803 : memref<1x1x1x8x128xf32, #tpu.memory_space<hbm>> -> memref<8x128xf32, #tpu.memory_space<hbm>>
    %dma_start3A_805 = arith.constant 0 : i32
    %dma_start3A_806 = arith.constant 0 : i32
    %dma_start3A_807 = tpu.memref_slice %arg4[%dma_start3A_796, %dma_start3A_797, %add3A, %dma_start3A_805, %dma_start3A_806] : memref<26x8x32x8x128xf32, #tpu.memory_space<hbm>> -> memref<1x1x1x8x128xf32, #tpu.memory_space<hbm>>
    %dma_start3A_808 = tpu.memref_squeeze %dma_start3A_807 : memref<1x1x1x8x128xf32, #tpu.memory_space<hbm>> -> memref<8x128xf32, #tpu.memory_space<hbm>>
    %dma_start3A_809 = arith.constant 40 : i32
    %dma_start3A_810 = arith.constant 0 : i32
    %dma_start3A_811 = tpu.memref_slice %arg10[%dma_start3A_809, %dma_start3A_810] : memref<64x130xf32, #tpu.memory_space<vmem>> -> memref<8x128xf32, #tpu.memory_space<vmem>>
    tpu.enqueue_dma source(%dma_start3A_811 : memref<8x128xf32, #tpu.memory_space<vmem>>) target(%dma_start3A_808 : memref<8x128xf32, #tpu.memory_space<hbm>>) target_semaphore(%arg14 : memref<!tpu.dma_semaphore, #tpu.memory_space<semaphore_mem>>)
    %dma_start3A_812 = arith.constant 25 : i32
    %dma_start3A_813 = arith.constant 6 : i32
    %dma_start3A_814 = arith.constant 48 : i32
    %dma_start3A_815 = arith.constant 0 : i32
    %dma_start3A_816 = tpu.memref_slice %arg10[%dma_start3A_814, %dma_start3A_815] : memref<64x130xf32, #tpu.memory_space<vmem>> -> memref<8x128xf32, #tpu.memory_space<vmem>>
    %dma_start3A_817 = arith.constant 0 : i32
    %dma_start3A_818 = arith.constant 0 : i32
    %dma_start3A_819 = tpu.memref_slice %arg4[%dma_start3A_812, %dma_start3A_813, %add3A, %dma_start3A_817, %dma_start3A_818] : memref<26x8x32x8x128xf32, #tpu.memory_space<hbm>> -> memref<1x1x1x8x128xf32, #tpu.memory_space<hbm>>
    %dma_start3A_820 = tpu.memref_squeeze %dma_start3A_819 : memref<1x1x1x8x128xf32, #tpu.memory_space<hbm>> -> memref<8x128xf32, #tpu.memory_space<hbm>>
    %dma_start3A_821 = arith.constant 0 : i32
    %dma_start3A_822 = arith.constant 0 : i32
    %dma_start3A_823 = tpu.memref_slice %arg4[%dma_start3A_812, %dma_start3A_813, %add3A, %dma_start3A_821, %dma_start3A_822] : memref<26x8x32x8x128xf32, #tpu.memory_space<hbm>> -> memref<1x1x1x8x128xf32, #tpu.memory_space<hbm>>
    %dma_start3A_824 = tpu.memref_squeeze %dma_start3A_823 : memref<1x1x1x8x128xf32, #tpu.memory_space<hbm>> -> memref<8x128xf32, #tpu.memory_space<hbm>>
    %dma_start3A_825 = arith.constant 48 : i32
    %dma_start3A_826 = arith.constant 0 : i32
    %dma_start3A_827 = tpu.memref_slice %arg10[%dma_start3A_825, %dma_start3A_826] : memref<64x130xf32, #tpu.memory_space<vmem>> -> memref<8x128xf32, #tpu.memory_space<vmem>>
    tpu.enqueue_dma source(%dma_start3A_827 : memref<8x128xf32, #tpu.memory_space<vmem>>) target(%dma_start3A_824 : memref<8x128xf32, #tpu.memory_space<hbm>>) target_semaphore(%arg14 : memref<!tpu.dma_semaphore, #tpu.memory_space<semaphore_mem>>)
    %dma_start3A_828 = arith.constant 25 : i32
    %dma_start3A_829 = arith.constant 7 : i32
    %dma_start3A_830 = arith.constant 56 : i32
    %dma_start3A_831 = arith.constant 0 : i32
    %dma_start3A_832 = tpu.memref_slice %arg10[%dma_start3A_830, %dma_start3A_831] : memref<64x130xf32, #tpu.memory_space<vmem>> -> memref<8x128xf32, #tpu.memory_space<vmem>>
    %dma_start3A_833 = arith.constant 0 : i32
    %dma_start3A_834 = arith.constant 0 : i32
    %dma_start3A_835 = tpu.memref_slice %arg4[%dma_start3A_828, %dma_start3A_829, %add3A, %dma_start3A_833, %dma_start3A_834] : memref<26x8x32x8x128xf32, #tpu.memory_space<hbm>> -> memref<1x1x1x8x128xf32, #tpu.memory_space<hbm>>
    %dma_start3A_836 = tpu.memref_squeeze %dma_start3A_835 : memref<1x1x1x8x128xf32, #tpu.memory_space<hbm>> -> memref<8x128xf32, #tpu.memory_space<hbm>>
    %dma_start3A_837 = arith.constant 0 : i32
    %dma_start3A_838 = arith.constant 0 : i32
    %dma_start3A_839 = tpu.memref_slice %arg4[%dma_start3A_828, %dma_start3A_829, %add3A, %dma_start3A_837, %dma_start3A_838] : memref<26x8x32x8x128xf32, #tpu.memory_space<hbm>> -> memref<1x1x1x8x128xf32, #tpu.memory_space<hbm>>
    %dma_start3A_840 = tpu.memref_squeeze %dma_start3A_839 : memref<1x1x1x8x128xf32, #tpu.memory_space<hbm>> -> memref<8x128xf32, #tpu.memory_space<hbm>>
    %dma_start3A_841 = arith.constant 56 : i32
    %dma_start3A_842 = arith.constant 0 : i32
    %dma_start3A_843 = tpu.memref_slice %arg10[%dma_start3A_841, %dma_start3A_842] : memref<64x130xf32, #tpu.memory_space<vmem>> -> memref<8x128xf32, #tpu.memory_space<vmem>>
    tpu.enqueue_dma source(%dma_start3A_843 : memref<8x128xf32, #tpu.memory_space<vmem>>) target(%dma_start3A_840 : memref<8x128xf32, #tpu.memory_space<hbm>>) target_semaphore(%arg14 : memref<!tpu.dma_semaphore, #tpu.memory_space<semaphore_mem>>)
    %dma_wait3A_844 = arith.constant 24 : i32
    %dma_wait3A_845 = arith.constant 0 : i32
    %dma_wait3A_846 = arith.constant 0 : i32
    %dma_wait3A_847 = arith.constant 0 : i32
    %dma_wait3A_848 = tpu.memref_slice %arg9[%dma_wait3A_846, %dma_wait3A_847] : memref<64x130xf32, #tpu.memory_space<vmem>> -> memref<8x128xf32, #tpu.memory_space<vmem>>
    %dma_wait3A_849 = arith.constant 0 : i32
    %dma_wait3A_850 = arith.constant 0 : i32
    %dma_wait3A_851 = tpu.memref_slice %arg4[%dma_wait3A_844, %dma_wait3A_845, %add3A, %dma_wait3A_849, %dma_wait3A_850] : memref<26x8x32x8x128xf32, #tpu.memory_space<hbm>> -> memref<1x1x1x8x128xf32, #tpu.memory_space<hbm>>
    %dma_wait3A_852 = tpu.memref_squeeze %dma_wait3A_851 : memref<1x1x1x8x128xf32, #tpu.memory_space<hbm>> -> memref<8x128xf32, #tpu.memory_space<hbm>>
    %dma_wait3A_853 = arith.constant 0 : i32
    %dma_wait3A_854 = arith.constant 0 : i32
    %dma_wait3A_855 = tpu.memref_slice %arg4[%dma_wait3A_844, %dma_wait3A_845, %add3A, %dma_wait3A_853, %dma_wait3A_854] : memref<26x8x32x8x128xf32, #tpu.memory_space<hbm>> -> memref<1x1x1x8x128xf32, #tpu.memory_space<hbm>>
    %dma_wait3A_856 = tpu.memref_squeeze %dma_wait3A_855 : memref<1x1x1x8x128xf32, #tpu.memory_space<hbm>> -> memref<8x128xf32, #tpu.memory_space<hbm>>
    %dma_wait3A_857 = arith.constant 0 : i32
    %dma_wait3A_858 = arith.constant 0 : i32
    %dma_wait3A_859 = tpu.memref_slice %arg9[%dma_wait3A_857, %dma_wait3A_858] : memref<64x130xf32, #tpu.memory_space<vmem>> -> memref<8x128xf32, #tpu.memory_space<vmem>>
    tpu.wait_dma2 semaphore(%arg13 : memref<!tpu.dma_semaphore, #tpu.memory_space<semaphore_mem>>) src(%dma_wait3A_859 : memref<8x128xf32, #tpu.memory_space<vmem>>) dst(%dma_wait3A_856 : memref<8x128xf32, #tpu.memory_space<hbm>>)
    %dma_wait3A_860 = arith.constant 24 : i32
    %dma_wait3A_861 = arith.constant 1 : i32
    %dma_wait3A_862 = arith.constant 8 : i32
    %dma_wait3A_863 = arith.constant 0 : i32
    %dma_wait3A_864 = tpu.memref_slice %arg9[%dma_wait3A_862, %dma_wait3A_863] : memref<64x130xf32, #tpu.memory_space<vmem>> -> memref<8x128xf32, #tpu.memory_space<vmem>>
    %dma_wait3A_865 = arith.constant 0 : i32
    %dma_wait3A_866 = arith.constant 0 : i32
    %dma_wait3A_867 = tpu.memref_slice %arg4[%dma_wait3A_860, %dma_wait3A_861, %add3A, %dma_wait3A_865, %dma_wait3A_866] : memref<26x8x32x8x128xf32, #tpu.memory_space<hbm>> -> memref<1x1x1x8x128xf32, #tpu.memory_space<hbm>>
    %dma_wait3A_868 = tpu.memref_squeeze %dma_wait3A_867 : memref<1x1x1x8x128xf32, #tpu.memory_space<hbm>> -> memref<8x128xf32, #tpu.memory_space<hbm>>
    %dma_wait3A_869 = arith.constant 0 : i32
    %dma_wait3A_870 = arith.constant 0 : i32
    %dma_wait3A_871 = tpu.memref_slice %arg4[%dma_wait3A_860, %dma_wait3A_861, %add3A, %dma_wait3A_869, %dma_wait3A_870] : memref<26x8x32x8x128xf32, #tpu.memory_space<hbm>> -> memref<1x1x1x8x128xf32, #tpu.memory_space<hbm>>
    %dma_wait3A_872 = tpu.memref_squeeze %dma_wait3A_871 : memref<1x1x1x8x128xf32, #tpu.memory_space<hbm>> -> memref<8x128xf32, #tpu.memory_space<hbm>>
    %dma_wait3A_873 = arith.constant 8 : i32
    %dma_wait3A_874 = arith.constant 0 : i32
    %dma_wait3A_875 = tpu.memref_slice %arg9[%dma_wait3A_873, %dma_wait3A_874] : memref<64x130xf32, #tpu.memory_space<vmem>> -> memref<8x128xf32, #tpu.memory_space<vmem>>
    tpu.wait_dma2 semaphore(%arg13 : memref<!tpu.dma_semaphore, #tpu.memory_space<semaphore_mem>>) src(%dma_wait3A_875 : memref<8x128xf32, #tpu.memory_space<vmem>>) dst(%dma_wait3A_872 : memref<8x128xf32, #tpu.memory_space<hbm>>)
    %dma_wait3A_876 = arith.constant 24 : i32
    %dma_wait3A_877 = arith.constant 2 : i32
    %dma_wait3A_878 = arith.constant 16 : i32
    %dma_wait3A_879 = arith.constant 0 : i32
    %dma_wait3A_880 = tpu.memref_slice %arg9[%dma_wait3A_878, %dma_wait3A_879] : memref<64x130xf32, #tpu.memory_space<vmem>> -> memref<8x128xf32, #tpu.memory_space<vmem>>
    %dma_wait3A_881 = arith.constant 0 : i32
    %dma_wait3A_882 = arith.constant 0 : i32
    %dma_wait3A_883 = tpu.memref_slice %arg4[%dma_wait3A_876, %dma_wait3A_877, %add3A, %dma_wait3A_881, %dma_wait3A_882] : memref<26x8x32x8x128xf32, #tpu.memory_space<hbm>> -> memref<1x1x1x8x128xf32, #tpu.memory_space<hbm>>
    %dma_wait3A_884 = tpu.memref_squeeze %dma_wait3A_883 : memref<1x1x1x8x128xf32, #tpu.memory_space<hbm>> -> memref<8x128xf32, #tpu.memory_space<hbm>>
    %dma_wait3A_885 = arith.constant 0 : i32
    %dma_wait3A_886 = arith.constant 0 : i32
    %dma_wait3A_887 = tpu.memref_slice %arg4[%dma_wait3A_876, %dma_wait3A_877, %add3A, %dma_wait3A_885, %dma_wait3A_886] : memref<26x8x32x8x128xf32, #tpu.memory_space<hbm>> -> memref<1x1x1x8x128xf32, #tpu.memory_space<hbm>>
    %dma_wait3A_888 = tpu.memref_squeeze %dma_wait3A_887 : memref<1x1x1x8x128xf32, #tpu.memory_space<hbm>> -> memref<8x128xf32, #tpu.memory_space<hbm>>
    %dma_wait3A_889 = arith.constant 16 : i32
    %dma_wait3A_890 = arith.constant 0 : i32
    %dma_wait3A_891 = tpu.memref_slice %arg9[%dma_wait3A_889, %dma_wait3A_890] : memref<64x130xf32, #tpu.memory_space<vmem>> -> memref<8x128xf32, #tpu.memory_space<vmem>>
    tpu.wait_dma2 semaphore(%arg13 : memref<!tpu.dma_semaphore, #tpu.memory_space<semaphore_mem>>) src(%dma_wait3A_891 : memref<8x128xf32, #tpu.memory_space<vmem>>) dst(%dma_wait3A_888 : memref<8x128xf32, #tpu.memory_space<hbm>>)
    %dma_wait3A_892 = arith.constant 24 : i32
    %dma_wait3A_893 = arith.constant 3 : i32
    %dma_wait3A_894 = arith.constant 24 : i32
    %dma_wait3A_895 = arith.constant 0 : i32
    %dma_wait3A_896 = tpu.memref_slice %arg9[%dma_wait3A_894, %dma_wait3A_895] : memref<64x130xf32, #tpu.memory_space<vmem>> -> memref<8x128xf32, #tpu.memory_space<vmem>>
    %dma_wait3A_897 = arith.constant 0 : i32
    %dma_wait3A_898 = arith.constant 0 : i32
    %dma_wait3A_899 = tpu.memref_slice %arg4[%dma_wait3A_892, %dma_wait3A_893, %add3A, %dma_wait3A_897, %dma_wait3A_898] : memref<26x8x32x8x128xf32, #tpu.memory_space<hbm>> -> memref<1x1x1x8x128xf32, #tpu.memory_space<hbm>>
    %dma_wait3A_900 = tpu.memref_squeeze %dma_wait3A_899 : memref<1x1x1x8x128xf32, #tpu.memory_space<hbm>> -> memref<8x128xf32, #tpu.memory_space<hbm>>
    %dma_wait3A_901 = arith.constant 0 : i32
    %dma_wait3A_902 = arith.constant 0 : i32
    %dma_wait3A_903 = tpu.memref_slice %arg4[%dma_wait3A_892, %dma_wait3A_893, %add3A, %dma_wait3A_901, %dma_wait3A_902] : memref<26x8x32x8x128xf32, #tpu.memory_space<hbm>> -> memref<1x1x1x8x128xf32, #tpu.memory_space<hbm>>
    %dma_wait3A_904 = tpu.memref_squeeze %dma_wait3A_903 : memref<1x1x1x8x128xf32, #tpu.memory_space<hbm>> -> memref<8x128xf32, #tpu.memory_space<hbm>>
    %dma_wait3A_905 = arith.constant 24 : i32
    %dma_wait3A_906 = arith.constant 0 : i32
    %dma_wait3A_907 = tpu.memref_slice %arg9[%dma_wait3A_905, %dma_wait3A_906] : memref<64x130xf32, #tpu.memory_space<vmem>> -> memref<8x128xf32, #tpu.memory_space<vmem>>
    tpu.wait_dma2 semaphore(%arg13 : memref<!tpu.dma_semaphore, #tpu.memory_space<semaphore_mem>>) src(%dma_wait3A_907 : memref<8x128xf32, #tpu.memory_space<vmem>>) dst(%dma_wait3A_904 : memref<8x128xf32, #tpu.memory_space<hbm>>)
    %dma_wait3A_908 = arith.constant 24 : i32
    %dma_wait3A_909 = arith.constant 4 : i32
    %dma_wait3A_910 = arith.constant 32 : i32
    %dma_wait3A_911 = arith.constant 0 : i32
    %dma_wait3A_912 = tpu.memref_slice %arg9[%dma_wait3A_910, %dma_wait3A_911] : memref<64x130xf32, #tpu.memory_space<vmem>> -> memref<8x128xf32, #tpu.memory_space<vmem>>
    %dma_wait3A_913 = arith.constant 0 : i32
    %dma_wait3A_914 = arith.constant 0 : i32
    %dma_wait3A_915 = tpu.memref_slice %arg4[%dma_wait3A_908, %dma_wait3A_909, %add3A, %dma_wait3A_913, %dma_wait3A_914] : memref<26x8x32x8x128xf32, #tpu.memory_space<hbm>> -> memref<1x1x1x8x128xf32, #tpu.memory_space<hbm>>
    %dma_wait3A_916 = tpu.memref_squeeze %dma_wait3A_915 : memref<1x1x1x8x128xf32, #tpu.memory_space<hbm>> -> memref<8x128xf32, #tpu.memory_space<hbm>>
    %dma_wait3A_917 = arith.constant 0 : i32
    %dma_wait3A_918 = arith.constant 0 : i32
    %dma_wait3A_919 = tpu.memref_slice %arg4[%dma_wait3A_908, %dma_wait3A_909, %add3A, %dma_wait3A_917, %dma_wait3A_918] : memref<26x8x32x8x128xf32, #tpu.memory_space<hbm>> -> memref<1x1x1x8x128xf32, #tpu.memory_space<hbm>>
    %dma_wait3A_920 = tpu.memref_squeeze %dma_wait3A_919 : memref<1x1x1x8x128xf32, #tpu.memory_space<hbm>> -> memref<8x128xf32, #tpu.memory_space<hbm>>
    %dma_wait3A_921 = arith.constant 32 : i32
    %dma_wait3A_922 = arith.constant 0 : i32
    %dma_wait3A_923 = tpu.memref_slice %arg9[%dma_wait3A_921, %dma_wait3A_922] : memref<64x130xf32, #tpu.memory_space<vmem>> -> memref<8x128xf32, #tpu.memory_space<vmem>>
    tpu.wait_dma2 semaphore(%arg13 : memref<!tpu.dma_semaphore, #tpu.memory_space<semaphore_mem>>) src(%dma_wait3A_923 : memref<8x128xf32, #tpu.memory_space<vmem>>) dst(%dma_wait3A_920 : memref<8x128xf32, #tpu.memory_space<hbm>>)
    %dma_wait3A_924 = arith.constant 24 : i32
    %dma_wait3A_925 = arith.constant 5 : i32
    %dma_wait3A_926 = arith.constant 40 : i32
    %dma_wait3A_927 = arith.constant 0 : i32
    %dma_wait3A_928 = tpu.memref_slice %arg9[%dma_wait3A_926, %dma_wait3A_927] : memref<64x130xf32, #tpu.memory_space<vmem>> -> memref<8x128xf32, #tpu.memory_space<vmem>>
    %dma_wait3A_929 = arith.constant 0 : i32
    %dma_wait3A_930 = arith.constant 0 : i32
    %dma_wait3A_931 = tpu.memref_slice %arg4[%dma_wait3A_924, %dma_wait3A_925, %add3A, %dma_wait3A_929, %dma_wait3A_930] : memref<26x8x32x8x128xf32, #tpu.memory_space<hbm>> -> memref<1x1x1x8x128xf32, #tpu.memory_space<hbm>>
    %dma_wait3A_932 = tpu.memref_squeeze %dma_wait3A_931 : memref<1x1x1x8x128xf32, #tpu.memory_space<hbm>> -> memref<8x128xf32, #tpu.memory_space<hbm>>
    %dma_wait3A_933 = arith.constant 0 : i32
    %dma_wait3A_934 = arith.constant 0 : i32
    %dma_wait3A_935 = tpu.memref_slice %arg4[%dma_wait3A_924, %dma_wait3A_925, %add3A, %dma_wait3A_933, %dma_wait3A_934] : memref<26x8x32x8x128xf32, #tpu.memory_space<hbm>> -> memref<1x1x1x8x128xf32, #tpu.memory_space<hbm>>
    %dma_wait3A_936 = tpu.memref_squeeze %dma_wait3A_935 : memref<1x1x1x8x128xf32, #tpu.memory_space<hbm>> -> memref<8x128xf32, #tpu.memory_space<hbm>>
    %dma_wait3A_937 = arith.constant 40 : i32
    %dma_wait3A_938 = arith.constant 0 : i32
    %dma_wait3A_939 = tpu.memref_slice %arg9[%dma_wait3A_937, %dma_wait3A_938] : memref<64x130xf32, #tpu.memory_space<vmem>> -> memref<8x128xf32, #tpu.memory_space<vmem>>
    tpu.wait_dma2 semaphore(%arg13 : memref<!tpu.dma_semaphore, #tpu.memory_space<semaphore_mem>>) src(%dma_wait3A_939 : memref<8x128xf32, #tpu.memory_space<vmem>>) dst(%dma_wait3A_936 : memref<8x128xf32, #tpu.memory_space<hbm>>)
    %dma_wait3A_940 = arith.constant 24 : i32
    %dma_wait3A_941 = arith.constant 6 : i32
    %dma_wait3A_942 = arith.constant 48 : i32
    %dma_wait3A_943 = arith.constant 0 : i32
    %dma_wait3A_944 = tpu.memref_slice %arg9[%dma_wait3A_942, %dma_wait3A_943] : memref<64x130xf32, #tpu.memory_space<vmem>> -> memref<8x128xf32, #tpu.memory_space<vmem>>
    %dma_wait3A_945 = arith.constant 0 : i32
    %dma_wait3A_946 = arith.constant 0 : i32
    %dma_wait3A_947 = tpu.memref_slice %arg4[%dma_wait3A_940, %dma_wait3A_941, %add3A, %dma_wait3A_945, %dma_wait3A_946] : memref<26x8x32x8x128xf32, #tpu.memory_space<hbm>> -> memref<1x1x1x8x128xf32, #tpu.memory_space<hbm>>
    %dma_wait3A_948 = tpu.memref_squeeze %dma_wait3A_947 : memref<1x1x1x8x128xf32, #tpu.memory_space<hbm>> -> memref<8x128xf32, #tpu.memory_space<hbm>>
    %dma_wait3A_949 = arith.constant 0 : i32
    %dma_wait3A_950 = arith.constant 0 : i32
    %dma_wait3A_951 = tpu.memref_slice %arg4[%dma_wait3A_940, %dma_wait3A_941, %add3A, %dma_wait3A_949, %dma_wait3A_950] : memref<26x8x32x8x128xf32, #tpu.memory_space<hbm>> -> memref<1x1x1x8x128xf32, #tpu.memory_space<hbm>>
    %dma_wait3A_952 = tpu.memref_squeeze %dma_wait3A_951 : memref<1x1x1x8x128xf32, #tpu.memory_space<hbm>> -> memref<8x128xf32, #tpu.memory_space<hbm>>
    %dma_wait3A_953 = arith.constant 48 : i32
    %dma_wait3A_954 = arith.constant 0 : i32
    %dma_wait3A_955 = tpu.memref_slice %arg9[%dma_wait3A_953, %dma_wait3A_954] : memref<64x130xf32, #tpu.memory_space<vmem>> -> memref<8x128xf32, #tpu.memory_space<vmem>>
    tpu.wait_dma2 semaphore(%arg13 : memref<!tpu.dma_semaphore, #tpu.memory_space<semaphore_mem>>) src(%dma_wait3A_955 : memref<8x128xf32, #tpu.memory_space<vmem>>) dst(%dma_wait3A_952 : memref<8x128xf32, #tpu.memory_space<hbm>>)
    %dma_wait3A_956 = arith.constant 24 : i32
    %dma_wait3A_957 = arith.constant 7 : i32
    %dma_wait3A_958 = arith.constant 56 : i32
    %dma_wait3A_959 = arith.constant 0 : i32
    %dma_wait3A_960 = tpu.memref_slice %arg9[%dma_wait3A_958, %dma_wait3A_959] : memref<64x130xf32, #tpu.memory_space<vmem>> -> memref<8x128xf32, #tpu.memory_space<vmem>>
    %dma_wait3A_961 = arith.constant 0 : i32
    %dma_wait3A_962 = arith.constant 0 : i32
    %dma_wait3A_963 = tpu.memref_slice %arg4[%dma_wait3A_956, %dma_wait3A_957, %add3A, %dma_wait3A_961, %dma_wait3A_962] : memref<26x8x32x8x128xf32, #tpu.memory_space<hbm>> -> memref<1x1x1x8x128xf32, #tpu.memory_space<hbm>>
    %dma_wait3A_964 = tpu.memref_squeeze %dma_wait3A_963 : memref<1x1x1x8x128xf32, #tpu.memory_space<hbm>> -> memref<8x128xf32, #tpu.memory_space<hbm>>
    %dma_wait3A_965 = arith.constant 0 : i32
    %dma_wait3A_966 = arith.constant 0 : i32
    %dma_wait3A_967 = tpu.memref_slice %arg4[%dma_wait3A_956, %dma_wait3A_957, %add3A, %dma_wait3A_965, %dma_wait3A_966] : memref<26x8x32x8x128xf32, #tpu.memory_space<hbm>> -> memref<1x1x1x8x128xf32, #tpu.memory_space<hbm>>
    %dma_wait3A_968 = tpu.memref_squeeze %dma_wait3A_967 : memref<1x1x1x8x128xf32, #tpu.memory_space<hbm>> -> memref<8x128xf32, #tpu.memory_space<hbm>>
    %dma_wait3A_969 = arith.constant 56 : i32
    %dma_wait3A_970 = arith.constant 0 : i32
    %dma_wait3A_971 = tpu.memref_slice %arg9[%dma_wait3A_969, %dma_wait3A_970] : memref<64x130xf32, #tpu.memory_space<vmem>> -> memref<8x128xf32, #tpu.memory_space<vmem>>
    tpu.wait_dma2 semaphore(%arg13 : memref<!tpu.dma_semaphore, #tpu.memory_space<semaphore_mem>>) src(%dma_wait3A_971 : memref<8x128xf32, #tpu.memory_space<vmem>>) dst(%dma_wait3A_968 : memref<8x128xf32, #tpu.memory_space<hbm>>)
    %dma_wait3A_972 = arith.constant 25 : i32
    %dma_wait3A_973 = arith.constant 0 : i32
    %dma_wait3A_974 = arith.constant 0 : i32
    %dma_wait3A_975 = arith.constant 0 : i32
    %dma_wait3A_976 = tpu.memref_slice %arg10[%dma_wait3A_974, %dma_wait3A_975] : memref<64x130xf32, #tpu.memory_space<vmem>> -> memref<8x128xf32, #tpu.memory_space<vmem>>
    %dma_wait3A_977 = arith.constant 0 : i32
    %dma_wait3A_978 = arith.constant 0 : i32
    %dma_wait3A_979 = tpu.memref_slice %arg4[%dma_wait3A_972, %dma_wait3A_973, %add3A, %dma_wait3A_977, %dma_wait3A_978] : memref<26x8x32x8x128xf32, #tpu.memory_space<hbm>> -> memref<1x1x1x8x128xf32, #tpu.memory_space<hbm>>
    %dma_wait3A_980 = tpu.memref_squeeze %dma_wait3A_979 : memref<1x1x1x8x128xf32, #tpu.memory_space<hbm>> -> memref<8x128xf32, #tpu.memory_space<hbm>>
    %dma_wait3A_981 = arith.constant 0 : i32
    %dma_wait3A_982 = arith.constant 0 : i32
    %dma_wait3A_983 = tpu.memref_slice %arg4[%dma_wait3A_972, %dma_wait3A_973, %add3A, %dma_wait3A_981, %dma_wait3A_982] : memref<26x8x32x8x128xf32, #tpu.memory_space<hbm>> -> memref<1x1x1x8x128xf32, #tpu.memory_space<hbm>>
    %dma_wait3A_984 = tpu.memref_squeeze %dma_wait3A_983 : memref<1x1x1x8x128xf32, #tpu.memory_space<hbm>> -> memref<8x128xf32, #tpu.memory_space<hbm>>
    %dma_wait3A_985 = arith.constant 0 : i32
    %dma_wait3A_986 = arith.constant 0 : i32
    %dma_wait3A_987 = tpu.memref_slice %arg10[%dma_wait3A_985, %dma_wait3A_986] : memref<64x130xf32, #tpu.memory_space<vmem>> -> memref<8x128xf32, #tpu.memory_space<vmem>>
    tpu.wait_dma2 semaphore(%arg14 : memref<!tpu.dma_semaphore, #tpu.memory_space<semaphore_mem>>) src(%dma_wait3A_987 : memref<8x128xf32, #tpu.memory_space<vmem>>) dst(%dma_wait3A_984 : memref<8x128xf32, #tpu.memory_space<hbm>>)
    %dma_wait3A_988 = arith.constant 25 : i32
    %dma_wait3A_989 = arith.constant 1 : i32
    %dma_wait3A_990 = arith.constant 8 : i32
    %dma_wait3A_991 = arith.constant 0 : i32
    %dma_wait3A_992 = tpu.memref_slice %arg10[%dma_wait3A_990, %dma_wait3A_991] : memref<64x130xf32, #tpu.memory_space<vmem>> -> memref<8x128xf32, #tpu.memory_space<vmem>>
    %dma_wait3A_993 = arith.constant 0 : i32
    %dma_wait3A_994 = arith.constant 0 : i32
    %dma_wait3A_995 = tpu.memref_slice %arg4[%dma_wait3A_988, %dma_wait3A_989, %add3A, %dma_wait3A_993, %dma_wait3A_994] : memref<26x8x32x8x128xf32, #tpu.memory_space<hbm>> -> memref<1x1x1x8x128xf32, #tpu.memory_space<hbm>>
    %dma_wait3A_996 = tpu.memref_squeeze %dma_wait3A_995 : memref<1x1x1x8x128xf32, #tpu.memory_space<hbm>> -> memref<8x128xf32, #tpu.memory_space<hbm>>
    %dma_wait3A_997 = arith.constant 0 : i32
    %dma_wait3A_998 = arith.constant 0 : i32
    %dma_wait3A_999 = tpu.memref_slice %arg4[%dma_wait3A_988, %dma_wait3A_989, %add3A, %dma_wait3A_997, %dma_wait3A_998] : memref<26x8x32x8x128xf32, #tpu.memory_space<hbm>> -> memref<1x1x1x8x128xf32, #tpu.memory_space<hbm>>
    %dma_wait3A_1000 = tpu.memref_squeeze %dma_wait3A_999 : memref<1x1x1x8x128xf32, #tpu.memory_space<hbm>> -> memref<8x128xf32, #tpu.memory_space<hbm>>
    %dma_wait3A_1001 = arith.constant 8 : i32
    %dma_wait3A_1002 = arith.constant 0 : i32
    %dma_wait3A_1003 = tpu.memref_slice %arg10[%dma_wait3A_1001, %dma_wait3A_1002] : memref<64x130xf32, #tpu.memory_space<vmem>> -> memref<8x128xf32, #tpu.memory_space<vmem>>
    tpu.wait_dma2 semaphore(%arg14 : memref<!tpu.dma_semaphore, #tpu.memory_space<semaphore_mem>>) src(%dma_wait3A_1003 : memref<8x128xf32, #tpu.memory_space<vmem>>) dst(%dma_wait3A_1000 : memref<8x128xf32, #tpu.memory_space<hbm>>)
    %dma_wait3A_1004 = arith.constant 25 : i32
    %dma_wait3A_1005 = arith.constant 2 : i32
    %dma_wait3A_1006 = arith.constant 16 : i32
    %dma_wait3A_1007 = arith.constant 0 : i32
    %dma_wait3A_1008 = tpu.memref_slice %arg10[%dma_wait3A_1006, %dma_wait3A_1007] : memref<64x130xf32, #tpu.memory_space<vmem>> -> memref<8x128xf32, #tpu.memory_space<vmem>>
    %dma_wait3A_1009 = arith.constant 0 : i32
    %dma_wait3A_1010 = arith.constant 0 : i32
    %dma_wait3A_1011 = tpu.memref_slice %arg4[%dma_wait3A_1004, %dma_wait3A_1005, %add3A, %dma_wait3A_1009, %dma_wait3A_1010] : memref<26x8x32x8x128xf32, #tpu.memory_space<hbm>> -> memref<1x1x1x8x128xf32, #tpu.memory_space<hbm>>
    %dma_wait3A_1012 = tpu.memref_squeeze %dma_wait3A_1011 : memref<1x1x1x8x128xf32, #tpu.memory_space<hbm>> -> memref<8x128xf32, #tpu.memory_space<hbm>>
    %dma_wait3A_1013 = arith.constant 0 : i32
    %dma_wait3A_1014 = arith.constant 0 : i32
    %dma_wait3A_1015 = tpu.memref_slice %arg4[%dma_wait3A_1004, %dma_wait3A_1005, %add3A, %dma_wait3A_1013, %dma_wait3A_1014] : memref<26x8x32x8x128xf32, #tpu.memory_space<hbm>> -> memref<1x1x1x8x128xf32, #tpu.memory_space<hbm>>
    %dma_wait3A_1016 = tpu.memref_squeeze %dma_wait3A_1015 : memref<1x1x1x8x128xf32, #tpu.memory_space<hbm>> -> memref<8x128xf32, #tpu.memory_space<hbm>>
    %dma_wait3A_1017 = arith.constant 16 : i32
    %dma_wait3A_1018 = arith.constant 0 : i32
    %dma_wait3A_1019 = tpu.memref_slice %arg10[%dma_wait3A_1017, %dma_wait3A_1018] : memref<64x130xf32, #tpu.memory_space<vmem>> -> memref<8x128xf32, #tpu.memory_space<vmem>>
    tpu.wait_dma2 semaphore(%arg14 : memref<!tpu.dma_semaphore, #tpu.memory_space<semaphore_mem>>) src(%dma_wait3A_1019 : memref<8x128xf32, #tpu.memory_space<vmem>>) dst(%dma_wait3A_1016 : memref<8x128xf32, #tpu.memory_space<hbm>>)
    %dma_wait3A_1020 = arith.constant 25 : i32
    %dma_wait3A_1021 = arith.constant 3 : i32
    %dma_wait3A_1022 = arith.constant 24 : i32
    %dma_wait3A_1023 = arith.constant 0 : i32
    %dma_wait3A_1024 = tpu.memref_slice %arg10[%dma_wait3A_1022, %dma_wait3A_1023] : memref<64x130xf32, #tpu.memory_space<vmem>> -> memref<8x128xf32, #tpu.memory_space<vmem>>
    %dma_wait3A_1025 = arith.constant 0 : i32
    %dma_wait3A_1026 = arith.constant 0 : i32
    %dma_wait3A_1027 = tpu.memref_slice %arg4[%dma_wait3A_1020, %dma_wait3A_1021, %add3A, %dma_wait3A_1025, %dma_wait3A_1026] : memref<26x8x32x8x128xf32, #tpu.memory_space<hbm>> -> memref<1x1x1x8x128xf32, #tpu.memory_space<hbm>>
    %dma_wait3A_1028 = tpu.memref_squeeze %dma_wait3A_1027 : memref<1x1x1x8x128xf32, #tpu.memory_space<hbm>> -> memref<8x128xf32, #tpu.memory_space<hbm>>
    %dma_wait3A_1029 = arith.constant 0 : i32
    %dma_wait3A_1030 = arith.constant 0 : i32
    %dma_wait3A_1031 = tpu.memref_slice %arg4[%dma_wait3A_1020, %dma_wait3A_1021, %add3A, %dma_wait3A_1029, %dma_wait3A_1030] : memref<26x8x32x8x128xf32, #tpu.memory_space<hbm>> -> memref<1x1x1x8x128xf32, #tpu.memory_space<hbm>>
    %dma_wait3A_1032 = tpu.memref_squeeze %dma_wait3A_1031 : memref<1x1x1x8x128xf32, #tpu.memory_space<hbm>> -> memref<8x128xf32, #tpu.memory_space<hbm>>
    %dma_wait3A_1033 = arith.constant 24 : i32
    %dma_wait3A_1034 = arith.constant 0 : i32
    %dma_wait3A_1035 = tpu.memref_slice %arg10[%dma_wait3A_1033, %dma_wait3A_1034] : memref<64x130xf32, #tpu.memory_space<vmem>> -> memref<8x128xf32, #tpu.memory_space<vmem>>
    tpu.wait_dma2 semaphore(%arg14 : memref<!tpu.dma_semaphore, #tpu.memory_space<semaphore_mem>>) src(%dma_wait3A_1035 : memref<8x128xf32, #tpu.memory_space<vmem>>) dst(%dma_wait3A_1032 : memref<8x128xf32, #tpu.memory_space<hbm>>)
    %dma_wait3A_1036 = arith.constant 25 : i32
    %dma_wait3A_1037 = arith.constant 4 : i32
    %dma_wait3A_1038 = arith.constant 32 : i32
    %dma_wait3A_1039 = arith.constant 0 : i32
    %dma_wait3A_1040 = tpu.memref_slice %arg10[%dma_wait3A_1038, %dma_wait3A_1039] : memref<64x130xf32, #tpu.memory_space<vmem>> -> memref<8x128xf32, #tpu.memory_space<vmem>>
    %dma_wait3A_1041 = arith.constant 0 : i32
    %dma_wait3A_1042 = arith.constant 0 : i32
    %dma_wait3A_1043 = tpu.memref_slice %arg4[%dma_wait3A_1036, %dma_wait3A_1037, %add3A, %dma_wait3A_1041, %dma_wait3A_1042] : memref<26x8x32x8x128xf32, #tpu.memory_space<hbm>> -> memref<1x1x1x8x128xf32, #tpu.memory_space<hbm>>
    %dma_wait3A_1044 = tpu.memref_squeeze %dma_wait3A_1043 : memref<1x1x1x8x128xf32, #tpu.memory_space<hbm>> -> memref<8x128xf32, #tpu.memory_space<hbm>>
    %dma_wait3A_1045 = arith.constant 0 : i32
    %dma_wait3A_1046 = arith.constant 0 : i32
    %dma_wait3A_1047 = tpu.memref_slice %arg4[%dma_wait3A_1036, %dma_wait3A_1037, %add3A, %dma_wait3A_1045, %dma_wait3A_1046] : memref<26x8x32x8x128xf32, #tpu.memory_space<hbm>> -> memref<1x1x1x8x128xf32, #tpu.memory_space<hbm>>
    %dma_wait3A_1048 = tpu.memref_squeeze %dma_wait3A_1047 : memref<1x1x1x8x128xf32, #tpu.memory_space<hbm>> -> memref<8x128xf32, #tpu.memory_space<hbm>>
    %dma_wait3A_1049 = arith.constant 32 : i32
    %dma_wait3A_1050 = arith.constant 0 : i32
    %dma_wait3A_1051 = tpu.memref_slice %arg10[%dma_wait3A_1049, %dma_wait3A_1050] : memref<64x130xf32, #tpu.memory_space<vmem>> -> memref<8x128xf32, #tpu.memory_space<vmem>>
    tpu.wait_dma2 semaphore(%arg14 : memref<!tpu.dma_semaphore, #tpu.memory_space<semaphore_mem>>) src(%dma_wait3A_1051 : memref<8x128xf32, #tpu.memory_space<vmem>>) dst(%dma_wait3A_1048 : memref<8x128xf32, #tpu.memory_space<hbm>>)
    %dma_wait3A_1052 = arith.constant 25 : i32
    %dma_wait3A_1053 = arith.constant 5 : i32
    %dma_wait3A_1054 = arith.constant 40 : i32
    %dma_wait3A_1055 = arith.constant 0 : i32
    %dma_wait3A_1056 = tpu.memref_slice %arg10[%dma_wait3A_1054, %dma_wait3A_1055] : memref<64x130xf32, #tpu.memory_space<vmem>> -> memref<8x128xf32, #tpu.memory_space<vmem>>
    %dma_wait3A_1057 = arith.constant 0 : i32
    %dma_wait3A_1058 = arith.constant 0 : i32
    %dma_wait3A_1059 = tpu.memref_slice %arg4[%dma_wait3A_1052, %dma_wait3A_1053, %add3A, %dma_wait3A_1057, %dma_wait3A_1058] : memref<26x8x32x8x128xf32, #tpu.memory_space<hbm>> -> memref<1x1x1x8x128xf32, #tpu.memory_space<hbm>>
    %dma_wait3A_1060 = tpu.memref_squeeze %dma_wait3A_1059 : memref<1x1x1x8x128xf32, #tpu.memory_space<hbm>> -> memref<8x128xf32, #tpu.memory_space<hbm>>
    %dma_wait3A_1061 = arith.constant 0 : i32
    %dma_wait3A_1062 = arith.constant 0 : i32
    %dma_wait3A_1063 = tpu.memref_slice %arg4[%dma_wait3A_1052, %dma_wait3A_1053, %add3A, %dma_wait3A_1061, %dma_wait3A_1062] : memref<26x8x32x8x128xf32, #tpu.memory_space<hbm>> -> memref<1x1x1x8x128xf32, #tpu.memory_space<hbm>>
    %dma_wait3A_1064 = tpu.memref_squeeze %dma_wait3A_1063 : memref<1x1x1x8x128xf32, #tpu.memory_space<hbm>> -> memref<8x128xf32, #tpu.memory_space<hbm>>
    %dma_wait3A_1065 = arith.constant 40 : i32
    %dma_wait3A_1066 = arith.constant 0 : i32
    %dma_wait3A_1067 = tpu.memref_slice %arg10[%dma_wait3A_1065, %dma_wait3A_1066] : memref<64x130xf32, #tpu.memory_space<vmem>> -> memref<8x128xf32, #tpu.memory_space<vmem>>
    tpu.wait_dma2 semaphore(%arg14 : memref<!tpu.dma_semaphore, #tpu.memory_space<semaphore_mem>>) src(%dma_wait3A_1067 : memref<8x128xf32, #tpu.memory_space<vmem>>) dst(%dma_wait3A_1064 : memref<8x128xf32, #tpu.memory_space<hbm>>)
    %dma_wait3A_1068 = arith.constant 25 : i32
    %dma_wait3A_1069 = arith.constant 6 : i32
    %dma_wait3A_1070 = arith.constant 48 : i32
    %dma_wait3A_1071 = arith.constant 0 : i32
    %dma_wait3A_1072 = tpu.memref_slice %arg10[%dma_wait3A_1070, %dma_wait3A_1071] : memref<64x130xf32, #tpu.memory_space<vmem>> -> memref<8x128xf32, #tpu.memory_space<vmem>>
    %dma_wait3A_1073 = arith.constant 0 : i32
    %dma_wait3A_1074 = arith.constant 0 : i32
    %dma_wait3A_1075 = tpu.memref_slice %arg4[%dma_wait3A_1068, %dma_wait3A_1069, %add3A, %dma_wait3A_1073, %dma_wait3A_1074] : memref<26x8x32x8x128xf32, #tpu.memory_space<hbm>> -> memref<1x1x1x8x128xf32, #tpu.memory_space<hbm>>
    %dma_wait3A_1076 = tpu.memref_squeeze %dma_wait3A_1075 : memref<1x1x1x8x128xf32, #tpu.memory_space<hbm>> -> memref<8x128xf32, #tpu.memory_space<hbm>>
    %dma_wait3A_1077 = arith.constant 0 : i32
    %dma_wait3A_1078 = arith.constant 0 : i32
    %dma_wait3A_1079 = tpu.memref_slice %arg4[%dma_wait3A_1068, %dma_wait3A_1069, %add3A, %dma_wait3A_1077, %dma_wait3A_1078] : memref<26x8x32x8x128xf32, #tpu.memory_space<hbm>> -> memref<1x1x1x8x128xf32, #tpu.memory_space<hbm>>
    %dma_wait3A_1080 = tpu.memref_squeeze %dma_wait3A_1079 : memref<1x1x1x8x128xf32, #tpu.memory_space<hbm>> -> memref<8x128xf32, #tpu.memory_space<hbm>>
    %dma_wait3A_1081 = arith.constant 48 : i32
    %dma_wait3A_1082 = arith.constant 0 : i32
    %dma_wait3A_1083 = tpu.memref_slice %arg10[%dma_wait3A_1081, %dma_wait3A_1082] : memref<64x130xf32, #tpu.memory_space<vmem>> -> memref<8x128xf32, #tpu.memory_space<vmem>>
    tpu.wait_dma2 semaphore(%arg14 : memref<!tpu.dma_semaphore, #tpu.memory_space<semaphore_mem>>) src(%dma_wait3A_1083 : memref<8x128xf32, #tpu.memory_space<vmem>>) dst(%dma_wait3A_1080 : memref<8x128xf32, #tpu.memory_space<hbm>>)
    %dma_wait3A_1084 = arith.constant 25 : i32
    %dma_wait3A_1085 = arith.constant 7 : i32
    %dma_wait3A_1086 = arith.constant 56 : i32
    %dma_wait3A_1087 = arith.constant 0 : i32
    %dma_wait3A_1088 = tpu.memref_slice %arg10[%dma_wait3A_1086, %dma_wait3A_1087] : memref<64x130xf32, #tpu.memory_space<vmem>> -> memref<8x128xf32, #tpu.memory_space<vmem>>
    %dma_wait3A_1089 = arith.constant 0 : i32
    %dma_wait3A_1090 = arith.constant 0 : i32
    %dma_wait3A_1091 = tpu.memref_slice %arg4[%dma_wait3A_1084, %dma_wait3A_1085, %add3A, %dma_wait3A_1089, %dma_wait3A_1090] : memref<26x8x32x8x128xf32, #tpu.memory_space<hbm>> -> memref<1x1x1x8x128xf32, #tpu.memory_space<hbm>>
    %dma_wait3A_1092 = tpu.memref_squeeze %dma_wait3A_1091 : memref<1x1x1x8x128xf32, #tpu.memory_space<hbm>> -> memref<8x128xf32, #tpu.memory_space<hbm>>
    %dma_wait3A_1093 = arith.constant 0 : i32
    %dma_wait3A_1094 = arith.constant 0 : i32
    %dma_wait3A_1095 = tpu.memref_slice %arg4[%dma_wait3A_1084, %dma_wait3A_1085, %add3A, %dma_wait3A_1093, %dma_wait3A_1094] : memref<26x8x32x8x128xf32, #tpu.memory_space<hbm>> -> memref<1x1x1x8x128xf32, #tpu.memory_space<hbm>>
    %dma_wait3A_1096 = tpu.memref_squeeze %dma_wait3A_1095 : memref<1x1x1x8x128xf32, #tpu.memory_space<hbm>> -> memref<8x128xf32, #tpu.memory_space<hbm>>
    %dma_wait3A_1097 = arith.constant 56 : i32
    %dma_wait3A_1098 = arith.constant 0 : i32
    %dma_wait3A_1099 = tpu.memref_slice %arg10[%dma_wait3A_1097, %dma_wait3A_1098] : memref<64x130xf32, #tpu.memory_space<vmem>> -> memref<8x128xf32, #tpu.memory_space<vmem>>
    tpu.wait_dma2 semaphore(%arg14 : memref<!tpu.dma_semaphore, #tpu.memory_space<semaphore_mem>>) src(%dma_wait3A_1099 : memref<8x128xf32, #tpu.memory_space<vmem>>) dst(%dma_wait3A_1096 : memref<8x128xf32, #tpu.memory_space<hbm>>)
    return
  }
}

</mosaic_0001>

<sc_bundles>
// kernel: kernel.3.cloned.1.call-start
scs
__scs_entry_jumppad:
0x0: {  	(pc) =	sbr.rel $0x88, $3  }
0x1: {  	(tag) =	ssettag $0x0;
	lr =	simm.s32 $0x1  }
0x2: {  	[smem:$0x3F9F] =	sst lr;
	_ =	strace $0xD0000000  }
0x3: {  	_ = 	snop  }
0x4: {  	_ = 	snop  }
0x5: {  	_ = 	snop  }
0x6: {  	_ = 	snop  }
0x7: {  	_ = 	snop  }
__scs_overlays_trampoline_lowered:
0x8: {  	[smem:$0x3FAE] =	sst s0  }
0x9: {  	[smem:$0x3FAF] =	sst s1  }
0xa: {  	[smem:$0x3FB0] =	sst s2  }
0xb: {  	[smem:$0x3FB1] =	sst s3  }
0xc: {  	[smem:$0x3FB2] =	sst s4  }
0xd: {  	[smem:$0x3FB3] =	sst s5  }
0xe: {  	[smem:$0x3FB4] =	sst s6  }
0xf: {  	[smem:$0x3FB5] =	sst s7  }
0x10: {  	[smem:$0x3FB6] =	sst s8  }
0x11: {  	[smem:$0x3FB7] =	sst s9;
	s0 =	simm.s32 @!p0 $0x0  }
0x12: {  	s1 =	sld [smem:$0x3F9D];
	s0 =	simm.s32 @p0 $0x1  }
0x13: {  	[smem:$0x3FB8] =	sst s0;
	s0 =	simm.s32 @!p1 $0x0  }
0x14: {  	s2 =	sld [smem:$0x3F9C];
	s0 =	simm.s32 @p1 $0x1  }
0x15: {  	[smem:$0x3FB9] =	sst s0;
	s0 =	simm.s32 @!p2 $0x0  }
0x16: {  	s3 =	sld [smem:$0x3FDB];
	s0 =	simm.s32 @p2 $0x1  }
0x17: {  	s4 =	simm.s32 $0x1BF5;
	[smem:$0x3FBB] =	sst s0  }
0x18: {  	s0 =	sld [smem:$0x3F9E];
	_ =	swait.ge [sflag:s4], $0x0  }
0x19: {  	s7 =	sld [smem:$0x3F9F]  }
0x1a: {  	s8 =	sadd.s32 $0xFFFFE003, lr  }
0x1b: {  	s9 =	sadd.s32 $0xFFFFFEF7, lr;
	s5 =	simm.s32 $0xFFFFFFFF;
	p2 =	slt.u32 s8, $0xFFFFF086  }
0x1c: {  	p1 =	slt.u32 s9, $0xF7A;
	s5 =	simm.s32 @!p2 $0x0  }
0x1d: {  	s5 =	simm.s32 @p1 $0x1;
	p0 =	seq.s32 s7, s2  }
0x1e: {  	s7 =	smul.u32 @!p0 $0xF7A, s2;
	p2 =	seq.s32 @!p0 s5, $0x0  }
0x1f: {  	s9 =	smul.u32 $0xF7A, s1;
	s8 =	simm.s32 @!p0 $0x1BF5;
	p2 =	por !p2, p0  }
0x20: {  	[sflag:s8] =	ssyncset.s32 @!p0 $0xFFFFF086;
	s6 =	sadd.s32 @!p0 s3, s7;
	s7 =	simm.s32 @!p0 $0x108  }
0x21: {  	s3 =	sadd.s32 s3, s9;
	s6 =	sadd.s32 @!p0 $0x88, s6;
	s7 =	simm.s32 @p2 $0x1082  }
0x22: {  	[simem:s7], [sflag:s8] =	dma.local @!p0 [hbm:s6], $0xF7A  }
0x23: {  	s9 =	sor.u32 $0xD0000000, s2;
	s6 =	simm.s32 $0x108;
	_ =	swait.ge @!p0 [sflag:s8], $0x0  }
0x24: {  	s3 =	sadd.s32 $0x88, s3;
	s6 =	simm.s32 @!p1 $0x1082;
	[sflag:s4] =	ssyncset.s32 $0xFFFFF086  }
0x25: {  	[simem:s6], [sflag:s4] =	dma.local [hbm:s3], $0xF7A  }
0x26: {  	[smem:$0x3F9F] =	sst s1;
	(tag) =	ssettag s2;
	_ =	strace s9  }
0x27: {  	s1 =	sld [smem:$0x3FAF]  }
0x28: {  	s2 =	sld [smem:$0x3FB0]  }
0x29: {  	s4 =	sld [smem:$0x3FB2]  }
0x2a: {  	p0 =	seq.s32 s5, $0x0;
	s5 =	sld [smem:$0x3FB3]  }
0x2b: {  	s6 =	sld [smem:$0x3FB4]  }
0x2c: {  	s7 =	sld [smem:$0x3FB5]  }
0x2d: {  	s3 =	simm.s32 $0x108;
	s8 =	sld [smem:$0x3FB6]  }
0x2e: {  	s3 =	simm.s32 @!p0 $0x1082;
	s9 =	sld [smem:$0x3FB7]  }
0x2f: {  	lr =	sadd.s32 s0, s3;
	s0 =	sld [smem:$0x3FAE]  }
0x30: {  	s3 =	sld [smem:$0x3FB1]  }
0x31: {  	[smem:$0x3FBA] =	sst s10  }
0x32: {  	s10 =	sld [smem:$0x3FB8];
	_ =	sdelay $0x3  }
0x33: {  	p0 =	seq.s32 s10, $0x1;
	s10 =	sld [smem:$0x3FBA];
	_ =	sdelay $0x3  }
0x34: {  	[smem:$0x3FBA] =	sst s10  }
0x35: {  	s10 =	sld [smem:$0x3FB9];
	_ =	sdelay $0x3  }
0x36: {  	p1 =	seq.s32 s10, $0x1;
	s10 =	sld [smem:$0x3FBA];
	_ =	sdelay $0x3  }
0x37: {  	[smem:$0x3FBA] =	sst s10  }
0x38: {  	s10 =	sld [smem:$0x3FBB]  }
0x39: {  	_ = 	snop;
	(pc) =	sbr.ind lr, $3  }
0x3a: {  	_ = 	snop  }
0x3b: {  	_ = 	snop  }
0x3c: {  	p2 =	seq.s32 s10, $0x1;
	s10 =	sld [smem:$0x3FBA]  }
0x3d: {  	_ =	shalt  }
0x3e: {  	_ =	shalt  }
0x3f: {  	_ =	shalt  }
0x40: {  	_ =	shalt  }
0x41: {  	_ =	shalt  }
0x42: {  	_ =	shalt  }
0x43: {  	_ =	shalt  }
0x44: {  	_ =	shalt  }
0x45: {  	_ =	shalt  }
0x46: {  	_ =	shalt  }
0x47: {  	_ =	shalt  }
0x48: {  	_ =	shalt  }
0x49: {  	_ =	shalt  }
0x4a: {  	_ =	shalt  }
0x4b: {  	_ =	shalt  }
0x4c: {  	_ =	shalt  }
0x4d: {  	_ =	shalt  }
0x4e: {  	_ =	shalt  }
0x4f: {  	_ =	shalt  }
0x50: {  	_ =	shalt  }
0x51: {  	_ =	shalt  }
0x52: {  	_ =	shalt  }
0x53: {  	_ =	shalt  }
0x54: {  	_ =	shalt  }
0x55: {  	_ =	shalt  }
0x56: {  	_ =	shalt  }
0x57: {  	_ =	shalt  }
0x58: {  	_ =	shalt  }
0x59: {  	_ =	shalt  }
0x5a: {  	_ =	shalt  }
0x5b: {  	_ =	shalt  }
0x5c: {  	_ =	shalt  }
0x5d: {  	_ =	shalt  }
0x5e: {  	_ =	shalt  }
0x5f: {  	_ =	shalt  }
0x60: {  	_ =	shalt  }
0x61: {  	_ =	shalt  }
0x62: {  	_ =	shalt  }
0x63: {  	_ =	shalt  }
0x64: {  	_ =	shalt  }
0x65: {  	_ =	shalt  }
0x66: {  	_ =	shalt  }
0x67: {  	_ =	shalt  }
0x68: {  	_ =	shalt  }
0x69: {  	_ =	shalt  }
0x6a: {  	_ =	shalt  }
0x6b: {  	_ =	shalt  }
0x6c: {  	_ =	shalt  }
0x6d: {  	_ =	shalt  }
0x6e: {  	_ =	shalt  }
0x6f: {  	_ =	shalt  }
0x70: {  	_ =	shalt  }
0x71: {  	_ =	shalt  }
0x72: {  	_ =	shalt  }
0x73: {  	_ =	shalt  }
0x74: {  	_ =	shalt  }
0x75: {  	_ =	shalt  }
0x76: {  	_ =	shalt  }
0x77: {  	_ =	shalt  }
0x78: {  	_ =	shalt  }
0x79: {  	_ =	shalt  }
0x7a: {  	_ =	shalt  }
0x7b: {  	_ =	shalt  }
0x7c: {  	_ =	shalt  }
0x7d: {  	_ =	shalt  }
0x7e: {  	_ =	shalt  }
0x7f: {  	_ =	shalt  }
0x80: {  	_ =	shalt  }
0x81: {  	_ =	shalt  }
0x82: {  	_ =	shalt  }
0x83: {  	_ =	shalt  }
0x84: {  	_ =	shalt  }
0x85: {  	_ =	shalt  }
0x86: {  	_ =	shalt  }
0x87: {  	_ =	shalt  }
.Lfunc_end0:
.L_simem_size_0:
called_computation_lowered:
.L_overlay_start_0:
0x88: {  	s2 =	sld [smem:$0x3FD9]  }
0x89: {  	s3 =	sld [smem:$0x3FFE];
	_ =	sdelay $0x1  }
0x8a: {  	s1 =	srdreg.scid  }
0x8b: {  	s0 =	sand.u32 $0x1, s1  }
0x8c: {  	s17 =	sshll.u32 s0, $0xA;
	s2 =	sadd.s32 s3, s2  }
0x8d: {  	s2 =	sadd.s32 s2, s17  }
0x8e: {  	[smem:$0x3FC6] =	sst s2  }
0x8f: {  	_ = 	snop  }
0x90: {  	s2 =	sld [smem:$0x3FD0];
	(tm) =	ssettm $0x1  }
0x91: {  	s18 =	sld [smem:$0x3FFB];
	_ =	sdelay $0x3  }
0x92: {  	_ =	strace s18  }
0x93: {  	s3 =	sld [smem:$0x3FFC];
	_ =	sdelay $0x3  }
0x94: {  	_ =	strace s3  }
0x95: {  	s3 =	sld [smem:$0x3FFD];
	_ =	sdelay $0x3  }
0x96: {  	_ =	strace s3  }
0x97: {  	_ =	strace $0x8FFFFFFF  }
0x98: {  	s19 =	sld [smem:$0x3FDB];
	_ =	sdelay $0x1  }
0x99: {  	s4 =	simm.s32 $_scs_section_size  }
0x9a: {  	s5 =	simm.s32 $_size__tile_overlayer_lowered;
	s6 =	simm.s32 $_tile_overlayer_lowered  }
0x9b: {  	s22 =	simm.s32 $0x1BFF;
	s21 =	sshll.u32 s6, $0x1;
	s3 =	sadd.s32 s4, s19  }
0x9c: {  	s7 =	simm.s32 $0x0;
	s20 =	sshll.u32 s5, $0x1;
	s5 =	sadd.s32 s21, s3  }
0x9d: {  	[timem:s7], [sflag:s22] =	dma.local [hbm:s5], s20  }
0x9e: {  	_ =	swait.ge [sflag:s22], s20  }
0x9f: {  	s4 =	ssub.s32 $0x0, s20;
	[sflag:s22] =	ssyncset.done $0x0  }
0xa0: {  	[sflag:s22] =	ssyncadd.s32 s4;
	_ =	sdelay $0x1  }
0xa1: {  	s23 =	simm.s32 $0x1B8B  }
0xa2: {  	_ =	swait.ge [sflag:s23], $0x1  }
0xa3: {  	[sflag:s23] =	ssyncset.done $0x0  }
0xa4: {  	s25 =	simm.s32 $0x1B8E;
	s24 =	sld [smem:$0x3FFE];
	[sflag:s23] =	ssyncadd.s32 $0xFFFFFFFF  }
0xa5: {  	s26 =	simm.s32 $execute0_lowered;
	[smem:$0x3FD2] =	sst s25  }
0xa6: {  	s5 =	sshll.u32 s26, $0x1;
	_ =	strace $0x80000046;
	[dreg:$0x1] =	wrdreg $0xFFFFFFFF  }
0xa7: {  	s28 =	simm.s32 $_size_execute0_lowered;
	s3 =	sadd.s32 s3, s5;
	[dreg:$0x0] =	wrdreg $0x0  }
0xa8: {  	s5 =	sshll.u32 s28, $0x1;
	[dreg:$0x2] =	wrdreg s3  }
0xa9: {  	[dreg:$0x3] =	wrdreg s5  }
0xaa: {  	[dreg:$0x4] =	wrdreg $0xC0  }
0xab: {  	_ =	task [dreg:s7], $0x5FFFF  }
0xac: {  	[dreg:$0x1] =	wrdreg $0xFFFFFFFF  }
0xad: {  	[dreg:$0x0] =	wrdreg $0x60  }
0xae: {  	[dreg:$0x2] =	wrdreg s24  }
0xaf: {  	[dreg:$0x3] =	wrdreg s2  }
0xb0: {  	[dreg:$0x4] =	wrdreg $0x9  }
0xb1: {  	_ =	task.clear_ibuf [dreg:s7], $0x5FFFF;
	_ =	strace $0x90000046  }
0xb2: {  	s29 =	simm.s32 $0x9;
	_ =	strace $0x80000048  }
0xb3: {  	_ =	swait.ge [sflag:s29], $0x1  }
0xb4: {  	[sflag:s29] =	ssyncadd.s32 $0xFFFFFFFF  }
0xb5: {  	_ =	strace $0x90000048  }
0xb6: {  	_ =	sfence  }
0xb7: {  	s30 =	sld [smem:$0x0];
	_ =	sdelay $0x2  }
0xb8: {  	s31 =	sshll.u32 s1, $0xD;
	s1 =	sshrl.u32 s1, $0x2  }
0xb9: {  	s3 =	sand.u32 $0x4000, s31;
	s1 =	sadd.s32 s1, s30  }
0xba: {  	s0 =	sor.u32 s3, s0;
	s1 =	sshll.u32 s1, $0x11  }
0xbb: {  	s0 =	sor.u32 s1, s0  }
0xbc: {  	s0 =	sadd.s32 $0x8F2B, s0  }
0xbd: {  	[sflag:s0] =	ssyncadd.remote.s32 $0x1  }
0xbe: {  	_ =	sfence.sel $0xFFFF  }
0xbf: {  	[dreg:$0x0] =	wrdreg $0xFFFFFFFF;
	(pc) =	sbr.abs _section_cstart, $3  }
0xc0: {  	[dreg:$0x1] =	wrdreg $0xFFFFFFFF  }
0xc1: {  	_ =	task.clear_ibuf [dreg:s7], $0x2FFFF;
	_ =	strace $0x9FFFFFFF  }
0xc2: {  	(tm) =	ssettm $0x7FFFFFFF  }
0xc3: {  	_ =	shalt  }
tec
execute0_lowered:
.L_overlay_start_1:
0x0: {  	(tag) =	ssettag $0x1  }
0x1: {  	s0 =	rddreg [dreg:$0x0]  }
0x2: {  	s1 =	srdreg.scid;
	s3 =	stileid.u32  }
0x3: {  	s2 =	rddreg [dreg:$0x1];
	s1 =	sand.u32 $0x1, s1;
	s4 =	sshll.u32 s3, $0x1  }
0x4: {  	s3 =	simm.s32 $0x0;
	s9 =	sadd.s32 $0x2000, s2;
	s5 =	sor.u32 s1, s4  }
0x5: {  	s10 =	sadd.s32 $0x3000, s2;
	s11 =	sadd.s32 $0x4000, s2;
	s25 =	sshll.u32 s5, $0x7  }
0x6: {  	s15 =	sadd.s32 $0x5000, s2;
	[smem:$0x7FF] =	sst s3;
	s26 =	sadd.s32 s25, s9  }
0x7: {  	_ =	strace $0x80000047;
	s29 =	sadd.s32 s25, s10;
	[dreg:$0x6] =	wrdreg s26  }
0x8: {  	s16 =	sadd.s32 $0x6000, s2;
	s30 =	sadd.s32 s25, s11;
	[dreg:$0x7] =	wrdreg s29  }
0x9: {  	s1 =	ssub.s32 $0x2, s1;
	s12 =	sadd.s32 s25, s15;
	[dreg:$0x8] =	wrdreg s30  }
0xa: {  	s7 =	sshrl.u32 s1, $0x1;
	s13 =	sadd.s32 s25, s16;
	[dreg:$0x9] =	wrdreg s12  }
0xb: {  	s1 =	ssub.s32 s1, s7;
	s7 =	sadd.s32 s2, s25;
	[dreg:$0xa] =	wrdreg s13  }
0xc: {  	s14 =	sadd.s32 $0x8000, s7;
	[dreg:$0x4] =	wrdreg s7  }
0xd: {  	s18 =	sadd.s32 $0x9000, s7;
	[dreg:$0xc] =	wrdreg s14  }
0xe: {  	s19 =	smax.u32 s1, $0x1;
	[dreg:$0xd] =	wrdreg s18  }
0xf: {  	s20 =	sadd.s32 $0xA000, s7;
	[dreg:$0xe] =	wrdreg s19  }
0x10: {  	s21 =	sadd.s32 $0xB000, s7;
	[dreg:$0xf] =	wrdreg s20  }
0x11: {  	s22 =	sadd.s32 $0xC000, s7;
	[dreg:$0x10] =	wrdreg s21  }
0x12: {  	s26 =	sadd.s32 $0xE000, s7;
	[dreg:$0x11] =	wrdreg s22  }
0x13: {  	s6 =	smul.u32 $0x1A0, s5;
	s29 =	sadd.s32 $0xF000, s7;
	[dreg:$0x13] =	wrdreg s26  }
0x14: {  	s5 =	sshll.u32 s5, $0xA;
	s30 =	sadd.s32 $0xC0000, s7;
	[dreg:$0x14] =	wrdreg s29  }
0x15: {  	s23 =	sor.u32 $0x80000, s5;
	s1 =	sadd.s32 $0xC1000, s7;
	[dreg:$0x15] =	wrdreg s30  }
0x16: {  	s24 =	sor.u32 $0xC0000, s5;
	s5 =	sadd.s32 $0xC2000, s7;
	[dreg:$0x16] =	wrdreg s1  }
0x17: {  	s4 =	sadd.s32 $0x18A400, s0;
	s12 =	sadd.s32 $0xC4000, s7;
	[dreg:$0x17] =	wrdreg s5  }
0x18: {  	s0 =	sadd.s32 s6, s0;
	s13 =	sadd.s32 $0xC5000, s7;
	[dreg:$0x19] =	wrdreg s12  }
0x19: {  	s6 =	sadd.s32 $0x1000, s2;
	s0 =	sadd.s32 $0x187000, s0;
	[dreg:$0x1a] =	wrdreg s13  }
0x1a: {  	s8 =	sadd.s32 s25, s6;
	[dreg:$0x3] =	wrdreg s0  }
0x1b: {  	s14 =	sadd.s32 $0xC6000, s7;
	[dreg:$0x5] =	wrdreg s8  }
0x1c: {  	s18 =	sadd.s32 $0xC7000, s7;
	[dreg:$0x1b] =	wrdreg s14  }
0x1d: {  	s19 =	sadd.s32 $0xC8000, s7;
	[dreg:$0x1c] =	wrdreg s18  }
0x1e: {  	s20 =	sadd.s32 $0xC9000, s7;
	[dreg:$0x1d] =	wrdreg s19  }
0x1f: {  	s21 =	sadd.s32 $0xCA000, s7;
	[dreg:$0x1e] =	wrdreg s20  }
0x20: {  	s22 =	sadd.s32 $0xCB000, s7;
	[dreg:$0x1f] =	wrdreg s21  }
0x21: {  	s31 =	simm.s32 $0x80;
	s26 =	sadd.s32 $0xCD000, s7;
	[smem:$0x7F9] =	sst s22  }
0x22: {  	s28 =	simm.s32 $0x0;
	s29 =	sadd.s32 $0xCE000, s7;
	[smem:$0x7FB] =	sst s26  }
0x23: {  	v5 =	vlaneseq.u32;
	s17 =	sadd.s32 $0x7000, s2;
	s30 =	sadd.s32 $0xCF000, s7;
	[smem:$0x7FC] =	sst s29  }
0x24: {  	v0 =	vmul.u32 $0x1A, v5;
	s5 =	simm.s32 $0x1;
	s0 =	sadd.s32 s25, s17;
	[smem:$0x7FD] =	sst s30  }
0x25: {  	s25 =	sadd.s32 $0xD000, s7;
	s8 =	sadd.s32 $0xC3000, s7;
	[dreg:$0xb] =	wrdreg s0  }
0x26: {  	v5 =	vmul.u32 $0x88, v5;
	v1 =	vadd.s32 $0x1A0, v0;
	s20 =	simm.s32 $0x9CF0;
	s21 =	simm.s32 $0x9D78;
	[dreg:$0x12] =	wrdreg s25  }
0x27: {  	v2 =	vadd.s32 $0x340, v0;
	v3 =	vadd.s32 $0x4E0, v0;
	v4 =	vadd.s32 $0x680, v0;
	s22 =	simm.s32 $0x3;
	s26 =	simm.s32 $0x4;
	[dreg:$0x18] =	wrdreg s8  }
0x28: {  	v6 =	vadd.s32 $0x820, v0;
	v7 =	vadd.s32 $0x9C0, v0;
	v8 =	vadd.s32 $0xB60, v0;
	s25 =	sadd.s32 $0xCC000, s7;
	s0 =	simm.s32 $0x2;
	s8 =	simm.s32 $0x7C00  }
0x29: {  	v9 =	vadd.s32 $0x880, v5;
	v10 =	vadd.s32 $0x1100, v5;
	v11 =	vadd.s32 $0x1980, v5;
	s7 =	simm.s32 $0x0;
	[smem:$0x7FA] =	sst s25;
	s25 =	simm.s32 $0x5A00  }
.LBB2_1:
0x2a: {  	[smem:$0x7F8] =	sst s7  }
0x2b: {  	v12 =	vadd.s32 s3, v8;
	s1 =	rddreg [dreg:$0x3];
	s29 =	simm.s32 $0x5  }
0x2c: {  	v13 =	vadd.s32 s3, v1;
	[tilespmem:s3], [sflag:$0x5] =	stream.linear.gather [hbm4b:s1+s3], $0xD00, $0x38;
	[tilespmem:$0x9E00] =	vst v63  }
0x2d: {  	v14 =	vadd.s32 s3, v0;
	_ =	swait.ge [sflag:s29], $0xD00  }
0x2e: {  	v15 =	vadd.s32 s3, v2;
	[sflag:s29] =	ssyncset.done $0x0  }
0x2f: {  	v17 =	vadd.s32 s3, v4;
	[sflag:s29] =	ssyncadd.s32 $0xFFFFF300  }
0x30: {  	v18 =	vadd.s32 s3, v6;
	s30 =	simm.s32 $0x1;
	v12 =	vld.idx.msk [tilespmem:v12+s3+$0x0], $0xffff  }
0x31: {  	v21 =	vadd.s32 s30, v1;
	v13 =	vld.idx.msk [tilespmem:v13+s3+$0x0], $0xffff  }
0x32: {  	v22 =	vadd.s32 s30, v0;
	v14 =	vld.idx.msk [tilespmem:v14+s3+$0x0], $0xffff  }
0x33: {  	v19 =	vadd.s32 s3, v7;
	v15 =	vld.idx.msk [tilespmem:v15+s3+$0x0], $0xffff  }
0x34: {  	v16 =	vadd.s32 s3, v3;
	v17 =	vld.idx.msk [tilespmem:v17+s3+$0x0], $0xffff  }
0x35: {  	v20 =	vadd.s32 s30, v8;
	v24 =	vld.idx.msk [tilespmem:v18+s3+$0x0], $0xffff  }
0x36: {  	v23 =	vadd.s32 s30, v2;
	v21 =	vld.idx.msk [tilespmem:v21+s3+$0x0], $0xffff  }
0x37: {  	v18 =	vadd.s32 s30, v3;
	v28 =	vld.idx.msk [tilespmem:v22+s3+$0x0], $0xffff  }
0x38: {  	s1 =	simm.s32 $0xD40;
	v25 =	vld.idx.msk [tilespmem:v19+s3+$0x0], $0xffff;
	v19 =	vadd.s32 s30, v4;
	v12 =	vshll.u32 v12, $0x1  }
0x39: {  	s12 =	simm.s32 $0x2;
	v27 =	vadd.s32 s30, v7;
	v16 =	vld.idx.msk [tilespmem:v16+s3+$0x0], $0xffff;
	v13 =	vshll.u32 v13, $0x1;
	[tilespmem:s1+$0x30] =	vst v12  }
0x3a: {  	v31 =	vadd.s32 s12, v0;
	v20 =	vld.idx.msk [tilespmem:v20+s3+$0x0], $0xffff;
	v12 =	vshll.u32 v14, $0x1;
	[tilespmem:s1+$0xFFFFFFD0] =	vst v13  }
0x3b: {  	v26 =	vadd.s32 s30, v6;
	v23 =	vld.idx.msk [tilespmem:v23+s3+$0x0], $0xffff;
	v13 =	vshll.u32 v17, $0x1;
	v17 =	vshll.u32 v21, $0x1;
	[tilespmem:s1+$0xFFFFFFC0] =	vst v12  }
0x3c: {  	s7 =	simm.s32 $0xDC0;
	v30 =	vld.idx.msk [tilespmem:v18+s3+$0x0], $0xffff;
	v21 =	vshll.u32 v28, $0x1;
	v12 =	vshll.u32 v15, $0x1;
	v15 =	vadd.s32 s12, v8;
	[tilespmem:s1+$0x0] =	vst v13  }
0x3d: {  	v29 =	vadd.s32 s12, v1;
	v14 =	vld.idx.msk [tilespmem:v19+s3+$0x0], $0xffff;
	[tilespmem:s7+$0xFFFFFFC0] =	vst v21  }
0x3e: {  	v18 =	vadd.s32 s12, v2;
	v13 =	vld.idx.msk [tilespmem:v27+s3+$0x0], $0xffff;
	[tilespmem:s1+$0xFFFFFFE0] =	vst v12;
	v12 =	vshll.u32 v16, $0x1  }
0x3f: {  	v19 =	vadd.s32 s12, v3;
	v21 =	vld.idx.msk [tilespmem:v31+s3+$0x0], $0xffff;
	v16 =	vshll.u32 v20, $0x1;
	[tilespmem:s1+$0xFFFFFFF0] =	vst v12  }
0x40: {  	v12 =	vld.idx.msk [tilespmem:v26+s3+$0x0], $0xffff;
	[tilespmem:s7+$0x30] =	vst v16;
	v16 =	vadd.s32 s12, v4  }
0x41: {  	v24 =	vshll.u32 v24, $0x1;
	[tilespmem:s7+$0xFFFFFFD0] =	vst v17;
	v17 =	vadd.s32 s12, v6;
	v26 =	vshll.u32 v23, $0x1;
	v22 =	vld.idx.msk [tilespmem:v15+s3+$0x0], $0xffff  }
0x42: {  	s13 =	simm.s32 $0x3;
	v20 =	vld.idx.msk [tilespmem:v29+s3+$0x0], $0xffff;
	v23 =	vshll.u32 v25, $0x1;
	[tilespmem:s7+$0xFFFFFFE0] =	vst v26;
	v25 =	vshll.u32 v30, $0x1;
	v15 =	vadd.s32 s12, v7;
	s12 =	simm.s32 $0x10  }
.LBB2_2:
0x43: {  	v26 =	vadd.s32 s13, v1;
	v27 =	vadd.s32 s13, v8;
	s12 =	sadd.s32 $0x8, s12;
	v28 =	vld.idx.msk [tilespmem:v18+s3+$0x0], $0xffff;
	v18 =	vadd.s32 s13, v2;
	[tilespmem:s7+$0xFFFFFFF0] =	vst v25  }
0x44: {  	v25 =	vadd.s32 s13, v4;
	v29 =	vadd.s32 s13, v6;
	p0 =	slt.u32 s12, $0xC8;
	v30 =	vld.idx.msk [tilespmem:v19+s3+$0x0], $0xffff;
	v19 =	vadd.s32 s13, v3;
	[tilespmem:s1+$0x10] =	vst v24  }
0x45: {  	v31 =	vadd.s32 s13, v0;
	v32 =	vadd.s32 s13, v7;
	v24 =	vshll.u32 v14, $0x1;
	v14 =	vld.idx.msk [tilespmem:v16+s3+$0x0], $0xffff;
	[tilespmem:s1+$0x20] =	vst v23;
	v16 =	vmovc v25;
	s1 =	smov.u32 s7  }
.Ltmp0:
0x46: {  	v22 =	vshll.u32 v22, $0x1;
	v23 =	vshll.u32 v13, $0x1;
	s7 =	sadd.s32 $0x80, s7;
	[tilespmem:s1+$0x0] =	vst v24;
	v24 =	vshll.u32 v12, $0x1;
	v12 =	vld.idx.msk [tilespmem:v17+s3+$0x0], $0xffff;
	v17 =	vmovc v29;
	(pc) =	sbr.rel @p0 .LBB2_2-.Ltmp0, $4  }
0x47: {  	v20 =	vshll.u32 v20, $0x1;
	v13 =	vld.idx.msk [tilespmem:v15+s3+$0x0], $0xffff;
	[tilespmem:s7+$0x30] =	vst v22;
	v15 =	vmov v32  }
0x48: {  	v21 =	vshll.u32 v21, $0x1;
	v22 =	vld.idx.msk [tilespmem:v27+s3+$0x0], $0xffff;
	[tilespmem:s7+$0xFFFFFFD0] =	vst v20  }
0x49: {  	v25 =	vshll.u32 v28, $0x1;
	v20 =	vld.idx.msk [tilespmem:v26+s3+$0x0], $0xffff;
	[tilespmem:s7+$0xFFFFFFC0] =	vst v21  }
0x4a: {  	s13 =	sadd.s32 $0x1, s13;
	v21 =	vld.idx.msk [tilespmem:v31+s3+$0x0], $0xffff;
	[tilespmem:s7+$0xFFFFFFE0] =	vst v25;
	v25 =	vshll.u32 v30, $0x1  }
0x4b: {  	_ = 	snop  }
0x4c: {  	[tilespmem:s7+$0xFFFFFFF0] =	vst v25  }
0x4d: {  	[tilespmem:s1+$0x10] =	vst v24  }
0x4e: {  	v14 =	vshll.u32 v14, $0x1;
	[tilespmem:s1+$0x20] =	vst v23  }
0x4f: {  	v18 =	vld.idx.msk [tilespmem:v18+s3+$0x0], $0xffff;
	v12 =	vshll.u32 v12, $0x1;
	[tilespmem:s7+$0x0] =	vst v14  }
0x50: {  	v16 =	vld.idx.msk [tilespmem:v16+s3+$0x0], $0xffff;
	v13 =	vshll.u32 v13, $0x1;
	[tilespmem:s7+$0x10] =	vst v12  }
0x51: {  	s19 =	sadd.s32 $0x80, s7;
	v15 =	vld.idx.msk [tilespmem:v15+s3+$0x0], $0xffff;
	v22 =	vshll.u32 v22, $0x1;
	[tilespmem:s7+$0x20] =	vst v13  }
0x52: {  	v19 =	vld.idx.msk [tilespmem:v19+s3+$0x0], $0xffff;
	v14 =	vshll.u32 v20, $0x1;
	[tilespmem:s19+$0x30] =	vst v22  }
0x53: {  	v20 =	vshll.u32 v21, $0x1;
	[tilespmem:s19+$0xFFFFFFD0] =	vst v14;
	v14 =	vld.idx.msk [tilespmem:v17+s3+$0x0], $0xffff  }
0x54: {  	[tilespmem:s19+$0xFFFFFFC0] =	vst v20;
	v17 =	vshll.u32 v18, $0x1  }
0x55: {  	v12 =	vshll.u32 v16, $0x1;
	[tilespmem:s19+$0xFFFFFFE0] =	vst v17  }
0x56: {  	v13 =	vshll.u32 v15, $0x1;
	[tilespmem:s19+$0x0] =	vst v12  }
0x57: {  	v17 =	vshll.u32 v19, $0x1;
	[tilespmem:s19+$0x20] =	vst v13  }
0x58: {  	[tilespmem:s19+$0xFFFFFFF0] =	vst v17;
	v12 =	vshll.u32 v14, $0x1  }
0x59: {  	s29 =	simm.s32 $0xD00;
	s30 =	simm.s32 $0x1A00;
	[tilespmem:s19+$0x10] =	vst v12  }
0x5a: {  	[tilespmem:s30], [sflag:$0x1] =	stream.indirect.gather [hbm4b:s4+s31], $0x40, s29, s31, $0xb8;
	[tilespmem:$0x9E00] =	vst v63  }
0x5b: {  	s12 =	simm.s32 $0x3A00;
	s7 =	simm.s32 $0xD80  }
0x5c: {  	[tilespmem:s12], [sflag:$0x2] =	stream.indirect.gather [hbm4b:s4+s31], $0x40, s7, s31, $0xb8;
	[tilespmem:$0x9E00] =	vst v63  }
0x5d: {  	s13 =	simm.s32 $0x3;
	_ =	swait.ge [sflag:s5], $0x2000  }
0x5e: {  	s14 =	simm.s32 $0x1;
	v12 =	vmov s13;
	[sflag:s5] =	ssyncset.done $0x0  }
0x5f: {  	s1 =	simm.s32 $0x1A80;
	s18 =	simm.s32 $0x2;
	v16 =	vand.u32 $0x7F, v12;
	v12 =	vmov s14;
	[sflag:s5] =	ssyncadd.s32 $0xFFFFE000  }
0x60: {  	v14 =	vadd.s32 v5, v16;
	v17 =	vand.u32 $0x7D, v12;
	v12 =	vmov s18;
	v13 =	vld [tilespmem:s1+$0x40]  }
0x61: {  	v19 =	vadd.s32 v5, v17;
	v20 =	vand.u32 $0x7E, v12;
	v18 =	vld [tilespmem:s1+$0xFFFFFFC0]  }
0x62: {  	s19 =	simm.s32 $0x0;
	v21 =	vadd.s32 v5, v20;
	v12 =	vld [tilespmem:s1+$0x0]  }
0x63: {  	v15 =	vmov s19  }
0x64: {  	v15 =	vand.u32 $0x7C, v15  }
0x65: {  	v23 =	vadd.s32 v5, v15;
	v22 =	vld [tilespmem:s1+$0xFFFFFF80];
	[tilespmem:v14+s25+$0x0] =	vst.idx.msk $0xffff, v13  }
0x66: {  	v14 =	vadd.s32 v9, v16;
	[tilespmem:v19+s25+$0x0] =	vst.idx.msk $0xffff, v18;
	v13 =	vld [tilespmem:s1+$0x50]  }
0x67: {  	v19 =	vadd.s32 v9, v17;
	[tilespmem:v21+s25+$0x0] =	vst.idx.msk $0xffff, v12;
	v18 =	vld [tilespmem:s1+$0xFFFFFFD0]  }
0x68: {  	v21 =	vadd.s32 v9, v20;
	v12 =	vld [tilespmem:s1+$0x10];
	_ =	sdelay $0x1  }
0x69: {  	[tilespmem:v23+s25+$0x0] =	vst.idx.msk $0xffff, v22  }
0x6a: {  	v25 =	vadd.s32 v9, v15;
	v24 =	vld [tilespmem:s1+$0xFFFFFF90];
	[tilespmem:v14+s25+$0x0] =	vst.idx.msk $0xffff, v13  }
0x6b: {  	v23 =	vadd.s32 v10, v16;
	[tilespmem:v19+s25+$0x0] =	vst.idx.msk $0xffff, v18;
	v22 =	vld [tilespmem:s1+$0x60]  }
0x6c: {  	s29 =	simm.s32 $0x7;
	v19 =	vadd.s32 v10, v17;
	[tilespmem:v21+s25+$0x0] =	vst.idx.msk $0xffff, v12;
	v18 =	vld [tilespmem:s1+$0xFFFFFFE0]  }
0x6d: {  	s12 =	simm.s32 $0x5;
	v26 =	vadd.s32 v10, v20;
	v13 =	vmov s29;
	v21 =	vld [tilespmem:s1+$0x20]  }
0x6e: {  	s30 =	simm.s32 $0x6;
	s7 =	simm.s32 $0x1B80;
	v12 =	vmov s12;
	v14 =	vand.u32 $0x7F, v13  }
0x6f: {  	v27 =	vld [tilespmem:s7+$0x40];
	[tilespmem:v25+s25+$0x0] =	vst.idx.msk $0xffff, v24;
	v13 =	vand.u32 $0x7D, v12;
	v12 =	vmov s30;
	v28 =	vadd.s32 v5, v14  }
0x70: {  	s13 =	simm.s32 $0x4;
	v29 =	vld [tilespmem:s7+$0xFFFFFFC0];
	v30 =	vadd.s32 v5, v13;
	v12 =	vand.u32 $0x7E, v12;
	[tilespmem:v23+s25+$0x0] =	vst.idx.msk $0xffff, v22  }
0x71: {  	v22 =	vmov s13;
	[tilespmem:v19+s25+$0x0] =	vst.idx.msk $0xffff, v18;
	v18 =	vld [tilespmem:s7+$0x0];
	v19 =	vadd.s32 v5, v12  }
0x72: {  	v24 =	vadd.s32 v11, v16;
	[tilespmem:v26+s25+$0x0] =	vst.idx.msk $0xffff, v21;
	v21 =	vld [tilespmem:s1+$0xFFFFFFA0];
	v26 =	vadd.s32 v10, v15;
	v16 =	vand.u32 $0x7C, v22  }
0x73: {  	v22 =	vld [tilespmem:s7+$0xFFFFFF80];
	v25 =	vadd.s32 v5, v16  }
0x74: {  	v23 =	vld [tilespmem:s1+$0x70];
	[tilespmem:v28+s25+$0x0] =	vst.idx.msk $0xffff, v27  }
0x75: {  	v62 =	vadd.s32 v9, v14;
	[tilespmem:v30+s25+$0x0] =	vst.idx.msk $0xffff, v29;
	v27 =	vld [tilespmem:s7+$0x50]  }
0x76: {  	v63 =	vadd.s32 v9, v13;
	v29 =	vld [tilespmem:s7+$0xFFFFFFD0];
	[tilespmem:v19+s25+$0x0] =	vst.idx.msk $0xffff, v18  }
0x77: {  	v32 =	vadd.s32 v11, v17;
	v31 =	vld [tilespmem:s1+$0xFFFFFFF0];
	[tilespmem:v26+s25+$0x0] =	vst.idx.msk $0xffff, v21  }
0x78: {  	v26 =	vadd.s32 v9, v12;
	[tilespmem:v25+s25+$0x0] =	vst.idx.msk $0xffff, v22;
	v25 =	vld [tilespmem:s7+$0x10]  }
0x79: {  	[tilespmem:v24+s25+$0x0] =	vst.idx.msk $0xffff, v23;
	v24 =	vadd.s32 v9, v16;
	v23 =	vld [tilespmem:s7+$0xFFFFFF90]  }
0x7a: {  	v18 =	vld [tilespmem:s1+$0x30];
	v21 =	vadd.s32 v11, v20;
	[tilespmem:v62+s25+$0x0] =	vst.idx.msk $0xffff, v27  }
0x7b: {  	v20 =	vadd.s32 v10, v14;
	[tilespmem:v63+s25+$0x0] =	vst.idx.msk $0xffff, v29;
	v17 =	vld [tilespmem:s7+$0x60]  }
0x7c: {  	s14 =	simm.s32 $0xB;
	s12 =	simm.s32 $0x8;
	s13 =	simm.s32 $0xC;
	[tilespmem:v32+s25+$0x0] =	vst.idx.msk $0xffff, v31;
	v22 =	vadd.s32 v10, v13;
	v19 =	vld [tilespmem:s7+$0xFFFFFFE0]  }
.LBB2_4:
0x7d: {  	p0 =	slt.u32 s13, $0x7C;
	s18 =	sadd.s32 $0x1, s12;
	v27 =	vmov s14;
	[tilespmem:v26+s25+$0x0] =	vst.idx.msk $0xffff, v25;
	v25 =	vld [tilespmem:s1+$0xFFFFFFB0];
	v26 =	vadd.s32 v11, v15;
	v15 =	vmov v16;
	s1 =	smov.u32 s7  }
0x7e: {  	s7 =	sadd.s32 $0x100, s7;
	v16 =	vmov s18;
	v27 =	vand.u32 $0x7F, v27;
	[tilespmem:v24+s25+$0x0] =	vst.idx.msk $0xffff, v23;
	v23 =	vld [tilespmem:s1+$0x20];
	v24 =	vadd.s32 v10, v12  }
0x7f: {  	s14 =	sadd.s32 $0x2, s12;
	v28 =	vand.u32 $0x7D, v16;
	v29 =	vld [tilespmem:s7+$0x40];
	v30 =	vadd.s32 v5, v27;
	[tilespmem:v21+s25+$0x0] =	vst.idx.msk $0xffff, v18  }
0x80: {  	v16 =	vmov s14;
	v18 =	vld [tilespmem:s7+$0xFFFFFFC0];
	v21 =	vadd.s32 v5, v28;
	[tilespmem:v20+s25+$0x0] =	vst.idx.msk $0xffff, v17  }
0x81: {  	v17 =	vmov s12;
	v20 =	vand.u32 $0x7E, v16;
	s12 =	smov.u32 s13;
	[tilespmem:v22+s25+$0x0] =	vst.idx.msk $0xffff, v19;
	v19 =	vld [tilespmem:s1+$0x70];
	v22 =	vadd.s32 v11, v14;
	v14 =	vmovc v27  }
0x82: {  	v16 =	vand.u32 $0x7C, v17;
	v27 =	vadd.s32 v5, v20;
	v17 =	vld [tilespmem:s7+$0x0];
	[tilespmem:v26+s25+$0x0] =	vst.idx.msk $0xffff, v25  }
0x83: {  	v26 =	vadd.s32 v5, v16;
	v25 =	vld [tilespmem:s7+$0xFFFFFF80];
	[tilespmem:v24+s25+$0x0] =	vst.idx.msk $0xffff, v23  }
0x84: {  	[tilespmem:v30+s25+$0x0] =	vst.idx.msk $0xffff, v29;
	v29 =	vld [tilespmem:s1+$0xFFFFFFA0];
	v30 =	vadd.s32 v10, v15  }
0x85: {  	[tilespmem:v21+s25+$0x0] =	vst.idx.msk $0xffff, v18;
	v18 =	vld [tilespmem:s7+$0x50];
	v21 =	vadd.s32 v9, v14  }
0x86: {  	v32 =	vadd.s32 v9, v28;
	v31 =	vld [tilespmem:s7+$0xFFFFFFD0];
	[tilespmem:v22+s25+$0x0] =	vst.idx.msk $0xffff, v19  }
0x87: {  	v33 =	vadd.s32 v11, v13;
	v13 =	vmov v28;
	[tilespmem:v27+s25+$0x0] =	vst.idx.msk $0xffff, v17;
	v27 =	vld [tilespmem:s1+$0xFFFFFFF0]  }
.Ltmp1:
0x88: {  	[tilespmem:v26+s25+$0x0] =	vst.idx.msk $0xffff, v25;
	v25 =	vld [tilespmem:s7+$0x10];
	v26 =	vadd.s32 v9, v20;
	(pc) =	sbr.rel @p0 .LBB2_4-.Ltmp1, $4  }
0x89: {  	v24 =	vadd.s32 v9, v16;
	v23 =	vld [tilespmem:s7+$0xFFFFFF90];
	[tilespmem:v30+s25+$0x0] =	vst.idx.msk $0xffff, v29  }
0x8a: {  	[tilespmem:v21+s25+$0x0] =	vst.idx.msk $0xffff, v18;
	v18 =	vld [tilespmem:s1+$0x30];
	v21 =	vadd.s32 v11, v12;
	v12 =	vmov v20  }
0x8b: {  	v20 =	vadd.s32 v10, v14;
	[tilespmem:v32+s25+$0x0] =	vst.idx.msk $0xffff, v31;
	v17 =	vld [tilespmem:s7+$0x60]  }
0x8c: {  	s13 =	sadd.s32 $0x4, s13;
	s14 =	sadd.s32 $0x3, s12;
	v22 =	vadd.s32 v10, v13;
	v19 =	vld [tilespmem:s7+$0xFFFFFFE0];
	[tilespmem:v33+s25+$0x0] =	vst.idx.msk $0xffff, v27  }
0x8d: {  	_ =	sdelay $0x2  }
0x8e: {  	s13 =	sadd.s32 $0x1, s12;
	v27 =	vmov s14  }
0x8f: {  	[tilespmem:v26+s25+$0x0] =	vst.idx.msk $0xffff, v25;
	v25 =	vld [tilespmem:s1+$0xFFFFFFB0];
	v15 =	vadd.s32 v11, v15;
	s29 =	sadd.s32 $0x100, s7;
	s30 =	sadd.s32 $0x2, s12;
	v26 =	vmov s13;
	v27 =	vand.u32 $0x7F, v27  }
0x90: {  	[tilespmem:v24+s25+$0x0] =	vst.idx.msk $0xffff, v23;
	v24 =	vld [tilespmem:s29+$0x40];
	v28 =	vmov s30;
	v23 =	vand.u32 $0x7D, v26;
	v26 =	vadd.s32 v5, v27  }
0x91: {  	v29 =	vmov s12;
	[tilespmem:v21+s25+$0x0] =	vst.idx.msk $0xffff, v18;
	v18 =	vld [tilespmem:s29+$0xFFFFFFC0];
	v28 =	vand.u32 $0x7E, v28;
	v21 =	vadd.s32 v5, v23  }
0x92: {  	[tilespmem:v20+s25+$0x0] =	vst.idx.msk $0xffff, v17;
	v17 =	vand.u32 $0x7C, v29;
	v20 =	vld [tilespmem:s29+$0x0];
	v56 =	vadd.s32 v5, v28  }
0x93: {  	[tilespmem:v22+s25+$0x0] =	vst.idx.msk $0xffff, v19;
	v19 =	vld [tilespmem:s29+$0xFFFFFF80];
	v22 =	vadd.s32 v5, v17  }
0x94: {  	v30 =	vld [tilespmem:s7+$0x20];
	[tilespmem:v15+s25+$0x0] =	vst.idx.msk $0xffff, v25;
	v15 =	vadd.s32 v10, v12  }
0x95: {  	v14 =	vadd.s32 v11, v14;
	v25 =	vld [tilespmem:s7+$0x70];
	[tilespmem:v26+s25+$0x0] =	vst.idx.msk $0xffff, v24  }
0x96: {  	[tilespmem:v21+s25+$0x0] =	vst.idx.msk $0xffff, v18;
	v18 =	vld [tilespmem:s29+$0x50];
	v21 =	vadd.s32 v9, v27  }
0x97: {  	v26 =	vadd.s32 v9, v23;
	[tilespmem:v56+s25+$0x0] =	vst.idx.msk $0xffff, v20;
	v24 =	vld [tilespmem:s29+$0xFFFFFFD0]  }
0x98: {  	v20 =	vadd.s32 v9, v28;
	[tilespmem:v22+s25+$0x0] =	vst.idx.msk $0xffff, v19;
	v19 =	vld [tilespmem:s29+$0x10]  }
0x99: {  	v22 =	vadd.s32 v9, v17;
	[tilespmem:v15+s25+$0x0] =	vst.idx.msk $0xffff, v30;
	v15 =	vld [tilespmem:s29+$0xFFFFFF90]  }
0x9a: {  	v58 =	vadd.s32 v10, v16;
	v57 =	vld [tilespmem:s7+$0xFFFFFFA0];
	[tilespmem:v14+s25+$0x0] =	vst.idx.msk $0xffff, v25  }
0x9b: {  	v13 =	vadd.s32 v11, v13;
	v14 =	vld [tilespmem:s7+$0xFFFFFFF0];
	[tilespmem:v21+s25+$0x0] =	vst.idx.msk $0xffff, v18  }
0x9c: {  	v21 =	vadd.s32 v10, v27;
	[tilespmem:v26+s25+$0x0] =	vst.idx.msk $0xffff, v24;
	v18 =	vld [tilespmem:s29+$0x60]  }
0x9d: {  	v25 =	vadd.s32 v10, v23;
	[tilespmem:v20+s25+$0x0] =	vst.idx.msk $0xffff, v19;
	v24 =	vld [tilespmem:s29+$0xFFFFFFE0]  }
0x9e: {  	v19 =	vadd.s32 v10, v28;
	[tilespmem:v22+s25+$0x0] =	vst.idx.msk $0xffff, v15;
	v15 =	vld [tilespmem:s29+$0x20]  }
0x9f: {  	[tilespmem:v58+s25+$0x0] =	vst.idx.msk $0xffff, v57;
	v22 =	vadd.s32 v10, v17;
	v20 =	vld [tilespmem:s29+$0xFFFFFFA0]  }
0xa0: {  	v12 =	vadd.s32 v11, v12;
	v26 =	vld [tilespmem:s7+$0x30];
	[tilespmem:v13+s25+$0x0] =	vst.idx.msk $0xffff, v14  }
0xa1: {  	v13 =	vld [tilespmem:s7+$0xFFFFFFB0];
	v14 =	vadd.s32 v11, v16;
	[tilespmem:v21+s25+$0x0] =	vst.idx.msk $0xffff, v18  }
0xa2: {  	v18 =	vadd.s32 v11, v27;
	[tilespmem:v25+s25+$0x0] =	vst.idx.msk $0xffff, v24;
	v16 =	vld [tilespmem:s29+$0x70]  }
0xa3: {  	[tilespmem:v19+s25+$0x0] =	vst.idx.msk $0xffff, v15;
	v19 =	vadd.s32 v11, v23;
	v15 =	vld [tilespmem:s29+$0xFFFFFFF0]  }
0xa4: {  	v21 =	vadd.s32 v11, v28;
	[tilespmem:v22+s25+$0x0] =	vst.idx.msk $0xffff, v20;
	v20 =	vld [tilespmem:s29+$0x30]  }
0xa5: {  	v17 =	vadd.s32 v11, v17;
	[tilespmem:v12+s25+$0x0] =	vst.idx.msk $0xffff, v26;
	v12 =	vld [tilespmem:s29+$0xFFFFFFB0]  }
0xa6: {  	[tilespmem:v14+s25+$0x0] =	vst.idx.msk $0xffff, v13  }
0xa7: {  	[tilespmem:v18+s25+$0x0] =	vst.idx.msk $0xffff, v16  }
0xa8: {  	[tilespmem:v19+s25+$0x0] =	vst.idx.msk $0xffff, v15  }
0xa9: {  	[tilespmem:v21+s25+$0x0] =	vst.idx.msk $0xffff, v20  }
0xaa: {  	[tilespmem:v17+s25+$0x0] =	vst.idx.msk $0xffff, v12  }
0xab: {  	s7 =	simm.s32 $0x0;
	s12 =	rddreg [dreg:$0x4]  }
0xac: {  	[hbm4b:s12+s7] =	stream.linear.scatter [tilespmem:s25], [sflag:$0x3], $0x80, $0x38;
	[tilespmem:$0x9E00] =	vst v63  }
0xad: {  	s14 =	simm.s32 $0x5A88;
	s13 =	sadd.s32 $0x10, s12  }
0xae: {  	[hbm4b:s13+s7] =	stream.linear.scatter [tilespmem:s14], [sflag:$0x3], $0x80, $0x38;
	[tilespmem:$0x9E00] =	vst v63  }
0xaf: {  	s19 =	simm.s32 $0x5B10;
	s18 =	sadd.s32 $0x20, s12  }
0xb0: {  	[hbm4b:s18+s7] =	stream.linear.scatter [tilespmem:s19], [sflag:$0x3], $0x80, $0x38;
	[tilespmem:$0x9E00] =	vst v63  }
0xb1: {  	s30 =	simm.s32 $0x5B98;
	s29 =	sadd.s32 $0x30, s12  }
0xb2: {  	[hbm4b:s29+s7] =	stream.linear.scatter [tilespmem:s30], [sflag:$0x3], $0x80, $0x38;
	[tilespmem:$0x9E00] =	vst v63  }
0xb3: {  	s13 =	sadd.s32 $0x40, s12;
	s14 =	simm.s32 $0x5C20  }
0xb4: {  	[hbm4b:s13+s7] =	stream.linear.scatter [tilespmem:s14], [sflag:$0x3], $0x80, $0x38;
	[tilespmem:$0x9E00] =	vst v63  }
0xb5: {  	s18 =	sadd.s32 $0x50, s12;
	s19 =	simm.s32 $0x5CA8  }
0xb6: {  	[hbm4b:s18+s7] =	stream.linear.scatter [tilespmem:s19], [sflag:$0x3], $0x80, $0x38;
	[tilespmem:$0x9E00] =	vst v63  }
0xb7: {  	s29 =	sadd.s32 $0x60, s12;
	s30 =	simm.s32 $0x5D30  }
0xb8: {  	[hbm4b:s29+s7] =	stream.linear.scatter [tilespmem:s30], [sflag:$0x3], $0x80, $0x38;
	[tilespmem:$0x9E00] =	vst v63  }
0xb9: {  	s12 =	sadd.s32 $0x70, s12;
	s13 =	simm.s32 $0x5DB8  }
0xba: {  	[hbm4b:s12+s7] =	stream.linear.scatter [tilespmem:s13], [sflag:$0x3], $0x80, $0x38;
	[tilespmem:$0x9E00] =	vst v63  }
0xbb: {  	s14 =	simm.s32 $0x5E40;
	s12 =	rddreg [dreg:$0x5]  }
0xbc: {  	[hbm4b:s12+s7] =	stream.linear.scatter [tilespmem:s14], [sflag:$0x3], $0x80, $0x38;
	[tilespmem:$0x9E00] =	vst v63  }
0xbd: {  	s19 =	simm.s32 $0x5EC8;
	s18 =	sadd.s32 $0x10, s12  }
0xbe: {  	[hbm4b:s18+s7] =	stream.linear.scatter [tilespmem:s19], [sflag:$0x3], $0x80, $0x38;
	[tilespmem:$0x9E00] =	vst v63  }
0xbf: {  	s30 =	simm.s32 $0x5F50;
	s29 =	sadd.s32 $0x20, s12  }
0xc0: {  	[hbm4b:s29+s7] =	stream.linear.scatter [tilespmem:s30], [sflag:$0x3], $0x80, $0x38;
	[tilespmem:$0x9E00] =	vst v63  }
0xc1: {  	s13 =	sadd.s32 $0x30, s12;
	s14 =	simm.s32 $0x5FD8  }
0xc2: {  	[hbm4b:s13+s7] =	stream.linear.scatter [tilespmem:s14], [sflag:$0x3], $0x80, $0x38;
	[tilespmem:$0x9E00] =	vst v63  }
0xc3: {  	s18 =	sadd.s32 $0x40, s12;
	s19 =	simm.s32 $0x6060  }
0xc4: {  	[hbm4b:s18+s7] =	stream.linear.scatter [tilespmem:s19], [sflag:$0x3], $0x80, $0x38;
	[tilespmem:$0x9E00] =	vst v63  }
0xc5: {  	s29 =	sadd.s32 $0x50, s12;
	s30 =	simm.s32 $0x60E8  }
0xc6: {  	[hbm4b:s29+s7] =	stream.linear.scatter [tilespmem:s30], [sflag:$0x3], $0x80, $0x38;
	[tilespmem:$0x9E00] =	vst v63  }
0xc7: {  	s14 =	sadd.s32 $0x60, s12;
	s18 =	simm.s32 $0x6170  }
0xc8: {  	[hbm4b:s14+s7] =	stream.linear.scatter [tilespmem:s18], [sflag:$0x3], $0x80, $0x38;
	[tilespmem:$0x9E00] =	vst v63  }
0xc9: {  	s19 =	sadd.s32 $0x70, s12;
	s29 =	simm.s32 $0x61F8  }
0xca: {  	[hbm4b:s19+s7] =	stream.linear.scatter [tilespmem:s29], [sflag:$0x3], $0x80, $0x38;
	[tilespmem:$0x9E00] =	vst v63  }
0xcb: {  	s12 =	rddreg [dreg:$0x6];
	s30 =	simm.s32 $0x6280  }
0xcc: {  	[hbm4b:s12+s7] =	stream.linear.scatter [tilespmem:s30], [sflag:$0x3], $0x80, $0x38;
	[tilespmem:$0x9E00] =	vst v63  }
0xcd: {  	s13 =	sadd.s32 $0x10, s12;
	s14 =	simm.s32 $0x6308  }
0xce: {  	[hbm4b:s13+s7] =	stream.linear.scatter [tilespmem:s14], [sflag:$0x3], $0x80, $0x38;
	[tilespmem:$0x9E00] =	vst v63  }
0xcf: {  	s18 =	sadd.s32 $0x20, s12;
	s19 =	simm.s32 $0x6390  }
0xd0: {  	[hbm4b:s18+s7] =	stream.linear.scatter [tilespmem:s19], [sflag:$0x3], $0x80, $0x38;
	[tilespmem:$0x9E00] =	vst v63  }
0xd1: {  	s29 =	sadd.s32 $0x30, s12;
	s30 =	simm.s32 $0x6418  }
0xd2: {  	[hbm4b:s29+s7] =	stream.linear.scatter [tilespmem:s30], [sflag:$0x3], $0x80, $0x38;
	[tilespmem:$0x9E00] =	vst v63  }
0xd3: {  	s13 =	sadd.s32 $0x40, s12;
	s14 =	simm.s32 $0x64A0  }
0xd4: {  	[hbm4b:s13+s7] =	stream.linear.scatter [tilespmem:s14], [sflag:$0x3], $0x80, $0x38;
	[tilespmem:$0x9E00] =	vst v63  }
0xd5: {  	s18 =	sadd.s32 $0x50, s12;
	s19 =	simm.s32 $0x6528  }
0xd6: {  	[hbm4b:s18+s7] =	stream.linear.scatter [tilespmem:s19], [sflag:$0x3], $0x80, $0x38;
	[tilespmem:$0x9E00] =	vst v63  }
0xd7: {  	s29 =	sadd.s32 $0x60, s12;
	s30 =	simm.s32 $0x65B0  }
0xd8: {  	[hbm4b:s29+s7] =	stream.linear.scatter [tilespmem:s30], [sflag:$0x3], $0x80, $0x38;
	[tilespmem:$0x9E00] =	vst v63  }
0xd9: {  	s12 =	sadd.s32 $0x70, s12;
	s13 =	simm.s32 $0x6638  }
0xda: {  	[hbm4b:s12+s7] =	stream.linear.scatter [tilespmem:s13], [sflag:$0x3], $0x80, $0x38;
	[tilespmem:$0x9E00] =	vst v63  }
0xdb: {  	s14 =	simm.s32 $0x66C0;
	s12 =	rddreg [dreg:$0x7]  }
0xdc: {  	[hbm4b:s12+s7] =	stream.linear.scatter [tilespmem:s14], [sflag:$0x3], $0x80, $0x38;
	[tilespmem:$0x9E00] =	vst v63  }
0xdd: {  	s19 =	simm.s32 $0x6748;
	s18 =	sadd.s32 $0x10, s12  }
0xde: {  	[hbm4b:s18+s7] =	stream.linear.scatter [tilespmem:s19], [sflag:$0x3], $0x80, $0x38;
	[tilespmem:$0x9E00] =	vst v63  }
0xdf: {  	s30 =	simm.s32 $0x67D0;
	s29 =	sadd.s32 $0x20, s12  }
0xe0: {  	[hbm4b:s29+s7] =	stream.linear.scatter [tilespmem:s30], [sflag:$0x3], $0x80, $0x38;
	[tilespmem:$0x9E00] =	vst v63  }
0xe1: {  	s13 =	sadd.s32 $0x30, s12;
	s14 =	simm.s32 $0x6858  }
0xe2: {  	[hbm4b:s13+s7] =	stream.linear.scatter [tilespmem:s14], [sflag:$0x3], $0x80, $0x38;
	[tilespmem:$0x9E00] =	vst v63  }
0xe3: {  	s18 =	sadd.s32 $0x40, s12;
	s19 =	simm.s32 $0x68E0  }
0xe4: {  	[hbm4b:s18+s7] =	stream.linear.scatter [tilespmem:s19], [sflag:$0x3], $0x80, $0x38;
	[tilespmem:$0x9E00] =	vst v63  }
0xe5: {  	s29 =	sadd.s32 $0x50, s12;
	s30 =	simm.s32 $0x6968  }
0xe6: {  	[hbm4b:s29+s7] =	stream.linear.scatter [tilespmem:s30], [sflag:$0x3], $0x80, $0x38;
	[tilespmem:$0x9E00] =	vst v63  }
0xe7: {  	s14 =	sadd.s32 $0x60, s12;
	s18 =	simm.s32 $0x69F0  }
0xe8: {  	[hbm4b:s14+s7] =	stream.linear.scatter [tilespmem:s18], [sflag:$0x3], $0x80, $0x38;
	[tilespmem:$0x9E00] =	vst v63  }
0xe9: {  	s19 =	sadd.s32 $0x70, s12;
	s29 =	simm.s32 $0x6A78  }
0xea: {  	[hbm4b:s19+s7] =	stream.linear.scatter [tilespmem:s29], [sflag:$0x3], $0x80, $0x38;
	[tilespmem:$0x9E00] =	vst v63  }
0xeb: {  	s12 =	rddreg [dreg:$0x8];
	s30 =	simm.s32 $0x6B00  }
0xec: {  	[hbm4b:s12+s7] =	stream.linear.scatter [tilespmem:s30], [sflag:$0x3], $0x80, $0x38;
	[tilespmem:$0x9E00] =	vst v63  }
0xed: {  	s13 =	sadd.s32 $0x10, s12;
	s14 =	simm.s32 $0x6B88  }
0xee: {  	[hbm4b:s13+s7] =	stream.linear.scatter [tilespmem:s14], [sflag:$0x3], $0x80, $0x38;
	[tilespmem:$0x9E00] =	vst v63  }
0xef: {  	s18 =	sadd.s32 $0x20, s12;
	s19 =	simm.s32 $0x6C10  }
0xf0: {  	[hbm4b:s18+s7] =	stream.linear.scatter [tilespmem:s19], [sflag:$0x3], $0x80, $0x38;
	[tilespmem:$0x9E00] =	vst v63  }
0xf1: {  	s29 =	sadd.s32 $0x30, s12;
	s30 =	simm.s32 $0x6C98  }
0xf2: {  	[hbm4b:s29+s7] =	stream.linear.scatter [tilespmem:s30], [sflag:$0x3], $0x80, $0x38;
	[tilespmem:$0x9E00] =	vst v63  }
0xf3: {  	s13 =	sadd.s32 $0x40, s12;
	s14 =	simm.s32 $0x6D20  }
0xf4: {  	[hbm4b:s13+s7] =	stream.linear.scatter [tilespmem:s14], [sflag:$0x3], $0x80, $0x38;
	[tilespmem:$0x9E00] =	vst v63  }
0xf5: {  	s18 =	sadd.s32 $0x50, s12;
	s19 =	simm.s32 $0x6DA8  }
0xf6: {  	[hbm4b:s18+s7] =	stream.linear.scatter [tilespmem:s19], [sflag:$0x3], $0x80, $0x38;
	[tilespmem:$0x9E00] =	vst v63  }
0xf7: {  	s29 =	sadd.s32 $0x60, s12;
	s30 =	simm.s32 $0x6E30  }
0xf8: {  	[hbm4b:s29+s7] =	stream.linear.scatter [tilespmem:s30], [sflag:$0x3], $0x80, $0x38;
	[tilespmem:$0x9E00] =	vst v63  }
0xf9: {  	s12 =	sadd.s32 $0x70, s12;
	s13 =	simm.s32 $0x6EB8  }
0xfa: {  	[hbm4b:s12+s7] =	stream.linear.scatter [tilespmem:s13], [sflag:$0x3], $0x80, $0x38;
	[tilespmem:$0x9E00] =	vst v63  }
0xfb: {  	s14 =	simm.s32 $0x6F40;
	s12 =	rddreg [dreg:$0x9]  }
0xfc: {  	[hbm4b:s12+s7] =	stream.linear.scatter [tilespmem:s14], [sflag:$0x3], $0x80, $0x38;
	[tilespmem:$0x9E00] =	vst v63  }
0xfd: {  	s19 =	simm.s32 $0x6FC8;
	s18 =	sadd.s32 $0x10, s12  }
0xfe: {  	[hbm4b:s18+s7] =	stream.linear.scatter [tilespmem:s19], [sflag:$0x3], $0x80, $0x38;
	[tilespmem:$0x9E00] =	vst v63  }
0xff: {  	s30 =	simm.s32 $0x7050;
	s29 =	sadd.s32 $0x20, s12  }
0x100: {  	[hbm4b:s29+s7] =	stream.linear.scatter [tilespmem:s30], [sflag:$0x3], $0x80, $0x38;
	[tilespmem:$0x9E00] =	vst v63  }
0x101: {  	s13 =	sadd.s32 $0x30, s12;
	s14 =	simm.s32 $0x70D8  }
0x102: {  	[hbm4b:s13+s7] =	stream.linear.scatter [tilespmem:s14], [sflag:$0x3], $0x80, $0x38;
	[tilespmem:$0x9E00] =	vst v63  }
0x103: {  	s18 =	sadd.s32 $0x40, s12;
	s19 =	simm.s32 $0x7160  }
0x104: {  	[hbm4b:s18+s7] =	stream.linear.scatter [tilespmem:s19], [sflag:$0x3], $0x80, $0x38;
	[tilespmem:$0x9E00] =	vst v63  }
0x105: {  	s29 =	sadd.s32 $0x50, s12;
	s30 =	simm.s32 $0x71E8  }
0x106: {  	[hbm4b:s29+s7] =	stream.linear.scatter [tilespmem:s30], [sflag:$0x3], $0x80, $0x38;
	[tilespmem:$0x9E00] =	vst v63  }
0x107: {  	s14 =	sadd.s32 $0x60, s12;
	s18 =	simm.s32 $0x7270  }
0x108: {  	[hbm4b:s14+s7] =	stream.linear.scatter [tilespmem:s18], [sflag:$0x3], $0x80, $0x38;
	[tilespmem:$0x9E00] =	vst v63  }
0x109: {  	s19 =	sadd.s32 $0x70, s12;
	s29 =	simm.s32 $0x72F8  }
0x10a: {  	[hbm4b:s19+s7] =	stream.linear.scatter [tilespmem:s29], [sflag:$0x3], $0x80, $0x38;
	[tilespmem:$0x9E00] =	vst v63  }
0x10b: {  	s12 =	rddreg [dreg:$0xa];
	s30 =	simm.s32 $0x7380  }
0x10c: {  	[hbm4b:s12+s7] =	stream.linear.scatter [tilespmem:s30], [sflag:$0x3], $0x80, $0x38;
	[tilespmem:$0x9E00] =	vst v63  }
0x10d: {  	s13 =	sadd.s32 $0x10, s12;
	s14 =	simm.s32 $0x7408  }
0x10e: {  	[hbm4b:s13+s7] =	stream.linear.scatter [tilespmem:s14], [sflag:$0x3], $0x80, $0x38;
	[tilespmem:$0x9E00] =	vst v63  }
0x10f: {  	s18 =	sadd.s32 $0x20, s12;
	s19 =	simm.s32 $0x7490  }
0x110: {  	[hbm4b:s18+s7] =	stream.linear.scatter [tilespmem:s19], [sflag:$0x3], $0x80, $0x38;
	[tilespmem:$0x9E00] =	vst v63  }
0x111: {  	s29 =	sadd.s32 $0x30, s12;
	s30 =	simm.s32 $0x7518  }
0x112: {  	[hbm4b:s29+s7] =	stream.linear.scatter [tilespmem:s30], [sflag:$0x3], $0x80, $0x38;
	[tilespmem:$0x9E00] =	vst v63  }
0x113: {  	s13 =	sadd.s32 $0x40, s12;
	s14 =	simm.s32 $0x75A0  }
0x114: {  	[hbm4b:s13+s7] =	stream.linear.scatter [tilespmem:s14], [sflag:$0x3], $0x80, $0x38;
	[tilespmem:$0x9E00] =	vst v63  }
0x115: {  	s18 =	sadd.s32 $0x50, s12;
	s19 =	simm.s32 $0x7628  }
0x116: {  	[hbm4b:s18+s7] =	stream.linear.scatter [tilespmem:s19], [sflag:$0x3], $0x80, $0x38;
	[tilespmem:$0x9E00] =	vst v63  }
0x117: {  	s29 =	sadd.s32 $0x60, s12;
	s30 =	simm.s32 $0x76B0  }
0x118: {  	[hbm4b:s29+s7] =	stream.linear.scatter [tilespmem:s30], [sflag:$0x3], $0x80, $0x38;
	[tilespmem:$0x9E00] =	vst v63  }
0x119: {  	s12 =	sadd.s32 $0x70, s12;
	s13 =	simm.s32 $0x7738  }
0x11a: {  	[hbm4b:s12+s7] =	stream.linear.scatter [tilespmem:s13], [sflag:$0x3], $0x80, $0x38;
	[tilespmem:$0x9E00] =	vst v63  }
0x11b: {  	s14 =	simm.s32 $0x77C0;
	s12 =	rddreg [dreg:$0xb]  }
0x11c: {  	[hbm4b:s12+s7] =	stream.linear.scatter [tilespmem:s14], [sflag:$0x3], $0x80, $0x38;
	[tilespmem:$0x9E00] =	vst v63  }
0x11d: {  	s19 =	simm.s32 $0x7848;
	s18 =	sadd.s32 $0x10, s12  }
0x11e: {  	[hbm4b:s18+s7] =	stream.linear.scatter [tilespmem:s19], [sflag:$0x3], $0x80, $0x38;
	[tilespmem:$0x9E00] =	vst v63  }
0x11f: {  	s30 =	simm.s32 $0x78D0;
	s29 =	sadd.s32 $0x20, s12  }
0x120: {  	[hbm4b:s29+s7] =	stream.linear.scatter [tilespmem:s30], [sflag:$0x3], $0x80, $0x38;
	[tilespmem:$0x9E00] =	vst v63  }
0x121: {  	s13 =	sadd.s32 $0x30, s12;
	s14 =	simm.s32 $0x7958  }
0x122: {  	[hbm4b:s13+s7] =	stream.linear.scatter [tilespmem:s14], [sflag:$0x3], $0x80, $0x38;
	[tilespmem:$0x9E00] =	vst v63  }
0x123: {  	s18 =	sadd.s32 $0x40, s12;
	s19 =	simm.s32 $0x79E0  }
0x124: {  	[hbm4b:s18+s7] =	stream.linear.scatter [tilespmem:s19], [sflag:$0x3], $0x80, $0x38;
	[tilespmem:$0x9E00] =	vst v63  }
0x125: {  	s29 =	sadd.s32 $0x50, s12;
	s30 =	simm.s32 $0x7A68  }
0x126: {  	[hbm4b:s29+s7] =	stream.linear.scatter [tilespmem:s30], [sflag:$0x3], $0x80, $0x38;
	[tilespmem:$0x9E00] =	vst v63  }
0x127: {  	s13 =	sadd.s32 $0x60, s12;
	s14 =	simm.s32 $0x7AF0  }
0x128: {  	[hbm4b:s13+s7] =	stream.linear.scatter [tilespmem:s14], [sflag:$0x3], $0x80, $0x38;
	[tilespmem:$0x9E00] =	vst v63  }
0x129: {  	s18 =	sadd.s32 $0x70, s12;
	s19 =	simm.s32 $0x7B78  }
0x12a: {  	[hbm4b:s18+s7] =	stream.linear.scatter [tilespmem:s19], [sflag:$0x3], $0x80, $0x38;
	[tilespmem:$0x9E00] =	vst v63  }
0x12b: {  	s29 =	simm.s32 $0x1A00;
	s30 =	simm.s32 $0xE00  }
0x12c: {  	[tilespmem:s29], [sflag:$0x1] =	stream.indirect.gather [hbm4b:s4+s31], $0x40, s30, s31, $0xb8;
	[tilespmem:$0x9E00] =	vst v63  }
0x12d: {  	s12 =	simm.s32 $0x3;
	_ =	swait.ge [sflag:s0], $0x2000  }
0x12e: {  	v12 =	vmov s12;
	s13 =	simm.s32 $0x1;
	[sflag:s0] =	ssyncset.done $0x0  }
0x12f: {  	s1 =	simm.s32 $0x3A80;
	v16 =	vand.u32 $0x7F, v12;
	s14 =	simm.s32 $0x2;
	v12 =	vmov s13;
	[sflag:s0] =	ssyncadd.s32 $0xFFFFE000  }
0x130: {  	v14 =	vadd.s32 v5, v16;
	v17 =	vand.u32 $0x7D, v12;
	v12 =	vmov s14;
	v13 =	vld [tilespmem:s1+$0x40]  }
0x131: {  	v19 =	vadd.s32 v5, v17;
	v20 =	vand.u32 $0x7E, v12;
	v18 =	vld [tilespmem:s1+$0xFFFFFFC0]  }
0x132: {  	v21 =	vadd.s32 v5, v20;
	v12 =	vld [tilespmem:s1+$0x0]  }
0x133: {  	v15 =	vmov s7  }
0x134: {  	v15 =	vand.u32 $0x7C, v15  }
0x135: {  	v23 =	vadd.s32 v5, v15;
	v22 =	vld [tilespmem:s1+$0xFFFFFF80];
	[tilespmem:v14+s8+$0x0] =	vst.idx.msk $0xffff, v13  }
0x136: {  	v14 =	vadd.s32 v9, v16;
	[tilespmem:v19+s8+$0x0] =	vst.idx.msk $0xffff, v18;
	v13 =	vld [tilespmem:s1+$0x50]  }
0x137: {  	v19 =	vadd.s32 v9, v17;
	[tilespmem:v21+s8+$0x0] =	vst.idx.msk $0xffff, v12;
	v18 =	vld [tilespmem:s1+$0xFFFFFFD0]  }
0x138: {  	v21 =	vadd.s32 v9, v20;
	v12 =	vld [tilespmem:s1+$0x10];
	_ =	sdelay $0x1  }
0x139: {  	[tilespmem:v23+s8+$0x0] =	vst.idx.msk $0xffff, v22  }
0x13a: {  	v25 =	vadd.s32 v9, v15;
	v24 =	vld [tilespmem:s1+$0xFFFFFF90];
	[tilespmem:v14+s8+$0x0] =	vst.idx.msk $0xffff, v13  }
0x13b: {  	v23 =	vadd.s32 v10, v16;
	[tilespmem:v19+s8+$0x0] =	vst.idx.msk $0xffff, v18;
	v22 =	vld [tilespmem:s1+$0x60]  }
0x13c: {  	s18 =	simm.s32 $0x7;
	v19 =	vadd.s32 v10, v17;
	[tilespmem:v21+s8+$0x0] =	vst.idx.msk $0xffff, v12;
	v18 =	vld [tilespmem:s1+$0xFFFFFFE0]  }
0x13d: {  	s19 =	simm.s32 $0x5;
	v26 =	vadd.s32 v10, v20;
	v13 =	vmov s18;
	v21 =	vld [tilespmem:s1+$0x20]  }
0x13e: {  	s7 =	simm.s32 $0x3B80;
	s29 =	simm.s32 $0x6;
	v12 =	vmov s19;
	v14 =	vand.u32 $0x7F, v13  }
0x13f: {  	v27 =	vld [tilespmem:s7+$0x40];
	[tilespmem:v25+s8+$0x0] =	vst.idx.msk $0xffff, v24;
	v13 =	vand.u32 $0x7D, v12;
	v12 =	vmov s29;
	v59 =	vadd.s32 v5, v14  }
0x140: {  	s30 =	simm.s32 $0x4;
	v60 =	vld [tilespmem:s7+$0xFFFFFFC0];
	v61 =	vadd.s32 v5, v13;
	v12 =	vand.u32 $0x7E, v12;
	[tilespmem:v23+s8+$0x0] =	vst.idx.msk $0xffff, v22  }
0x141: {  	v22 =	vmov s30;
	[tilespmem:v19+s8+$0x0] =	vst.idx.msk $0xffff, v18;
	v18 =	vld [tilespmem:s7+$0x0];
	v19 =	vadd.s32 v5, v12  }
0x142: {  	v24 =	vadd.s32 v11, v16;
	[tilespmem:v26+s8+$0x0] =	vst.idx.msk $0xffff, v21;
	v21 =	vld [tilespmem:s1+$0xFFFFFFA0];
	v26 =	vadd.s32 v10, v15;
	v16 =	vand.u32 $0x7C, v22  }
0x143: {  	v22 =	vld [tilespmem:s7+$0xFFFFFF80];
	v25 =	vadd.s32 v5, v16  }
0x144: {  	v23 =	vld [tilespmem:s1+$0x70];
	[tilespmem:v59+s8+$0x0] =	vst.idx.msk $0xffff, v27  }
0x145: {  	v62 =	vadd.s32 v9, v14;
	[tilespmem:v61+s8+$0x0] =	vst.idx.msk $0xffff, v60;
	v27 =	vld [tilespmem:s7+$0x50]  }
0x146: {  	v63 =	vadd.s32 v9, v13;
	v29 =	vld [tilespmem:s7+$0xFFFFFFD0];
	[tilespmem:v19+s8+$0x0] =	vst.idx.msk $0xffff, v18  }
0x147: {  	v32 =	vadd.s32 v11, v17;
	v31 =	vld [tilespmem:s1+$0xFFFFFFF0];
	[tilespmem:v26+s8+$0x0] =	vst.idx.msk $0xffff, v21  }
0x148: {  	v26 =	vadd.s32 v9, v12;
	[tilespmem:v25+s8+$0x0] =	vst.idx.msk $0xffff, v22;
	v25 =	vld [tilespmem:s7+$0x10]  }
0x149: {  	[tilespmem:v24+s8+$0x0] =	vst.idx.msk $0xffff, v23;
	v24 =	vadd.s32 v9, v16;
	v23 =	vld [tilespmem:s7+$0xFFFFFF90]  }
0x14a: {  	v20 =	vadd.s32 v11, v20;
	v17 =	vld [tilespmem:s1+$0x30];
	[tilespmem:v62+s8+$0x0] =	vst.idx.msk $0xffff, v27  }
0x14b: {  	v21 =	vadd.s32 v10, v14;
	[tilespmem:v63+s8+$0x0] =	vst.idx.msk $0xffff, v29;
	v18 =	vld [tilespmem:s7+$0x60]  }
0x14c: {  	s12 =	simm.s32 $0x8;
	s13 =	simm.s32 $0xC;
	s14 =	simm.s32 $0xB;
	[tilespmem:v32+s8+$0x0] =	vst.idx.msk $0xffff, v31;
	v22 =	vadd.s32 v10, v13;
	v19 =	vld [tilespmem:s7+$0xFFFFFFE0]  }
.LBB2_6:
0x14d: {  	p0 =	slt.u32 s13, $0x7C;
	s18 =	sadd.s32 $0x1, s12;
	v27 =	vmov s14;
	[tilespmem:v26+s8+$0x0] =	vst.idx.msk $0xffff, v25;
	v25 =	vld [tilespmem:s1+$0xFFFFFFB0];
	v26 =	vadd.s32 v11, v15;
	v15 =	vmov v16;
	s1 =	smov.u32 s7  }
0x14e: {  	s7 =	sadd.s32 $0x100, s7;
	v16 =	vmov s18;
	v27 =	vand.u32 $0x7F, v27;
	[tilespmem:v24+s8+$0x0] =	vst.idx.msk $0xffff, v23;
	v23 =	vld [tilespmem:s1+$0x20];
	v24 =	vadd.s32 v10, v12  }
0x14f: {  	s14 =	sadd.s32 $0x2, s12;
	v28 =	vand.u32 $0x7D, v16;
	v29 =	vld [tilespmem:s7+$0x40];
	v30 =	vadd.s32 v5, v27;
	[tilespmem:v20+s8+$0x0] =	vst.idx.msk $0xffff, v17  }
0x150: {  	v16 =	vmov s14;
	v17 =	vld [tilespmem:s7+$0xFFFFFFC0];
	v20 =	vadd.s32 v5, v28;
	[tilespmem:v21+s8+$0x0] =	vst.idx.msk $0xffff, v18  }
0x151: {  	v18 =	vmov s12;
	v21 =	vand.u32 $0x7E, v16;
	s12 =	smov.u32 s13;
	[tilespmem:v22+s8+$0x0] =	vst.idx.msk $0xffff, v19;
	v19 =	vld [tilespmem:s1+$0x70];
	v22 =	vadd.s32 v11, v14;
	v14 =	vmovc v27  }
0x152: {  	v16 =	vand.u32 $0x7C, v18;
	v27 =	vadd.s32 v5, v21;
	v18 =	vld [tilespmem:s7+$0x0];
	[tilespmem:v26+s8+$0x0] =	vst.idx.msk $0xffff, v25  }
0x153: {  	v26 =	vadd.s32 v5, v16;
	v25 =	vld [tilespmem:s7+$0xFFFFFF80];
	[tilespmem:v24+s8+$0x0] =	vst.idx.msk $0xffff, v23  }
0x154: {  	[tilespmem:v30+s8+$0x0] =	vst.idx.msk $0xffff, v29;
	v29 =	vld [tilespmem:s1+$0xFFFFFFA0];
	v30 =	vadd.s32 v10, v15  }
0x155: {  	[tilespmem:v20+s8+$0x0] =	vst.idx.msk $0xffff, v17;
	v17 =	vld [tilespmem:s7+$0x50];
	v20 =	vadd.s32 v9, v14  }
0x156: {  	v32 =	vadd.s32 v9, v28;
	v31 =	vld [tilespmem:s7+$0xFFFFFFD0];
	[tilespmem:v22+s8+$0x0] =	vst.idx.msk $0xffff, v19  }
0x157: {  	v33 =	vadd.s32 v11, v13;
	v13 =	vmov v28;
	[tilespmem:v27+s8+$0x0] =	vst.idx.msk $0xffff, v18;
	v27 =	vld [tilespmem:s1+$0xFFFFFFF0]  }
.Ltmp2:
0x158: {  	[tilespmem:v26+s8+$0x0] =	vst.idx.msk $0xffff, v25;
	v25 =	vld [tilespmem:s7+$0x10];
	v26 =	vadd.s32 v9, v21;
	(pc) =	sbr.rel @p0 .LBB2_6-.Ltmp2, $4  }
0x159: {  	v24 =	vadd.s32 v9, v16;
	v23 =	vld [tilespmem:s7+$0xFFFFFF90];
	[tilespmem:v30+s8+$0x0] =	vst.idx.msk $0xffff, v29  }
0x15a: {  	[tilespmem:v20+s8+$0x0] =	vst.idx.msk $0xffff, v17;
	v17 =	vld [tilespmem:s1+$0x30];
	v20 =	vadd.s32 v11, v12;
	v12 =	vmov v21  }
0x15b: {  	v21 =	vadd.s32 v10, v14;
	[tilespmem:v32+s8+$0x0] =	vst.idx.msk $0xffff, v31;
	v18 =	vld [tilespmem:s7+$0x60]  }
0x15c: {  	s13 =	sadd.s32 $0x4, s13;
	s14 =	sadd.s32 $0x3, s12;
	v22 =	vadd.s32 v10, v13;
	v19 =	vld [tilespmem:s7+$0xFFFFFFE0];
	[tilespmem:v33+s8+$0x0] =	vst.idx.msk $0xffff, v27  }
0x15d: {  	_ =	sdelay $0x2  }
0x15e: {  	v27 =	vmov s14;
	s13 =	sadd.s32 $0x1, s12  }
0x15f: {  	[tilespmem:v26+s8+$0x0] =	vst.idx.msk $0xffff, v25;
	v55 =	vld [tilespmem:s1+$0xFFFFFFB0];
	v15 =	vadd.s32 v11, v15;
	s19 =	sadd.s32 $0x100, s7;
	s30 =	sadd.s32 $0x2, s12;
	v56 =	vmov s13;
	v27 =	vand.u32 $0x7F, v27  }
0x160: {  	v28 =	vmov s30;
	[tilespmem:v24+s8+$0x0] =	vst.idx.msk $0xffff, v23;
	v57 =	vld [tilespmem:s19+$0x40];
	v23 =	vand.u32 $0x7D, v56;
	v58 =	vadd.s32 v5, v27  }
0x161: {  	v29 =	vmov s12;
	v59 =	vld [tilespmem:s19+$0xFFFFFFC0];
	[tilespmem:v20+s8+$0x0] =	vst.idx.msk $0xffff, v17;
	v28 =	vand.u32 $0x7E, v28;
	v60 =	vadd.s32 v5, v23  }
0x162: {  	v61 =	vld [tilespmem:s19+$0x0];
	[tilespmem:v21+s8+$0x0] =	vst.idx.msk $0xffff, v18;
	v18 =	vand.u32 $0x7C, v29;
	v62 =	vadd.s32 v5, v28  }
0x163: {  	v63 =	vld [tilespmem:s19+$0xFFFFFF80];
	[tilespmem:v22+s8+$0x0] =	vst.idx.msk $0xffff, v19;
	v33 =	vadd.s32 v5, v18  }
0x164: {  	v34 =	vadd.s32 v10, v12;
	v30 =	vld [tilespmem:s7+$0x20];
	[tilespmem:v15+s8+$0x0] =	vst.idx.msk $0xffff, v55  }
0x165: {  	v45 =	vadd.s32 v10, v16;
	v44 =	vld [tilespmem:s7+$0xFFFFFFA0];
	[tilespmem:v58+s8+$0x0] =	vst.idx.msk $0xffff, v57  }
0x166: {  	v37 =	vadd.s32 v9, v27;
	[tilespmem:v60+s8+$0x0] =	vst.idx.msk $0xffff, v59;
	v36 =	vld [tilespmem:s19+$0x50]  }
0x167: {  	v39 =	vadd.s32 v9, v23;
	[tilespmem:v62+s8+$0x0] =	vst.idx.msk $0xffff, v61;
	v38 =	vld [tilespmem:s19+$0xFFFFFFD0]  }
0x168: {  	v41 =	vadd.s32 v9, v28;
	[tilespmem:v33+s8+$0x0] =	vst.idx.msk $0xffff, v63;
	v40 =	vld [tilespmem:s19+$0x10]  }
0x169: {  	v43 =	vadd.s32 v9, v18;
	[tilespmem:v34+s8+$0x0] =	vst.idx.msk $0xffff, v30;
	v42 =	vld [tilespmem:s19+$0xFFFFFF90]  }
0x16a: {  	v14 =	vadd.s32 v11, v14;
	v35 =	vld [tilespmem:s7+$0x70];
	[tilespmem:v45+s8+$0x0] =	vst.idx.msk $0xffff, v44  }
0x16b: {  	v13 =	vadd.s32 v11, v13;
	v46 =	vld [tilespmem:s7+$0xFFFFFFF0];
	[tilespmem:v37+s8+$0x0] =	vst.idx.msk $0xffff, v36  }
0x16c: {  	v47 =	vadd.s32 v10, v27;
	[tilespmem:v39+s8+$0x0] =	vst.idx.msk $0xffff, v38;
	v17 =	vld [tilespmem:s19+$0x60]  }
0x16d: {  	v48 =	vadd.s32 v10, v23;
	[tilespmem:v41+s8+$0x0] =	vst.idx.msk $0xffff, v40;
	v24 =	vld [tilespmem:s19+$0xFFFFFFE0]  }
0x16e: {  	v50 =	vadd.s32 v10, v28;
	[tilespmem:v43+s8+$0x0] =	vst.idx.msk $0xffff, v42;
	v49 =	vld [tilespmem:s19+$0x20]  }
0x16f: {  	v52 =	vadd.s32 v10, v18;
	[tilespmem:v14+s8+$0x0] =	vst.idx.msk $0xffff, v35;
	v51 =	vld [tilespmem:s19+$0xFFFFFFA0]  }
0x170: {  	v54 =	vadd.s32 v11, v12;
	v53 =	vld [tilespmem:s7+$0x30];
	[tilespmem:v13+s8+$0x0] =	vst.idx.msk $0xffff, v46  }
0x171: {  	v56 =	vadd.s32 v11, v16;
	v55 =	vld [tilespmem:s7+$0xFFFFFFB0];
	[tilespmem:v47+s8+$0x0] =	vst.idx.msk $0xffff, v17  }
0x172: {  	v58 =	vadd.s32 v11, v27;
	[tilespmem:v48+s8+$0x0] =	vst.idx.msk $0xffff, v24;
	v57 =	vld [tilespmem:s19+$0x70]  }
0x173: {  	v60 =	vadd.s32 v11, v23;
	[tilespmem:v50+s8+$0x0] =	vst.idx.msk $0xffff, v49;
	v59 =	vld [tilespmem:s19+$0xFFFFFFF0]  }
0x174: {  	v62 =	vadd.s32 v11, v28;
	[tilespmem:v52+s8+$0x0] =	vst.idx.msk $0xffff, v51;
	v61 =	vld [tilespmem:s19+$0x30]  }
0x175: {  	v18 =	vadd.s32 v11, v18;
	[tilespmem:v54+s8+$0x0] =	vst.idx.msk $0xffff, v53;
	v63 =	vld [tilespmem:s19+$0xFFFFFFB0]  }
0x176: {  	[tilespmem:v56+s8+$0x0] =	vst.idx.msk $0xffff, v55  }
0x177: {  	[tilespmem:v58+s8+$0x0] =	vst.idx.msk $0xffff, v57  }
0x178: {  	[tilespmem:v60+s8+$0x0] =	vst.idx.msk $0xffff, v59  }
0x179: {  	[tilespmem:v62+s8+$0x0] =	vst.idx.msk $0xffff, v61  }
0x17a: {  	[tilespmem:v18+s8+$0x0] =	vst.idx.msk $0xffff, v63  }
0x17b: {  	s7 =	rddreg [dreg:$0xc]  }
0x17c: {  	[hbm4b:s7+s28] =	stream.linear.scatter [tilespmem:s8], [sflag:$0x4], $0x80, $0x38;
	[tilespmem:$0x9E00] =	vst v63  }
0x17d: {  	s13 =	simm.s32 $0x7C88;
	s12 =	sadd.s32 $0x10, s7  }
0x17e: {  	[hbm4b:s12+s28] =	stream.linear.scatter [tilespmem:s13], [sflag:$0x4], $0x80, $0x38;
	[tilespmem:$0x9E00] =	vst v63  }
0x17f: {  	s18 =	simm.s32 $0x7D10;
	s14 =	sadd.s32 $0x20, s7  }
0x180: {  	[hbm4b:s14+s28] =	stream.linear.scatter [tilespmem:s18], [sflag:$0x4], $0x80, $0x38;
	[tilespmem:$0x9E00] =	vst v63  }
0x181: {  	s30 =	simm.s32 $0x7D98;
	s19 =	sadd.s32 $0x30, s7  }
0x182: {  	[hbm4b:s19+s28] =	stream.linear.scatter [tilespmem:s30], [sflag:$0x4], $0x80, $0x38;
	[tilespmem:$0x9E00] =	vst v63  }
0x183: {  	s12 =	sadd.s32 $0x40, s7;
	s13 =	simm.s32 $0x7E20  }
0x184: {  	[hbm4b:s12+s28] =	stream.linear.scatter [tilespmem:s13], [sflag:$0x4], $0x80, $0x38;
	[tilespmem:$0x9E00] =	vst v63  }
0x185: {  	s14 =	sadd.s32 $0x50, s7;
	s18 =	simm.s32 $0x7EA8  }
0x186: {  	[hbm4b:s14+s28] =	stream.linear.scatter [tilespmem:s18], [sflag:$0x4], $0x80, $0x38;
	[tilespmem:$0x9E00] =	vst v63  }
0x187: {  	s19 =	sadd.s32 $0x60, s7;
	s30 =	simm.s32 $0x7F30  }
0x188: {  	[hbm4b:s19+s28] =	stream.linear.scatter [tilespmem:s30], [sflag:$0x4], $0x80, $0x38;
	[tilespmem:$0x9E00] =	vst v63  }
0x189: {  	s7 =	sadd.s32 $0x70, s7;
	s12 =	simm.s32 $0x7FB8  }
0x18a: {  	[hbm4b:s7+s28] =	stream.linear.scatter [tilespmem:s12], [sflag:$0x4], $0x80, $0x38;
	[tilespmem:$0x9E00] =	vst v63  }
0x18b: {  	s13 =	simm.s32 $0x8040;
	s7 =	rddreg [dreg:$0xd]  }
0x18c: {  	[hbm4b:s7+s28] =	stream.linear.scatter [tilespmem:s13], [sflag:$0x4], $0x80, $0x38;
	[tilespmem:$0x9E00] =	vst v63  }
0x18d: {  	s18 =	simm.s32 $0x80C8;
	s14 =	sadd.s32 $0x10, s7  }
0x18e: {  	[hbm4b:s14+s28] =	stream.linear.scatter [tilespmem:s18], [sflag:$0x4], $0x80, $0x38;
	[tilespmem:$0x9E00] =	vst v63  }
0x18f: {  	s30 =	simm.s32 $0x8150;
	s19 =	sadd.s32 $0x20, s7  }
0x190: {  	[hbm4b:s19+s28] =	stream.linear.scatter [tilespmem:s30], [sflag:$0x4], $0x80, $0x38;
	[tilespmem:$0x9E00] =	vst v63  }
0x191: {  	s12 =	sadd.s32 $0x30, s7;
	s13 =	simm.s32 $0x81D8  }
0x192: {  	[hbm4b:s12+s28] =	stream.linear.scatter [tilespmem:s13], [sflag:$0x4], $0x80, $0x38;
	[tilespmem:$0x9E00] =	vst v63  }
0x193: {  	s14 =	sadd.s32 $0x40, s7;
	s18 =	simm.s32 $0x8260  }
0x194: {  	[hbm4b:s14+s28] =	stream.linear.scatter [tilespmem:s18], [sflag:$0x4], $0x80, $0x38;
	[tilespmem:$0x9E00] =	vst v63  }
0x195: {  	s19 =	sadd.s32 $0x50, s7;
	s30 =	simm.s32 $0x82E8  }
0x196: {  	[hbm4b:s19+s28] =	stream.linear.scatter [tilespmem:s30], [sflag:$0x4], $0x80, $0x38;
	[tilespmem:$0x9E00] =	vst v63  }
0x197: {  	s13 =	sadd.s32 $0x60, s7;
	s14 =	simm.s32 $0x8370  }
0x198: {  	[hbm4b:s13+s28] =	stream.linear.scatter [tilespmem:s14], [sflag:$0x4], $0x80, $0x38;
	[tilespmem:$0x9E00] =	vst v63  }
0x199: {  	s18 =	sadd.s32 $0x70, s7;
	s19 =	simm.s32 $0x83F8  }
0x19a: {  	[hbm4b:s18+s28] =	stream.linear.scatter [tilespmem:s19], [sflag:$0x4], $0x80, $0x38;
	[tilespmem:$0x9E00] =	vst v63  }
0x19b: {  	s7 =	rddreg [dreg:$0xf];
	s30 =	simm.s32 $0x8480  }
0x19c: {  	[hbm4b:s7+s28] =	stream.linear.scatter [tilespmem:s30], [sflag:$0x4], $0x80, $0x38;
	[tilespmem:$0x9E00] =	vst v63  }
0x19d: {  	s12 =	sadd.s32 $0x10, s7;
	s13 =	simm.s32 $0x8508  }
0x19e: {  	[hbm4b:s12+s28] =	stream.linear.scatter [tilespmem:s13], [sflag:$0x4], $0x80, $0x38;
	[tilespmem:$0x9E00] =	vst v63  }
0x19f: {  	s14 =	sadd.s32 $0x20, s7;
	s18 =	simm.s32 $0x8590  }
0x1a0: {  	[hbm4b:s14+s28] =	stream.linear.scatter [tilespmem:s18], [sflag:$0x4], $0x80, $0x38;
	[tilespmem:$0x9E00] =	vst v63  }
0x1a1: {  	s19 =	sadd.s32 $0x30, s7;
	s30 =	simm.s32 $0x8618  }
0x1a2: {  	[hbm4b:s19+s28] =	stream.linear.scatter [tilespmem:s30], [sflag:$0x4], $0x80, $0x38;
	[tilespmem:$0x9E00] =	vst v63  }
0x1a3: {  	s12 =	sadd.s32 $0x40, s7;
	s13 =	simm.s32 $0x86A0  }
0x1a4: {  	[hbm4b:s12+s28] =	stream.linear.scatter [tilespmem:s13], [sflag:$0x4], $0x80, $0x38;
	[tilespmem:$0x9E00] =	vst v63  }
0x1a5: {  	s14 =	sadd.s32 $0x50, s7;
	s18 =	simm.s32 $0x8728  }
0x1a6: {  	[hbm4b:s14+s28] =	stream.linear.scatter [tilespmem:s18], [sflag:$0x4], $0x80, $0x38;
	[tilespmem:$0x9E00] =	vst v63  }
0x1a7: {  	s19 =	sadd.s32 $0x60, s7;
	s30 =	simm.s32 $0x87B0  }
0x1a8: {  	[hbm4b:s19+s28] =	stream.linear.scatter [tilespmem:s30], [sflag:$0x4], $0x80, $0x38;
	[tilespmem:$0x9E00] =	vst v63  }
0x1a9: {  	s7 =	sadd.s32 $0x70, s7;
	s12 =	simm.s32 $0x8838  }
0x1aa: {  	[hbm4b:s7+s28] =	stream.linear.scatter [tilespmem:s12], [sflag:$0x4], $0x80, $0x38;
	[tilespmem:$0x9E00] =	vst v63  }
0x1ab: {  	s13 =	simm.s32 $0x88C0;
	s7 =	rddreg [dreg:$0x10]  }
0x1ac: {  	[hbm4b:s7+s28] =	stream.linear.scatter [tilespmem:s13], [sflag:$0x4], $0x80, $0x38;
	[tilespmem:$0x9E00] =	vst v63  }
0x1ad: {  	s18 =	simm.s32 $0x8948;
	s14 =	sadd.s32 $0x10, s7  }
0x1ae: {  	[hbm4b:s14+s28] =	stream.linear.scatter [tilespmem:s18], [sflag:$0x4], $0x80, $0x38;
	[tilespmem:$0x9E00] =	vst v63  }
0x1af: {  	s30 =	simm.s32 $0x89D0;
	s19 =	sadd.s32 $0x20, s7  }
0x1b0: {  	[hbm4b:s19+s28] =	stream.linear.scatter [tilespmem:s30], [sflag:$0x4], $0x80, $0x38;
	[tilespmem:$0x9E00] =	vst v63  }
0x1b1: {  	s12 =	sadd.s32 $0x30, s7;
	s13 =	simm.s32 $0x8A58  }
0x1b2: {  	[hbm4b:s12+s28] =	stream.linear.scatter [tilespmem:s13], [sflag:$0x4], $0x80, $0x38;
	[tilespmem:$0x9E00] =	vst v63  }
0x1b3: {  	s14 =	sadd.s32 $0x40, s7;
	s18 =	simm.s32 $0x8AE0  }
0x1b4: {  	[hbm4b:s14+s28] =	stream.linear.scatter [tilespmem:s18], [sflag:$0x4], $0x80, $0x38;
	[tilespmem:$0x9E00] =	vst v63  }
0x1b5: {  	s19 =	sadd.s32 $0x50, s7;
	s30 =	simm.s32 $0x8B68  }
0x1b6: {  	[hbm4b:s19+s28] =	stream.linear.scatter [tilespmem:s30], [sflag:$0x4], $0x80, $0x38;
	[tilespmem:$0x9E00] =	vst v63  }
0x1b7: {  	s13 =	sadd.s32 $0x60, s7;
	s14 =	simm.s32 $0x8BF0  }
0x1b8: {  	[hbm4b:s13+s28] =	stream.linear.scatter [tilespmem:s14], [sflag:$0x4], $0x80, $0x38;
	[tilespmem:$0x9E00] =	vst v63  }
0x1b9: {  	s18 =	sadd.s32 $0x70, s7;
	s19 =	simm.s32 $0x8C78  }
0x1ba: {  	[hbm4b:s18+s28] =	stream.linear.scatter [tilespmem:s19], [sflag:$0x4], $0x80, $0x38;
	[tilespmem:$0x9E00] =	vst v63  }
0x1bb: {  	s7 =	rddreg [dreg:$0x11];
	s30 =	simm.s32 $0x8D00  }
0x1bc: {  	[hbm4b:s7+s28] =	stream.linear.scatter [tilespmem:s30], [sflag:$0x4], $0x80, $0x38;
	[tilespmem:$0x9E00] =	vst v63  }
0x1bd: {  	s12 =	sadd.s32 $0x10, s7;
	s13 =	simm.s32 $0x8D88  }
0x1be: {  	[hbm4b:s12+s28] =	stream.linear.scatter [tilespmem:s13], [sflag:$0x4], $0x80, $0x38;
	[tilespmem:$0x9E00] =	vst v63  }
0x1bf: {  	s14 =	sadd.s32 $0x20, s7;
	s18 =	simm.s32 $0x8E10  }
0x1c0: {  	[hbm4b:s14+s28] =	stream.linear.scatter [tilespmem:s18], [sflag:$0x4], $0x80, $0x38;
	[tilespmem:$0x9E00] =	vst v63  }
0x1c1: {  	s19 =	sadd.s32 $0x30, s7;
	s30 =	simm.s32 $0x8E98  }
0x1c2: {  	[hbm4b:s19+s28] =	stream.linear.scatter [tilespmem:s30], [sflag:$0x4], $0x80, $0x38;
	[tilespmem:$0x9E00] =	vst v63  }
0x1c3: {  	s12 =	sadd.s32 $0x40, s7;
	s13 =	simm.s32 $0x8F20  }
0x1c4: {  	[hbm4b:s12+s28] =	stream.linear.scatter [tilespmem:s13], [sflag:$0x4], $0x80, $0x38;
	[tilespmem:$0x9E00] =	vst v63  }
0x1c5: {  	s14 =	sadd.s32 $0x50, s7;
	s18 =	simm.s32 $0x8FA8  }
0x1c6: {  	[hbm4b:s14+s28] =	stream.linear.scatter [tilespmem:s18], [sflag:$0x4], $0x80, $0x38;
	[tilespmem:$0x9E00] =	vst v63  }
0x1c7: {  	s19 =	sadd.s32 $0x60, s7;
	s30 =	simm.s32 $0x9030  }
0x1c8: {  	[hbm4b:s19+s28] =	stream.linear.scatter [tilespmem:s30], [sflag:$0x4], $0x80, $0x38;
	[tilespmem:$0x9E00] =	vst v63  }
0x1c9: {  	s7 =	sadd.s32 $0x70, s7;
	s12 =	simm.s32 $0x90B8  }
0x1ca: {  	[hbm4b:s7+s28] =	stream.linear.scatter [tilespmem:s12], [sflag:$0x4], $0x80, $0x38;
	[tilespmem:$0x9E00] =	vst v63  }
0x1cb: {  	s13 =	simm.s32 $0x9140;
	s7 =	rddreg [dreg:$0x12]  }
0x1cc: {  	[hbm4b:s7+s28] =	stream.linear.scatter [tilespmem:s13], [sflag:$0x4], $0x80, $0x38;
	[tilespmem:$0x9E00] =	vst v63  }
0x1cd: {  	s18 =	simm.s32 $0x91C8;
	s14 =	sadd.s32 $0x10, s7  }
0x1ce: {  	[hbm4b:s14+s28] =	stream.linear.scatter [tilespmem:s18], [sflag:$0x4], $0x80, $0x38;
	[tilespmem:$0x9E00] =	vst v63  }
0x1cf: {  	s30 =	simm.s32 $0x9250;
	s19 =	sadd.s32 $0x20, s7  }
0x1d0: {  	[hbm4b:s19+s28] =	stream.linear.scatter [tilespmem:s30], [sflag:$0x4], $0x80, $0x38;
	[tilespmem:$0x9E00] =	vst v63  }
0x1d1: {  	s12 =	sadd.s32 $0x30, s7;
	s13 =	simm.s32 $0x92D8  }
0x1d2: {  	[hbm4b:s12+s28] =	stream.linear.scatter [tilespmem:s13], [sflag:$0x4], $0x80, $0x38;
	[tilespmem:$0x9E00] =	vst v63  }
0x1d3: {  	s14 =	sadd.s32 $0x40, s7;
	s18 =	simm.s32 $0x9360  }
0x1d4: {  	[hbm4b:s14+s28] =	stream.linear.scatter [tilespmem:s18], [sflag:$0x4], $0x80, $0x38;
	[tilespmem:$0x9E00] =	vst v63  }
0x1d5: {  	s19 =	sadd.s32 $0x50, s7;
	s30 =	simm.s32 $0x93E8  }
0x1d6: {  	[hbm4b:s19+s28] =	stream.linear.scatter [tilespmem:s30], [sflag:$0x4], $0x80, $0x38;
	[tilespmem:$0x9E00] =	vst v63  }
0x1d7: {  	s13 =	sadd.s32 $0x60, s7;
	s14 =	simm.s32 $0x9470  }
0x1d8: {  	[hbm4b:s13+s28] =	stream.linear.scatter [tilespmem:s14], [sflag:$0x4], $0x80, $0x38;
	[tilespmem:$0x9E00] =	vst v63  }
0x1d9: {  	s18 =	sadd.s32 $0x70, s7;
	s19 =	simm.s32 $0x94F8  }
0x1da: {  	[hbm4b:s18+s28] =	stream.linear.scatter [tilespmem:s19], [sflag:$0x4], $0x80, $0x38;
	[tilespmem:$0x9E00] =	vst v63  }
0x1db: {  	s7 =	rddreg [dreg:$0x13];
	s30 =	simm.s32 $0x9580  }
0x1dc: {  	[hbm4b:s7+s28] =	stream.linear.scatter [tilespmem:s30], [sflag:$0x4], $0x80, $0x38;
	[tilespmem:$0x9E00] =	vst v63  }
0x1dd: {  	s12 =	sadd.s32 $0x10, s7;
	s13 =	simm.s32 $0x9608  }
0x1de: {  	[hbm4b:s12+s28] =	stream.linear.scatter [tilespmem:s13], [sflag:$0x4], $0x80, $0x38;
	[tilespmem:$0x9E00] =	vst v63  }
0x1df: {  	s14 =	sadd.s32 $0x20, s7;
	s18 =	simm.s32 $0x9690  }
0x1e0: {  	[hbm4b:s14+s28] =	stream.linear.scatter [tilespmem:s18], [sflag:$0x4], $0x80, $0x38;
	[tilespmem:$0x9E00] =	vst v63  }
0x1e1: {  	s19 =	sadd.s32 $0x30, s7;
	s30 =	simm.s32 $0x9718  }
0x1e2: {  	[hbm4b:s19+s28] =	stream.linear.scatter [tilespmem:s30], [sflag:$0x4], $0x80, $0x38;
	[tilespmem:$0x9E00] =	vst v63  }
0x1e3: {  	s12 =	sadd.s32 $0x40, s7;
	s13 =	simm.s32 $0x97A0  }
0x1e4: {  	[hbm4b:s12+s28] =	stream.linear.scatter [tilespmem:s13], [sflag:$0x4], $0x80, $0x38;
	[tilespmem:$0x9E00] =	vst v63  }
0x1e5: {  	s14 =	sadd.s32 $0x50, s7;
	s18 =	simm.s32 $0x9828  }
0x1e6: {  	[hbm4b:s14+s28] =	stream.linear.scatter [tilespmem:s18], [sflag:$0x4], $0x80, $0x38;
	[tilespmem:$0x9E00] =	vst v63  }
0x1e7: {  	s19 =	sadd.s32 $0x60, s7;
	s30 =	simm.s32 $0x98B0  }
0x1e8: {  	[hbm4b:s19+s28] =	stream.linear.scatter [tilespmem:s30], [sflag:$0x4], $0x80, $0x38;
	[tilespmem:$0x9E00] =	vst v63  }
0x1e9: {  	s13 =	sadd.s32 $0x70, s7;
	s14 =	simm.s32 $0x9938  }
0x1ea: {  	[hbm4b:s13+s28] =	stream.linear.scatter [tilespmem:s14], [sflag:$0x4], $0x80, $0x38;
	[tilespmem:$0x9E00] =	vst v63  }
0x1eb: {  	s7 =	rddreg [dreg:$0x14];
	s18 =	simm.s32 $0x99C0  }
0x1ec: {  	[hbm4b:s7+s28] =	stream.linear.scatter [tilespmem:s18], [sflag:$0x4], $0x80, $0x38;
	[tilespmem:$0x9E00] =	vst v63  }
0x1ed: {  	s19 =	sadd.s32 $0x10, s7;
	s30 =	simm.s32 $0x9A48  }
0x1ee: {  	[hbm4b:s19+s28] =	stream.linear.scatter [tilespmem:s30], [sflag:$0x4], $0x80, $0x38;
	[tilespmem:$0x9E00] =	vst v63  }
0x1ef: {  	s12 =	sadd.s32 $0x20, s7;
	s13 =	simm.s32 $0x9AD0  }
0x1f0: {  	[hbm4b:s12+s28] =	stream.linear.scatter [tilespmem:s13], [sflag:$0x4], $0x80, $0x38;
	[tilespmem:$0x9E00] =	vst v63  }
0x1f1: {  	s14 =	sadd.s32 $0x30, s7;
	s18 =	simm.s32 $0x9B58  }
0x1f2: {  	[hbm4b:s14+s28] =	stream.linear.scatter [tilespmem:s18], [sflag:$0x4], $0x80, $0x38;
	[tilespmem:$0x9E00] =	vst v63  }
0x1f3: {  	s19 =	sadd.s32 $0x40, s7;
	s30 =	simm.s32 $0x9BE0  }
0x1f4: {  	[hbm4b:s19+s28] =	stream.linear.scatter [tilespmem:s30], [sflag:$0x4], $0x80, $0x38;
	[tilespmem:$0x9E00] =	vst v63  }
0x1f5: {  	s12 =	sadd.s32 $0x50, s7;
	s13 =	simm.s32 $0x9C68  }
0x1f6: {  	[hbm4b:s12+s28] =	stream.linear.scatter [tilespmem:s13], [sflag:$0x4], $0x80, $0x38;
	[tilespmem:$0x9E00] =	vst v63  }
0x1f7: {  	s14 =	sadd.s32 $0x60, s7  }
0x1f8: {  	[hbm4b:s14+s28] =	stream.linear.scatter [tilespmem:s20], [sflag:$0x4], $0x80, $0x38;
	[tilespmem:$0x9E00] =	vst v63  }
0x1f9: {  	s18 =	sadd.s32 $0x70, s7  }
0x1fa: {  	[hbm4b:s18+s28] =	stream.linear.scatter [tilespmem:s21], [sflag:$0x4], $0x80, $0x38;
	[tilespmem:$0x9E00] =	vst v63  }
0x1fb: {  	s29 =	simm.s32 $0x0;
	s19 =	simm.s32 $0x3A00;
	s30 =	simm.s32 $0xE80  }
0x1fc: {  	[tilespmem:s19], [sflag:$0x2] =	stream.indirect.gather [hbm4b:s4+s31], $0x40, s30, s31, $0xb8;
	[tilespmem:$0x9E00] =	vst v63  }
.LBB2_8:
0x1fd: {  	_ =	swait.ge [sflag:s22], $0x400  }
0x1fe: {  	[sflag:s22] =	ssyncset.done $0x0  }
0x1ff: {  	[sflag:s22] =	ssyncadd.s32 $0xFFFFFC00  }
0x200: {  	_ =	swait.ge [sflag:s22], $0x400  }
0x201: {  	[sflag:s22] =	ssyncset.done $0x0  }
0x202: {  	[sflag:s22] =	ssyncadd.s32 $0xFFFFFC00  }
0x203: {  	_ =	swait.ge [sflag:s22], $0x400  }
0x204: {  	[sflag:s22] =	ssyncset.done $0x0  }
0x205: {  	[sflag:s22] =	ssyncadd.s32 $0xFFFFFC00  }
0x206: {  	_ =	swait.ge [sflag:s22], $0x400  }
0x207: {  	[sflag:s22] =	ssyncset.done $0x0  }
0x208: {  	[sflag:s22] =	ssyncadd.s32 $0xFFFFFC00  }
0x209: {  	_ =	swait.ge [sflag:s22], $0x400  }
0x20a: {  	[sflag:s22] =	ssyncset.done $0x0  }
0x20b: {  	[sflag:s22] =	ssyncadd.s32 $0xFFFFFC00  }
0x20c: {  	_ =	swait.ge [sflag:s22], $0x400  }
0x20d: {  	[sflag:s22] =	ssyncset.done $0x0  }
0x20e: {  	[sflag:s22] =	ssyncadd.s32 $0xFFFFFC00  }
0x20f: {  	_ =	swait.ge [sflag:s22], $0x400  }
0x210: {  	[sflag:s22] =	ssyncset.done $0x0  }
0x211: {  	[sflag:s22] =	ssyncadd.s32 $0xFFFFFC00  }
0x212: {  	_ =	swait.ge [sflag:s22], $0x400  }
0x213: {  	[sflag:s22] =	ssyncset.done $0x0  }
0x214: {  	[sflag:s22] =	ssyncadd.s32 $0xFFFFFC00  }
0x215: {  	s1 =	simm.s32 $0x3;
	_ =	swait.ge [sflag:s5], $0x2000  }
0x216: {  	s7 =	simm.s32 $0x1;
	v12 =	vmov s1;
	[sflag:s5] =	ssyncset.done $0x0  }
0x217: {  	s18 =	simm.s32 $0x2;
	s1 =	simm.s32 $0x1A80;
	v16 =	vand.u32 $0x7F, v12;
	v12 =	vmov s7;
	[sflag:s5] =	ssyncadd.s32 $0xFFFFE000  }
0x218: {  	v14 =	vadd.s32 v5, v16;
	v17 =	vand.u32 $0x7D, v12;
	v12 =	vmov s18;
	v13 =	vld [tilespmem:s1+$0x40]  }
0x219: {  	v19 =	vadd.s32 v5, v17;
	v20 =	vand.u32 $0x7E, v12;
	v18 =	vld [tilespmem:s1+$0xFFFFFFC0]  }
0x21a: {  	v21 =	vadd.s32 v5, v20;
	v12 =	vld [tilespmem:s1+$0x0]  }
0x21b: {  	v15 =	vmov s28  }
0x21c: {  	v15 =	vand.u32 $0x7C, v15  }
0x21d: {  	v23 =	vadd.s32 v5, v15;
	v22 =	vld [tilespmem:s1+$0xFFFFFF80];
	[tilespmem:v14+s25+$0x0] =	vst.idx.msk $0xffff, v13  }
0x21e: {  	v14 =	vadd.s32 v9, v16;
	[tilespmem:v19+s25+$0x0] =	vst.idx.msk $0xffff, v18;
	v13 =	vld [tilespmem:s1+$0x50]  }
0x21f: {  	v19 =	vadd.s32 v9, v17;
	[tilespmem:v21+s25+$0x0] =	vst.idx.msk $0xffff, v12;
	v18 =	vld [tilespmem:s1+$0xFFFFFFD0]  }
0x220: {  	v21 =	vadd.s32 v9, v20;
	v12 =	vld [tilespmem:s1+$0x10];
	_ =	sdelay $0x1  }
0x221: {  	[tilespmem:v23+s25+$0x0] =	vst.idx.msk $0xffff, v22  }
0x222: {  	v25 =	vadd.s32 v9, v15;
	v24 =	vld [tilespmem:s1+$0xFFFFFF90];
	[tilespmem:v14+s25+$0x0] =	vst.idx.msk $0xffff, v13  }
0x223: {  	v23 =	vadd.s32 v10, v16;
	[tilespmem:v19+s25+$0x0] =	vst.idx.msk $0xffff, v18;
	v22 =	vld [tilespmem:s1+$0x60]  }
0x224: {  	s19 =	simm.s32 $0x7;
	v19 =	vadd.s32 v10, v17;
	[tilespmem:v21+s25+$0x0] =	vst.idx.msk $0xffff, v12;
	v18 =	vld [tilespmem:s1+$0xFFFFFFE0]  }
0x225: {  	s12 =	simm.s32 $0x5;
	v26 =	vadd.s32 v10, v20;
	v13 =	vmov s19;
	v21 =	vld [tilespmem:s1+$0x20]  }
0x226: {  	s30 =	simm.s32 $0x6;
	s7 =	simm.s32 $0x1B80;
	v12 =	vmov s12;
	v14 =	vand.u32 $0x7F, v13  }
0x227: {  	v27 =	vld [tilespmem:s7+$0x40];
	[tilespmem:v25+s25+$0x0] =	vst.idx.msk $0xffff, v24;
	v13 =	vand.u32 $0x7D, v12;
	v12 =	vmov s30;
	v28 =	vadd.s32 v5, v14  }
0x228: {  	s13 =	simm.s32 $0x4;
	v29 =	vld [tilespmem:s7+$0xFFFFFFC0];
	v30 =	vadd.s32 v5, v13;
	v12 =	vand.u32 $0x7E, v12;
	[tilespmem:v23+s25+$0x0] =	vst.idx.msk $0xffff, v22  }
0x229: {  	v22 =	vmov s13;
	[tilespmem:v19+s25+$0x0] =	vst.idx.msk $0xffff, v18;
	v18 =	vld [tilespmem:s7+$0x0];
	v19 =	vadd.s32 v5, v12  }
0x22a: {  	v24 =	vadd.s32 v11, v16;
	[tilespmem:v26+s25+$0x0] =	vst.idx.msk $0xffff, v21;
	v21 =	vld [tilespmem:s1+$0xFFFFFFA0];
	v26 =	vadd.s32 v10, v15;
	v16 =	vand.u32 $0x7C, v22  }
0x22b: {  	v22 =	vld [tilespmem:s7+$0xFFFFFF80];
	v25 =	vadd.s32 v5, v16  }
0x22c: {  	v23 =	vld [tilespmem:s1+$0x70];
	[tilespmem:v28+s25+$0x0] =	vst.idx.msk $0xffff, v27  }
0x22d: {  	v62 =	vadd.s32 v9, v14;
	[tilespmem:v30+s25+$0x0] =	vst.idx.msk $0xffff, v29;
	v27 =	vld [tilespmem:s7+$0x50]  }
0x22e: {  	v63 =	vadd.s32 v9, v13;
	v29 =	vld [tilespmem:s7+$0xFFFFFFD0];
	[tilespmem:v19+s25+$0x0] =	vst.idx.msk $0xffff, v18  }
0x22f: {  	v32 =	vadd.s32 v11, v17;
	v31 =	vld [tilespmem:s1+$0xFFFFFFF0];
	[tilespmem:v26+s25+$0x0] =	vst.idx.msk $0xffff, v21  }
0x230: {  	v26 =	vadd.s32 v9, v12;
	[tilespmem:v25+s25+$0x0] =	vst.idx.msk $0xffff, v22;
	v25 =	vld [tilespmem:s7+$0x10]  }
0x231: {  	[tilespmem:v24+s25+$0x0] =	vst.idx.msk $0xffff, v23;
	v24 =	vadd.s32 v9, v16;
	v23 =	vld [tilespmem:s7+$0xFFFFFF90]  }
0x232: {  	v18 =	vld [tilespmem:s1+$0x30];
	v21 =	vadd.s32 v11, v20;
	[tilespmem:v62+s25+$0x0] =	vst.idx.msk $0xffff, v27  }
0x233: {  	v20 =	vadd.s32 v10, v14;
	[tilespmem:v63+s25+$0x0] =	vst.idx.msk $0xffff, v29;
	v17 =	vld [tilespmem:s7+$0x60]  }
0x234: {  	s14 =	simm.s32 $0xB;
	s12 =	simm.s32 $0x8;
	s13 =	simm.s32 $0xC;
	[tilespmem:v32+s25+$0x0] =	vst.idx.msk $0xffff, v31;
	v22 =	vadd.s32 v10, v13;
	v19 =	vld [tilespmem:s7+$0xFFFFFFE0]  }
.LBB2_9:
0x235: {  	p0 =	slt.u32 s13, $0x7C;
	s18 =	sadd.s32 $0x1, s12;
	v27 =	vmov s14;
	[tilespmem:v26+s25+$0x0] =	vst.idx.msk $0xffff, v25;
	v25 =	vld [tilespmem:s1+$0xFFFFFFB0];
	v26 =	vadd.s32 v11, v15;
	v15 =	vmov v16;
	s1 =	smov.u32 s7  }
0x236: {  	s7 =	sadd.s32 $0x100, s7;
	v16 =	vmov s18;
	v27 =	vand.u32 $0x7F, v27;
	[tilespmem:v24+s25+$0x0] =	vst.idx.msk $0xffff, v23;
	v23 =	vld [tilespmem:s1+$0x20];
	v24 =	vadd.s32 v10, v12  }
0x237: {  	s14 =	sadd.s32 $0x2, s12;
	v28 =	vand.u32 $0x7D, v16;
	v29 =	vld [tilespmem:s7+$0x40];
	v30 =	vadd.s32 v5, v27;
	[tilespmem:v21+s25+$0x0] =	vst.idx.msk $0xffff, v18  }
0x238: {  	v16 =	vmov s14;
	v18 =	vld [tilespmem:s7+$0xFFFFFFC0];
	v21 =	vadd.s32 v5, v28;
	[tilespmem:v20+s25+$0x0] =	vst.idx.msk $0xffff, v17  }
0x239: {  	v17 =	vmov s12;
	v20 =	vand.u32 $0x7E, v16;
	s12 =	smov.u32 s13;
	[tilespmem:v22+s25+$0x0] =	vst.idx.msk $0xffff, v19;
	v19 =	vld [tilespmem:s1+$0x70];
	v22 =	vadd.s32 v11, v14;
	v14 =	vmovc v27  }
0x23a: {  	v16 =	vand.u32 $0x7C, v17;
	v27 =	vadd.s32 v5, v20;
	v17 =	vld [tilespmem:s7+$0x0];
	[tilespmem:v26+s25+$0x0] =	vst.idx.msk $0xffff, v25  }
0x23b: {  	v26 =	vadd.s32 v5, v16;
	v25 =	vld [tilespmem:s7+$0xFFFFFF80];
	[tilespmem:v24+s25+$0x0] =	vst.idx.msk $0xffff, v23  }
0x23c: {  	[tilespmem:v30+s25+$0x0] =	vst.idx.msk $0xffff, v29;
	v29 =	vld [tilespmem:s1+$0xFFFFFFA0];
	v30 =	vadd.s32 v10, v15  }
0x23d: {  	[tilespmem:v21+s25+$0x0] =	vst.idx.msk $0xffff, v18;
	v18 =	vld [tilespmem:s7+$0x50];
	v21 =	vadd.s32 v9, v14  }
0x23e: {  	v32 =	vadd.s32 v9, v28;
	v31 =	vld [tilespmem:s7+$0xFFFFFFD0];
	[tilespmem:v22+s25+$0x0] =	vst.idx.msk $0xffff, v19  }
0x23f: {  	v33 =	vadd.s32 v11, v13;
	v13 =	vmov v28;
	[tilespmem:v27+s25+$0x0] =	vst.idx.msk $0xffff, v17;
	v27 =	vld [tilespmem:s1+$0xFFFFFFF0]  }
.Ltmp3:
0x240: {  	[tilespmem:v26+s25+$0x0] =	vst.idx.msk $0xffff, v25;
	v25 =	vld [tilespmem:s7+$0x10];
	v26 =	vadd.s32 v9, v20;
	(pc) =	sbr.rel @p0 .LBB2_9-.Ltmp3, $4  }
0x241: {  	v24 =	vadd.s32 v9, v16;
	v23 =	vld [tilespmem:s7+$0xFFFFFF90];
	[tilespmem:v30+s25+$0x0] =	vst.idx.msk $0xffff, v29  }
0x242: {  	[tilespmem:v21+s25+$0x0] =	vst.idx.msk $0xffff, v18;
	v18 =	vld [tilespmem:s1+$0x30];
	v21 =	vadd.s32 v11, v12;
	v12 =	vmov v20  }
0x243: {  	v20 =	vadd.s32 v10, v14;
	[tilespmem:v32+s25+$0x0] =	vst.idx.msk $0xffff, v31;
	v17 =	vld [tilespmem:s7+$0x60]  }
0x244: {  	s13 =	sadd.s32 $0x4, s13;
	s14 =	sadd.s32 $0x3, s12;
	v22 =	vadd.s32 v10, v13;
	v19 =	vld [tilespmem:s7+$0xFFFFFFE0];
	[tilespmem:v33+s25+$0x0] =	vst.idx.msk $0xffff, v27  }
0x245: {  	_ =	sdelay $0x2  }
0x246: {  	s13 =	sadd.s32 $0x1, s12;
	v27 =	vmov s14  }
0x247: {  	[tilespmem:v26+s25+$0x0] =	vst.idx.msk $0xffff, v25;
	v25 =	vld [tilespmem:s1+$0xFFFFFFB0];
	v15 =	vadd.s32 v11, v15;
	s18 =	sadd.s32 $0x100, s7;
	s19 =	sadd.s32 $0x2, s12;
	v26 =	vmov s13;
	v27 =	vand.u32 $0x7F, v27  }
0x248: {  	[tilespmem:v24+s25+$0x0] =	vst.idx.msk $0xffff, v23;
	v24 =	vld [tilespmem:s18+$0x40];
	v28 =	vmov s19;
	v23 =	vand.u32 $0x7D, v26;
	v26 =	vadd.s32 v5, v27  }
0x249: {  	v29 =	vmov s12;
	[tilespmem:v21+s25+$0x0] =	vst.idx.msk $0xffff, v18;
	v18 =	vld [tilespmem:s18+$0xFFFFFFC0];
	v28 =	vand.u32 $0x7E, v28;
	v21 =	vadd.s32 v5, v23  }
0x24a: {  	[tilespmem:v20+s25+$0x0] =	vst.idx.msk $0xffff, v17;
	v17 =	vand.u32 $0x7C, v29;
	v20 =	vld [tilespmem:s18+$0x0];
	v56 =	vadd.s32 v5, v28  }
0x24b: {  	[tilespmem:v22+s25+$0x0] =	vst.idx.msk $0xffff, v19;
	v19 =	vld [tilespmem:s18+$0xFFFFFF80];
	v22 =	vadd.s32 v5, v17  }
0x24c: {  	v30 =	vld [tilespmem:s7+$0x20];
	[tilespmem:v15+s25+$0x0] =	vst.idx.msk $0xffff, v25;
	v15 =	vadd.s32 v10, v12  }
0x24d: {  	v14 =	vadd.s32 v11, v14;
	v25 =	vld [tilespmem:s7+$0x70];
	[tilespmem:v26+s25+$0x0] =	vst.idx.msk $0xffff, v24  }
0x24e: {  	[tilespmem:v21+s25+$0x0] =	vst.idx.msk $0xffff, v18;
	v18 =	vld [tilespmem:s18+$0x50];
	v21 =	vadd.s32 v9, v27  }
0x24f: {  	v26 =	vadd.s32 v9, v23;
	[tilespmem:v56+s25+$0x0] =	vst.idx.msk $0xffff, v20;
	v24 =	vld [tilespmem:s18+$0xFFFFFFD0]  }
0x250: {  	v20 =	vadd.s32 v9, v28;
	[tilespmem:v22+s25+$0x0] =	vst.idx.msk $0xffff, v19;
	v19 =	vld [tilespmem:s18+$0x10]  }
0x251: {  	v22 =	vadd.s32 v9, v17;
	[tilespmem:v15+s25+$0x0] =	vst.idx.msk $0xffff, v30;
	v15 =	vld [tilespmem:s18+$0xFFFFFF90]  }
0x252: {  	v58 =	vadd.s32 v10, v16;
	v57 =	vld [tilespmem:s7+$0xFFFFFFA0];
	[tilespmem:v14+s25+$0x0] =	vst.idx.msk $0xffff, v25  }
0x253: {  	v13 =	vadd.s32 v11, v13;
	v14 =	vld [tilespmem:s7+$0xFFFFFFF0];
	[tilespmem:v21+s25+$0x0] =	vst.idx.msk $0xffff, v18  }
0x254: {  	v21 =	vadd.s32 v10, v27;
	[tilespmem:v26+s25+$0x0] =	vst.idx.msk $0xffff, v24;
	v18 =	vld [tilespmem:s18+$0x60]  }
0x255: {  	v25 =	vadd.s32 v10, v23;
	[tilespmem:v20+s25+$0x0] =	vst.idx.msk $0xffff, v19;
	v24 =	vld [tilespmem:s18+$0xFFFFFFE0]  }
0x256: {  	v19 =	vadd.s32 v10, v28;
	[tilespmem:v22+s25+$0x0] =	vst.idx.msk $0xffff, v15;
	v15 =	vld [tilespmem:s18+$0x20]  }
0x257: {  	[tilespmem:v58+s25+$0x0] =	vst.idx.msk $0xffff, v57;
	v22 =	vadd.s32 v10, v17;
	v20 =	vld [tilespmem:s18+$0xFFFFFFA0]  }
0x258: {  	v12 =	vadd.s32 v11, v12;
	v26 =	vld [tilespmem:s7+$0x30];
	[tilespmem:v13+s25+$0x0] =	vst.idx.msk $0xffff, v14  }
0x259: {  	v13 =	vld [tilespmem:s7+$0xFFFFFFB0];
	v14 =	vadd.s32 v11, v16;
	[tilespmem:v21+s25+$0x0] =	vst.idx.msk $0xffff, v18  }
0x25a: {  	v18 =	vadd.s32 v11, v27;
	[tilespmem:v25+s25+$0x0] =	vst.idx.msk $0xffff, v24;
	v16 =	vld [tilespmem:s18+$0x70]  }
0x25b: {  	[tilespmem:v19+s25+$0x0] =	vst.idx.msk $0xffff, v15;
	v19 =	vadd.s32 v11, v23;
	v15 =	vld [tilespmem:s18+$0xFFFFFFF0]  }
0x25c: {  	v21 =	vadd.s32 v11, v28;
	[tilespmem:v22+s25+$0x0] =	vst.idx.msk $0xffff, v20;
	v20 =	vld [tilespmem:s18+$0x30]  }
0x25d: {  	v17 =	vadd.s32 v11, v17;
	[tilespmem:v12+s25+$0x0] =	vst.idx.msk $0xffff, v26;
	v12 =	vld [tilespmem:s18+$0xFFFFFFB0]  }
0x25e: {  	[tilespmem:v14+s25+$0x0] =	vst.idx.msk $0xffff, v13  }
0x25f: {  	s30 =	sshll.u32 s29, $0x13;
	[tilespmem:v18+s25+$0x0] =	vst.idx.msk $0xffff, v16  }
0x260: {  	s14 =	sadd.s32 s23, s30;
	[tilespmem:v19+s25+$0x0] =	vst.idx.msk $0xffff, v15  }
0x261: {  	s7 =	sshrl.u32 s14, $0x3;
	[tilespmem:v21+s25+$0x0] =	vst.idx.msk $0xffff, v20  }
0x262: {  	s1 =	simm.s32 $0x0;
	s12 =	sadd.s32 s2, s7;
	[tilespmem:v17+s25+$0x0] =	vst.idx.msk $0xffff, v12  }
0x263: {  	[hbm4b:s12+s1] =	stream.linear.scatter [tilespmem:s25], [sflag:$0x3], $0x80, $0x38;
	[tilespmem:$0x9E00] =	vst v63  }
0x264: {  	s19 =	simm.s32 $0x5A88;
	s18 =	sadd.s32 $0x10, s12  }
0x265: {  	[hbm4b:s18+s1] =	stream.linear.scatter [tilespmem:s19], [sflag:$0x3], $0x80, $0x38;
	[tilespmem:$0x9E00] =	vst v63  }
0x266: {  	s18 =	sadd.s32 $0x20, s12;
	s19 =	simm.s32 $0x5B10  }
0x267: {  	[hbm4b:s18+s1] =	stream.linear.scatter [tilespmem:s19], [sflag:$0x3], $0x80, $0x38;
	[tilespmem:$0x9E00] =	vst v63  }
0x268: {  	s18 =	sadd.s32 $0x30, s12;
	s19 =	simm.s32 $0x5B98  }
0x269: {  	[hbm4b:s18+s1] =	stream.linear.scatter [tilespmem:s19], [sflag:$0x3], $0x80, $0x38;
	[tilespmem:$0x9E00] =	vst v63  }
0x26a: {  	s18 =	sadd.s32 $0x40, s12;
	s19 =	simm.s32 $0x5C20  }
0x26b: {  	[hbm4b:s18+s1] =	stream.linear.scatter [tilespmem:s19], [sflag:$0x3], $0x80, $0x38;
	[tilespmem:$0x9E00] =	vst v63  }
0x26c: {  	s18 =	sadd.s32 $0x50, s12;
	s19 =	simm.s32 $0x5CA8  }
0x26d: {  	[hbm4b:s18+s1] =	stream.linear.scatter [tilespmem:s19], [sflag:$0x3], $0x80, $0x38;
	[tilespmem:$0x9E00] =	vst v63  }
0x26e: {  	s14 =	sadd.s32 $0x60, s12;
	s18 =	simm.s32 $0x5D30  }
0x26f: {  	[hbm4b:s14+s1] =	stream.linear.scatter [tilespmem:s18], [sflag:$0x3], $0x80, $0x38;
	[tilespmem:$0x9E00] =	vst v63  }
0x270: {  	s12 =	sadd.s32 $0x70, s12;
	s19 =	simm.s32 $0x5DB8  }
0x271: {  	[hbm4b:s12+s1] =	stream.linear.scatter [tilespmem:s19], [sflag:$0x3], $0x80, $0x38;
	[tilespmem:$0x9E00] =	vst v63  }
0x272: {  	s14 =	simm.s32 $0x5E40;
	s12 =	sadd.s32 s7, s6  }
0x273: {  	[hbm4b:s12+s1] =	stream.linear.scatter [tilespmem:s14], [sflag:$0x3], $0x80, $0x38;
	[tilespmem:$0x9E00] =	vst v63  }
0x274: {  	s19 =	simm.s32 $0x5EC8;
	s18 =	sadd.s32 $0x10, s12  }
0x275: {  	[hbm4b:s18+s1] =	stream.linear.scatter [tilespmem:s19], [sflag:$0x3], $0x80, $0x38;
	[tilespmem:$0x9E00] =	vst v63  }
0x276: {  	s18 =	sadd.s32 $0x20, s12;
	s19 =	simm.s32 $0x5F50  }
0x277: {  	[hbm4b:s18+s1] =	stream.linear.scatter [tilespmem:s19], [sflag:$0x3], $0x80, $0x38;
	[tilespmem:$0x9E00] =	vst v63  }
0x278: {  	s18 =	sadd.s32 $0x30, s12;
	s19 =	simm.s32 $0x5FD8  }
0x279: {  	[hbm4b:s18+s1] =	stream.linear.scatter [tilespmem:s19], [sflag:$0x3], $0x80, $0x38;
	[tilespmem:$0x9E00] =	vst v63  }
0x27a: {  	s18 =	sadd.s32 $0x40, s12;
	s19 =	simm.s32 $0x6060  }
0x27b: {  	[hbm4b:s18+s1] =	stream.linear.scatter [tilespmem:s19], [sflag:$0x3], $0x80, $0x38;
	[tilespmem:$0x9E00] =	vst v63  }
0x27c: {  	s18 =	sadd.s32 $0x50, s12;
	s19 =	simm.s32 $0x60E8  }
0x27d: {  	[hbm4b:s18+s1] =	stream.linear.scatter [tilespmem:s19], [sflag:$0x3], $0x80, $0x38;
	[tilespmem:$0x9E00] =	vst v63  }
0x27e: {  	s14 =	sadd.s32 $0x60, s12;
	s18 =	simm.s32 $0x6170  }
0x27f: {  	[hbm4b:s14+s1] =	stream.linear.scatter [tilespmem:s18], [sflag:$0x3], $0x80, $0x38;
	[tilespmem:$0x9E00] =	vst v63  }
0x280: {  	s12 =	sadd.s32 $0x70, s12;
	s19 =	simm.s32 $0x61F8  }
0x281: {  	[hbm4b:s12+s1] =	stream.linear.scatter [tilespmem:s19], [sflag:$0x3], $0x80, $0x38;
	[tilespmem:$0x9E00] =	vst v63  }
0x282: {  	s14 =	simm.s32 $0x6280;
	s12 =	sadd.s32 s7, s9  }
0x283: {  	[hbm4b:s12+s1] =	stream.linear.scatter [tilespmem:s14], [sflag:$0x3], $0x80, $0x38;
	[tilespmem:$0x9E00] =	vst v63  }
0x284: {  	s19 =	simm.s32 $0x6308;
	s18 =	sadd.s32 $0x10, s12  }
0x285: {  	[hbm4b:s18+s1] =	stream.linear.scatter [tilespmem:s19], [sflag:$0x3], $0x80, $0x38;
	[tilespmem:$0x9E00] =	vst v63  }
0x286: {  	s18 =	sadd.s32 $0x20, s12;
	s19 =	simm.s32 $0x6390  }
0x287: {  	[hbm4b:s18+s1] =	stream.linear.scatter [tilespmem:s19], [sflag:$0x3], $0x80, $0x38;
	[tilespmem:$0x9E00] =	vst v63  }
0x288: {  	s18 =	sadd.s32 $0x30, s12;
	s19 =	simm.s32 $0x6418  }
0x289: {  	[hbm4b:s18+s1] =	stream.linear.scatter [tilespmem:s19], [sflag:$0x3], $0x80, $0x38;
	[tilespmem:$0x9E00] =	vst v63  }
0x28a: {  	s18 =	sadd.s32 $0x40, s12;
	s19 =	simm.s32 $0x64A0  }
0x28b: {  	[hbm4b:s18+s1] =	stream.linear.scatter [tilespmem:s19], [sflag:$0x3], $0x80, $0x38;
	[tilespmem:$0x9E00] =	vst v63  }
0x28c: {  	s18 =	sadd.s32 $0x50, s12;
	s19 =	simm.s32 $0x6528  }
0x28d: {  	[hbm4b:s18+s1] =	stream.linear.scatter [tilespmem:s19], [sflag:$0x3], $0x80, $0x38;
	[tilespmem:$0x9E00] =	vst v63  }
0x28e: {  	s14 =	sadd.s32 $0x60, s12;
	s18 =	simm.s32 $0x65B0  }
0x28f: {  	[hbm4b:s14+s1] =	stream.linear.scatter [tilespmem:s18], [sflag:$0x3], $0x80, $0x38;
	[tilespmem:$0x9E00] =	vst v63  }
0x290: {  	s12 =	sadd.s32 $0x70, s12;
	s19 =	simm.s32 $0x6638  }
0x291: {  	[hbm4b:s12+s1] =	stream.linear.scatter [tilespmem:s19], [sflag:$0x3], $0x80, $0x38;
	[tilespmem:$0x9E00] =	vst v63  }
0x292: {  	s14 =	simm.s32 $0x66C0;
	s12 =	sadd.s32 s7, s10  }
0x293: {  	[hbm4b:s12+s1] =	stream.linear.scatter [tilespmem:s14], [sflag:$0x3], $0x80, $0x38;
	[tilespmem:$0x9E00] =	vst v63  }
0x294: {  	s19 =	simm.s32 $0x6748;
	s18 =	sadd.s32 $0x10, s12  }
0x295: {  	[hbm4b:s18+s1] =	stream.linear.scatter [tilespmem:s19], [sflag:$0x3], $0x80, $0x38;
	[tilespmem:$0x9E00] =	vst v63  }
0x296: {  	s18 =	sadd.s32 $0x20, s12;
	s19 =	simm.s32 $0x67D0  }
0x297: {  	[hbm4b:s18+s1] =	stream.linear.scatter [tilespmem:s19], [sflag:$0x3], $0x80, $0x38;
	[tilespmem:$0x9E00] =	vst v63  }
0x298: {  	s18 =	sadd.s32 $0x30, s12;
	s19 =	simm.s32 $0x6858  }
0x299: {  	[hbm4b:s18+s1] =	stream.linear.scatter [tilespmem:s19], [sflag:$0x3], $0x80, $0x38;
	[tilespmem:$0x9E00] =	vst v63  }
0x29a: {  	s18 =	sadd.s32 $0x40, s12;
	s19 =	simm.s32 $0x68E0  }
0x29b: {  	[hbm4b:s18+s1] =	stream.linear.scatter [tilespmem:s19], [sflag:$0x3], $0x80, $0x38;
	[tilespmem:$0x9E00] =	vst v63  }
0x29c: {  	s18 =	sadd.s32 $0x50, s12;
	s19 =	simm.s32 $0x6968  }
0x29d: {  	[hbm4b:s18+s1] =	stream.linear.scatter [tilespmem:s19], [sflag:$0x3], $0x80, $0x38;
	[tilespmem:$0x9E00] =	vst v63  }
0x29e: {  	s14 =	sadd.s32 $0x60, s12;
	s18 =	simm.s32 $0x69F0  }
0x29f: {  	[hbm4b:s14+s1] =	stream.linear.scatter [tilespmem:s18], [sflag:$0x3], $0x80, $0x38;
	[tilespmem:$0x9E00] =	vst v63  }
0x2a0: {  	s12 =	sadd.s32 $0x70, s12;
	s19 =	simm.s32 $0x6A78  }
0x2a1: {  	[hbm4b:s12+s1] =	stream.linear.scatter [tilespmem:s19], [sflag:$0x3], $0x80, $0x38;
	[tilespmem:$0x9E00] =	vst v63  }
0x2a2: {  	s14 =	simm.s32 $0x6B00;
	s12 =	sadd.s32 s7, s11  }
0x2a3: {  	[hbm4b:s12+s1] =	stream.linear.scatter [tilespmem:s14], [sflag:$0x3], $0x80, $0x38;
	[tilespmem:$0x9E00] =	vst v63  }
0x2a4: {  	s19 =	simm.s32 $0x6B88;
	s18 =	sadd.s32 $0x10, s12  }
0x2a5: {  	[hbm4b:s18+s1] =	stream.linear.scatter [tilespmem:s19], [sflag:$0x3], $0x80, $0x38;
	[tilespmem:$0x9E00] =	vst v63  }
0x2a6: {  	s18 =	sadd.s32 $0x20, s12;
	s19 =	simm.s32 $0x6C10  }
0x2a7: {  	[hbm4b:s18+s1] =	stream.linear.scatter [tilespmem:s19], [sflag:$0x3], $0x80, $0x38;
	[tilespmem:$0x9E00] =	vst v63  }
0x2a8: {  	s18 =	sadd.s32 $0x30, s12;
	s19 =	simm.s32 $0x6C98  }
0x2a9: {  	[hbm4b:s18+s1] =	stream.linear.scatter [tilespmem:s19], [sflag:$0x3], $0x80, $0x38;
	[tilespmem:$0x9E00] =	vst v63  }
0x2aa: {  	s18 =	sadd.s32 $0x40, s12;
	s19 =	simm.s32 $0x6D20  }
0x2ab: {  	[hbm4b:s18+s1] =	stream.linear.scatter [tilespmem:s19], [sflag:$0x3], $0x80, $0x38;
	[tilespmem:$0x9E00] =	vst v63  }
0x2ac: {  	s18 =	sadd.s32 $0x50, s12;
	s19 =	simm.s32 $0x6DA8  }
0x2ad: {  	[hbm4b:s18+s1] =	stream.linear.scatter [tilespmem:s19], [sflag:$0x3], $0x80, $0x38;
	[tilespmem:$0x9E00] =	vst v63  }
0x2ae: {  	s14 =	sadd.s32 $0x60, s12;
	s18 =	simm.s32 $0x6E30  }
0x2af: {  	[hbm4b:s14+s1] =	stream.linear.scatter [tilespmem:s18], [sflag:$0x3], $0x80, $0x38;
	[tilespmem:$0x9E00] =	vst v63  }
0x2b0: {  	s12 =	sadd.s32 $0x70, s12;
	s19 =	simm.s32 $0x6EB8  }
0x2b1: {  	[hbm4b:s12+s1] =	stream.linear.scatter [tilespmem:s19], [sflag:$0x3], $0x80, $0x38;
	[tilespmem:$0x9E00] =	vst v63  }
0x2b2: {  	s14 =	simm.s32 $0x6F40;
	s12 =	sadd.s32 s7, s15  }
0x2b3: {  	[hbm4b:s12+s1] =	stream.linear.scatter [tilespmem:s14], [sflag:$0x3], $0x80, $0x38;
	[tilespmem:$0x9E00] =	vst v63  }
0x2b4: {  	s19 =	simm.s32 $0x6FC8;
	s18 =	sadd.s32 $0x10, s12  }
0x2b5: {  	[hbm4b:s18+s1] =	stream.linear.scatter [tilespmem:s19], [sflag:$0x3], $0x80, $0x38;
	[tilespmem:$0x9E00] =	vst v63  }
0x2b6: {  	s18 =	sadd.s32 $0x20, s12;
	s19 =	simm.s32 $0x7050  }
0x2b7: {  	[hbm4b:s18+s1] =	stream.linear.scatter [tilespmem:s19], [sflag:$0x3], $0x80, $0x38;
	[tilespmem:$0x9E00] =	vst v63  }
0x2b8: {  	s18 =	sadd.s32 $0x30, s12;
	s19 =	simm.s32 $0x70D8  }
0x2b9: {  	[hbm4b:s18+s1] =	stream.linear.scatter [tilespmem:s19], [sflag:$0x3], $0x80, $0x38;
	[tilespmem:$0x9E00] =	vst v63  }
0x2ba: {  	s18 =	sadd.s32 $0x40, s12;
	s19 =	simm.s32 $0x7160  }
0x2bb: {  	[hbm4b:s18+s1] =	stream.linear.scatter [tilespmem:s19], [sflag:$0x3], $0x80, $0x38;
	[tilespmem:$0x9E00] =	vst v63  }
0x2bc: {  	s18 =	sadd.s32 $0x50, s12;
	s19 =	simm.s32 $0x71E8  }
0x2bd: {  	[hbm4b:s18+s1] =	stream.linear.scatter [tilespmem:s19], [sflag:$0x3], $0x80, $0x38;
	[tilespmem:$0x9E00] =	vst v63  }
0x2be: {  	s14 =	sadd.s32 $0x60, s12;
	s18 =	simm.s32 $0x7270  }
0x2bf: {  	[hbm4b:s14+s1] =	stream.linear.scatter [tilespmem:s18], [sflag:$0x3], $0x80, $0x38;
	[tilespmem:$0x9E00] =	vst v63  }
0x2c0: {  	s12 =	sadd.s32 $0x70, s12;
	s19 =	simm.s32 $0x72F8  }
0x2c1: {  	[hbm4b:s12+s1] =	stream.linear.scatter [tilespmem:s19], [sflag:$0x3], $0x80, $0x38;
	[tilespmem:$0x9E00] =	vst v63  }
0x2c2: {  	s14 =	simm.s32 $0x7380;
	s12 =	sadd.s32 s7, s16  }
0x2c3: {  	[hbm4b:s12+s1] =	stream.linear.scatter [tilespmem:s14], [sflag:$0x3], $0x80, $0x38;
	[tilespmem:$0x9E00] =	vst v63  }
0x2c4: {  	s19 =	simm.s32 $0x7408;
	s18 =	sadd.s32 $0x10, s12  }
0x2c5: {  	[hbm4b:s18+s1] =	stream.linear.scatter [tilespmem:s19], [sflag:$0x3], $0x80, $0x38;
	[tilespmem:$0x9E00] =	vst v63  }
0x2c6: {  	s18 =	sadd.s32 $0x20, s12;
	s19 =	simm.s32 $0x7490  }
0x2c7: {  	[hbm4b:s18+s1] =	stream.linear.scatter [tilespmem:s19], [sflag:$0x3], $0x80, $0x38;
	[tilespmem:$0x9E00] =	vst v63  }
0x2c8: {  	s18 =	sadd.s32 $0x30, s12;
	s19 =	simm.s32 $0x7518  }
0x2c9: {  	[hbm4b:s18+s1] =	stream.linear.scatter [tilespmem:s19], [sflag:$0x3], $0x80, $0x38;
	[tilespmem:$0x9E00] =	vst v63  }
0x2ca: {  	s18 =	sadd.s32 $0x40, s12;
	s19 =	simm.s32 $0x75A0  }
0x2cb: {  	[hbm4b:s18+s1] =	stream.linear.scatter [tilespmem:s19], [sflag:$0x3], $0x80, $0x38;
	[tilespmem:$0x9E00] =	vst v63  }
0x2cc: {  	s18 =	sadd.s32 $0x50, s12;
	s19 =	simm.s32 $0x7628  }
0x2cd: {  	[hbm4b:s18+s1] =	stream.linear.scatter [tilespmem:s19], [sflag:$0x3], $0x80, $0x38;
	[tilespmem:$0x9E00] =	vst v63  }
0x2ce: {  	s18 =	sadd.s32 $0x60, s12;
	s19 =	simm.s32 $0x76B0  }
0x2cf: {  	[hbm4b:s18+s1] =	stream.linear.scatter [tilespmem:s19], [sflag:$0x3], $0x80, $0x38;
	[tilespmem:$0x9E00] =	vst v63  }
0x2d0: {  	s12 =	sadd.s32 $0x70, s12;
	s18 =	simm.s32 $0x7738  }
0x2d1: {  	[hbm4b:s12+s1] =	stream.linear.scatter [tilespmem:s18], [sflag:$0x3], $0x80, $0x38;
	[tilespmem:$0x9E00] =	vst v63  }
0x2d2: {  	s7 =	sadd.s32 s7, s17;
	s19 =	simm.s32 $0x77C0  }
0x2d3: {  	[hbm4b:s7+s1] =	stream.linear.scatter [tilespmem:s19], [sflag:$0x3], $0x80, $0x38;
	[tilespmem:$0x9E00] =	vst v63  }
0x2d4: {  	s13 =	sadd.s32 $0x10, s7;
	s14 =	simm.s32 $0x7848  }
0x2d5: {  	[hbm4b:s13+s1] =	stream.linear.scatter [tilespmem:s14], [sflag:$0x3], $0x80, $0x38;
	[tilespmem:$0x9E00] =	vst v63  }
0x2d6: {  	s18 =	sadd.s32 $0x20, s7;
	s19 =	simm.s32 $0x78D0  }
0x2d7: {  	[hbm4b:s18+s1] =	stream.linear.scatter [tilespmem:s19], [sflag:$0x3], $0x80, $0x38;
	[tilespmem:$0x9E00] =	vst v63  }
0x2d8: {  	s13 =	sadd.s32 $0x30, s7;
	s14 =	simm.s32 $0x7958  }
0x2d9: {  	[hbm4b:s13+s1] =	stream.linear.scatter [tilespmem:s14], [sflag:$0x3], $0x80, $0x38;
	[tilespmem:$0x9E00] =	vst v63  }
0x2da: {  	s18 =	sadd.s32 $0x40, s7;
	s19 =	simm.s32 $0x79E0  }
0x2db: {  	[hbm4b:s18+s1] =	stream.linear.scatter [tilespmem:s19], [sflag:$0x3], $0x80, $0x38;
	[tilespmem:$0x9E00] =	vst v63  }
0x2dc: {  	s13 =	sadd.s32 $0x50, s7;
	s14 =	simm.s32 $0x7A68  }
0x2dd: {  	[hbm4b:s13+s1] =	stream.linear.scatter [tilespmem:s14], [sflag:$0x3], $0x80, $0x38;
	[tilespmem:$0x9E00] =	vst v63  }
0x2de: {  	s18 =	sadd.s32 $0x60, s7;
	s19 =	simm.s32 $0x7AF0  }
0x2df: {  	[hbm4b:s18+s1] =	stream.linear.scatter [tilespmem:s19], [sflag:$0x3], $0x80, $0x38;
	[tilespmem:$0x9E00] =	vst v63  }
0x2e0: {  	s7 =	sadd.s32 $0x70, s7;
	s13 =	simm.s32 $0x7B78;
	s14 =	sshll.u32 s29, $0x8  }
0x2e1: {  	[hbm4b:s7+s1] =	stream.linear.scatter [tilespmem:s13], [sflag:$0x3], $0x80, $0x38;
	[tilespmem:$0x9E00] =	vst v63  }
0x2e2: {  	s7 =	sand.u32 $0x3FFFFF00, s14  }
0x2e3: {  	s19 =	simm.s32 $0x1A00;
	s18 =	sadd.s32 $0xF00, s7  }
0x2e4: {  	[tilespmem:s19], [sflag:$0x1] =	stream.indirect.gather [hbm4b:s4+s31], $0x40, s18, s31, $0xb8;
	[tilespmem:$0x9E00] =	vst v63  }
0x2e5: {  	_ =	swait.ge [sflag:s26], $0x400  }
0x2e6: {  	[sflag:s26] =	ssyncset.done $0x0  }
0x2e7: {  	[sflag:s26] =	ssyncadd.s32 $0xFFFFFC00  }
0x2e8: {  	_ =	swait.ge [sflag:s26], $0x400  }
0x2e9: {  	[sflag:s26] =	ssyncset.done $0x0  }
0x2ea: {  	[sflag:s26] =	ssyncadd.s32 $0xFFFFFC00  }
0x2eb: {  	_ =	swait.ge [sflag:s26], $0x400  }
0x2ec: {  	[sflag:s26] =	ssyncset.done $0x0  }
0x2ed: {  	[sflag:s26] =	ssyncadd.s32 $0xFFFFFC00  }
0x2ee: {  	_ =	swait.ge [sflag:s26], $0x400  }
0x2ef: {  	[sflag:s26] =	ssyncset.done $0x0  }
0x2f0: {  	[sflag:s26] =	ssyncadd.s32 $0xFFFFFC00  }
0x2f1: {  	_ =	swait.ge [sflag:s26], $0x400  }
0x2f2: {  	[sflag:s26] =	ssyncset.done $0x0  }
0x2f3: {  	[sflag:s26] =	ssyncadd.s32 $0xFFFFFC00  }
0x2f4: {  	_ =	swait.ge [sflag:s26], $0x400  }
0x2f5: {  	[sflag:s26] =	ssyncset.done $0x0  }
0x2f6: {  	[sflag:s26] =	ssyncadd.s32 $0xFFFFFC00  }
0x2f7: {  	_ =	swait.ge [sflag:s26], $0x400  }
0x2f8: {  	[sflag:s26] =	ssyncset.done $0x0  }
0x2f9: {  	[sflag:s26] =	ssyncadd.s32 $0xFFFFFC00  }
0x2fa: {  	_ =	swait.ge [sflag:s26], $0x400  }
0x2fb: {  	[sflag:s26] =	ssyncset.done $0x0  }
0x2fc: {  	[sflag:s26] =	ssyncadd.s32 $0xFFFFFC00  }
0x2fd: {  	s14 =	simm.s32 $0x3;
	_ =	swait.ge [sflag:s0], $0x2000  }
0x2fe: {  	v12 =	vmov s14;
	s18 =	simm.s32 $0x1;
	[sflag:s0] =	ssyncset.done $0x0  }
0x2ff: {  	s12 =	simm.s32 $0x3A80;
	v16 =	vand.u32 $0x7F, v12;
	s19 =	simm.s32 $0x2;
	v12 =	vmov s18;
	[sflag:s0] =	ssyncadd.s32 $0xFFFFE000  }
0x300: {  	v14 =	vadd.s32 v5, v16;
	v17 =	vand.u32 $0x7D, v12;
	v12 =	vmov s19;
	v13 =	vld [tilespmem:s12+$0x40]  }
0x301: {  	v19 =	vadd.s32 v5, v17;
	v20 =	vand.u32 $0x7E, v12;
	v18 =	vld [tilespmem:s12+$0xFFFFFFC0]  }
0x302: {  	v21 =	vadd.s32 v5, v20;
	v12 =	vld [tilespmem:s12+$0x0]  }
0x303: {  	v15 =	vmov s1  }
0x304: {  	v15 =	vand.u32 $0x7C, v15  }
0x305: {  	v23 =	vadd.s32 v5, v15;
	v22 =	vld [tilespmem:s12+$0xFFFFFF80];
	[tilespmem:v14+s8+$0x0] =	vst.idx.msk $0xffff, v13  }
0x306: {  	v14 =	vadd.s32 v9, v16;
	[tilespmem:v19+s8+$0x0] =	vst.idx.msk $0xffff, v18;
	v13 =	vld [tilespmem:s12+$0x50]  }
0x307: {  	v19 =	vadd.s32 v9, v17;
	[tilespmem:v21+s8+$0x0] =	vst.idx.msk $0xffff, v12;
	v18 =	vld [tilespmem:s12+$0xFFFFFFD0]  }
0x308: {  	v21 =	vadd.s32 v9, v20;
	v12 =	vld [tilespmem:s12+$0x10];
	_ =	sdelay $0x1  }
0x309: {  	[tilespmem:v23+s8+$0x0] =	vst.idx.msk $0xffff, v22  }
0x30a: {  	v25 =	vadd.s32 v9, v15;
	v24 =	vld [tilespmem:s12+$0xFFFFFF90];
	[tilespmem:v14+s8+$0x0] =	vst.idx.msk $0xffff, v13  }
0x30b: {  	v23 =	vadd.s32 v10, v16;
	[tilespmem:v19+s8+$0x0] =	vst.idx.msk $0xffff, v18;
	v22 =	vld [tilespmem:s12+$0x60]  }
0x30c: {  	s13 =	simm.s32 $0x7;
	v19 =	vadd.s32 v10, v17;
	[tilespmem:v21+s8+$0x0] =	vst.idx.msk $0xffff, v12;
	v18 =	vld [tilespmem:s12+$0xFFFFFFE0]  }
0x30d: {  	s14 =	simm.s32 $0x5;
	v26 =	vadd.s32 v10, v20;
	v13 =	vmov s13;
	v21 =	vld [tilespmem:s12+$0x20]  }
0x30e: {  	s1 =	simm.s32 $0x3B80;
	s18 =	simm.s32 $0x6;
	v12 =	vmov s14;
	v14 =	vand.u32 $0x7F, v13  }
0x30f: {  	v27 =	vld [tilespmem:s1+$0x40];
	[tilespmem:v25+s8+$0x0] =	vst.idx.msk $0xffff, v24;
	v13 =	vand.u32 $0x7D, v12;
	v12 =	vmov s18;
	v59 =	vadd.s32 v5, v14  }
0x310: {  	s19 =	simm.s32 $0x4;
	v60 =	vld [tilespmem:s1+$0xFFFFFFC0];
	v61 =	vadd.s32 v5, v13;
	v12 =	vand.u32 $0x7E, v12;
	[tilespmem:v23+s8+$0x0] =	vst.idx.msk $0xffff, v22  }
0x311: {  	v22 =	vmov s19;
	[tilespmem:v19+s8+$0x0] =	vst.idx.msk $0xffff, v18;
	v18 =	vld [tilespmem:s1+$0x0];
	v19 =	vadd.s32 v5, v12  }
0x312: {  	v24 =	vadd.s32 v11, v16;
	[tilespmem:v26+s8+$0x0] =	vst.idx.msk $0xffff, v21;
	v21 =	vld [tilespmem:s12+$0xFFFFFFA0];
	v26 =	vadd.s32 v10, v15;
	v16 =	vand.u32 $0x7C, v22  }
0x313: {  	v22 =	vld [tilespmem:s1+$0xFFFFFF80];
	v25 =	vadd.s32 v5, v16  }
0x314: {  	v23 =	vld [tilespmem:s12+$0x70];
	[tilespmem:v59+s8+$0x0] =	vst.idx.msk $0xffff, v27  }
0x315: {  	v62 =	vadd.s32 v9, v14;
	[tilespmem:v61+s8+$0x0] =	vst.idx.msk $0xffff, v60;
	v27 =	vld [tilespmem:s1+$0x50]  }
0x316: {  	v63 =	vadd.s32 v9, v13;
	v29 =	vld [tilespmem:s1+$0xFFFFFFD0];
	[tilespmem:v19+s8+$0x0] =	vst.idx.msk $0xffff, v18  }
0x317: {  	v32 =	vadd.s32 v11, v17;
	v31 =	vld [tilespmem:s12+$0xFFFFFFF0];
	[tilespmem:v26+s8+$0x0] =	vst.idx.msk $0xffff, v21  }
0x318: {  	v26 =	vadd.s32 v9, v12;
	[tilespmem:v25+s8+$0x0] =	vst.idx.msk $0xffff, v22;
	v25 =	vld [tilespmem:s1+$0x10]  }
0x319: {  	[tilespmem:v24+s8+$0x0] =	vst.idx.msk $0xffff, v23;
	v24 =	vadd.s32 v9, v16;
	v23 =	vld [tilespmem:s1+$0xFFFFFF90]  }
0x31a: {  	v20 =	vadd.s32 v11, v20;
	v17 =	vld [tilespmem:s12+$0x30];
	[tilespmem:v62+s8+$0x0] =	vst.idx.msk $0xffff, v27  }
0x31b: {  	v21 =	vadd.s32 v10, v14;
	[tilespmem:v63+s8+$0x0] =	vst.idx.msk $0xffff, v29;
	v18 =	vld [tilespmem:s1+$0x60]  }
0x31c: {  	s13 =	simm.s32 $0x8;
	s14 =	simm.s32 $0xC;
	s18 =	simm.s32 $0xB;
	[tilespmem:v32+s8+$0x0] =	vst.idx.msk $0xffff, v31;
	v22 =	vadd.s32 v10, v13;
	v19 =	vld [tilespmem:s1+$0xFFFFFFE0]  }
.LBB2_11:
0x31d: {  	p0 =	slt.u32 s14, $0x7C;
	s19 =	sadd.s32 $0x1, s13;
	v27 =	vmov s18;
	[tilespmem:v26+s8+$0x0] =	vst.idx.msk $0xffff, v25;
	v25 =	vld [tilespmem:s12+$0xFFFFFFB0];
	v26 =	vadd.s32 v11, v15;
	v15 =	vmov v16;
	s12 =	smov.u32 s1  }
0x31e: {  	s1 =	sadd.s32 $0x100, s1;
	v16 =	vmov s19;
	v27 =	vand.u32 $0x7F, v27;
	[tilespmem:v24+s8+$0x0] =	vst.idx.msk $0xffff, v23;
	v23 =	vld [tilespmem:s12+$0x20];
	v24 =	vadd.s32 v10, v12  }
0x31f: {  	s18 =	sadd.s32 $0x2, s13;
	v28 =	vand.u32 $0x7D, v16;
	v29 =	vld [tilespmem:s1+$0x40];
	v30 =	vadd.s32 v5, v27;
	[tilespmem:v20+s8+$0x0] =	vst.idx.msk $0xffff, v17  }
0x320: {  	v16 =	vmov s18;
	v17 =	vld [tilespmem:s1+$0xFFFFFFC0];
	v20 =	vadd.s32 v5, v28;
	[tilespmem:v21+s8+$0x0] =	vst.idx.msk $0xffff, v18  }
0x321: {  	v18 =	vmov s13;
	v21 =	vand.u32 $0x7E, v16;
	s13 =	smov.u32 s14;
	[tilespmem:v22+s8+$0x0] =	vst.idx.msk $0xffff, v19;
	v19 =	vld [tilespmem:s12+$0x70];
	v22 =	vadd.s32 v11, v14;
	v14 =	vmovc v27  }
0x322: {  	v16 =	vand.u32 $0x7C, v18;
	v27 =	vadd.s32 v5, v21;
	v18 =	vld [tilespmem:s1+$0x0];
	[tilespmem:v26+s8+$0x0] =	vst.idx.msk $0xffff, v25  }
0x323: {  	v26 =	vadd.s32 v5, v16;
	v25 =	vld [tilespmem:s1+$0xFFFFFF80];
	[tilespmem:v24+s8+$0x0] =	vst.idx.msk $0xffff, v23  }
0x324: {  	[tilespmem:v30+s8+$0x0] =	vst.idx.msk $0xffff, v29;
	v29 =	vld [tilespmem:s12+$0xFFFFFFA0];
	v30 =	vadd.s32 v10, v15  }
0x325: {  	[tilespmem:v20+s8+$0x0] =	vst.idx.msk $0xffff, v17;
	v17 =	vld [tilespmem:s1+$0x50];
	v20 =	vadd.s32 v9, v14  }
0x326: {  	v32 =	vadd.s32 v9, v28;
	v31 =	vld [tilespmem:s1+$0xFFFFFFD0];
	[tilespmem:v22+s8+$0x0] =	vst.idx.msk $0xffff, v19  }
0x327: {  	v33 =	vadd.s32 v11, v13;
	v13 =	vmov v28;
	[tilespmem:v27+s8+$0x0] =	vst.idx.msk $0xffff, v18;
	v27 =	vld [tilespmem:s12+$0xFFFFFFF0]  }
.Ltmp4:
0x328: {  	[tilespmem:v26+s8+$0x0] =	vst.idx.msk $0xffff, v25;
	v25 =	vld [tilespmem:s1+$0x10];
	v26 =	vadd.s32 v9, v21;
	(pc) =	sbr.rel @p0 .LBB2_11-.Ltmp4, $4  }
0x329: {  	v24 =	vadd.s32 v9, v16;
	v23 =	vld [tilespmem:s1+$0xFFFFFF90];
	[tilespmem:v30+s8+$0x0] =	vst.idx.msk $0xffff, v29  }
0x32a: {  	[tilespmem:v20+s8+$0x0] =	vst.idx.msk $0xffff, v17;
	v17 =	vld [tilespmem:s12+$0x30];
	v20 =	vadd.s32 v11, v12;
	v12 =	vmov v21  }
0x32b: {  	v21 =	vadd.s32 v10, v14;
	[tilespmem:v32+s8+$0x0] =	vst.idx.msk $0xffff, v31;
	v18 =	vld [tilespmem:s1+$0x60]  }
0x32c: {  	s14 =	sadd.s32 $0x4, s14;
	s18 =	sadd.s32 $0x3, s13;
	v22 =	vadd.s32 v10, v13;
	v19 =	vld [tilespmem:s1+$0xFFFFFFE0];
	[tilespmem:v33+s8+$0x0] =	vst.idx.msk $0xffff, v27  }
0x32d: {  	_ =	sdelay $0x2  }
0x32e: {  	v27 =	vmov s18;
	s14 =	sadd.s32 $0x1, s13  }
0x32f: {  	[tilespmem:v26+s8+$0x0] =	vst.idx.msk $0xffff, v25;
	v55 =	vld [tilespmem:s12+$0xFFFFFFB0];
	v15 =	vadd.s32 v11, v15;
	s18 =	sadd.s32 $0x100, s1;
	s19 =	sadd.s32 $0x2, s13;
	v56 =	vmov s14;
	v27 =	vand.u32 $0x7F, v27  }
0x330: {  	v28 =	vmov s19;
	[tilespmem:v24+s8+$0x0] =	vst.idx.msk $0xffff, v23;
	v57 =	vld [tilespmem:s18+$0x40];
	v23 =	vand.u32 $0x7D, v56;
	v58 =	vadd.s32 v5, v27  }
0x331: {  	v29 =	vmov s13;
	v59 =	vld [tilespmem:s18+$0xFFFFFFC0];
	[tilespmem:v20+s8+$0x0] =	vst.idx.msk $0xffff, v17;
	v28 =	vand.u32 $0x7E, v28;
	v60 =	vadd.s32 v5, v23  }
0x332: {  	v61 =	vld [tilespmem:s18+$0x0];
	[tilespmem:v21+s8+$0x0] =	vst.idx.msk $0xffff, v18;
	v18 =	vand.u32 $0x7C, v29;
	v62 =	vadd.s32 v5, v28  }
0x333: {  	v63 =	vld [tilespmem:s18+$0xFFFFFF80];
	[tilespmem:v22+s8+$0x0] =	vst.idx.msk $0xffff, v19;
	v33 =	vadd.s32 v5, v18  }
0x334: {  	v34 =	vadd.s32 v10, v12;
	v30 =	vld [tilespmem:s1+$0x20];
	[tilespmem:v15+s8+$0x0] =	vst.idx.msk $0xffff, v55  }
0x335: {  	v45 =	vadd.s32 v10, v16;
	v44 =	vld [tilespmem:s1+$0xFFFFFFA0];
	[tilespmem:v58+s8+$0x0] =	vst.idx.msk $0xffff, v57  }
0x336: {  	v37 =	vadd.s32 v9, v27;
	[tilespmem:v60+s8+$0x0] =	vst.idx.msk $0xffff, v59;
	v36 =	vld [tilespmem:s18+$0x50]  }
0x337: {  	v39 =	vadd.s32 v9, v23;
	[tilespmem:v62+s8+$0x0] =	vst.idx.msk $0xffff, v61;
	v38 =	vld [tilespmem:s18+$0xFFFFFFD0]  }
0x338: {  	v41 =	vadd.s32 v9, v28;
	[tilespmem:v33+s8+$0x0] =	vst.idx.msk $0xffff, v63;
	v40 =	vld [tilespmem:s18+$0x10]  }
0x339: {  	v43 =	vadd.s32 v9, v18;
	[tilespmem:v34+s8+$0x0] =	vst.idx.msk $0xffff, v30;
	v42 =	vld [tilespmem:s18+$0xFFFFFF90]  }
0x33a: {  	v14 =	vadd.s32 v11, v14;
	v35 =	vld [tilespmem:s1+$0x70];
	[tilespmem:v45+s8+$0x0] =	vst.idx.msk $0xffff, v44  }
0x33b: {  	v13 =	vadd.s32 v11, v13;
	v46 =	vld [tilespmem:s1+$0xFFFFFFF0];
	[tilespmem:v37+s8+$0x0] =	vst.idx.msk $0xffff, v36  }
0x33c: {  	v47 =	vadd.s32 v10, v27;
	[tilespmem:v39+s8+$0x0] =	vst.idx.msk $0xffff, v38;
	v17 =	vld [tilespmem:s18+$0x60]  }
0x33d: {  	v48 =	vadd.s32 v10, v23;
	[tilespmem:v41+s8+$0x0] =	vst.idx.msk $0xffff, v40;
	v24 =	vld [tilespmem:s18+$0xFFFFFFE0]  }
0x33e: {  	v50 =	vadd.s32 v10, v28;
	[tilespmem:v43+s8+$0x0] =	vst.idx.msk $0xffff, v42;
	v49 =	vld [tilespmem:s18+$0x20]  }
0x33f: {  	v52 =	vadd.s32 v10, v18;
	[tilespmem:v14+s8+$0x0] =	vst.idx.msk $0xffff, v35;
	v51 =	vld [tilespmem:s18+$0xFFFFFFA0]  }
0x340: {  	v54 =	vadd.s32 v11, v12;
	v53 =	vld [tilespmem:s1+$0x30];
	[tilespmem:v13+s8+$0x0] =	vst.idx.msk $0xffff, v46  }
0x341: {  	v56 =	vadd.s32 v11, v16;
	v55 =	vld [tilespmem:s1+$0xFFFFFFB0];
	[tilespmem:v47+s8+$0x0] =	vst.idx.msk $0xffff, v17  }
0x342: {  	v58 =	vadd.s32 v11, v27;
	[tilespmem:v48+s8+$0x0] =	vst.idx.msk $0xffff, v24;
	v57 =	vld [tilespmem:s18+$0x70]  }
0x343: {  	v60 =	vadd.s32 v11, v23;
	[tilespmem:v50+s8+$0x0] =	vst.idx.msk $0xffff, v49;
	v59 =	vld [tilespmem:s18+$0xFFFFFFF0]  }
0x344: {  	v62 =	vadd.s32 v11, v28;
	[tilespmem:v52+s8+$0x0] =	vst.idx.msk $0xffff, v51;
	v61 =	vld [tilespmem:s18+$0x30]  }
0x345: {  	v18 =	vadd.s32 v11, v18;
	[tilespmem:v54+s8+$0x0] =	vst.idx.msk $0xffff, v53;
	v63 =	vld [tilespmem:s18+$0xFFFFFFB0]  }
0x346: {  	[tilespmem:v56+s8+$0x0] =	vst.idx.msk $0xffff, v55  }
0x347: {  	[tilespmem:v58+s8+$0x0] =	vst.idx.msk $0xffff, v57  }
0x348: {  	s18 =	sadd.s32 s24, s30;
	[tilespmem:v60+s8+$0x0] =	vst.idx.msk $0xffff, v59  }
0x349: {  	s1 =	sshrl.u32 s18, $0x3;
	[tilespmem:v62+s8+$0x0] =	vst.idx.msk $0xffff, v61  }
0x34a: {  	s12 =	sadd.s32 s2, s1;
	[tilespmem:v18+s8+$0x0] =	vst.idx.msk $0xffff, v63  }
0x34b: {  	[hbm4b:s12+s3] =	stream.linear.scatter [tilespmem:s8], [sflag:$0x4], $0x80, $0x38;
	[tilespmem:$0x9E00] =	vst v63  }
0x34c: {  	s30 =	simm.s32 $0x7C88;
	s19 =	sadd.s32 $0x10, s12  }
0x34d: {  	[hbm4b:s19+s3] =	stream.linear.scatter [tilespmem:s30], [sflag:$0x4], $0x80, $0x38;
	[tilespmem:$0x9E00] =	vst v63  }
0x34e: {  	s18 =	simm.s32 $0x7D10;
	s14 =	sadd.s32 $0x20, s12  }
0x34f: {  	[hbm4b:s14+s3] =	stream.linear.scatter [tilespmem:s18], [sflag:$0x4], $0x80, $0x38;
	[tilespmem:$0x9E00] =	vst v63  }
0x350: {  	s19 =	sadd.s32 $0x30, s12;
	s30 =	simm.s32 $0x7D98  }
0x351: {  	[hbm4b:s19+s3] =	stream.linear.scatter [tilespmem:s30], [sflag:$0x4], $0x80, $0x38;
	[tilespmem:$0x9E00] =	vst v63  }
0x352: {  	s14 =	sadd.s32 $0x40, s12;
	s18 =	simm.s32 $0x7E20  }
0x353: {  	[hbm4b:s14+s3] =	stream.linear.scatter [tilespmem:s18], [sflag:$0x4], $0x80, $0x38;
	[tilespmem:$0x9E00] =	vst v63  }
0x354: {  	s19 =	sadd.s32 $0x50, s12;
	s30 =	simm.s32 $0x7EA8  }
0x355: {  	[hbm4b:s19+s3] =	stream.linear.scatter [tilespmem:s30], [sflag:$0x4], $0x80, $0x38;
	[tilespmem:$0x9E00] =	vst v63  }
0x356: {  	s14 =	sadd.s32 $0x60, s12;
	s18 =	simm.s32 $0x7F30  }
0x357: {  	[hbm4b:s14+s3] =	stream.linear.scatter [tilespmem:s18], [sflag:$0x4], $0x80, $0x38;
	[tilespmem:$0x9E00] =	vst v63  }
0x358: {  	s12 =	sadd.s32 $0x70, s12;
	s19 =	simm.s32 $0x7FB8  }
0x359: {  	[hbm4b:s12+s3] =	stream.linear.scatter [tilespmem:s19], [sflag:$0x4], $0x80, $0x38;
	[tilespmem:$0x9E00] =	vst v63  }
0x35a: {  	s30 =	simm.s32 $0x8040;
	s12 =	sadd.s32 s1, s6  }
0x35b: {  	[hbm4b:s12+s3] =	stream.linear.scatter [tilespmem:s30], [sflag:$0x4], $0x80, $0x38;
	[tilespmem:$0x9E00] =	vst v63  }
0x35c: {  	s18 =	simm.s32 $0x80C8;
	s14 =	sadd.s32 $0x10, s12  }
0x35d: {  	[hbm4b:s14+s3] =	stream.linear.scatter [tilespmem:s18], [sflag:$0x4], $0x80, $0x38;
	[tilespmem:$0x9E00] =	vst v63  }
0x35e: {  	s19 =	sadd.s32 $0x20, s12;
	s30 =	simm.s32 $0x8150  }
0x35f: {  	[hbm4b:s19+s3] =	stream.linear.scatter [tilespmem:s30], [sflag:$0x4], $0x80, $0x38;
	[tilespmem:$0x9E00] =	vst v63  }
0x360: {  	s14 =	sadd.s32 $0x30, s12;
	s18 =	simm.s32 $0x81D8  }
0x361: {  	[hbm4b:s14+s3] =	stream.linear.scatter [tilespmem:s18], [sflag:$0x4], $0x80, $0x38;
	[tilespmem:$0x9E00] =	vst v63  }
0x362: {  	s19 =	sadd.s32 $0x40, s12;
	s30 =	simm.s32 $0x8260  }
0x363: {  	[hbm4b:s19+s3] =	stream.linear.scatter [tilespmem:s30], [sflag:$0x4], $0x80, $0x38;
	[tilespmem:$0x9E00] =	vst v63  }
0x364: {  	s14 =	sadd.s32 $0x50, s12;
	s18 =	simm.s32 $0x82E8  }
0x365: {  	[hbm4b:s14+s3] =	stream.linear.scatter [tilespmem:s18], [sflag:$0x4], $0x80, $0x38;
	[tilespmem:$0x9E00] =	vst v63  }
0x366: {  	s19 =	sadd.s32 $0x60, s12;
	s30 =	simm.s32 $0x8370  }
0x367: {  	[hbm4b:s19+s3] =	stream.linear.scatter [tilespmem:s30], [sflag:$0x4], $0x80, $0x38;
	[tilespmem:$0x9E00] =	vst v63  }
0x368: {  	s12 =	sadd.s32 $0x70, s12;
	s14 =	simm.s32 $0x83F8  }
0x369: {  	[hbm4b:s12+s3] =	stream.linear.scatter [tilespmem:s14], [sflag:$0x4], $0x80, $0x38;
	[tilespmem:$0x9E00] =	vst v63  }
0x36a: {  	s18 =	simm.s32 $0x8480;
	s12 =	sadd.s32 s1, s9  }
0x36b: {  	[hbm4b:s12+s3] =	stream.linear.scatter [tilespmem:s18], [sflag:$0x4], $0x80, $0x38;
	[tilespmem:$0x9E00] =	vst v63  }
0x36c: {  	s30 =	simm.s32 $0x8508;
	s19 =	sadd.s32 $0x10, s12  }
0x36d: {  	[hbm4b:s19+s3] =	stream.linear.scatter [tilespmem:s30], [sflag:$0x4], $0x80, $0x38;
	[tilespmem:$0x9E00] =	vst v63  }
0x36e: {  	s14 =	sadd.s32 $0x20, s12;
	s18 =	simm.s32 $0x8590  }
0x36f: {  	[hbm4b:s14+s3] =	stream.linear.scatter [tilespmem:s18], [sflag:$0x4], $0x80, $0x38;
	[tilespmem:$0x9E00] =	vst v63  }
0x370: {  	s19 =	sadd.s32 $0x30, s12;
	s30 =	simm.s32 $0x8618  }
0x371: {  	[hbm4b:s19+s3] =	stream.linear.scatter [tilespmem:s30], [sflag:$0x4], $0x80, $0x38;
	[tilespmem:$0x9E00] =	vst v63  }
0x372: {  	s14 =	sadd.s32 $0x40, s12;
	s18 =	simm.s32 $0x86A0  }
0x373: {  	[hbm4b:s14+s3] =	stream.linear.scatter [tilespmem:s18], [sflag:$0x4], $0x80, $0x38;
	[tilespmem:$0x9E00] =	vst v63  }
0x374: {  	s19 =	sadd.s32 $0x50, s12;
	s30 =	simm.s32 $0x8728  }
0x375: {  	[hbm4b:s19+s3] =	stream.linear.scatter [tilespmem:s30], [sflag:$0x4], $0x80, $0x38;
	[tilespmem:$0x9E00] =	vst v63  }
0x376: {  	s14 =	sadd.s32 $0x60, s12;
	s18 =	simm.s32 $0x87B0  }
0x377: {  	[hbm4b:s14+s3] =	stream.linear.scatter [tilespmem:s18], [sflag:$0x4], $0x80, $0x38;
	[tilespmem:$0x9E00] =	vst v63  }
0x378: {  	s12 =	sadd.s32 $0x70, s12;
	s19 =	simm.s32 $0x8838  }
0x379: {  	[hbm4b:s12+s3] =	stream.linear.scatter [tilespmem:s19], [sflag:$0x4], $0x80, $0x38;
	[tilespmem:$0x9E00] =	vst v63  }
0x37a: {  	s30 =	simm.s32 $0x88C0;
	s12 =	sadd.s32 s1, s10  }
0x37b: {  	[hbm4b:s12+s3] =	stream.linear.scatter [tilespmem:s30], [sflag:$0x4], $0x80, $0x38;
	[tilespmem:$0x9E00] =	vst v63  }
0x37c: {  	s18 =	simm.s32 $0x8948;
	s14 =	sadd.s32 $0x10, s12  }
0x37d: {  	[hbm4b:s14+s3] =	stream.linear.scatter [tilespmem:s18], [sflag:$0x4], $0x80, $0x38;
	[tilespmem:$0x9E00] =	vst v63  }
0x37e: {  	s19 =	sadd.s32 $0x20, s12;
	s30 =	simm.s32 $0x89D0  }
0x37f: {  	[hbm4b:s19+s3] =	stream.linear.scatter [tilespmem:s30], [sflag:$0x4], $0x80, $0x38;
	[tilespmem:$0x9E00] =	vst v63  }
0x380: {  	s14 =	sadd.s32 $0x30, s12;
	s18 =	simm.s32 $0x8A58  }
0x381: {  	[hbm4b:s14+s3] =	stream.linear.scatter [tilespmem:s18], [sflag:$0x4], $0x80, $0x38;
	[tilespmem:$0x9E00] =	vst v63  }
0x382: {  	s19 =	sadd.s32 $0x40, s12;
	s30 =	simm.s32 $0x8AE0  }
0x383: {  	[hbm4b:s19+s3] =	stream.linear.scatter [tilespmem:s30], [sflag:$0x4], $0x80, $0x38;
	[tilespmem:$0x9E00] =	vst v63  }
0x384: {  	s14 =	sadd.s32 $0x50, s12;
	s18 =	simm.s32 $0x8B68  }
0x385: {  	[hbm4b:s14+s3] =	stream.linear.scatter [tilespmem:s18], [sflag:$0x4], $0x80, $0x38;
	[tilespmem:$0x9E00] =	vst v63  }
0x386: {  	s19 =	sadd.s32 $0x60, s12;
	s30 =	simm.s32 $0x8BF0  }
0x387: {  	[hbm4b:s19+s3] =	stream.linear.scatter [tilespmem:s30], [sflag:$0x4], $0x80, $0x38;
	[tilespmem:$0x9E00] =	vst v63  }
0x388: {  	s12 =	sadd.s32 $0x70, s12;
	s14 =	simm.s32 $0x8C78  }
0x389: {  	[hbm4b:s12+s3] =	stream.linear.scatter [tilespmem:s14], [sflag:$0x4], $0x80, $0x38;
	[tilespmem:$0x9E00] =	vst v63  }
0x38a: {  	s18 =	simm.s32 $0x8D00;
	s12 =	sadd.s32 s1, s11  }
0x38b: {  	[hbm4b:s12+s3] =	stream.linear.scatter [tilespmem:s18], [sflag:$0x4], $0x80, $0x38;
	[tilespmem:$0x9E00] =	vst v63  }
0x38c: {  	s30 =	simm.s32 $0x8D88;
	s19 =	sadd.s32 $0x10, s12  }
0x38d: {  	[hbm4b:s19+s3] =	stream.linear.scatter [tilespmem:s30], [sflag:$0x4], $0x80, $0x38;
	[tilespmem:$0x9E00] =	vst v63  }
0x38e: {  	s14 =	sadd.s32 $0x20, s12;
	s18 =	simm.s32 $0x8E10  }
0x38f: {  	[hbm4b:s14+s3] =	stream.linear.scatter [tilespmem:s18], [sflag:$0x4], $0x80, $0x38;
	[tilespmem:$0x9E00] =	vst v63  }
0x390: {  	s19 =	sadd.s32 $0x30, s12;
	s30 =	simm.s32 $0x8E98  }
0x391: {  	[hbm4b:s19+s3] =	stream.linear.scatter [tilespmem:s30], [sflag:$0x4], $0x80, $0x38;
	[tilespmem:$0x9E00] =	vst v63  }
0x392: {  	s14 =	sadd.s32 $0x40, s12;
	s18 =	simm.s32 $0x8F20  }
0x393: {  	[hbm4b:s14+s3] =	stream.linear.scatter [tilespmem:s18], [sflag:$0x4], $0x80, $0x38;
	[tilespmem:$0x9E00] =	vst v63  }
0x394: {  	s19 =	sadd.s32 $0x50, s12;
	s30 =	simm.s32 $0x8FA8  }
0x395: {  	[hbm4b:s19+s3] =	stream.linear.scatter [tilespmem:s30], [sflag:$0x4], $0x80, $0x38;
	[tilespmem:$0x9E00] =	vst v63  }
0x396: {  	s14 =	sadd.s32 $0x60, s12;
	s18 =	simm.s32 $0x9030  }
0x397: {  	[hbm4b:s14+s3] =	stream.linear.scatter [tilespmem:s18], [sflag:$0x4], $0x80, $0x38;
	[tilespmem:$0x9E00] =	vst v63  }
0x398: {  	s12 =	sadd.s32 $0x70, s12;
	s19 =	simm.s32 $0x90B8  }
0x399: {  	[hbm4b:s12+s3] =	stream.linear.scatter [tilespmem:s19], [sflag:$0x4], $0x80, $0x38;
	[tilespmem:$0x9E00] =	vst v63  }
0x39a: {  	s30 =	simm.s32 $0x9140;
	s12 =	sadd.s32 s1, s15  }
0x39b: {  	[hbm4b:s12+s3] =	stream.linear.scatter [tilespmem:s30], [sflag:$0x4], $0x80, $0x38;
	[tilespmem:$0x9E00] =	vst v63  }
0x39c: {  	s18 =	simm.s32 $0x91C8;
	s14 =	sadd.s32 $0x10, s12  }
0x39d: {  	[hbm4b:s14+s3] =	stream.linear.scatter [tilespmem:s18], [sflag:$0x4], $0x80, $0x38;
	[tilespmem:$0x9E00] =	vst v63  }
0x39e: {  	s19 =	sadd.s32 $0x20, s12;
	s30 =	simm.s32 $0x9250  }
0x39f: {  	[hbm4b:s19+s3] =	stream.linear.scatter [tilespmem:s30], [sflag:$0x4], $0x80, $0x38;
	[tilespmem:$0x9E00] =	vst v63  }
0x3a0: {  	s14 =	sadd.s32 $0x30, s12;
	s18 =	simm.s32 $0x92D8  }
0x3a1: {  	[hbm4b:s14+s3] =	stream.linear.scatter [tilespmem:s18], [sflag:$0x4], $0x80, $0x38;
	[tilespmem:$0x9E00] =	vst v63  }
0x3a2: {  	s19 =	sadd.s32 $0x40, s12;
	s30 =	simm.s32 $0x9360  }
0x3a3: {  	[hbm4b:s19+s3] =	stream.linear.scatter [tilespmem:s30], [sflag:$0x4], $0x80, $0x38;
	[tilespmem:$0x9E00] =	vst v63  }
0x3a4: {  	s14 =	sadd.s32 $0x50, s12;
	s18 =	simm.s32 $0x93E8  }
0x3a5: {  	[hbm4b:s14+s3] =	stream.linear.scatter [tilespmem:s18], [sflag:$0x4], $0x80, $0x38;
	[tilespmem:$0x9E00] =	vst v63  }
0x3a6: {  	s19 =	sadd.s32 $0x60, s12;
	s30 =	simm.s32 $0x9470  }
0x3a7: {  	[hbm4b:s19+s3] =	stream.linear.scatter [tilespmem:s30], [sflag:$0x4], $0x80, $0x38;
	[tilespmem:$0x9E00] =	vst v63  }
0x3a8: {  	s12 =	sadd.s32 $0x70, s12;
	s14 =	simm.s32 $0x94F8  }
0x3a9: {  	[hbm4b:s12+s3] =	stream.linear.scatter [tilespmem:s14], [sflag:$0x4], $0x80, $0x38;
	[tilespmem:$0x9E00] =	vst v63  }
0x3aa: {  	s18 =	simm.s32 $0x9580;
	s12 =	sadd.s32 s1, s16  }
0x3ab: {  	[hbm4b:s12+s3] =	stream.linear.scatter [tilespmem:s18], [sflag:$0x4], $0x80, $0x38;
	[tilespmem:$0x9E00] =	vst v63  }
0x3ac: {  	s30 =	simm.s32 $0x9608;
	s19 =	sadd.s32 $0x10, s12  }
0x3ad: {  	[hbm4b:s19+s3] =	stream.linear.scatter [tilespmem:s30], [sflag:$0x4], $0x80, $0x38;
	[tilespmem:$0x9E00] =	vst v63  }
0x3ae: {  	s14 =	sadd.s32 $0x20, s12;
	s18 =	simm.s32 $0x9690  }
0x3af: {  	[hbm4b:s14+s3] =	stream.linear.scatter [tilespmem:s18], [sflag:$0x4], $0x80, $0x38;
	[tilespmem:$0x9E00] =	vst v63  }
0x3b0: {  	s19 =	sadd.s32 $0x30, s12;
	s30 =	simm.s32 $0x9718  }
0x3b1: {  	[hbm4b:s19+s3] =	stream.linear.scatter [tilespmem:s30], [sflag:$0x4], $0x80, $0x38;
	[tilespmem:$0x9E00] =	vst v63  }
0x3b2: {  	s14 =	sadd.s32 $0x40, s12;
	s18 =	simm.s32 $0x97A0  }
0x3b3: {  	[hbm4b:s14+s3] =	stream.linear.scatter [tilespmem:s18], [sflag:$0x4], $0x80, $0x38;
	[tilespmem:$0x9E00] =	vst v63  }
0x3b4: {  	s19 =	sadd.s32 $0x50, s12;
	s30 =	simm.s32 $0x9828  }
0x3b5: {  	[hbm4b:s19+s3] =	stream.linear.scatter [tilespmem:s30], [sflag:$0x4], $0x80, $0x38;
	[tilespmem:$0x9E00] =	vst v63  }
0x3b6: {  	s18 =	sadd.s32 $0x60, s12;
	s19 =	simm.s32 $0x98B0  }
0x3b7: {  	[hbm4b:s18+s3] =	stream.linear.scatter [tilespmem:s19], [sflag:$0x4], $0x80, $0x38;
	[tilespmem:$0x9E00] =	vst v63  }
0x3b8: {  	s12 =	sadd.s32 $0x70, s12;
	s30 =	simm.s32 $0x9938  }
0x3b9: {  	[hbm4b:s12+s3] =	stream.linear.scatter [tilespmem:s30], [sflag:$0x4], $0x80, $0x38;
	[tilespmem:$0x9E00] =	vst v63  }
0x3ba: {  	s13 =	simm.s32 $0x99C0;
	s1 =	sadd.s32 s1, s17  }
0x3bb: {  	[hbm4b:s1+s3] =	stream.linear.scatter [tilespmem:s13], [sflag:$0x4], $0x80, $0x38;
	[tilespmem:$0x9E00] =	vst v63  }
0x3bc: {  	s14 =	sadd.s32 $0x10, s1;
	s18 =	simm.s32 $0x9A48  }
0x3bd: {  	[hbm4b:s14+s3] =	stream.linear.scatter [tilespmem:s18], [sflag:$0x4], $0x80, $0x38;
	[tilespmem:$0x9E00] =	vst v63  }
0x3be: {  	s19 =	sadd.s32 $0x20, s1;
	s30 =	simm.s32 $0x9AD0  }
0x3bf: {  	[hbm4b:s19+s3] =	stream.linear.scatter [tilespmem:s30], [sflag:$0x4], $0x80, $0x38;
	[tilespmem:$0x9E00] =	vst v63  }
0x3c0: {  	s14 =	sadd.s32 $0x30, s1;
	s18 =	simm.s32 $0x9B58  }
0x3c1: {  	[hbm4b:s14+s3] =	stream.linear.scatter [tilespmem:s18], [sflag:$0x4], $0x80, $0x38;
	[tilespmem:$0x9E00] =	vst v63  }
0x3c2: {  	s19 =	sadd.s32 $0x40, s1;
	s30 =	simm.s32 $0x9BE0  }
0x3c3: {  	[hbm4b:s19+s3] =	stream.linear.scatter [tilespmem:s30], [sflag:$0x4], $0x80, $0x38;
	[tilespmem:$0x9E00] =	vst v63  }
0x3c4: {  	s29 =	sadd.s32 $0x1, s29;
	s13 =	sadd.s32 $0x50, s1;
	s14 =	simm.s32 $0x9C68  }
0x3c5: {  	[hbm4b:s13+s3] =	stream.linear.scatter [tilespmem:s14], [sflag:$0x4], $0x80, $0x38;
	[tilespmem:$0x9E00] =	vst v63  }
0x3c6: {  	p0 =	sne.s32 s29, $0xB;
	s18 =	sadd.s32 $0x60, s1  }
0x3c7: {  	[hbm4b:s18+s3] =	stream.linear.scatter [tilespmem:s20], [sflag:$0x4], $0x80, $0x38;
	[tilespmem:$0x9E00] =	vst v63  }
.Ltmp5:
0x3c8: {  	_ = 	snop;
	(pc) =	sbr.rel @p0 .LBB2_8-.Ltmp5, $4  }
0x3c9: {  	s1 =	sadd.s32 $0x70, s1  }
0x3ca: {  	[hbm4b:s1+s3] =	stream.linear.scatter [tilespmem:s21], [sflag:$0x4], $0x80, $0x38;
	[tilespmem:$0x9E00] =	vst v63  }
0x3cb: {  	s19 =	sadd.s32 $0xF80, s7;
	s30 =	simm.s32 $0x3A00  }
0x3cc: {  	[tilespmem:s30], [sflag:$0x2] =	stream.indirect.gather [hbm4b:s4+s31], $0x40, s19, s31, $0xb8;
	[tilespmem:$0x9E00] =	vst v63  }
0x3cd: {  	_ =	swait.ge [sflag:s22], $0x400  }
0x3ce: {  	[sflag:s22] =	ssyncset.done $0x0  }
0x3cf: {  	[sflag:s22] =	ssyncadd.s32 $0xFFFFFC00  }
0x3d0: {  	_ =	swait.ge [sflag:s22], $0x400  }
0x3d1: {  	[sflag:s22] =	ssyncset.done $0x0  }
0x3d2: {  	[sflag:s22] =	ssyncadd.s32 $0xFFFFFC00  }
0x3d3: {  	_ =	swait.ge [sflag:s22], $0x400  }
0x3d4: {  	[sflag:s22] =	ssyncset.done $0x0  }
0x3d5: {  	[sflag:s22] =	ssyncadd.s32 $0xFFFFFC00  }
0x3d6: {  	_ =	swait.ge [sflag:s22], $0x400  }
0x3d7: {  	[sflag:s22] =	ssyncset.done $0x0  }
0x3d8: {  	[sflag:s22] =	ssyncadd.s32 $0xFFFFFC00  }
0x3d9: {  	_ =	swait.ge [sflag:s22], $0x400  }
0x3da: {  	[sflag:s22] =	ssyncset.done $0x0  }
0x3db: {  	[sflag:s22] =	ssyncadd.s32 $0xFFFFFC00  }
0x3dc: {  	_ =	swait.ge [sflag:s22], $0x400  }
0x3dd: {  	[sflag:s22] =	ssyncset.done $0x0  }
0x3de: {  	[sflag:s22] =	ssyncadd.s32 $0xFFFFFC00  }
0x3df: {  	_ =	swait.ge [sflag:s22], $0x400  }
0x3e0: {  	[sflag:s22] =	ssyncset.done $0x0  }
0x3e1: {  	[sflag:s22] =	ssyncadd.s32 $0xFFFFFC00  }
0x3e2: {  	_ =	swait.ge [sflag:s22], $0x400  }
0x3e3: {  	[sflag:s22] =	ssyncset.done $0x0  }
0x3e4: {  	[sflag:s22] =	ssyncadd.s32 $0xFFFFFC00  }
0x3e5: {  	s1 =	simm.s32 $0x3;
	_ =	swait.ge [sflag:s5], $0x2000  }
0x3e6: {  	s14 =	simm.s32 $0x1;
	v12 =	vmov s1;
	[sflag:s5] =	ssyncset.done $0x0  }
0x3e7: {  	s7 =	simm.s32 $0x1A80;
	s18 =	simm.s32 $0x2;
	v16 =	vand.u32 $0x7F, v12;
	v12 =	vmov s14;
	[sflag:s5] =	ssyncadd.s32 $0xFFFFE000  }
0x3e8: {  	v14 =	vadd.s32 v5, v16;
	v17 =	vand.u32 $0x7D, v12;
	v12 =	vmov s18;
	v13 =	vld [tilespmem:s7+$0x40]  }
0x3e9: {  	v19 =	vadd.s32 v5, v17;
	v20 =	vand.u32 $0x7E, v12;
	v18 =	vld [tilespmem:s7+$0xFFFFFFC0]  }
0x3ea: {  	s19 =	simm.s32 $0x0;
	v21 =	vadd.s32 v5, v20;
	v12 =	vld [tilespmem:s7+$0x0]  }
0x3eb: {  	v15 =	vmov s19  }
0x3ec: {  	v15 =	vand.u32 $0x7C, v15  }
0x3ed: {  	v23 =	vadd.s32 v5, v15;
	v22 =	vld [tilespmem:s7+$0xFFFFFF80];
	[tilespmem:v14+s25+$0x0] =	vst.idx.msk $0xffff, v13  }
0x3ee: {  	v14 =	vadd.s32 v9, v16;
	[tilespmem:v19+s25+$0x0] =	vst.idx.msk $0xffff, v18;
	v13 =	vld [tilespmem:s7+$0x50]  }
0x3ef: {  	v19 =	vadd.s32 v9, v17;
	[tilespmem:v21+s25+$0x0] =	vst.idx.msk $0xffff, v12;
	v18 =	vld [tilespmem:s7+$0xFFFFFFD0]  }
0x3f0: {  	v21 =	vadd.s32 v9, v20;
	v12 =	vld [tilespmem:s7+$0x10];
	_ =	sdelay $0x1  }
0x3f1: {  	[tilespmem:v23+s25+$0x0] =	vst.idx.msk $0xffff, v22  }
0x3f2: {  	v25 =	vadd.s32 v9, v15;
	v24 =	vld [tilespmem:s7+$0xFFFFFF90];
	[tilespmem:v14+s25+$0x0] =	vst.idx.msk $0xffff, v13  }
0x3f3: {  	v23 =	vadd.s32 v10, v16;
	[tilespmem:v19+s25+$0x0] =	vst.idx.msk $0xffff, v18;
	v22 =	vld [tilespmem:s7+$0x60]  }
0x3f4: {  	s29 =	simm.s32 $0x7;
	v19 =	vadd.s32 v10, v17;
	[tilespmem:v21+s25+$0x0] =	vst.idx.msk $0xffff, v12;
	v18 =	vld [tilespmem:s7+$0xFFFFFFE0]  }
0x3f5: {  	s12 =	simm.s32 $0x5;
	v26 =	vadd.s32 v10, v20;
	v13 =	vmov s29;
	v21 =	vld [tilespmem:s7+$0x20]  }
0x3f6: {  	s30 =	simm.s32 $0x6;
	s1 =	simm.s32 $0x1B80;
	v12 =	vmov s12;
	v14 =	vand.u32 $0x7F, v13  }
0x3f7: {  	v27 =	vld [tilespmem:s1+$0x40];
	[tilespmem:v25+s25+$0x0] =	vst.idx.msk $0xffff, v24;
	v13 =	vand.u32 $0x7D, v12;
	v12 =	vmov s30;
	v28 =	vadd.s32 v5, v14  }
0x3f8: {  	s13 =	simm.s32 $0x4;
	v29 =	vld [tilespmem:s1+$0xFFFFFFC0];
	v30 =	vadd.s32 v5, v13;
	v12 =	vand.u32 $0x7E, v12;
	[tilespmem:v23+s25+$0x0] =	vst.idx.msk $0xffff, v22  }
0x3f9: {  	v22 =	vmov s13;
	[tilespmem:v19+s25+$0x0] =	vst.idx.msk $0xffff, v18;
	v18 =	vld [tilespmem:s1+$0x0];
	v19 =	vadd.s32 v5, v12  }
0x3fa: {  	v24 =	vadd.s32 v11, v16;
	[tilespmem:v26+s25+$0x0] =	vst.idx.msk $0xffff, v21;
	v21 =	vld [tilespmem:s7+$0xFFFFFFA0];
	v26 =	vadd.s32 v10, v15;
	v16 =	vand.u32 $0x7C, v22  }
0x3fb: {  	v22 =	vld [tilespmem:s1+$0xFFFFFF80];
	v25 =	vadd.s32 v5, v16  }
0x3fc: {  	v23 =	vld [tilespmem:s7+$0x70];
	[tilespmem:v28+s25+$0x0] =	vst.idx.msk $0xffff, v27  }
0x3fd: {  	v62 =	vadd.s32 v9, v14;
	[tilespmem:v30+s25+$0x0] =	vst.idx.msk $0xffff, v29;
	v27 =	vld [tilespmem:s1+$0x50]  }
0x3fe: {  	v63 =	vadd.s32 v9, v13;
	v29 =	vld [tilespmem:s1+$0xFFFFFFD0];
	[tilespmem:v19+s25+$0x0] =	vst.idx.msk $0xffff, v18  }
0x3ff: {  	v32 =	vadd.s32 v11, v17;
	v31 =	vld [tilespmem:s7+$0xFFFFFFF0];
	[tilespmem:v26+s25+$0x0] =	vst.idx.msk $0xffff, v21  }
0x400: {  	v26 =	vadd.s32 v9, v12;
	[tilespmem:v25+s25+$0x0] =	vst.idx.msk $0xffff, v22;
	v25 =	vld [tilespmem:s1+$0x10]  }
0x401: {  	[tilespmem:v24+s25+$0x0] =	vst.idx.msk $0xffff, v23;
	v24 =	vadd.s32 v9, v16;
	v23 =	vld [tilespmem:s1+$0xFFFFFF90]  }
0x402: {  	v18 =	vld [tilespmem:s7+$0x30];
	v21 =	vadd.s32 v11, v20;
	[tilespmem:v62+s25+$0x0] =	vst.idx.msk $0xffff, v27  }
0x403: {  	v20 =	vadd.s32 v10, v14;
	[tilespmem:v63+s25+$0x0] =	vst.idx.msk $0xffff, v29;
	v17 =	vld [tilespmem:s1+$0x60]  }
0x404: {  	s14 =	simm.s32 $0xB;
	s12 =	simm.s32 $0x8;
	s13 =	simm.s32 $0xC;
	[tilespmem:v32+s25+$0x0] =	vst.idx.msk $0xffff, v31;
	v22 =	vadd.s32 v10, v13;
	v19 =	vld [tilespmem:s1+$0xFFFFFFE0]  }
.LBB2_14:
0x405: {  	p0 =	slt.u32 s13, $0x7C;
	s18 =	sadd.s32 $0x1, s12;
	v27 =	vmov s14;
	[tilespmem:v26+s25+$0x0] =	vst.idx.msk $0xffff, v25;
	v25 =	vld [tilespmem:s7+$0xFFFFFFB0];
	v26 =	vadd.s32 v11, v15;
	v15 =	vmov v16;
	s7 =	smov.u32 s1  }
0x406: {  	s1 =	sadd.s32 $0x100, s1;
	v16 =	vmov s18;
	v27 =	vand.u32 $0x7F, v27;
	[tilespmem:v24+s25+$0x0] =	vst.idx.msk $0xffff, v23;
	v23 =	vld [tilespmem:s7+$0x20];
	v24 =	vadd.s32 v10, v12  }
0x407: {  	s14 =	sadd.s32 $0x2, s12;
	v28 =	vand.u32 $0x7D, v16;
	v29 =	vld [tilespmem:s1+$0x40];
	v30 =	vadd.s32 v5, v27;
	[tilespmem:v21+s25+$0x0] =	vst.idx.msk $0xffff, v18  }
0x408: {  	v16 =	vmov s14;
	v18 =	vld [tilespmem:s1+$0xFFFFFFC0];
	v21 =	vadd.s32 v5, v28;
	[tilespmem:v20+s25+$0x0] =	vst.idx.msk $0xffff, v17  }
0x409: {  	v17 =	vmov s12;
	v20 =	vand.u32 $0x7E, v16;
	s12 =	smov.u32 s13;
	[tilespmem:v22+s25+$0x0] =	vst.idx.msk $0xffff, v19;
	v19 =	vld [tilespmem:s7+$0x70];
	v22 =	vadd.s32 v11, v14;
	v14 =	vmovc v27  }
0x40a: {  	v16 =	vand.u32 $0x7C, v17;
	v27 =	vadd.s32 v5, v20;
	v17 =	vld [tilespmem:s1+$0x0];
	[tilespmem:v26+s25+$0x0] =	vst.idx.msk $0xffff, v25  }
0x40b: {  	v26 =	vadd.s32 v5, v16;
	v25 =	vld [tilespmem:s1+$0xFFFFFF80];
	[tilespmem:v24+s25+$0x0] =	vst.idx.msk $0xffff, v23  }
0x40c: {  	[tilespmem:v30+s25+$0x0] =	vst.idx.msk $0xffff, v29;
	v29 =	vld [tilespmem:s7+$0xFFFFFFA0];
	v30 =	vadd.s32 v10, v15  }
0x40d: {  	[tilespmem:v21+s25+$0x0] =	vst.idx.msk $0xffff, v18;
	v18 =	vld [tilespmem:s1+$0x50];
	v21 =	vadd.s32 v9, v14  }
0x40e: {  	v32 =	vadd.s32 v9, v28;
	v31 =	vld [tilespmem:s1+$0xFFFFFFD0];
	[tilespmem:v22+s25+$0x0] =	vst.idx.msk $0xffff, v19  }
0x40f: {  	v33 =	vadd.s32 v11, v13;
	v13 =	vmov v28;
	[tilespmem:v27+s25+$0x0] =	vst.idx.msk $0xffff, v17;
	v27 =	vld [tilespmem:s7+$0xFFFFFFF0]  }
.Ltmp6:
0x410: {  	[tilespmem:v26+s25+$0x0] =	vst.idx.msk $0xffff, v25;
	v25 =	vld [tilespmem:s1+$0x10];
	v26 =	vadd.s32 v9, v20;
	(pc) =	sbr.rel @p0 .LBB2_14-.Ltmp6, $4  }
0x411: {  	v24 =	vadd.s32 v9, v16;
	v23 =	vld [tilespmem:s1+$0xFFFFFF90];
	[tilespmem:v30+s25+$0x0] =	vst.idx.msk $0xffff, v29  }
0x412: {  	[tilespmem:v21+s25+$0x0] =	vst.idx.msk $0xffff, v18;
	v18 =	vld [tilespmem:s7+$0x30];
	v21 =	vadd.s32 v11, v12;
	v12 =	vmov v20  }
0x413: {  	v20 =	vadd.s32 v10, v14;
	[tilespmem:v32+s25+$0x0] =	vst.idx.msk $0xffff, v31;
	v17 =	vld [tilespmem:s1+$0x60]  }
0x414: {  	s13 =	sadd.s32 $0x4, s13;
	s14 =	sadd.s32 $0x3, s12;
	v22 =	vadd.s32 v10, v13;
	v19 =	vld [tilespmem:s1+$0xFFFFFFE0];
	[tilespmem:v33+s25+$0x0] =	vst.idx.msk $0xffff, v27  }
0x415: {  	_ =	sdelay $0x2  }
0x416: {  	s13 =	sadd.s32 $0x1, s12;
	v27 =	vmov s14  }
0x417: {  	[tilespmem:v26+s25+$0x0] =	vst.idx.msk $0xffff, v25;
	v25 =	vld [tilespmem:s7+$0xFFFFFFB0];
	v15 =	vadd.s32 v11, v15;
	s29 =	sadd.s32 $0x100, s1;
	s30 =	sadd.s32 $0x2, s12;
	v26 =	vmov s13;
	v27 =	vand.u32 $0x7F, v27  }
0x418: {  	[tilespmem:v24+s25+$0x0] =	vst.idx.msk $0xffff, v23;
	v24 =	vld [tilespmem:s29+$0x40];
	v28 =	vmov s30;
	v23 =	vand.u32 $0x7D, v26;
	v26 =	vadd.s32 v5, v27  }
0x419: {  	v29 =	vmov s12;
	[tilespmem:v21+s25+$0x0] =	vst.idx.msk $0xffff, v18;
	v18 =	vld [tilespmem:s29+$0xFFFFFFC0];
	v28 =	vand.u32 $0x7E, v28;
	v21 =	vadd.s32 v5, v23  }
0x41a: {  	[tilespmem:v20+s25+$0x0] =	vst.idx.msk $0xffff, v17;
	v17 =	vand.u32 $0x7C, v29;
	v20 =	vld [tilespmem:s29+$0x0];
	v56 =	vadd.s32 v5, v28  }
0x41b: {  	[tilespmem:v22+s25+$0x0] =	vst.idx.msk $0xffff, v19;
	v19 =	vld [tilespmem:s29+$0xFFFFFF80];
	v22 =	vadd.s32 v5, v17  }
0x41c: {  	v30 =	vld [tilespmem:s1+$0x20];
	[tilespmem:v15+s25+$0x0] =	vst.idx.msk $0xffff, v25;
	v15 =	vadd.s32 v10, v12  }
0x41d: {  	v14 =	vadd.s32 v11, v14;
	v25 =	vld [tilespmem:s1+$0x70];
	[tilespmem:v26+s25+$0x0] =	vst.idx.msk $0xffff, v24  }
0x41e: {  	[tilespmem:v21+s25+$0x0] =	vst.idx.msk $0xffff, v18;
	v18 =	vld [tilespmem:s29+$0x50];
	v21 =	vadd.s32 v9, v27  }
0x41f: {  	v26 =	vadd.s32 v9, v23;
	[tilespmem:v56+s25+$0x0] =	vst.idx.msk $0xffff, v20;
	v24 =	vld [tilespmem:s29+$0xFFFFFFD0]  }
0x420: {  	v20 =	vadd.s32 v9, v28;
	[tilespmem:v22+s25+$0x0] =	vst.idx.msk $0xffff, v19;
	v19 =	vld [tilespmem:s29+$0x10]  }
0x421: {  	v22 =	vadd.s32 v9, v17;
	[tilespmem:v15+s25+$0x0] =	vst.idx.msk $0xffff, v30;
	v15 =	vld [tilespmem:s29+$0xFFFFFF90]  }
0x422: {  	v58 =	vadd.s32 v10, v16;
	v57 =	vld [tilespmem:s1+$0xFFFFFFA0];
	[tilespmem:v14+s25+$0x0] =	vst.idx.msk $0xffff, v25  }
0x423: {  	v13 =	vadd.s32 v11, v13;
	v14 =	vld [tilespmem:s1+$0xFFFFFFF0];
	[tilespmem:v21+s25+$0x0] =	vst.idx.msk $0xffff, v18  }
0x424: {  	v21 =	vadd.s32 v10, v27;
	[tilespmem:v26+s25+$0x0] =	vst.idx.msk $0xffff, v24;
	v18 =	vld [tilespmem:s29+$0x60]  }
0x425: {  	v25 =	vadd.s32 v10, v23;
	[tilespmem:v20+s25+$0x0] =	vst.idx.msk $0xffff, v19;
	v24 =	vld [tilespmem:s29+$0xFFFFFFE0]  }
0x426: {  	v19 =	vadd.s32 v10, v28;
	[tilespmem:v22+s25+$0x0] =	vst.idx.msk $0xffff, v15;
	v15 =	vld [tilespmem:s29+$0x20]  }
0x427: {  	[tilespmem:v58+s25+$0x0] =	vst.idx.msk $0xffff, v57;
	v22 =	vadd.s32 v10, v17;
	v20 =	vld [tilespmem:s29+$0xFFFFFFA0]  }
0x428: {  	v12 =	vadd.s32 v11, v12;
	v26 =	vld [tilespmem:s1+$0x30];
	[tilespmem:v13+s25+$0x0] =	vst.idx.msk $0xffff, v14  }
0x429: {  	v13 =	vld [tilespmem:s1+$0xFFFFFFB0];
	v14 =	vadd.s32 v11, v16;
	[tilespmem:v21+s25+$0x0] =	vst.idx.msk $0xffff, v18  }
0x42a: {  	v18 =	vadd.s32 v11, v27;
	[tilespmem:v25+s25+$0x0] =	vst.idx.msk $0xffff, v24;
	v16 =	vld [tilespmem:s29+$0x70]  }
0x42b: {  	[tilespmem:v19+s25+$0x0] =	vst.idx.msk $0xffff, v15;
	v19 =	vadd.s32 v11, v23;
	v15 =	vld [tilespmem:s29+$0xFFFFFFF0]  }
0x42c: {  	v21 =	vadd.s32 v11, v28;
	[tilespmem:v22+s25+$0x0] =	vst.idx.msk $0xffff, v20;
	v20 =	vld [tilespmem:s29+$0x30]  }
0x42d: {  	v17 =	vadd.s32 v11, v17;
	[tilespmem:v12+s25+$0x0] =	vst.idx.msk $0xffff, v26;
	v12 =	vld [tilespmem:s29+$0xFFFFFFB0]  }
0x42e: {  	[tilespmem:v14+s25+$0x0] =	vst.idx.msk $0xffff, v13  }
0x42f: {  	[tilespmem:v18+s25+$0x0] =	vst.idx.msk $0xffff, v16  }
0x430: {  	[tilespmem:v19+s25+$0x0] =	vst.idx.msk $0xffff, v15  }
0x431: {  	[tilespmem:v21+s25+$0x0] =	vst.idx.msk $0xffff, v20  }
0x432: {  	[tilespmem:v17+s25+$0x0] =	vst.idx.msk $0xffff, v12  }
0x433: {  	s1 =	simm.s32 $0x0;
	s12 =	rddreg [dreg:$0x15]  }
0x434: {  	[hbm4b:s12+s1] =	stream.linear.scatter [tilespmem:s25], [sflag:$0x3], $0x80, $0x38;
	[tilespmem:$0x9E00] =	vst v63  }
0x435: {  	s14 =	simm.s32 $0x5A88;
	s13 =	sadd.s32 $0x10, s12  }
0x436: {  	[hbm4b:s13+s1] =	stream.linear.scatter [tilespmem:s14], [sflag:$0x3], $0x80, $0x38;
	[tilespmem:$0x9E00] =	vst v63  }
0x437: {  	s19 =	simm.s32 $0x5B10;
	s18 =	sadd.s32 $0x20, s12  }
0x438: {  	[hbm4b:s18+s1] =	stream.linear.scatter [tilespmem:s19], [sflag:$0x3], $0x80, $0x38;
	[tilespmem:$0x9E00] =	vst v63  }
0x439: {  	s30 =	simm.s32 $0x5B98;
	s29 =	sadd.s32 $0x30, s12  }
0x43a: {  	[hbm4b:s29+s1] =	stream.linear.scatter [tilespmem:s30], [sflag:$0x3], $0x80, $0x38;
	[tilespmem:$0x9E00] =	vst v63  }
0x43b: {  	s13 =	sadd.s32 $0x40, s12;
	s14 =	simm.s32 $0x5C20  }
0x43c: {  	[hbm4b:s13+s1] =	stream.linear.scatter [tilespmem:s14], [sflag:$0x3], $0x80, $0x38;
	[tilespmem:$0x9E00] =	vst v63  }
0x43d: {  	s18 =	sadd.s32 $0x50, s12;
	s19 =	simm.s32 $0x5CA8  }
0x43e: {  	[hbm4b:s18+s1] =	stream.linear.scatter [tilespmem:s19], [sflag:$0x3], $0x80, $0x38;
	[tilespmem:$0x9E00] =	vst v63  }
0x43f: {  	s29 =	sadd.s32 $0x60, s12;
	s30 =	simm.s32 $0x5D30  }
0x440: {  	[hbm4b:s29+s1] =	stream.linear.scatter [tilespmem:s30], [sflag:$0x3], $0x80, $0x38;
	[tilespmem:$0x9E00] =	vst v63  }
0x441: {  	s12 =	sadd.s32 $0x70, s12;
	s13 =	simm.s32 $0x5DB8  }
0x442: {  	[hbm4b:s12+s1] =	stream.linear.scatter [tilespmem:s13], [sflag:$0x3], $0x80, $0x38;
	[tilespmem:$0x9E00] =	vst v63  }
0x443: {  	s14 =	simm.s32 $0x5E40;
	s12 =	rddreg [dreg:$0x16]  }
0x444: {  	[hbm4b:s12+s1] =	stream.linear.scatter [tilespmem:s14], [sflag:$0x3], $0x80, $0x38;
	[tilespmem:$0x9E00] =	vst v63  }
0x445: {  	s19 =	simm.s32 $0x5EC8;
	s18 =	sadd.s32 $0x10, s12  }
0x446: {  	[hbm4b:s18+s1] =	stream.linear.scatter [tilespmem:s19], [sflag:$0x3], $0x80, $0x38;
	[tilespmem:$0x9E00] =	vst v63  }
0x447: {  	s30 =	simm.s32 $0x5F50;
	s29 =	sadd.s32 $0x20, s12  }
0x448: {  	[hbm4b:s29+s1] =	stream.linear.scatter [tilespmem:s30], [sflag:$0x3], $0x80, $0x38;
	[tilespmem:$0x9E00] =	vst v63  }
0x449: {  	s13 =	sadd.s32 $0x30, s12;
	s14 =	simm.s32 $0x5FD8  }
0x44a: {  	[hbm4b:s13+s1] =	stream.linear.scatter [tilespmem:s14], [sflag:$0x3], $0x80, $0x38;
	[tilespmem:$0x9E00] =	vst v63  }
0x44b: {  	s18 =	sadd.s32 $0x40, s12;
	s19 =	simm.s32 $0x6060  }
0x44c: {  	[hbm4b:s18+s1] =	stream.linear.scatter [tilespmem:s19], [sflag:$0x3], $0x80, $0x38;
	[tilespmem:$0x9E00] =	vst v63  }
0x44d: {  	s29 =	sadd.s32 $0x50, s12;
	s30 =	simm.s32 $0x60E8  }
0x44e: {  	[hbm4b:s29+s1] =	stream.linear.scatter [tilespmem:s30], [sflag:$0x3], $0x80, $0x38;
	[tilespmem:$0x9E00] =	vst v63  }
0x44f: {  	s14 =	sadd.s32 $0x60, s12;
	s18 =	simm.s32 $0x6170  }
0x450: {  	[hbm4b:s14+s1] =	stream.linear.scatter [tilespmem:s18], [sflag:$0x3], $0x80, $0x38;
	[tilespmem:$0x9E00] =	vst v63  }
0x451: {  	s19 =	sadd.s32 $0x70, s12;
	s29 =	simm.s32 $0x61F8  }
0x452: {  	[hbm4b:s19+s1] =	stream.linear.scatter [tilespmem:s29], [sflag:$0x3], $0x80, $0x38;
	[tilespmem:$0x9E00] =	vst v63  }
0x453: {  	s12 =	rddreg [dreg:$0x17];
	s30 =	simm.s32 $0x6280  }
0x454: {  	[hbm4b:s12+s1] =	stream.linear.scatter [tilespmem:s30], [sflag:$0x3], $0x80, $0x38;
	[tilespmem:$0x9E00] =	vst v63  }
0x455: {  	s13 =	sadd.s32 $0x10, s12;
	s14 =	simm.s32 $0x6308  }
0x456: {  	[hbm4b:s13+s1] =	stream.linear.scatter [tilespmem:s14], [sflag:$0x3], $0x80, $0x38;
	[tilespmem:$0x9E00] =	vst v63  }
0x457: {  	s18 =	sadd.s32 $0x20, s12;
	s19 =	simm.s32 $0x6390  }
0x458: {  	[hbm4b:s18+s1] =	stream.linear.scatter [tilespmem:s19], [sflag:$0x3], $0x80, $0x38;
	[tilespmem:$0x9E00] =	vst v63  }
0x459: {  	s29 =	sadd.s32 $0x30, s12;
	s30 =	simm.s32 $0x6418  }
0x45a: {  	[hbm4b:s29+s1] =	stream.linear.scatter [tilespmem:s30], [sflag:$0x3], $0x80, $0x38;
	[tilespmem:$0x9E00] =	vst v63  }
0x45b: {  	s13 =	sadd.s32 $0x40, s12;
	s14 =	simm.s32 $0x64A0  }
0x45c: {  	[hbm4b:s13+s1] =	stream.linear.scatter [tilespmem:s14], [sflag:$0x3], $0x80, $0x38;
	[tilespmem:$0x9E00] =	vst v63  }
0x45d: {  	s18 =	sadd.s32 $0x50, s12;
	s19 =	simm.s32 $0x6528  }
0x45e: {  	[hbm4b:s18+s1] =	stream.linear.scatter [tilespmem:s19], [sflag:$0x3], $0x80, $0x38;
	[tilespmem:$0x9E00] =	vst v63  }
0x45f: {  	s29 =	sadd.s32 $0x60, s12;
	s30 =	simm.s32 $0x65B0  }
0x460: {  	[hbm4b:s29+s1] =	stream.linear.scatter [tilespmem:s30], [sflag:$0x3], $0x80, $0x38;
	[tilespmem:$0x9E00] =	vst v63  }
0x461: {  	s12 =	sadd.s32 $0x70, s12;
	s13 =	simm.s32 $0x6638  }
0x462: {  	[hbm4b:s12+s1] =	stream.linear.scatter [tilespmem:s13], [sflag:$0x3], $0x80, $0x38;
	[tilespmem:$0x9E00] =	vst v63  }
0x463: {  	s14 =	simm.s32 $0x66C0;
	s12 =	rddreg [dreg:$0x18]  }
0x464: {  	[hbm4b:s12+s1] =	stream.linear.scatter [tilespmem:s14], [sflag:$0x3], $0x80, $0x38;
	[tilespmem:$0x9E00] =	vst v63  }
0x465: {  	s19 =	simm.s32 $0x6748;
	s18 =	sadd.s32 $0x10, s12  }
0x466: {  	[hbm4b:s18+s1] =	stream.linear.scatter [tilespmem:s19], [sflag:$0x3], $0x80, $0x38;
	[tilespmem:$0x9E00] =	vst v63  }
0x467: {  	s30 =	simm.s32 $0x67D0;
	s29 =	sadd.s32 $0x20, s12  }
0x468: {  	[hbm4b:s29+s1] =	stream.linear.scatter [tilespmem:s30], [sflag:$0x3], $0x80, $0x38;
	[tilespmem:$0x9E00] =	vst v63  }
0x469: {  	s13 =	sadd.s32 $0x30, s12;
	s14 =	simm.s32 $0x6858  }
0x46a: {  	[hbm4b:s13+s1] =	stream.linear.scatter [tilespmem:s14], [sflag:$0x3], $0x80, $0x38;
	[tilespmem:$0x9E00] =	vst v63  }
0x46b: {  	s18 =	sadd.s32 $0x40, s12;
	s19 =	simm.s32 $0x68E0  }
0x46c: {  	[hbm4b:s18+s1] =	stream.linear.scatter [tilespmem:s19], [sflag:$0x3], $0x80, $0x38;
	[tilespmem:$0x9E00] =	vst v63  }
0x46d: {  	s29 =	sadd.s32 $0x50, s12;
	s30 =	simm.s32 $0x6968  }
0x46e: {  	[hbm4b:s29+s1] =	stream.linear.scatter [tilespmem:s30], [sflag:$0x3], $0x80, $0x38;
	[tilespmem:$0x9E00] =	vst v63  }
0x46f: {  	s14 =	sadd.s32 $0x60, s12;
	s18 =	simm.s32 $0x69F0  }
0x470: {  	[hbm4b:s14+s1] =	stream.linear.scatter [tilespmem:s18], [sflag:$0x3], $0x80, $0x38;
	[tilespmem:$0x9E00] =	vst v63  }
0x471: {  	s19 =	sadd.s32 $0x70, s12;
	s29 =	simm.s32 $0x6A78  }
0x472: {  	[hbm4b:s19+s1] =	stream.linear.scatter [tilespmem:s29], [sflag:$0x3], $0x80, $0x38;
	[tilespmem:$0x9E00] =	vst v63  }
0x473: {  	s12 =	rddreg [dreg:$0x19];
	s30 =	simm.s32 $0x6B00  }
0x474: {  	[hbm4b:s12+s1] =	stream.linear.scatter [tilespmem:s30], [sflag:$0x3], $0x80, $0x38;
	[tilespmem:$0x9E00] =	vst v63  }
0x475: {  	s13 =	sadd.s32 $0x10, s12;
	s14 =	simm.s32 $0x6B88  }
0x476: {  	[hbm4b:s13+s1] =	stream.linear.scatter [tilespmem:s14], [sflag:$0x3], $0x80, $0x38;
	[tilespmem:$0x9E00] =	vst v63  }
0x477: {  	s18 =	sadd.s32 $0x20, s12;
	s19 =	simm.s32 $0x6C10  }
0x478: {  	[hbm4b:s18+s1] =	stream.linear.scatter [tilespmem:s19], [sflag:$0x3], $0x80, $0x38;
	[tilespmem:$0x9E00] =	vst v63  }
0x479: {  	s29 =	sadd.s32 $0x30, s12;
	s30 =	simm.s32 $0x6C98  }
0x47a: {  	[hbm4b:s29+s1] =	stream.linear.scatter [tilespmem:s30], [sflag:$0x3], $0x80, $0x38;
	[tilespmem:$0x9E00] =	vst v63  }
0x47b: {  	s13 =	sadd.s32 $0x40, s12;
	s14 =	simm.s32 $0x6D20  }
0x47c: {  	[hbm4b:s13+s1] =	stream.linear.scatter [tilespmem:s14], [sflag:$0x3], $0x80, $0x38;
	[tilespmem:$0x9E00] =	vst v63  }
0x47d: {  	s18 =	sadd.s32 $0x50, s12;
	s19 =	simm.s32 $0x6DA8  }
0x47e: {  	[hbm4b:s18+s1] =	stream.linear.scatter [tilespmem:s19], [sflag:$0x3], $0x80, $0x38;
	[tilespmem:$0x9E00] =	vst v63  }
0x47f: {  	s29 =	sadd.s32 $0x60, s12;
	s30 =	simm.s32 $0x6E30  }
0x480: {  	[hbm4b:s29+s1] =	stream.linear.scatter [tilespmem:s30], [sflag:$0x3], $0x80, $0x38;
	[tilespmem:$0x9E00] =	vst v63  }
0x481: {  	s12 =	sadd.s32 $0x70, s12;
	s13 =	simm.s32 $0x6EB8  }
0x482: {  	[hbm4b:s12+s1] =	stream.linear.scatter [tilespmem:s13], [sflag:$0x3], $0x80, $0x38;
	[tilespmem:$0x9E00] =	vst v63  }
0x483: {  	s14 =	simm.s32 $0x6F40;
	s12 =	rddreg [dreg:$0x1a]  }
0x484: {  	[hbm4b:s12+s1] =	stream.linear.scatter [tilespmem:s14], [sflag:$0x3], $0x80, $0x38;
	[tilespmem:$0x9E00] =	vst v63  }
0x485: {  	s19 =	simm.s32 $0x6FC8;
	s18 =	sadd.s32 $0x10, s12  }
0x486: {  	[hbm4b:s18+s1] =	stream.linear.scatter [tilespmem:s19], [sflag:$0x3], $0x80, $0x38;
	[tilespmem:$0x9E00] =	vst v63  }
0x487: {  	s30 =	simm.s32 $0x7050;
	s29 =	sadd.s32 $0x20, s12  }
0x488: {  	[hbm4b:s29+s1] =	stream.linear.scatter [tilespmem:s30], [sflag:$0x3], $0x80, $0x38;
	[tilespmem:$0x9E00] =	vst v63  }
0x489: {  	s13 =	sadd.s32 $0x30, s12;
	s14 =	simm.s32 $0x70D8  }
0x48a: {  	[hbm4b:s13+s1] =	stream.linear.scatter [tilespmem:s14], [sflag:$0x3], $0x80, $0x38;
	[tilespmem:$0x9E00] =	vst v63  }
0x48b: {  	s18 =	sadd.s32 $0x40, s12;
	s19 =	simm.s32 $0x7160  }
0x48c: {  	[hbm4b:s18+s1] =	stream.linear.scatter [tilespmem:s19], [sflag:$0x3], $0x80, $0x38;
	[tilespmem:$0x9E00] =	vst v63  }
0x48d: {  	s29 =	sadd.s32 $0x50, s12;
	s30 =	simm.s32 $0x71E8  }
0x48e: {  	[hbm4b:s29+s1] =	stream.linear.scatter [tilespmem:s30], [sflag:$0x3], $0x80, $0x38;
	[tilespmem:$0x9E00] =	vst v63  }
0x48f: {  	s14 =	sadd.s32 $0x60, s12;
	s18 =	simm.s32 $0x7270  }
0x490: {  	[hbm4b:s14+s1] =	stream.linear.scatter [tilespmem:s18], [sflag:$0x3], $0x80, $0x38;
	[tilespmem:$0x9E00] =	vst v63  }
0x491: {  	s19 =	sadd.s32 $0x70, s12;
	s29 =	simm.s32 $0x72F8  }
0x492: {  	[hbm4b:s19+s1] =	stream.linear.scatter [tilespmem:s29], [sflag:$0x3], $0x80, $0x38;
	[tilespmem:$0x9E00] =	vst v63  }
0x493: {  	s12 =	rddreg [dreg:$0x1b];
	s30 =	simm.s32 $0x7380  }
0x494: {  	[hbm4b:s12+s1] =	stream.linear.scatter [tilespmem:s30], [sflag:$0x3], $0x80, $0x38;
	[tilespmem:$0x9E00] =	vst v63  }
0x495: {  	s13 =	sadd.s32 $0x10, s12;
	s14 =	simm.s32 $0x7408  }
0x496: {  	[hbm4b:s13+s1] =	stream.linear.scatter [tilespmem:s14], [sflag:$0x3], $0x80, $0x38;
	[tilespmem:$0x9E00] =	vst v63  }
0x497: {  	s18 =	sadd.s32 $0x20, s12;
	s19 =	simm.s32 $0x7490  }
0x498: {  	[hbm4b:s18+s1] =	stream.linear.scatter [tilespmem:s19], [sflag:$0x3], $0x80, $0x38;
	[tilespmem:$0x9E00] =	vst v63  }
0x499: {  	s29 =	sadd.s32 $0x30, s12;
	s30 =	simm.s32 $0x7518  }
0x49a: {  	[hbm4b:s29+s1] =	stream.linear.scatter [tilespmem:s30], [sflag:$0x3], $0x80, $0x38;
	[tilespmem:$0x9E00] =	vst v63  }
0x49b: {  	s13 =	sadd.s32 $0x40, s12;
	s14 =	simm.s32 $0x75A0  }
0x49c: {  	[hbm4b:s13+s1] =	stream.linear.scatter [tilespmem:s14], [sflag:$0x3], $0x80, $0x38;
	[tilespmem:$0x9E00] =	vst v63  }
0x49d: {  	s18 =	sadd.s32 $0x50, s12;
	s19 =	simm.s32 $0x7628  }
0x49e: {  	[hbm4b:s18+s1] =	stream.linear.scatter [tilespmem:s19], [sflag:$0x3], $0x80, $0x38;
	[tilespmem:$0x9E00] =	vst v63  }
0x49f: {  	s29 =	sadd.s32 $0x60, s12;
	s30 =	simm.s32 $0x76B0  }
0x4a0: {  	[hbm4b:s29+s1] =	stream.linear.scatter [tilespmem:s30], [sflag:$0x3], $0x80, $0x38;
	[tilespmem:$0x9E00] =	vst v63  }
0x4a1: {  	s14 =	sadd.s32 $0x70, s12;
	s18 =	simm.s32 $0x7738  }
0x4a2: {  	[hbm4b:s14+s1] =	stream.linear.scatter [tilespmem:s18], [sflag:$0x3], $0x80, $0x38;
	[tilespmem:$0x9E00] =	vst v63  }
0x4a3: {  	s12 =	rddreg [dreg:$0x1c];
	s19 =	simm.s32 $0x77C0  }
0x4a4: {  	[hbm4b:s12+s1] =	stream.linear.scatter [tilespmem:s19], [sflag:$0x3], $0x80, $0x38;
	[tilespmem:$0x9E00] =	vst v63  }
0x4a5: {  	s29 =	sadd.s32 $0x10, s12;
	s30 =	simm.s32 $0x7848  }
0x4a6: {  	[hbm4b:s29+s1] =	stream.linear.scatter [tilespmem:s30], [sflag:$0x3], $0x80, $0x38;
	[tilespmem:$0x9E00] =	vst v63  }
0x4a7: {  	s13 =	sadd.s32 $0x20, s12;
	s14 =	simm.s32 $0x78D0  }
0x4a8: {  	[hbm4b:s13+s1] =	stream.linear.scatter [tilespmem:s14], [sflag:$0x3], $0x80, $0x38;
	[tilespmem:$0x9E00] =	vst v63  }
0x4a9: {  	s18 =	sadd.s32 $0x30, s12;
	s19 =	simm.s32 $0x7958  }
0x4aa: {  	[hbm4b:s18+s1] =	stream.linear.scatter [tilespmem:s19], [sflag:$0x3], $0x80, $0x38;
	[tilespmem:$0x9E00] =	vst v63  }
0x4ab: {  	s29 =	sadd.s32 $0x40, s12;
	s30 =	simm.s32 $0x79E0  }
0x4ac: {  	[hbm4b:s29+s1] =	stream.linear.scatter [tilespmem:s30], [sflag:$0x3], $0x80, $0x38;
	[tilespmem:$0x9E00] =	vst v63  }
0x4ad: {  	s13 =	sadd.s32 $0x50, s12;
	s14 =	simm.s32 $0x7A68  }
0x4ae: {  	[hbm4b:s13+s1] =	stream.linear.scatter [tilespmem:s14], [sflag:$0x3], $0x80, $0x38;
	[tilespmem:$0x9E00] =	vst v63  }
0x4af: {  	s18 =	sadd.s32 $0x60, s12;
	s19 =	simm.s32 $0x7AF0  }
0x4b0: {  	[hbm4b:s18+s1] =	stream.linear.scatter [tilespmem:s19], [sflag:$0x3], $0x80, $0x38;
	[tilespmem:$0x9E00] =	vst v63  }
0x4b1: {  	s29 =	sadd.s32 $0x70, s12;
	s30 =	simm.s32 $0x7B78  }
0x4b2: {  	[hbm4b:s29+s1] =	stream.linear.scatter [tilespmem:s30], [sflag:$0x3], $0x80, $0x38;
	[tilespmem:$0x9E00] =	vst v63  }
0x4b3: {  	_ =	swait.ge [sflag:s26], $0x400  }
0x4b4: {  	[sflag:s26] =	ssyncset.done $0x0  }
0x4b5: {  	[sflag:s26] =	ssyncadd.s32 $0xFFFFFC00  }
0x4b6: {  	_ =	swait.ge [sflag:s26], $0x400  }
0x4b7: {  	[sflag:s26] =	ssyncset.done $0x0  }
0x4b8: {  	[sflag:s26] =	ssyncadd.s32 $0xFFFFFC00  }
0x4b9: {  	_ =	swait.ge [sflag:s26], $0x400  }
0x4ba: {  	[sflag:s26] =	ssyncset.done $0x0  }
0x4bb: {  	[sflag:s26] =	ssyncadd.s32 $0xFFFFFC00  }
0x4bc: {  	_ =	swait.ge [sflag:s26], $0x400  }
0x4bd: {  	[sflag:s26] =	ssyncset.done $0x0  }
0x4be: {  	[sflag:s26] =	ssyncadd.s32 $0xFFFFFC00  }
0x4bf: {  	_ =	swait.ge [sflag:s26], $0x400  }
0x4c0: {  	[sflag:s26] =	ssyncset.done $0x0  }
0x4c1: {  	[sflag:s26] =	ssyncadd.s32 $0xFFFFFC00  }
0x4c2: {  	_ =	swait.ge [sflag:s26], $0x400  }
0x4c3: {  	[sflag:s26] =	ssyncset.done $0x0  }
0x4c4: {  	[sflag:s26] =	ssyncadd.s32 $0xFFFFFC00  }
0x4c5: {  	_ =	swait.ge [sflag:s26], $0x400  }
0x4c6: {  	[sflag:s26] =	ssyncset.done $0x0  }
0x4c7: {  	[sflag:s26] =	ssyncadd.s32 $0xFFFFFC00  }
0x4c8: {  	_ =	swait.ge [sflag:s26], $0x400  }
0x4c9: {  	[sflag:s26] =	ssyncset.done $0x0  }
0x4ca: {  	[sflag:s26] =	ssyncadd.s32 $0xFFFFFC00  }
0x4cb: {  	s12 =	simm.s32 $0x3;
	_ =	swait.ge [sflag:s0], $0x2000  }
0x4cc: {  	v12 =	vmov s12;
	s13 =	simm.s32 $0x1;
	[sflag:s0] =	ssyncset.done $0x0  }
0x4cd: {  	s7 =	simm.s32 $0x3A80;
	v16 =	vand.u32 $0x7F, v12;
	s14 =	simm.s32 $0x2;
	v12 =	vmov s13;
	[sflag:s0] =	ssyncadd.s32 $0xFFFFE000  }
0x4ce: {  	v14 =	vadd.s32 v5, v16;
	v17 =	vand.u32 $0x7D, v12;
	v12 =	vmov s14;
	v13 =	vld [tilespmem:s7+$0x40]  }
0x4cf: {  	v19 =	vadd.s32 v5, v17;
	v20 =	vand.u32 $0x7E, v12;
	v18 =	vld [tilespmem:s7+$0xFFFFFFC0]  }
0x4d0: {  	v21 =	vadd.s32 v5, v20;
	v12 =	vld [tilespmem:s7+$0x0]  }
0x4d1: {  	v15 =	vmov s1  }
0x4d2: {  	v15 =	vand.u32 $0x7C, v15  }
0x4d3: {  	v23 =	vadd.s32 v5, v15;
	v22 =	vld [tilespmem:s7+$0xFFFFFF80];
	[tilespmem:v14+s8+$0x0] =	vst.idx.msk $0xffff, v13  }
0x4d4: {  	v14 =	vadd.s32 v9, v16;
	[tilespmem:v19+s8+$0x0] =	vst.idx.msk $0xffff, v18;
	v13 =	vld [tilespmem:s7+$0x50]  }
0x4d5: {  	v19 =	vadd.s32 v9, v17;
	[tilespmem:v21+s8+$0x0] =	vst.idx.msk $0xffff, v12;
	v18 =	vld [tilespmem:s7+$0xFFFFFFD0]  }
0x4d6: {  	v21 =	vadd.s32 v9, v20;
	v12 =	vld [tilespmem:s7+$0x10];
	_ =	sdelay $0x1  }
0x4d7: {  	[tilespmem:v23+s8+$0x0] =	vst.idx.msk $0xffff, v22  }
0x4d8: {  	v25 =	vadd.s32 v9, v15;
	v24 =	vld [tilespmem:s7+$0xFFFFFF90];
	[tilespmem:v14+s8+$0x0] =	vst.idx.msk $0xffff, v13  }
0x4d9: {  	v23 =	vadd.s32 v10, v16;
	[tilespmem:v19+s8+$0x0] =	vst.idx.msk $0xffff, v18;
	v22 =	vld [tilespmem:s7+$0x60]  }
0x4da: {  	s18 =	simm.s32 $0x7;
	v19 =	vadd.s32 v10, v17;
	[tilespmem:v21+s8+$0x0] =	vst.idx.msk $0xffff, v12;
	v18 =	vld [tilespmem:s7+$0xFFFFFFE0]  }
0x4db: {  	s19 =	simm.s32 $0x5;
	v26 =	vadd.s32 v10, v20;
	v13 =	vmov s18;
	v21 =	vld [tilespmem:s7+$0x20]  }
0x4dc: {  	s1 =	simm.s32 $0x3B80;
	s29 =	simm.s32 $0x6;
	v12 =	vmov s19;
	v14 =	vand.u32 $0x7F, v13  }
0x4dd: {  	v27 =	vld [tilespmem:s1+$0x40];
	[tilespmem:v25+s8+$0x0] =	vst.idx.msk $0xffff, v24;
	v13 =	vand.u32 $0x7D, v12;
	v12 =	vmov s29;
	v59 =	vadd.s32 v5, v14  }
0x4de: {  	s30 =	simm.s32 $0x4;
	v60 =	vld [tilespmem:s1+$0xFFFFFFC0];
	v61 =	vadd.s32 v5, v13;
	v12 =	vand.u32 $0x7E, v12;
	[tilespmem:v23+s8+$0x0] =	vst.idx.msk $0xffff, v22  }
0x4df: {  	v22 =	vmov s30;
	[tilespmem:v19+s8+$0x0] =	vst.idx.msk $0xffff, v18;
	v18 =	vld [tilespmem:s1+$0x0];
	v19 =	vadd.s32 v5, v12  }
0x4e0: {  	v24 =	vadd.s32 v11, v16;
	[tilespmem:v26+s8+$0x0] =	vst.idx.msk $0xffff, v21;
	v21 =	vld [tilespmem:s7+$0xFFFFFFA0];
	v26 =	vadd.s32 v10, v15;
	v16 =	vand.u32 $0x7C, v22  }
0x4e1: {  	v22 =	vld [tilespmem:s1+$0xFFFFFF80];
	v25 =	vadd.s32 v5, v16  }
0x4e2: {  	v23 =	vld [tilespmem:s7+$0x70];
	[tilespmem:v59+s8+$0x0] =	vst.idx.msk $0xffff, v27  }
0x4e3: {  	v62 =	vadd.s32 v9, v14;
	[tilespmem:v61+s8+$0x0] =	vst.idx.msk $0xffff, v60;
	v27 =	vld [tilespmem:s1+$0x50]  }
0x4e4: {  	v63 =	vadd.s32 v9, v13;
	v29 =	vld [tilespmem:s1+$0xFFFFFFD0];
	[tilespmem:v19+s8+$0x0] =	vst.idx.msk $0xffff, v18  }
0x4e5: {  	v32 =	vadd.s32 v11, v17;
	v31 =	vld [tilespmem:s7+$0xFFFFFFF0];
	[tilespmem:v26+s8+$0x0] =	vst.idx.msk $0xffff, v21  }
0x4e6: {  	v26 =	vadd.s32 v9, v12;
	[tilespmem:v25+s8+$0x0] =	vst.idx.msk $0xffff, v22;
	v25 =	vld [tilespmem:s1+$0x10]  }
0x4e7: {  	[tilespmem:v24+s8+$0x0] =	vst.idx.msk $0xffff, v23;
	v24 =	vadd.s32 v9, v16;
	v23 =	vld [tilespmem:s1+$0xFFFFFF90]  }
0x4e8: {  	v20 =	vadd.s32 v11, v20;
	v17 =	vld [tilespmem:s7+$0x30];
	[tilespmem:v62+s8+$0x0] =	vst.idx.msk $0xffff, v27  }
0x4e9: {  	v21 =	vadd.s32 v10, v14;
	[tilespmem:v63+s8+$0x0] =	vst.idx.msk $0xffff, v29;
	v18 =	vld [tilespmem:s1+$0x60]  }
0x4ea: {  	s12 =	simm.s32 $0x8;
	s13 =	simm.s32 $0xC;
	s14 =	simm.s32 $0xB;
	[tilespmem:v32+s8+$0x0] =	vst.idx.msk $0xffff, v31;
	v22 =	vadd.s32 v10, v13;
	v19 =	vld [tilespmem:s1+$0xFFFFFFE0]  }
.LBB2_16:
0x4eb: {  	p0 =	slt.u32 s13, $0x7C;
	s18 =	sadd.s32 $0x1, s12;
	v27 =	vmov s14;
	[tilespmem:v26+s8+$0x0] =	vst.idx.msk $0xffff, v25;
	v25 =	vld [tilespmem:s7+$0xFFFFFFB0];
	v26 =	vadd.s32 v11, v15;
	v15 =	vmov v16;
	s7 =	smov.u32 s1  }
0x4ec: {  	s1 =	sadd.s32 $0x100, s1;
	v16 =	vmov s18;
	v27 =	vand.u32 $0x7F, v27;
	[tilespmem:v24+s8+$0x0] =	vst.idx.msk $0xffff, v23;
	v23 =	vld [tilespmem:s7+$0x20];
	v24 =	vadd.s32 v10, v12  }
0x4ed: {  	s14 =	sadd.s32 $0x2, s12;
	v28 =	vand.u32 $0x7D, v16;
	v29 =	vld [tilespmem:s1+$0x40];
	v30 =	vadd.s32 v5, v27;
	[tilespmem:v20+s8+$0x0] =	vst.idx.msk $0xffff, v17  }
0x4ee: {  	v16 =	vmov s14;
	v17 =	vld [tilespmem:s1+$0xFFFFFFC0];
	v20 =	vadd.s32 v5, v28;
	[tilespmem:v21+s8+$0x0] =	vst.idx.msk $0xffff, v18  }
0x4ef: {  	v18 =	vmov s12;
	v21 =	vand.u32 $0x7E, v16;
	s12 =	smov.u32 s13;
	[tilespmem:v22+s8+$0x0] =	vst.idx.msk $0xffff, v19;
	v19 =	vld [tilespmem:s7+$0x70];
	v22 =	vadd.s32 v11, v14;
	v14 =	vmovc v27  }
0x4f0: {  	v16 =	vand.u32 $0x7C, v18;
	v27 =	vadd.s32 v5, v21;
	v18 =	vld [tilespmem:s1+$0x0];
	[tilespmem:v26+s8+$0x0] =	vst.idx.msk $0xffff, v25  }
0x4f1: {  	v26 =	vadd.s32 v5, v16;
	v25 =	vld [tilespmem:s1+$0xFFFFFF80];
	[tilespmem:v24+s8+$0x0] =	vst.idx.msk $0xffff, v23  }
0x4f2: {  	[tilespmem:v30+s8+$0x0] =	vst.idx.msk $0xffff, v29;
	v29 =	vld [tilespmem:s7+$0xFFFFFFA0];
	v30 =	vadd.s32 v10, v15  }
0x4f3: {  	[tilespmem:v20+s8+$0x0] =	vst.idx.msk $0xffff, v17;
	v17 =	vld [tilespmem:s1+$0x50];
	v20 =	vadd.s32 v9, v14  }
0x4f4: {  	v32 =	vadd.s32 v9, v28;
	v31 =	vld [tilespmem:s1+$0xFFFFFFD0];
	[tilespmem:v22+s8+$0x0] =	vst.idx.msk $0xffff, v19  }
0x4f5: {  	v33 =	vadd.s32 v11, v13;
	v13 =	vmov v28;
	[tilespmem:v27+s8+$0x0] =	vst.idx.msk $0xffff, v18;
	v27 =	vld [tilespmem:s7+$0xFFFFFFF0]  }
.Ltmp7:
0x4f6: {  	[tilespmem:v26+s8+$0x0] =	vst.idx.msk $0xffff, v25;
	v25 =	vld [tilespmem:s1+$0x10];
	v26 =	vadd.s32 v9, v21;
	(pc) =	sbr.rel @p0 .LBB2_16-.Ltmp7, $4  }
0x4f7: {  	v24 =	vadd.s32 v9, v16;
	v23 =	vld [tilespmem:s1+$0xFFFFFF90];
	[tilespmem:v30+s8+$0x0] =	vst.idx.msk $0xffff, v29  }
0x4f8: {  	[tilespmem:v20+s8+$0x0] =	vst.idx.msk $0xffff, v17;
	v17 =	vld [tilespmem:s7+$0x30];
	v20 =	vadd.s32 v11, v12;
	v12 =	vmov v21  }
0x4f9: {  	v21 =	vadd.s32 v10, v14;
	[tilespmem:v32+s8+$0x0] =	vst.idx.msk $0xffff, v31;
	v18 =	vld [tilespmem:s1+$0x60]  }
0x4fa: {  	s13 =	sadd.s32 $0x4, s13;
	s14 =	sadd.s32 $0x3, s12;
	v22 =	vadd.s32 v10, v13;
	v19 =	vld [tilespmem:s1+$0xFFFFFFE0];
	[tilespmem:v33+s8+$0x0] =	vst.idx.msk $0xffff, v27  }
0x4fb: {  	_ =	sdelay $0x2  }
0x4fc: {  	v27 =	vmov s14;
	s13 =	sadd.s32 $0x1, s12  }
0x4fd: {  	[tilespmem:v26+s8+$0x0] =	vst.idx.msk $0xffff, v25;
	v55 =	vld [tilespmem:s7+$0xFFFFFFB0];
	v15 =	vadd.s32 v11, v15;
	s30 =	sadd.s32 $0x100, s1;
	s14 =	sadd.s32 $0x2, s12;
	v56 =	vmov s13;
	v27 =	vand.u32 $0x7F, v27  }
0x4fe: {  	v28 =	vmov s14;
	[tilespmem:v24+s8+$0x0] =	vst.idx.msk $0xffff, v23;
	v57 =	vld [tilespmem:s30+$0x40];
	v23 =	vand.u32 $0x7D, v56;
	v58 =	vadd.s32 v5, v27  }
0x4ff: {  	v29 =	vmov s12;
	v59 =	vld [tilespmem:s30+$0xFFFFFFC0];
	[tilespmem:v20+s8+$0x0] =	vst.idx.msk $0xffff, v17;
	v28 =	vand.u32 $0x7E, v28;
	v60 =	vadd.s32 v5, v23  }
0x500: {  	v61 =	vld [tilespmem:s30+$0x0];
	[tilespmem:v21+s8+$0x0] =	vst.idx.msk $0xffff, v18;
	v18 =	vand.u32 $0x7C, v29;
	v62 =	vadd.s32 v5, v28  }
0x501: {  	v63 =	vld [tilespmem:s30+$0xFFFFFF80];
	[tilespmem:v22+s8+$0x0] =	vst.idx.msk $0xffff, v19;
	v33 =	vadd.s32 v5, v18  }
0x502: {  	v34 =	vadd.s32 v10, v12;
	v30 =	vld [tilespmem:s1+$0x20];
	[tilespmem:v15+s8+$0x0] =	vst.idx.msk $0xffff, v55  }
0x503: {  	v45 =	vadd.s32 v10, v16;
	v44 =	vld [tilespmem:s1+$0xFFFFFFA0];
	[tilespmem:v58+s8+$0x0] =	vst.idx.msk $0xffff, v57  }
0x504: {  	v37 =	vadd.s32 v9, v27;
	[tilespmem:v60+s8+$0x0] =	vst.idx.msk $0xffff, v59;
	v36 =	vld [tilespmem:s30+$0x50]  }
0x505: {  	v39 =	vadd.s32 v9, v23;
	[tilespmem:v62+s8+$0x0] =	vst.idx.msk $0xffff, v61;
	v38 =	vld [tilespmem:s30+$0xFFFFFFD0]  }
0x506: {  	v41 =	vadd.s32 v9, v28;
	[tilespmem:v33+s8+$0x0] =	vst.idx.msk $0xffff, v63;
	v40 =	vld [tilespmem:s30+$0x10]  }
0x507: {  	v43 =	vadd.s32 v9, v18;
	[tilespmem:v34+s8+$0x0] =	vst.idx.msk $0xffff, v30;
	v42 =	vld [tilespmem:s30+$0xFFFFFF90]  }
0x508: {  	v14 =	vadd.s32 v11, v14;
	v35 =	vld [tilespmem:s1+$0x70];
	[tilespmem:v45+s8+$0x0] =	vst.idx.msk $0xffff, v44  }
0x509: {  	v13 =	vadd.s32 v11, v13;
	v46 =	vld [tilespmem:s1+$0xFFFFFFF0];
	[tilespmem:v37+s8+$0x0] =	vst.idx.msk $0xffff, v36  }
0x50a: {  	v47 =	vadd.s32 v10, v27;
	[tilespmem:v39+s8+$0x0] =	vst.idx.msk $0xffff, v38;
	v17 =	vld [tilespmem:s30+$0x60]  }
0x50b: {  	v48 =	vadd.s32 v10, v23;
	[tilespmem:v41+s8+$0x0] =	vst.idx.msk $0xffff, v40;
	v24 =	vld [tilespmem:s30+$0xFFFFFFE0]  }
0x50c: {  	v50 =	vadd.s32 v10, v28;
	[tilespmem:v43+s8+$0x0] =	vst.idx.msk $0xffff, v42;
	v49 =	vld [tilespmem:s30+$0x20]  }
0x50d: {  	v52 =	vadd.s32 v10, v18;
	[tilespmem:v14+s8+$0x0] =	vst.idx.msk $0xffff, v35;
	v51 =	vld [tilespmem:s30+$0xFFFFFFA0]  }
0x50e: {  	v54 =	vadd.s32 v11, v12;
	v53 =	vld [tilespmem:s1+$0x30];
	[tilespmem:v13+s8+$0x0] =	vst.idx.msk $0xffff, v46  }
0x50f: {  	v56 =	vadd.s32 v11, v16;
	v55 =	vld [tilespmem:s1+$0xFFFFFFB0];
	[tilespmem:v47+s8+$0x0] =	vst.idx.msk $0xffff, v17  }
0x510: {  	v58 =	vadd.s32 v11, v27;
	[tilespmem:v48+s8+$0x0] =	vst.idx.msk $0xffff, v24;
	v57 =	vld [tilespmem:s30+$0x70]  }
0x511: {  	v60 =	vadd.s32 v11, v23;
	[tilespmem:v50+s8+$0x0] =	vst.idx.msk $0xffff, v49;
	v59 =	vld [tilespmem:s30+$0xFFFFFFF0]  }
0x512: {  	v62 =	vadd.s32 v11, v28;
	[tilespmem:v52+s8+$0x0] =	vst.idx.msk $0xffff, v51;
	v61 =	vld [tilespmem:s30+$0x30]  }
0x513: {  	v18 =	vadd.s32 v11, v18;
	[tilespmem:v54+s8+$0x0] =	vst.idx.msk $0xffff, v53;
	v63 =	vld [tilespmem:s30+$0xFFFFFFB0]  }
0x514: {  	[tilespmem:v56+s8+$0x0] =	vst.idx.msk $0xffff, v55  }
0x515: {  	[tilespmem:v58+s8+$0x0] =	vst.idx.msk $0xffff, v57  }
0x516: {  	[tilespmem:v60+s8+$0x0] =	vst.idx.msk $0xffff, v59  }
0x517: {  	[tilespmem:v62+s8+$0x0] =	vst.idx.msk $0xffff, v61  }
0x518: {  	[tilespmem:v18+s8+$0x0] =	vst.idx.msk $0xffff, v63  }
0x519: {  	s7 =	rddreg [dreg:$0x1d]  }
0x51a: {  	[hbm4b:s7+s3] =	stream.linear.scatter [tilespmem:s8], [sflag:$0x4], $0x80, $0x38;
	[tilespmem:$0x9E00] =	vst v63  }
0x51b: {  	s19 =	simm.s32 $0x7C88;
	s18 =	sadd.s32 $0x10, s7  }
0x51c: {  	[hbm4b:s18+s3] =	stream.linear.scatter [tilespmem:s19], [sflag:$0x4], $0x80, $0x38;
	[tilespmem:$0x9E00] =	vst v63  }
0x51d: {  	s30 =	simm.s32 $0x7D10;
	s29 =	sadd.s32 $0x20, s7  }
0x51e: {  	[hbm4b:s29+s3] =	stream.linear.scatter [tilespmem:s30], [sflag:$0x4], $0x80, $0x38;
	[tilespmem:$0x9E00] =	vst v63  }
0x51f: {  	s14 =	simm.s32 $0x7D98;
	s13 =	sadd.s32 $0x30, s7  }
0x520: {  	[hbm4b:s13+s3] =	stream.linear.scatter [tilespmem:s14], [sflag:$0x4], $0x80, $0x38;
	[tilespmem:$0x9E00] =	vst v63  }
0x521: {  	s18 =	sadd.s32 $0x40, s7;
	s19 =	simm.s32 $0x7E20  }
0x522: {  	[hbm4b:s18+s3] =	stream.linear.scatter [tilespmem:s19], [sflag:$0x4], $0x80, $0x38;
	[tilespmem:$0x9E00] =	vst v63  }
0x523: {  	s29 =	sadd.s32 $0x50, s7;
	s30 =	simm.s32 $0x7EA8  }
0x524: {  	[hbm4b:s29+s3] =	stream.linear.scatter [tilespmem:s30], [sflag:$0x4], $0x80, $0x38;
	[tilespmem:$0x9E00] =	vst v63  }
0x525: {  	s12 =	sadd.s32 $0x60, s7;
	s13 =	simm.s32 $0x7F30  }
0x526: {  	[hbm4b:s12+s3] =	stream.linear.scatter [tilespmem:s13], [sflag:$0x4], $0x80, $0x38;
	[tilespmem:$0x9E00] =	vst v63  }
0x527: {  	s14 =	sadd.s32 $0x70, s7;
	s18 =	simm.s32 $0x7FB8  }
0x528: {  	[hbm4b:s14+s3] =	stream.linear.scatter [tilespmem:s18], [sflag:$0x4], $0x80, $0x38;
	[tilespmem:$0x9E00] =	vst v63  }
0x529: {  	s7 =	rddreg [dreg:$0x1e];
	s19 =	simm.s32 $0x8040  }
0x52a: {  	[hbm4b:s7+s3] =	stream.linear.scatter [tilespmem:s19], [sflag:$0x4], $0x80, $0x38;
	[tilespmem:$0x9E00] =	vst v63  }
0x52b: {  	s29 =	sadd.s32 $0x10, s7;
	s30 =	simm.s32 $0x80C8  }
0x52c: {  	[hbm4b:s29+s3] =	stream.linear.scatter [tilespmem:s30], [sflag:$0x4], $0x80, $0x38;
	[tilespmem:$0x9E00] =	vst v63  }
0x52d: {  	s13 =	sadd.s32 $0x20, s7;
	s14 =	simm.s32 $0x8150  }
0x52e: {  	[hbm4b:s13+s3] =	stream.linear.scatter [tilespmem:s14], [sflag:$0x4], $0x80, $0x38;
	[tilespmem:$0x9E00] =	vst v63  }
0x52f: {  	s18 =	sadd.s32 $0x30, s7;
	s19 =	simm.s32 $0x81D8  }
0x530: {  	[hbm4b:s18+s3] =	stream.linear.scatter [tilespmem:s19], [sflag:$0x4], $0x80, $0x38;
	[tilespmem:$0x9E00] =	vst v63  }
0x531: {  	s29 =	sadd.s32 $0x40, s7;
	s30 =	simm.s32 $0x8260  }
0x532: {  	[hbm4b:s29+s3] =	stream.linear.scatter [tilespmem:s30], [sflag:$0x4], $0x80, $0x38;
	[tilespmem:$0x9E00] =	vst v63  }
0x533: {  	s13 =	sadd.s32 $0x50, s7;
	s14 =	simm.s32 $0x82E8  }
0x534: {  	[hbm4b:s13+s3] =	stream.linear.scatter [tilespmem:s14], [sflag:$0x4], $0x80, $0x38;
	[tilespmem:$0x9E00] =	vst v63  }
0x535: {  	s18 =	sadd.s32 $0x60, s7;
	s19 =	simm.s32 $0x8370  }
0x536: {  	[hbm4b:s18+s3] =	stream.linear.scatter [tilespmem:s19], [sflag:$0x4], $0x80, $0x38;
	[tilespmem:$0x9E00] =	vst v63  }
0x537: {  	s29 =	sadd.s32 $0x70, s7;
	s30 =	simm.s32 $0x83F8  }
0x538: {  	[hbm4b:s29+s3] =	stream.linear.scatter [tilespmem:s30], [sflag:$0x4], $0x80, $0x38;
	[tilespmem:$0x9E00] =	vst v63  }
0x539: {  	s12 =	simm.s32 $0x8480;
	s7 =	rddreg [dreg:$0x1f]  }
0x53a: {  	[hbm4b:s7+s3] =	stream.linear.scatter [tilespmem:s12], [sflag:$0x4], $0x80, $0x38;
	[tilespmem:$0x9E00] =	vst v63  }
0x53b: {  	s13 =	sadd.s32 $0x10, s7;
	s14 =	simm.s32 $0x8508  }
0x53c: {  	[hbm4b:s13+s3] =	stream.linear.scatter [tilespmem:s14], [sflag:$0x4], $0x80, $0x38;
	[tilespmem:$0x9E00] =	vst v63  }
0x53d: {  	s18 =	sadd.s32 $0x20, s7;
	s19 =	simm.s32 $0x8590  }
0x53e: {  	[hbm4b:s18+s3] =	stream.linear.scatter [tilespmem:s19], [sflag:$0x4], $0x80, $0x38;
	[tilespmem:$0x9E00] =	vst v63  }
0x53f: {  	s29 =	sadd.s32 $0x30, s7;
	s30 =	simm.s32 $0x8618  }
0x540: {  	[hbm4b:s29+s3] =	stream.linear.scatter [tilespmem:s30], [sflag:$0x4], $0x80, $0x38;
	[tilespmem:$0x9E00] =	vst v63  }
0x541: {  	s13 =	sadd.s32 $0x40, s7;
	s14 =	simm.s32 $0x86A0  }
0x542: {  	[hbm4b:s13+s3] =	stream.linear.scatter [tilespmem:s14], [sflag:$0x4], $0x80, $0x38;
	[tilespmem:$0x9E00] =	vst v63  }
0x543: {  	s18 =	sadd.s32 $0x50, s7;
	s19 =	simm.s32 $0x8728  }
0x544: {  	[hbm4b:s18+s3] =	stream.linear.scatter [tilespmem:s19], [sflag:$0x4], $0x80, $0x38;
	[tilespmem:$0x9E00] =	vst v63  }
0x545: {  	s29 =	sadd.s32 $0x60, s7;
	s30 =	simm.s32 $0x87B0  }
0x546: {  	[hbm4b:s29+s3] =	stream.linear.scatter [tilespmem:s30], [sflag:$0x4], $0x80, $0x38;
	[tilespmem:$0x9E00] =	vst v63  }
0x547: {  	s12 =	sadd.s32 $0x70, s7;
	s7 =	sld [smem:$0x7F9];
	s13 =	simm.s32 $0x8838  }
0x548: {  	[hbm4b:s12+s3] =	stream.linear.scatter [tilespmem:s13], [sflag:$0x4], $0x80, $0x38;
	[tilespmem:$0x9E00] =	vst v63  }
0x549: {  	s14 =	simm.s32 $0x88C0  }
0x54a: {  	[hbm4b:s7+s3] =	stream.linear.scatter [tilespmem:s14], [sflag:$0x4], $0x80, $0x38;
	[tilespmem:$0x9E00] =	vst v63  }
0x54b: {  	s18 =	sadd.s32 $0x10, s7;
	s19 =	simm.s32 $0x8948  }
0x54c: {  	[hbm4b:s18+s3] =	stream.linear.scatter [tilespmem:s19], [sflag:$0x4], $0x80, $0x38;
	[tilespmem:$0x9E00] =	vst v63  }
0x54d: {  	s29 =	sadd.s32 $0x20, s7;
	s30 =	simm.s32 $0x89D0  }
0x54e: {  	[hbm4b:s29+s3] =	stream.linear.scatter [tilespmem:s30], [sflag:$0x4], $0x80, $0x38;
	[tilespmem:$0x9E00] =	vst v63  }
0x54f: {  	s13 =	sadd.s32 $0x30, s7;
	s14 =	simm.s32 $0x8A58  }
0x550: {  	[hbm4b:s13+s3] =	stream.linear.scatter [tilespmem:s14], [sflag:$0x4], $0x80, $0x38;
	[tilespmem:$0x9E00] =	vst v63  }
0x551: {  	s18 =	sadd.s32 $0x40, s7;
	s19 =	simm.s32 $0x8AE0  }
0x552: {  	[hbm4b:s18+s3] =	stream.linear.scatter [tilespmem:s19], [sflag:$0x4], $0x80, $0x38;
	[tilespmem:$0x9E00] =	vst v63  }
0x553: {  	s29 =	sadd.s32 $0x50, s7;
	s30 =	simm.s32 $0x8B68  }
0x554: {  	[hbm4b:s29+s3] =	stream.linear.scatter [tilespmem:s30], [sflag:$0x4], $0x80, $0x38;
	[tilespmem:$0x9E00] =	vst v63  }
0x555: {  	s12 =	sadd.s32 $0x60, s7;
	s13 =	simm.s32 $0x8BF0  }
0x556: {  	[hbm4b:s12+s3] =	stream.linear.scatter [tilespmem:s13], [sflag:$0x4], $0x80, $0x38;
	[tilespmem:$0x9E00] =	vst v63  }
0x557: {  	s14 =	sadd.s32 $0x70, s7;
	s7 =	sld [smem:$0x7FA];
	s18 =	simm.s32 $0x8C78  }
0x558: {  	[hbm4b:s14+s3] =	stream.linear.scatter [tilespmem:s18], [sflag:$0x4], $0x80, $0x38;
	[tilespmem:$0x9E00] =	vst v63  }
0x559: {  	s19 =	simm.s32 $0x8D00  }
0x55a: {  	[hbm4b:s7+s3] =	stream.linear.scatter [tilespmem:s19], [sflag:$0x4], $0x80, $0x38;
	[tilespmem:$0x9E00] =	vst v63  }
0x55b: {  	s29 =	sadd.s32 $0x10, s7;
	s30 =	simm.s32 $0x8D88  }
0x55c: {  	[hbm4b:s29+s3] =	stream.linear.scatter [tilespmem:s30], [sflag:$0x4], $0x80, $0x38;
	[tilespmem:$0x9E00] =	vst v63  }
0x55d: {  	s13 =	sadd.s32 $0x20, s7;
	s14 =	simm.s32 $0x8E10  }
0x55e: {  	[hbm4b:s13+s3] =	stream.linear.scatter [tilespmem:s14], [sflag:$0x4], $0x80, $0x38;
	[tilespmem:$0x9E00] =	vst v63  }
0x55f: {  	s18 =	sadd.s32 $0x30, s7;
	s19 =	simm.s32 $0x8E98  }
0x560: {  	[hbm4b:s18+s3] =	stream.linear.scatter [tilespmem:s19], [sflag:$0x4], $0x80, $0x38;
	[tilespmem:$0x9E00] =	vst v63  }
0x561: {  	s29 =	sadd.s32 $0x40, s7;
	s30 =	simm.s32 $0x8F20  }
0x562: {  	[hbm4b:s29+s3] =	stream.linear.scatter [tilespmem:s30], [sflag:$0x4], $0x80, $0x38;
	[tilespmem:$0x9E00] =	vst v63  }
0x563: {  	s13 =	sadd.s32 $0x50, s7;
	s14 =	simm.s32 $0x8FA8  }
0x564: {  	[hbm4b:s13+s3] =	stream.linear.scatter [tilespmem:s14], [sflag:$0x4], $0x80, $0x38;
	[tilespmem:$0x9E00] =	vst v63  }
0x565: {  	s18 =	sadd.s32 $0x60, s7;
	s19 =	simm.s32 $0x9030  }
0x566: {  	[hbm4b:s18+s3] =	stream.linear.scatter [tilespmem:s19], [sflag:$0x4], $0x80, $0x38;
	[tilespmem:$0x9E00] =	vst v63  }
0x567: {  	s29 =	sadd.s32 $0x70, s7;
	s30 =	simm.s32 $0x90B8;
	s7 =	sld [smem:$0x7FB]  }
0x568: {  	[hbm4b:s29+s3] =	stream.linear.scatter [tilespmem:s30], [sflag:$0x4], $0x80, $0x38;
	[tilespmem:$0x9E00] =	vst v63  }
0x569: {  	s12 =	simm.s32 $0x9140  }
0x56a: {  	[hbm4b:s7+s3] =	stream.linear.scatter [tilespmem:s12], [sflag:$0x4], $0x80, $0x38;
	[tilespmem:$0x9E00] =	vst v63  }
0x56b: {  	s14 =	simm.s32 $0x91C8;
	s13 =	sadd.s32 $0x10, s7  }
0x56c: {  	[hbm4b:s13+s3] =	stream.linear.scatter [tilespmem:s14], [sflag:$0x4], $0x80, $0x38;
	[tilespmem:$0x9E00] =	vst v63  }
0x56d: {  	s18 =	sadd.s32 $0x20, s7;
	s19 =	simm.s32 $0x9250  }
0x56e: {  	[hbm4b:s18+s3] =	stream.linear.scatter [tilespmem:s19], [sflag:$0x4], $0x80, $0x38;
	[tilespmem:$0x9E00] =	vst v63  }
0x56f: {  	s29 =	sadd.s32 $0x30, s7;
	s30 =	simm.s32 $0x92D8  }
0x570: {  	[hbm4b:s29+s3] =	stream.linear.scatter [tilespmem:s30], [sflag:$0x4], $0x80, $0x38;
	[tilespmem:$0x9E00] =	vst v63  }
0x571: {  	s13 =	sadd.s32 $0x40, s7;
	s14 =	simm.s32 $0x9360  }
0x572: {  	[hbm4b:s13+s3] =	stream.linear.scatter [tilespmem:s14], [sflag:$0x4], $0x80, $0x38;
	[tilespmem:$0x9E00] =	vst v63  }
0x573: {  	s18 =	sadd.s32 $0x50, s7;
	s19 =	simm.s32 $0x93E8  }
0x574: {  	[hbm4b:s18+s3] =	stream.linear.scatter [tilespmem:s19], [sflag:$0x4], $0x80, $0x38;
	[tilespmem:$0x9E00] =	vst v63  }
0x575: {  	s29 =	sadd.s32 $0x60, s7;
	s30 =	simm.s32 $0x9470  }
0x576: {  	[hbm4b:s29+s3] =	stream.linear.scatter [tilespmem:s30], [sflag:$0x4], $0x80, $0x38;
	[tilespmem:$0x9E00] =	vst v63  }
0x577: {  	s12 =	sadd.s32 $0x70, s7;
	s7 =	sld [smem:$0x7FC];
	s13 =	simm.s32 $0x94F8  }
0x578: {  	[hbm4b:s12+s3] =	stream.linear.scatter [tilespmem:s13], [sflag:$0x4], $0x80, $0x38;
	[tilespmem:$0x9E00] =	vst v63  }
0x579: {  	s14 =	simm.s32 $0x9580  }
0x57a: {  	[hbm4b:s7+s3] =	stream.linear.scatter [tilespmem:s14], [sflag:$0x4], $0x80, $0x38;
	[tilespmem:$0x9E00] =	vst v63  }
0x57b: {  	s18 =	sadd.s32 $0x10, s7;
	s19 =	simm.s32 $0x9608  }
0x57c: {  	[hbm4b:s18+s3] =	stream.linear.scatter [tilespmem:s19], [sflag:$0x4], $0x80, $0x38;
	[tilespmem:$0x9E00] =	vst v63  }
0x57d: {  	s29 =	sadd.s32 $0x20, s7;
	s30 =	simm.s32 $0x9690  }
0x57e: {  	[hbm4b:s29+s3] =	stream.linear.scatter [tilespmem:s30], [sflag:$0x4], $0x80, $0x38;
	[tilespmem:$0x9E00] =	vst v63  }
0x57f: {  	s13 =	sadd.s32 $0x30, s7;
	s14 =	simm.s32 $0x9718  }
0x580: {  	[hbm4b:s13+s3] =	stream.linear.scatter [tilespmem:s14], [sflag:$0x4], $0x80, $0x38;
	[tilespmem:$0x9E00] =	vst v63  }
0x581: {  	s18 =	sadd.s32 $0x40, s7;
	s19 =	simm.s32 $0x97A0  }
0x582: {  	[hbm4b:s18+s3] =	stream.linear.scatter [tilespmem:s19], [sflag:$0x4], $0x80, $0x38;
	[tilespmem:$0x9E00] =	vst v63  }
0x583: {  	s29 =	sadd.s32 $0x50, s7;
	s30 =	simm.s32 $0x9828  }
0x584: {  	[hbm4b:s29+s3] =	stream.linear.scatter [tilespmem:s30], [sflag:$0x4], $0x80, $0x38;
	[tilespmem:$0x9E00] =	vst v63  }
0x585: {  	s12 =	sadd.s32 $0x60, s7;
	s13 =	simm.s32 $0x98B0  }
0x586: {  	[hbm4b:s12+s3] =	stream.linear.scatter [tilespmem:s13], [sflag:$0x4], $0x80, $0x38;
	[tilespmem:$0x9E00] =	vst v63  }
0x587: {  	s14 =	sadd.s32 $0x70, s7;
	s7 =	sld [smem:$0x7FD];
	s18 =	simm.s32 $0x9938  }
0x588: {  	[hbm4b:s14+s3] =	stream.linear.scatter [tilespmem:s18], [sflag:$0x4], $0x80, $0x38;
	[tilespmem:$0x9E00] =	vst v63  }
0x589: {  	s19 =	simm.s32 $0x99C0  }
0x58a: {  	[hbm4b:s7+s3] =	stream.linear.scatter [tilespmem:s19], [sflag:$0x4], $0x80, $0x38;
	[tilespmem:$0x9E00] =	vst v63  }
0x58b: {  	s29 =	sadd.s32 $0x10, s7;
	s30 =	simm.s32 $0x9A48  }
0x58c: {  	[hbm4b:s29+s3] =	stream.linear.scatter [tilespmem:s30], [sflag:$0x4], $0x80, $0x38;
	[tilespmem:$0x9E00] =	vst v63  }
0x58d: {  	s13 =	sadd.s32 $0x20, s7;
	s14 =	simm.s32 $0x9AD0  }
0x58e: {  	[hbm4b:s13+s3] =	stream.linear.scatter [tilespmem:s14], [sflag:$0x4], $0x80, $0x38;
	[tilespmem:$0x9E00] =	vst v63  }
0x58f: {  	s18 =	sadd.s32 $0x30, s7;
	s19 =	simm.s32 $0x9B58  }
0x590: {  	[hbm4b:s18+s3] =	stream.linear.scatter [tilespmem:s19], [sflag:$0x4], $0x80, $0x38;
	[tilespmem:$0x9E00] =	vst v63  }
0x591: {  	s29 =	sadd.s32 $0x40, s7;
	s30 =	simm.s32 $0x9BE0  }
0x592: {  	[hbm4b:s29+s3] =	stream.linear.scatter [tilespmem:s30], [sflag:$0x4], $0x80, $0x38;
	[tilespmem:$0x9E00] =	vst v63  }
0x593: {  	s13 =	sadd.s32 $0x50, s7;
	s14 =	simm.s32 $0x9C68  }
0x594: {  	[hbm4b:s13+s3] =	stream.linear.scatter [tilespmem:s14], [sflag:$0x4], $0x80, $0x38;
	[tilespmem:$0x9E00] =	vst v63  }
0x595: {  	s18 =	sadd.s32 $0x60, s7  }
0x596: {  	[hbm4b:s18+s3] =	stream.linear.scatter [tilespmem:s20], [sflag:$0x4], $0x80, $0x38;
	[tilespmem:$0x9E00] =	vst v63  }
0x597: {  	s19 =	sadd.s32 $0x70, s7  }
0x598: {  	[hbm4b:s19+s3] =	stream.linear.scatter [tilespmem:s21], [sflag:$0x4], $0x80, $0x38;
	[tilespmem:$0x9E00] =	vst v63  }
0x599: {  	_ =	swait.ge [sflag:s22], $0x400  }
0x59a: {  	[sflag:s22] =	ssyncset.done $0x0  }
0x59b: {  	[sflag:s22] =	ssyncadd.s32 $0xFFFFFC00  }
0x59c: {  	_ =	swait.ge [sflag:s22], $0x400  }
0x59d: {  	[sflag:s22] =	ssyncset.done $0x0  }
0x59e: {  	[sflag:s22] =	ssyncadd.s32 $0xFFFFFC00  }
0x59f: {  	_ =	swait.ge [sflag:s22], $0x400  }
0x5a0: {  	[sflag:s22] =	ssyncset.done $0x0  }
0x5a1: {  	[sflag:s22] =	ssyncadd.s32 $0xFFFFFC00  }
0x5a2: {  	_ =	swait.ge [sflag:s22], $0x400  }
0x5a3: {  	[sflag:s22] =	ssyncset.done $0x0  }
0x5a4: {  	[sflag:s22] =	ssyncadd.s32 $0xFFFFFC00  }
0x5a5: {  	_ =	swait.ge [sflag:s22], $0x400  }
0x5a6: {  	[sflag:s22] =	ssyncset.done $0x0  }
0x5a7: {  	[sflag:s22] =	ssyncadd.s32 $0xFFFFFC00  }
0x5a8: {  	_ =	swait.ge [sflag:s22], $0x400  }
0x5a9: {  	[sflag:s22] =	ssyncset.done $0x0  }
0x5aa: {  	[sflag:s22] =	ssyncadd.s32 $0xFFFFFC00  }
0x5ab: {  	_ =	swait.ge [sflag:s22], $0x400  }
0x5ac: {  	[sflag:s22] =	ssyncset.done $0x0  }
0x5ad: {  	[sflag:s22] =	ssyncadd.s32 $0xFFFFFC00  }
0x5ae: {  	_ =	swait.ge [sflag:s22], $0x400  }
0x5af: {  	[sflag:s22] =	ssyncset.done $0x0  }
0x5b0: {  	[sflag:s22] =	ssyncadd.s32 $0xFFFFFC00  }
0x5b1: {  	_ =	swait.ge [sflag:s26], $0x400  }
0x5b2: {  	[sflag:s26] =	ssyncset.done $0x0  }
0x5b3: {  	[sflag:s26] =	ssyncadd.s32 $0xFFFFFC00  }
0x5b4: {  	_ =	swait.ge [sflag:s26], $0x400  }
0x5b5: {  	[sflag:s26] =	ssyncset.done $0x0  }
0x5b6: {  	[sflag:s26] =	ssyncadd.s32 $0xFFFFFC00  }
0x5b7: {  	_ =	swait.ge [sflag:s26], $0x400  }
0x5b8: {  	[sflag:s26] =	ssyncset.done $0x0  }
0x5b9: {  	[sflag:s26] =	ssyncadd.s32 $0xFFFFFC00  }
0x5ba: {  	_ =	swait.ge [sflag:s26], $0x400  }
0x5bb: {  	[sflag:s26] =	ssyncset.done $0x0  }
0x5bc: {  	[sflag:s26] =	ssyncadd.s32 $0xFFFFFC00  }
0x5bd: {  	_ =	swait.ge [sflag:s26], $0x400  }
0x5be: {  	[sflag:s26] =	ssyncset.done $0x0  }
0x5bf: {  	[sflag:s26] =	ssyncadd.s32 $0xFFFFFC00  }
0x5c0: {  	_ =	swait.ge [sflag:s26], $0x400  }
0x5c1: {  	[sflag:s26] =	ssyncset.done $0x0  }
0x5c2: {  	[sflag:s26] =	ssyncadd.s32 $0xFFFFFC00  }
0x5c3: {  	_ =	swait.ge [sflag:s26], $0x400  }
0x5c4: {  	[sflag:s26] =	ssyncset.done $0x0  }
0x5c5: {  	[sflag:s26] =	ssyncadd.s32 $0xFFFFFC00  }
0x5c6: {  	_ =	swait.ge [sflag:s26], $0x400  }
0x5c7: {  	s29 =	sld [smem:$0x7F8];
	_ =	sdelay $0x2  }
0x5c8: {  	s30 =	rddreg [dreg:$0xe];
	s7 =	sadd.s32 $0x1, s29  }
0x5c9: {  	p0 =	sne.s32 s7, s30  }
.Ltmp8:
0x5ca: {  	_ = 	snop;
	(pc) =	sbr.rel @p0 .LBB2_1-.Ltmp8, $3  }
0x5cb: {  	_ =	sdelay $0x1  }
0x5cc: {  	[sflag:s26] =	ssyncset.done $0x0  }
0x5cd: {  	[sflag:s26] =	ssyncadd.s32 $0xFFFFFC00  }
0x5ce: {  	_ =	sfence.sel $0x180000  }
0x5cf: {  	[bflag:$0x0] =	sbarrier.arrive $0xFFFF  }
0x5d0: {  	_ =	strace $0x90000047  }
0x5d1: {  	s0 =	stileid.u32;
	[bflag:$0x2] =	sbarrier.arrive $0xFFFF  }
0x5d2: {  	p0 =	sne.s32 s0, $0x0;
	s0 =	rddreg [dreg:$0x2]  }
0x5d3: {  	s0 =	sadd.s32 @!p0 $0x100000, s0  }
0x5d4: {  	[sflag:s0] =	ssyncadd.tile.s32 @!p0 $0x1;
	_ =	shalt  }
.Lfunc_end2:
_tile_overlayer_lowered:
.L_overlay_start_2:
0x5d5: {  	(tag) =	ssettag $0x2  }
0x5d6: {  	s0 =	rddreg [dreg:$0x0];
	s2 =	stileid.u32  }
0x5d7: {  	s1 =	rddreg [dreg:$0x1];
	p0 =	sne.s32 s2, $0x0  }
0x5d8: {  	s3 =	rddreg [dreg:$0x2];
	[bflag:$0x3] =	sbarrier.arrive $0xFFFF;
	s2 =	simm.s32 @!p0 $0x1C05  }
0x5d9: {  	[timem:s3], [sflag:s2] =	dma.local @!p0 [hbm:s0], s1  }
0x5da: {  	s0 =	simm.s32 @!p0 $0x5  }
0x5db: {  	_ =	swait.ge @!p0 [sflag:s0], s1  }
0x5dc: {  	s1 =	ssub.s32 @!p0 $0x0, s1;
	[sflag:s0] =	ssyncset.done @!p0 $0x0  }
0x5dd: {  	[sflag:s0] =	ssyncadd.s32 @!p0 s1  }
0x5de: {  	[bflag:$0x3] =	sbarrier.arrive $0xFFFF  }
0x5df: {  	_ =	shalt  }

</sc_bundles>
